<compile_context>
chip_gen: v7x
topology: tpu7x:2x2x1
jax: 0.10.2.dev20260603
libtpu: 0.0.44.dev20260713+nightly
codegen_flags: <defaults>
</compile_context>

<pallas_src>
import functools

import jax
import jax.numpy as jnp
from jax import lax
from jax.experimental import pallas as pl
from jax.experimental.pallas import tpu as pltpu
from jax.experimental.pallas import tpu_sc as plsc

N = 50000
E = 800000
DIM = 64
N_TYPES = 100
N_GRAPHS = 2000
CUTOFF = 5.0
N_CENTERS = 5
N_CONV = 3

CH_N = 2000
CHE = 4000
IDX_W = 100
IDX_H = 2
K_EDGE = IDX_W * IDX_H
E4 = E // 4
G_PAD = 2048
NT = 16
EPT = E // NT
CZ = 2000
LN2 = 0.6931471805599453

_INTERPRET = False


def _sp05(x):
    a = 0.5 * x
    return 2.0 * (jnp.maximum(a, 0.0) + jnp.log(1.0 + jnp.exp(-jnp.abs(a))))


def _split3(a):
    a1 = a.astype(jnp.bfloat16).astype(jnp.float32)
    r = a - a1
    a2 = r.astype(jnp.bfloat16).astype(jnp.float32)
    return a1, a2, r - a2


def _fdot(a, b):
    a1, a2, a3 = _split3(a)
    b1, b2, b3 = _split3(b)
    d = lambda x, y: jnp.dot(x, y, preferred_element_type=jnp.float32)
    return (d(a1, b1) + (d(a1, b2) + d(a2, b1))
            + (d(a1, b3) + d(a2, b2) + d(a3, b1)))


def _pickdot(oh, b):
    b1, b2, b3 = _split3(b)
    d = lambda x, y: jnp.dot(x, y, preferred_element_type=jnp.float32)
    return d(oh, b1) + d(oh, b2) + d(oh, b3)


def _embed_block(nt_ref, emb_ref, w1_ref, node_ref, nna_ref, nnb_ref):
    nt = nt_ref[0, 0, :]
    oh = (nt[:, None] == lax.broadcasted_iota(jnp.int32, (CH_N, 128), 1))
    node = _pickdot(oh.astype(jnp.float32), emb_ref[...])
    node_ref[...] = node
    nn = _fdot(node, w1_ref[...])
    nna_ref[...] = nn[:, :32]
    nnb_ref[...] = nn[:, 32:]


def _embed(node_type, emb_pad, w1):
    nt3 = node_type.reshape(N // CH_N, 1, CH_N)
    return pl.pallas_call(
        _embed_block,
        grid=(N // CH_N,),
        in_specs=[pl.BlockSpec((1, 1, CH_N), lambda i: (i, 0, 0)),
                  pl.BlockSpec((128, DIM), lambda i: (0, 0)),
                  pl.BlockSpec((DIM, DIM), lambda i: (0, 0))],
        out_specs=[pl.BlockSpec((CH_N, DIM), lambda i: (i, 0)),
                   pl.BlockSpec((CH_N, 32), lambda i: (i, 0)),
                   pl.BlockSpec((CH_N, 32), lambda i: (i, 0))],
        out_shape=[jax.ShapeDtypeStruct((N, DIM), jnp.float32),
                   jax.ShapeDtypeStruct((N, 32), jnp.float32),
                   jax.ShapeDtypeStruct((N, 32), jnp.float32)],
        interpret=_INTERPRET,
    )(nt3, emb_pad, w1)


def _filter_block(d_ref, w1_ref, b1_ref, w2_ref, b2_ref, ha_ref, hb_ref):
    d = d_ref[0, 0, :][:, None]
    gap = CUTOFF / (N_CENTERS - 1)
    c8 = lax.broadcasted_iota(jnp.int32, (CHE, 8), 1).astype(jnp.float32) * gap
    rbf = jnp.exp(-(d - c8) ** 2 * (1.0 / gap))
    t = _fdot(rbf, w1_ref[...]) \
        + b1_ref[...]
    h1 = _sp05(t)
    h = _fdot(h1, w2_ref[...]) \
        + b2_ref[...]
    q = CHE // 4
    ha_ref[...] = jnp.concatenate(
        [h[j * q:(j + 1) * q, :32] for j in range(4)], axis=1)
    hb_ref[...] = jnp.concatenate(
        [h[j * q:(j + 1) * q, 32:] for j in range(4)], axis=1)


def _filter_layer(d3, w1p, b1, w2, b2):
    return pl.pallas_call(
        _filter_block,
        grid=(E // CHE,),
        in_specs=[pl.BlockSpec((1, 1, CHE), lambda i: (i, 0, 0)),
                  pl.BlockSpec((8, DIM), lambda i: (0, 0)),
                  pl.BlockSpec((1, DIM), lambda i: (0, 0)),
                  pl.BlockSpec((DIM, DIM), lambda i: (0, 0)),
                  pl.BlockSpec((1, DIM), lambda i: (0, 0))],
        out_specs=[pl.BlockSpec((CHE // 4, 128), lambda i: (i, 0))] * 2,
        out_shape=[jax.ShapeDtypeStruct((E4, 128), jnp.float32)] * 2,
        interpret=_INTERPRET,
    )(d3, w1p, b1, w2, b2)


def _update_block(cfa_ref, cfb_ref, node_ref, w2_ref, b2_ref, w3_ref, b3_ref,
                  w1n_ref, nodeo_ref, nna_ref, nnb_ref):
    cf = jnp.concatenate([cfa_ref[...], cfb_ref[...]], axis=1)
    cf1 = _fdot(cf, w2_ref[...]) \
        + b2_ref[...]
    s = _sp05(cf1)
    nd = node_ref[...] + _fdot(s, w3_ref[...]) + b3_ref[...]
    nodeo_ref[...] = nd
    nn = _fdot(nd, w1n_ref[...])
    nna_ref[...] = nn[:, :32]
    nnb_ref[...] = nn[:, 32:]


def _update(cf_a, cf_b, node, w2, b2, w3, b3, w1n):
    return pl.pallas_call(
        _update_block,
        grid=(N // CH_N,),
        in_specs=[pl.BlockSpec((CH_N, 32), lambda i: (i, 0)),
                  pl.BlockSpec((CH_N, 32), lambda i: (i, 0)),
                  pl.BlockSpec((CH_N, DIM), lambda i: (i, 0)),
                  pl.BlockSpec((DIM, DIM), lambda i: (0, 0)),
                  pl.BlockSpec((1, DIM), lambda i: (0, 0)),
                  pl.BlockSpec((DIM, DIM), lambda i: (0, 0)),
                  pl.BlockSpec((1, DIM), lambda i: (0, 0)),
                  pl.BlockSpec((DIM, DIM), lambda i: (0, 0))],
        out_specs=[pl.BlockSpec((CH_N, DIM), lambda i: (i, 0)),
                   pl.BlockSpec((CH_N, 32), lambda i: (i, 0)),
                   pl.BlockSpec((CH_N, 32), lambda i: (i, 0))],
        out_shape=[jax.ShapeDtypeStruct((N, DIM), jnp.float32),
                   jax.ShapeDtypeStruct((N, 32), jnp.float32),
                   jax.ShapeDtypeStruct((N, 32), jnp.float32)],
        interpret=_INTERPRET,
    )(cf_a, cf_b, node, w2, b2, w3, b3, w1n)


def _head_block(cfa_ref, cfb_ref, node_ref, w2_ref, b2_ref, w3_ref, b3_ref,
                d1w_ref, d1b_ref, d2w_ref, d2b_ref, res_ref):
    cf = jnp.concatenate([cfa_ref[...], cfb_ref[...]], axis=1)
    cf1 = _fdot(cf, w2_ref[...]) \
        + b2_ref[...]
    s = _sp05(cf1)
    nd = node_ref[...] + _fdot(s, w3_ref[...]) + b3_ref[...]
    atom = _fdot(nd, d1w_ref[...]) \
        + d1b_ref[...]
    a2 = jnp.maximum(atom, 0.0) + jnp.log(1.0 + jnp.exp(-jnp.abs(atom))) - LN2
    r = jnp.sum(a2 * d2w_ref[...], axis=1)[:, None] + d2b_ref[0, 0]
    lane = lax.broadcasted_iota(jnp.int32, (CH_N, 16), 1)
    res_ref[...] = jnp.where(lane == 0, r,
                             jnp.where(lane == 1, 1.0, 0.0))


def _head(cf_a, cf_b, node, w2, b2, w3, b3, d1w, d1b, d2w, d2b):
    return pl.pallas_call(
        _head_block,
        grid=(N // CH_N,),
        in_specs=[pl.BlockSpec((CH_N, 32), lambda i: (i, 0)),
                  pl.BlockSpec((CH_N, 32), lambda i: (i, 0)),
                  pl.BlockSpec((CH_N, DIM), lambda i: (i, 0)),
                  pl.BlockSpec((DIM, DIM), lambda i: (0, 0)),
                  pl.BlockSpec((1, DIM), lambda i: (0, 0)),
                  pl.BlockSpec((DIM, DIM), lambda i: (0, 0)),
                  pl.BlockSpec((1, DIM), lambda i: (0, 0)),
                  pl.BlockSpec((DIM, DIM), lambda i: (0, 0)),
                  pl.BlockSpec((1, DIM), lambda i: (0, 0)),
                  pl.BlockSpec((1, DIM), lambda i: (0, 0)),
                  pl.BlockSpec((1, 1), lambda i: (0, 0))],
        out_specs=pl.BlockSpec((CH_N, 16), lambda i: (i, 0)),
        out_shape=jax.ShapeDtypeStruct((N, 16), jnp.float32),
        interpret=_INTERPRET,
    )(cf_a, cf_b, node, w2, b2, w3, b3, d1w, d1b, d2w, d2b)


def _conv_sc(nn_a, nn_b, h_a, h_b, src2, dst2, zeros_nc):
    mesh = plsc.VectorSubcoreMesh(core_axis_name="c", subcore_axis_name="s")

    @functools.partial(
        pl.kernel,
        out_type=[jax.ShapeDtypeStruct((N, 32), jnp.float32),
                  jax.ShapeDtypeStruct((N, 32), jnp.float32)],
        mesh=mesh,
        scratch_types=[
            pltpu.VMEM((IDX_H, IDX_W), jnp.int32),
            pltpu.VMEM((IDX_H, IDX_W), jnp.int32),
            pltpu.VMEM((IDX_H, IDX_W, 32), jnp.float32),
            pltpu.VMEM((IDX_W, 128), jnp.float32),
            pltpu.VMEM_SHARED((N, 32), jnp.float32),
            pltpu.SemaphoreType.DMA,
        ],
        compiler_params=pltpu.CompilerParams(use_tc_tiling_on_sc=False),
    )
    def k(nna_hbm, nnb_hbm, ha_hbm, hb_hbm, src_hbm, dst_hbm, z_hbm,
          outa_hbm, outb_hbm, sidx, didx, gv, hv, acc, sem):
        c = lax.axis_index("c")
        s = lax.axis_index("s")

        def run(nn_ref, h_ref, out_ref):
            def zchunk(j, _):
                ci = s + j * NT

                @pl.when(ci < N // CZ)
                def _():
                    pltpu.sync_copy(z_hbm.at[pl.ds(ci * CZ, CZ)],
                                    acc.at[pl.ds(ci * CZ, CZ)])

                return 0

            lax.fori_loop(0, (N // CZ + NT - 1) // NT, zchunk, 0)
            plsc.subcore_barrier()

            def chunk(i, _):
                g = s + i * NT
                pltpu.sync_copy(src_hbm.at[pl.ds(IDX_H * g, IDX_H)], sidx)
                pltpu.sync_copy(dst_hbm.at[pl.ds(IDX_H * g, IDX_H)], didx)
                pltpu.sync_copy(h_ref.at[pl.ds(IDX_W * g, IDX_W)], hv)
                for a in range(IDX_H):
                    pltpu.sync_copy(nn_ref.at[sidx.at[a]], gv.at[a])

                def mulrow(r, _):
                    for a in range(IDX_H):
                        for t in range(2):
                            gv[a, r, pl.ds(t * 16, 16)] = (
                                gv[a, r, pl.ds(t * 16, 16)]
                                * hv[r, pl.ds(a * 32 + t * 16, 16)])
                    return 0

                lax.fori_loop(0, IDX_W, mulrow, 0)
                for a in range(IDX_H):
                    pltpu.sync_copy(gv.at[a], acc.at[didx.at[a]], add=True)
                return 0

            lax.fori_loop(0, E // (K_EDGE * NT), chunk, 0)
            plsc.subcore_barrier()

            def ochunk(j, _):
                ci = s + j * NT

                @pl.when(ci < N // CZ)
                def _():
                    pltpu.sync_copy(acc.at[pl.ds(ci * CZ, CZ)],
                                    out_ref.at[pl.ds(ci * CZ, CZ)])

                return 0

            lax.fori_loop(0, (N // CZ + NT - 1) // NT, ochunk, 0)

        @pl.when(c == 0)
        def _():
            run(nna_hbm, ha_hbm, outa_hbm)

        @pl.when(c == 1)
        def _():
            run(nnb_hbm, hb_hbm, outb_hbm)

    return k(nn_a, nn_b, h_a, h_b, src2, dst2, zeros_nc)


def _pool_sc(res3, gid2, zeros_pool):
    mesh = plsc.VectorSubcoreMesh(core_axis_name="c", subcore_axis_name="s")
    nchunk = N // K_EDGE
    iters = (nchunk + NT - 1) // NT
    gpt = G_PAD // NT

    @functools.partial(
        pl.kernel,
        out_type=jax.ShapeDtypeStruct((G_PAD, 16), jnp.float32),
        mesh=mesh,
        scratch_types=[
            pltpu.VMEM((IDX_H, IDX_W), jnp.int32),
            pltpu.VMEM((IDX_H, IDX_W, 16), jnp.float32),
            pltpu.VMEM_SHARED((G_PAD, 16), jnp.float32),
        ],
        compiler_params=pltpu.CompilerParams(use_tc_tiling_on_sc=False),
    )
    def k(res_hbm, gid_hbm, z_hbm, out_hbm, gidx, vv, acc):
        c = lax.axis_index("c")
        s = lax.axis_index("s")

        @pl.when(c == 0)
        def _():
            pltpu.sync_copy(z_hbm.at[pl.ds(s * gpt, gpt)],
                            acc.at[pl.ds(s * gpt, gpt)])
            plsc.subcore_barrier()

            def it(j, _):
                ci = s + j * NT

                @pl.when(ci < nchunk)
                def _():
                    rb = ci * IDX_H
                    pltpu.sync_copy(gid_hbm.at[pl.ds(rb, IDX_H)], gidx)
                    pltpu.sync_copy(res_hbm.at[pl.ds(rb, IDX_H)], vv)
                    for a in range(IDX_H):
                        pltpu.sync_copy(vv.at[a], acc.at[gidx.at[a]],
                                        add=True)

                return 0

            lax.fori_loop(0, iters, it, 0)
            plsc.subcore_barrier()
            pltpu.sync_copy(acc.at[pl.ds(s * gpt, gpt)],
                            out_hbm.at[pl.ds(s * gpt, gpt)])

    return k(res3, gid2, zeros_pool)


def kernel(node_type, edge_index, distance, graph_ids, params):
    p = params
    seg = CHE // 4 // IDX_W
    def _perm(v):
        return v.reshape(E // CHE, 4, seg, IDX_W).transpose(0, 2, 1, 3) \
                .reshape(E // IDX_W, IDX_W)
    src2 = _perm(edge_index[0])
    dst2 = _perm(edge_index[1])
    emb_pad = jnp.zeros((128, DIM), jnp.float32).at[:N_TYPES].set(p["emb"])
    d3 = distance.reshape(E // CHE, 1, CHE)
    hs = []
    for i in range(N_CONV):
        ci = p["conv%d" % i]
        w1p = jnp.zeros((8, DIM), jnp.float32).at[:N_CENTERS].set(
            ci["cf_W1"])
        hs.extend(_filter_layer(d3, w1p, ci["cf_b1"].reshape(1, DIM),
                                ci["cf_W2"], ci["cf_b2"].reshape(1, DIM)))
    node, nn_a, nn_b = _embed(node_type, emb_pad, p["conv0"]["W1"])
    zeros_nc = jnp.zeros((N, 32), jnp.float32)
    res = None
    for i in range(N_CONV):
        cf_a, cf_b = _conv_sc(nn_a, nn_b, hs[2 * i], hs[2 * i + 1],
                              src2, dst2, zeros_nc)
        ci = p["conv%d" % i]
        if i < N_CONV - 1:
            w1n = p["conv%d" % (i + 1)]["W1"]
            node, nn_a, nn_b = _update(
                cf_a, cf_b, node, ci["W2"], ci["b2"].reshape(1, DIM),
                ci["W3"], ci["b3"].reshape(1, DIM), w1n)
        else:
            res = _head(
                cf_a, cf_b, node, ci["W2"], ci["b2"].reshape(1, DIM),
                ci["W3"], ci["b3"].reshape(1, DIM),
                p["d1_W"], p["d1_b"].reshape(1, DIM),
                p["d2_W"].reshape(1, DIM), p["d2_b"].reshape(1, 1))
    res3 = res.reshape(N // IDX_W, IDX_W, 16)
    gid2 = graph_ids.reshape(N // IDX_W, IDX_W)
    pooled = _pool_sc(res3, gid2, jnp.zeros((G_PAD, 16), jnp.float32))
    return pooled[:N_GRAPHS, 0:1] / jnp.maximum(pooled[:N_GRAPHS, 1:2], 1.0)

# --- scband reference (transcript-rebuilt; emitter-appended) ---
"""Pipeline reference for scband-sch-net-model-86277303042135 (READ-ONLY COPY).

The authoritative reference and input builder live on the scoring server;
editing this copy changes nothing except your own understanding.
"""

import jax, jax.numpy as jnp
import numpy as np

N = 50000
E = 800000
DIM = 64
N_TYPES = 100
N_GRAPHS = 2000
CUTOFF = 5.0
N_CENTERS = 5
N_CONV = 3


def _softplus_b05(x):
    # torch.nn.Softplus(beta=0.5): (1/beta)*log(1+exp(beta*x))
    return 2.0 * jnp.logaddexp(0.5 * x, 0.0)


def _init_params(key):
    def nrm(k, shape):
        return jax.random.normal(k, shape, dtype=jnp.float32) * 0.05
    ks = iter([jax.random.fold_in(key, 100 + i) for i in range(64)])
    params = {"emb": nrm(next(ks), (N_TYPES, DIM))}
    for i in range(N_CONV):
        params["conv%d" % i] = {
            "W1": nrm(next(ks), (DIM, DIM)),
            "cf_W1": nrm(next(ks), (N_CENTERS, DIM)),
            "cf_b1": jnp.zeros((DIM,), jnp.float32),
            "cf_W2": nrm(next(ks), (DIM, DIM)),
            "cf_b2": jnp.zeros((DIM,), jnp.float32),
            "W2": nrm(next(ks), (DIM, DIM)),
            "b2": jnp.zeros((DIM,), jnp.float32),
            "W3": nrm(next(ks), (DIM, DIM)),
            "b3": jnp.zeros((DIM,), jnp.float32),
        }
    params["d1_W"] = nrm(next(ks), (DIM, 64))
    params["d1_b"] = jnp.zeros((64,), jnp.float32)
    params["d2_W"] = nrm(next(ks), (64, 1))
    params["d2_b"] = jnp.zeros((1,), jnp.float32)
    return params


def setup_inputs(seed: int = 0):
    key = jax.random.key(seed)
    node_type = jax.random.randint(jax.random.fold_in(key, 0), (N,), 0, N_TYPES)
    edge_index = jax.random.randint(jax.random.fold_in(key, 1), (2, E), 0, N)
    distance = jax.random.uniform(jax.random.fold_in(key, 2), (E, 1), dtype=jnp.float32) * CUTOFF
    graph_ids = jnp.sort(jax.random.randint(jax.random.fold_in(key, 3), (N,), 0, N_GRAPHS))
    params = _init_params(key)
    return {"node_type": node_type, "edge_index": edge_index, "distance": distance,
            "graph_ids": graph_ids, "params": params}


def reference(node_type, edge_index, distance, graph_ids, params):
    # RBFLayer(0, cutoff, width): centers = linspace(low, high, ceil((high-low)/gap))
    centers = jnp.linspace(0.0, CUTOFF, N_CENTERS)
    gap = centers[1] - centers[0]
    rbf = jnp.exp(-((distance - centers[None, :]) ** 2) / gap)  # [E, N_CENTERS]
    src = edge_index[0]
    dst = edge_index[1]
    # AtomEmbedding
    node = jnp.take(params["emb"], node_type, axis=0)  # [N, DIM]
    # Interaction layers
    for i in range(N_CONV):
        p = params["conv%d" % i]
        new_node = node @ p["W1"]  # node_layer1 (no bias)
        # CFConv edge filter
        h = _softplus_b05(rbf @ p["cf_W1"] + p["cf_b1"]) @ p["cf_W2"] + p["cf_b2"]  # [E, DIM]
        msg = jnp.take(new_node, src, axis=0) * h  # u_mul_e
        cf_node = jax.ops.segment_sum(msg, dst, num_segments=N)  # fn.sum -> dst
        cf1 = cf_node @ p["W2"] + p["b2"]
        node = node + (_softplus_b05(cf1) @ p["W3"] + p["b3"])
    # output head
    atom = node @ params["d1_W"] + params["d1_b"]
    # ShiftSoftplus: softplus(beta=1) - log(2)
    atom = jnp.logaddexp(atom, 0.0) - jnp.log(2.0)
    res = atom @ params["d2_W"] + params["d2_b"]  # [N, 1]
    # dgl.mean_nodes
    sums = jax.ops.segment_sum(res, graph_ids, num_segments=N_GRAPHS)
    counts = jax.ops.segment_sum(jnp.ones((N, 1), jnp.float32), graph_ids, num_segments=N_GRAPHS)
    return sums / jnp.maximum(counts, 1.0)

if __name__ == "__main__":
    import jax
    _d = setup_inputs()
    print(jax.jit(kernel)(*tuple(_d.values())))

</pallas_src>

<mosaic_0001>
#map = affine_map<(d0, d1) -> (0, 0, 0)>
#map1 = affine_map<(d0, d1) -> (0, 0)>
module attributes {stable_mosaic.version = 14 : i64} {
  func.func @k(%arg0: i32, %arg1: i32, %arg2: memref<500x100x16xf32, #tpu.memory_space<hbm>>, %arg3: memref<500x100xi32, #tpu.memory_space<hbm>>, %arg4: memref<2048x16xf32, #tpu.memory_space<hbm>>, %arg5: memref<2048x16xf32, #tpu.memory_space<hbm>>, %arg6: memref<2x100xi32, #tpu.memory_space<vmem>>, %arg7: memref<2x100x16xf32, #tpu.memory_space<vmem>>, %arg8: memref<2048x16xf32, #tpu.memory_space<vmem_shared>>) attributes {dimension_semantics = [#tpu.dimension_semantics<core_parallel>, #tpu.dimension_semantics<subcore_parallel>], iteration_bounds = array<i64: 2, 16>, scalar_prefetch = 0 : i64, scratch_operands = 3 : i64, tpu.core_type = #tpu.core_type<sc_vector_subcore>, window_params = [{transform_indices = #map}, {transform_indices = #map1}, {transform_indices = #map1}, {transform_indices = #map1}]} {
    %eq3A = arith.constant 0 : i32
    %eq3A_0 = arith.cmpi eq, %arg0, %eq3A : i32
    %convert_element_type3A = arith.extui %eq3A_0 : i1 to i32
    %cond3A = arith.constant 0 : i32
    %cond3A_1 = arith.cmpi ne, %convert_element_type3A, %cond3A : i32
    scf.if %cond3A_1 {
      %mul3A = arith.constant 128 : i32
      %mul3A_2 = arith.muli %arg1, %mul3A : i32
      %mul3A_3 = arith.constant 128 : i32
      %mul3A_4 = arith.muli %arg1, %mul3A_3 : i32
      "tpu.region"() ({
        %run_scoped3A = tpu.sem_alloc : memref<!tpu.dma_semaphore, #tpu.memory_space<semaphore_mem>>
        %dma_start3A = arith.constant 0 : i32
        %dma_start3A_16 = tpu.memref_slice %arg8[%mul3A_4, %dma_start3A] : memref<2048x16xf32, #tpu.memory_space<vmem_shared>> -> memref<128x16xf32, #tpu.memory_space<vmem_shared>>
        %dma_start3A_17 = arith.constant 0 : i32
        %dma_start3A_18 = tpu.memref_slice %arg4[%mul3A_2, %dma_start3A_17] : memref<2048x16xf32, #tpu.memory_space<hbm>> -> memref<128x16xf32, #tpu.memory_space<hbm>>
        tpu.enqueue_dma source(%dma_start3A_18 : memref<128x16xf32, #tpu.memory_space<hbm>>) target(%dma_start3A_16 : memref<128x16xf32, #tpu.memory_space<vmem_shared>>) target_semaphore(%run_scoped3A : memref<!tpu.dma_semaphore, #tpu.memory_space<semaphore_mem>>)
        %dma_wait3A = arith.constant 0 : i32
        %dma_wait3A_19 = tpu.memref_slice %arg8[%mul3A_4, %dma_wait3A] : memref<2048x16xf32, #tpu.memory_space<vmem_shared>> -> memref<128x16xf32, #tpu.memory_space<vmem_shared>>
        %dma_wait3A_20 = arith.constant 0 : i32
        %dma_wait3A_21 = tpu.memref_slice %arg4[%mul3A_2, %dma_wait3A_20] : memref<2048x16xf32, #tpu.memory_space<hbm>> -> memref<128x16xf32, #tpu.memory_space<hbm>>
        tpu.wait_dma2 semaphore(%run_scoped3A : memref<!tpu.dma_semaphore, #tpu.memory_space<semaphore_mem>>) src(%dma_wait3A_21 : memref<128x16xf32, #tpu.memory_space<hbm>>) dst(%dma_wait3A_19 : memref<128x16xf32, #tpu.memory_space<vmem_shared>>)
        tpu.yield
      }) : () -> ()
      %barrier3A = arith.constant 0 : index
      tpu.barrier barrier_id(%barrier3A)
      %scan3A = arith.constant 0 : i32
      %scan3A_5 = arith.constant 0 : i32
      %scan3A_6 = arith.constant 16 : i32
      %scan3A_7 = arith.addi %scan3A_5, %scan3A_6 : i32
      %scan3A_8 = arith.constant 1 : i32
      %scan3A_9 = scf.for %scan3A_16 = %scan3A_5 to %scan3A_7 step %scan3A_8 iter_args(%scan3A_17 = %scan3A) -> (i32)  : i32 {
        %mul3A_18 = arith.constant 16 : i32
        %mul3A_19 = arith.muli %scan3A_16, %mul3A_18 : i32
        %add3A = arith.addi %arg1, %mul3A_19 : i32
        %lt3A = arith.constant 250 : i32
        %lt3A_20 = arith.cmpi slt, %add3A, %lt3A : i32
        %convert_element_type3A_21 = arith.extui %lt3A_20 : i1 to i32
        %cond3A_22 = arith.constant 0 : i32
        %cond3A_23 = arith.cmpi ne, %convert_element_type3A_21, %cond3A_22 : i32
        scf.if %cond3A_23 {
          %mul3A_25 = arith.constant 2 : i32
          %mul3A_26 = arith.muli %add3A, %mul3A_25 : i32
          "tpu.region"() ({
            %run_scoped3A_30 = tpu.sem_alloc : memref<!tpu.dma_semaphore, #tpu.memory_space<semaphore_mem>>
            %dma_start3A = arith.constant 0 : i32
            %dma_start3A_31 = tpu.memref_slice %arg3[%mul3A_26, %dma_start3A] : memref<500x100xi32, #tpu.memory_space<hbm>> -> memref<2x100xi32, #tpu.memory_space<hbm>>
            %dma_start3A_32 = arith.constant 0 : i32
            %dma_start3A_33 = tpu.memref_slice %arg3[%mul3A_26, %dma_start3A_32] : memref<500x100xi32, #tpu.memory_space<hbm>> -> memref<2x100xi32, #tpu.memory_space<hbm>>
            tpu.enqueue_dma source(%dma_start3A_33 : memref<2x100xi32, #tpu.memory_space<hbm>>) target(%arg6 : memref<2x100xi32, #tpu.memory_space<vmem>>) target_semaphore(%run_scoped3A_30 : memref<!tpu.dma_semaphore, #tpu.memory_space<semaphore_mem>>)
            %dma_wait3A = arith.constant 0 : i32
            %dma_wait3A_34 = tpu.memref_slice %arg3[%mul3A_26, %dma_wait3A] : memref<500x100xi32, #tpu.memory_space<hbm>> -> memref<2x100xi32, #tpu.memory_space<hbm>>
            %dma_wait3A_35 = arith.constant 0 : i32
            %dma_wait3A_36 = tpu.memref_slice %arg3[%mul3A_26, %dma_wait3A_35] : memref<500x100xi32, #tpu.memory_space<hbm>> -> memref<2x100xi32, #tpu.memory_space<hbm>>
            tpu.wait_dma2 semaphore(%run_scoped3A_30 : memref<!tpu.dma_semaphore, #tpu.memory_space<semaphore_mem>>) src(%dma_wait3A_36 : memref<2x100xi32, #tpu.memory_space<hbm>>) dst(%arg6 : memref<2x100xi32, #tpu.memory_space<vmem>>)
            tpu.yield
          }) : () -> ()
          "tpu.region"() ({
            %run_scoped3A_30 = tpu.sem_alloc : memref<!tpu.dma_semaphore, #tpu.memory_space<semaphore_mem>>
            %dma_start3A = arith.constant 0 : i32
            %dma_start3A_31 = arith.constant 0 : i32
            %dma_start3A_32 = tpu.memref_slice %arg2[%mul3A_26, %dma_start3A, %dma_start3A_31] : memref<500x100x16xf32, #tpu.memory_space<hbm>> -> memref<2x100x16xf32, #tpu.memory_space<hbm>>
            %dma_start3A_33 = arith.constant 0 : i32
            %dma_start3A_34 = arith.constant 0 : i32
            %dma_start3A_35 = tpu.memref_slice %arg2[%mul3A_26, %dma_start3A_33, %dma_start3A_34] : memref<500x100x16xf32, #tpu.memory_space<hbm>> -> memref<2x100x16xf32, #tpu.memory_space<hbm>>
            tpu.enqueue_dma source(%dma_start3A_35 : memref<2x100x16xf32, #tpu.memory_space<hbm>>) target(%arg7 : memref<2x100x16xf32, #tpu.memory_space<vmem>>) target_semaphore(%run_scoped3A_30 : memref<!tpu.dma_semaphore, #tpu.memory_space<semaphore_mem>>)
            %dma_wait3A = arith.constant 0 : i32
            %dma_wait3A_36 = arith.constant 0 : i32
            %dma_wait3A_37 = tpu.memref_slice %arg2[%mul3A_26, %dma_wait3A, %dma_wait3A_36] : memref<500x100x16xf32, #tpu.memory_space<hbm>> -> memref<2x100x16xf32, #tpu.memory_space<hbm>>
            %dma_wait3A_38 = arith.constant 0 : i32
            %dma_wait3A_39 = arith.constant 0 : i32
            %dma_wait3A_40 = tpu.memref_slice %arg2[%mul3A_26, %dma_wait3A_38, %dma_wait3A_39] : memref<500x100x16xf32, #tpu.memory_space<hbm>> -> memref<2x100x16xf32, #tpu.memory_space<hbm>>
            tpu.wait_dma2 semaphore(%run_scoped3A_30 : memref<!tpu.dma_semaphore, #tpu.memory_space<semaphore_mem>>) src(%dma_wait3A_40 : memref<2x100x16xf32, #tpu.memory_space<hbm>>) dst(%arg7 : memref<2x100x16xf32, #tpu.memory_space<vmem>>)
            tpu.yield
          }) : () -> ()
          %run_scoped3A = arith.constant 0 : i32
          %run_scoped3A_27 = arith.constant 0 : i32
          "tpu.region"() ({
            %run_scoped3A_30 = tpu.sem_alloc : memref<!tpu.dma_semaphore, #tpu.memory_space<semaphore_mem>>
            %dma_start3A = arith.constant 0 : i32
            %dma_start3A_31 = arith.constant 0 : i32
            %dma_start3A_32 = tpu.memref_slice %arg7[%run_scoped3A, %dma_start3A, %dma_start3A_31] : memref<2x100x16xf32, #tpu.memory_space<vmem>> -> memref<1x100x16xf32, #tpu.memory_space<vmem>>
            %dma_start3A_33 = tpu.memref_squeeze %dma_start3A_32 : memref<1x100x16xf32, #tpu.memory_space<vmem>> -> memref<100x16xf32, #tpu.memory_space<vmem>>
            %dma_start3A_34 = arith.constant 0 : i32
            %dma_start3A_35 = tpu.memref_slice %arg6[%run_scoped3A_27, %dma_start3A_34] : memref<2x100xi32, #tpu.memory_space<vmem>> -> memref<1x100xi32, #tpu.memory_space<vmem>>
            %dma_start3A_36 = tpu.memref_squeeze %dma_start3A_35 : memref<1x100xi32, #tpu.memory_space<vmem>> -> memref<100xi32, #tpu.memory_space<vmem>>
            %dma_start3A_37 = arith.constant 0 : i32
            %dma_start3A_38 = arith.constant 0 : i32
            %dma_start3A_39 = tpu.memref_slice %arg8[%dma_start3A_37, %dma_start3A_38] : memref<2048x16xf32, #tpu.memory_space<vmem_shared>> -> memref<2048x16xf32, #tpu.memory_space<vmem_shared>>
            tpu.enqueue_indirect_dma source(%dma_start3A_33 : memref<100x16xf32, #tpu.memory_space<vmem>>) target(%dma_start3A_39 : memref<2048x16xf32, #tpu.memory_space<vmem_shared>>) offsets(%dma_start3A_36 : memref<100xi32, #tpu.memory_space<vmem>>) semaphore(%run_scoped3A_30 : memref<!tpu.dma_semaphore, #tpu.memory_space<semaphore_mem>>) {add = true}
            %dma_wait3A = arith.constant 0 : i32
            %dma_wait3A_40 = arith.constant 0 : i32
            %dma_wait3A_41 = tpu.memref_slice %arg7[%run_scoped3A, %dma_wait3A, %dma_wait3A_40] : memref<2x100x16xf32, #tpu.memory_space<vmem>> -> memref<1x100x16xf32, #tpu.memory_space<vmem>>
            %dma_wait3A_42 = tpu.memref_squeeze %dma_wait3A_41 : memref<1x100x16xf32, #tpu.memory_space<vmem>> -> memref<100x16xf32, #tpu.memory_space<vmem>>
            %dma_wait3A_43 = arith.constant 0 : i32
            %dma_wait3A_44 = tpu.memref_slice %arg6[%run_scoped3A_27, %dma_wait3A_43] : memref<2x100xi32, #tpu.memory_space<vmem>> -> memref<1x100xi32, #tpu.memory_space<vmem>>
            %dma_wait3A_45 = tpu.memref_squeeze %dma_wait3A_44 : memref<1x100xi32, #tpu.memory_space<vmem>> -> memref<100xi32, #tpu.memory_space<vmem>>
            %dma_wait3A_46 = arith.constant 0 : i32
            %dma_wait3A_47 = arith.constant 0 : i32
            %dma_wait3A_48 = tpu.memref_slice %arg8[%dma_wait3A_46, %dma_wait3A_47] : memref<2048x16xf32, #tpu.memory_space<vmem_shared>> -> memref<2048x16xf32, #tpu.memory_space<vmem_shared>>
            tpu.wait_indirect_dma semaphore(%run_scoped3A_30 : memref<!tpu.dma_semaphore, #tpu.memory_space<semaphore_mem>>) src(%dma_wait3A_42 : memref<100x16xf32, #tpu.memory_space<vmem>>) dst(%dma_wait3A_48 : memref<2048x16xf32, #tpu.memory_space<vmem_shared>>)
            tpu.yield
          }) : () -> ()
          %run_scoped3A_28 = arith.constant 1 : i32
          %run_scoped3A_29 = arith.constant 1 : i32
          "tpu.region"() ({
            %run_scoped3A_30 = tpu.sem_alloc : memref<!tpu.dma_semaphore, #tpu.memory_space<semaphore_mem>>
            %dma_start3A = arith.constant 0 : i32
            %dma_start3A_31 = arith.constant 0 : i32
            %dma_start3A_32 = tpu.memref_slice %arg7[%run_scoped3A_28, %dma_start3A, %dma_start3A_31] : memref<2x100x16xf32, #tpu.memory_space<vmem>> -> memref<1x100x16xf32, #tpu.memory_space<vmem>>
            %dma_start3A_33 = tpu.memref_squeeze %dma_start3A_32 : memref<1x100x16xf32, #tpu.memory_space<vmem>> -> memref<100x16xf32, #tpu.memory_space<vmem>>
            %dma_start3A_34 = arith.constant 0 : i32
            %dma_start3A_35 = tpu.memref_slice %arg6[%run_scoped3A_29, %dma_start3A_34] : memref<2x100xi32, #tpu.memory_space<vmem>> -> memref<1x100xi32, #tpu.memory_space<vmem>>
            %dma_start3A_36 = tpu.memref_squeeze %dma_start3A_35 : memref<1x100xi32, #tpu.memory_space<vmem>> -> memref<100xi32, #tpu.memory_space<vmem>>
            %dma_start3A_37 = arith.constant 0 : i32
            %dma_start3A_38 = arith.constant 0 : i32
            %dma_start3A_39 = tpu.memref_slice %arg8[%dma_start3A_37, %dma_start3A_38] : memref<2048x16xf32, #tpu.memory_space<vmem_shared>> -> memref<2048x16xf32, #tpu.memory_space<vmem_shared>>
            tpu.enqueue_indirect_dma source(%dma_start3A_33 : memref<100x16xf32, #tpu.memory_space<vmem>>) target(%dma_start3A_39 : memref<2048x16xf32, #tpu.memory_space<vmem_shared>>) offsets(%dma_start3A_36 : memref<100xi32, #tpu.memory_space<vmem>>) semaphore(%run_scoped3A_30 : memref<!tpu.dma_semaphore, #tpu.memory_space<semaphore_mem>>) {add = true}
            %dma_wait3A = arith.constant 0 : i32
            %dma_wait3A_40 = arith.constant 0 : i32
            %dma_wait3A_41 = tpu.memref_slice %arg7[%run_scoped3A_28, %dma_wait3A, %dma_wait3A_40] : memref<2x100x16xf32, #tpu.memory_space<vmem>> -> memref<1x100x16xf32, #tpu.memory_space<vmem>>
            %dma_wait3A_42 = tpu.memref_squeeze %dma_wait3A_41 : memref<1x100x16xf32, #tpu.memory_space<vmem>> -> memref<100x16xf32, #tpu.memory_space<vmem>>
            %dma_wait3A_43 = arith.constant 0 : i32
            %dma_wait3A_44 = tpu.memref_slice %arg6[%run_scoped3A_29, %dma_wait3A_43] : memref<2x100xi32, #tpu.memory_space<vmem>> -> memref<1x100xi32, #tpu.memory_space<vmem>>
            %dma_wait3A_45 = tpu.memref_squeeze %dma_wait3A_44 : memref<1x100xi32, #tpu.memory_space<vmem>> -> memref<100xi32, #tpu.memory_space<vmem>>
            %dma_wait3A_46 = arith.constant 0 : i32
            %dma_wait3A_47 = arith.constant 0 : i32
            %dma_wait3A_48 = tpu.memref_slice %arg8[%dma_wait3A_46, %dma_wait3A_47] : memref<2048x16xf32, #tpu.memory_space<vmem_shared>> -> memref<2048x16xf32, #tpu.memory_space<vmem_shared>>
            tpu.wait_indirect_dma semaphore(%run_scoped3A_30 : memref<!tpu.dma_semaphore, #tpu.memory_space<semaphore_mem>>) src(%dma_wait3A_42 : memref<100x16xf32, #tpu.memory_space<vmem>>) dst(%dma_wait3A_48 : memref<2048x16xf32, #tpu.memory_space<vmem_shared>>)
            tpu.yield
          }) : () -> ()
        } else {
        }
        %scan3A_24 = arith.constant 0 : i32
        scf.yield %scan3A_24 : i32
      }
      %scan3A_10 = arith.constant 16 : i32
      %barrier3A_11 = arith.constant 0 : index
      tpu.barrier barrier_id(%barrier3A_11)
      %mul3A_12 = arith.constant 128 : i32
      %mul3A_13 = arith.muli %arg1, %mul3A_12 : i32
      %mul3A_14 = arith.constant 128 : i32
      %mul3A_15 = arith.muli %arg1, %mul3A_14 : i32
      "tpu.region"() ({
        %run_scoped3A = tpu.sem_alloc : memref<!tpu.dma_semaphore, #tpu.memory_space<semaphore_mem>>
        %dma_start3A = arith.constant 0 : i32
        %dma_start3A_16 = tpu.memref_slice %arg5[%mul3A_15, %dma_start3A] : memref<2048x16xf32, #tpu.memory_space<hbm>> -> memref<128x16xf32, #tpu.memory_space<hbm>>
        %dma_start3A_17 = arith.constant 0 : i32
        %dma_start3A_18 = tpu.memref_slice %arg8[%mul3A_13, %dma_start3A_17] : memref<2048x16xf32, #tpu.memory_space<vmem_shared>> -> memref<128x16xf32, #tpu.memory_space<vmem_shared>>
        tpu.enqueue_dma source(%dma_start3A_18 : memref<128x16xf32, #tpu.memory_space<vmem_shared>>) target(%dma_start3A_16 : memref<128x16xf32, #tpu.memory_space<hbm>>) target_semaphore(%run_scoped3A : memref<!tpu.dma_semaphore, #tpu.memory_space<semaphore_mem>>)
        %dma_wait3A = arith.constant 0 : i32
        %dma_wait3A_19 = tpu.memref_slice %arg5[%mul3A_15, %dma_wait3A] : memref<2048x16xf32, #tpu.memory_space<hbm>> -> memref<128x16xf32, #tpu.memory_space<hbm>>
        %dma_wait3A_20 = arith.constant 0 : i32
        %dma_wait3A_21 = tpu.memref_slice %arg8[%mul3A_13, %dma_wait3A_20] : memref<2048x16xf32, #tpu.memory_space<vmem_shared>> -> memref<128x16xf32, #tpu.memory_space<vmem_shared>>
        tpu.wait_dma2 semaphore(%run_scoped3A : memref<!tpu.dma_semaphore, #tpu.memory_space<semaphore_mem>>) src(%dma_wait3A_21 : memref<128x16xf32, #tpu.memory_space<vmem_shared>>) dst(%dma_wait3A_19 : memref<128x16xf32, #tpu.memory_space<hbm>>)
        tpu.yield
      }) : () -> ()
    } else {
    }
    return
  }
}

#map = affine_map<(d0, d1) -> (0, 0)>
module attributes {stable_mosaic.version = 14 : i64} {
  func.func @k(%arg0: i32, %arg1: i32, %arg2: memref<50000x32xf32, #tpu.memory_space<hbm>>, %arg3: memref<50000x32xf32, #tpu.memory_space<hbm>>, %arg4: memref<200000x128xf32, #tpu.memory_space<hbm>>, %arg5: memref<200000x128xf32, #tpu.memory_space<hbm>>, %arg6: memref<8000x100xi32, #tpu.memory_space<hbm>>, %arg7: memref<8000x100xi32, #tpu.memory_space<hbm>>, %arg8: memref<50000x32xf32, #tpu.memory_space<hbm>>, %arg9: memref<50000x32xf32, #tpu.memory_space<hbm>>, %arg10: memref<50000x32xf32, #tpu.memory_space<hbm>>, %arg11: memref<2x100xi32, #tpu.memory_space<vmem>>, %arg12: memref<2x100xi32, #tpu.memory_space<vmem>>, %arg13: memref<2x100x32xf32, #tpu.memory_space<vmem>>, %arg14: memref<100x128xf32, #tpu.memory_space<vmem>>, %arg15: memref<50000x32xf32, #tpu.memory_space<vmem_shared>>, %arg16: memref<!tpu.dma_semaphore, #tpu.memory_space<semaphore_mem>>) attributes {dimension_semantics = [#tpu.dimension_semantics<core_parallel>, #tpu.dimension_semantics<subcore_parallel>], iteration_bounds = array<i64: 2, 16>, scalar_prefetch = 0 : i64, scratch_operands = 6 : i64, tpu.core_type = #tpu.core_type<sc_vector_subcore>, window_params = [{transform_indices = #map}, {transform_indices = #map}, {transform_indices = #map}, {transform_indices = #map}, {transform_indices = #map}, {transform_indices = #map}, {transform_indices = #map}, {transform_indices = #map}, {transform_indices = #map}]} {
    %eq3A = arith.constant 0 : i32
    %eq3A_0 = arith.cmpi eq, %arg0, %eq3A : i32
    %convert_element_type3A = arith.extui %eq3A_0 : i1 to i32
    %cond3A = arith.constant 0 : i32
    %cond3A_1 = arith.cmpi ne, %convert_element_type3A, %cond3A : i32
    scf.if %cond3A_1 {
      %scan3A = arith.constant 0 : i32
      %scan3A_7 = arith.constant 0 : i32
      %scan3A_8 = arith.constant 2 : i32
      %scan3A_9 = arith.addi %scan3A_7, %scan3A_8 : i32
      %scan3A_10 = arith.constant 1 : i32
      %scan3A_11 = scf.for %scan3A_28 = %scan3A_7 to %scan3A_9 step %scan3A_10 iter_args(%scan3A_29 = %scan3A) -> (i32)  : i32 {
        %mul3A = arith.constant 16 : i32
        %mul3A_30 = arith.muli %scan3A_28, %mul3A : i32
        %add3A = arith.addi %arg1, %mul3A_30 : i32
        %lt3A = arith.constant 25 : i32
        %lt3A_31 = arith.cmpi slt, %add3A, %lt3A : i32
        %convert_element_type3A_32 = arith.extui %lt3A_31 : i1 to i32
        %cond3A_33 = arith.constant 0 : i32
        %cond3A_34 = arith.cmpi ne, %convert_element_type3A_32, %cond3A_33 : i32
        scf.if %cond3A_34 {
          %mul3A_36 = arith.constant 2000 : i32
          %mul3A_37 = arith.muli %add3A, %mul3A_36 : i32
          %mul3A_38 = arith.constant 2000 : i32
          %mul3A_39 = arith.muli %add3A, %mul3A_38 : i32
          "tpu.region"() ({
            %run_scoped3A = tpu.sem_alloc : memref<!tpu.dma_semaphore, #tpu.memory_space<semaphore_mem>>
            %dma_start3A = arith.constant 0 : i32
            %dma_start3A_40 = tpu.memref_slice %arg15[%mul3A_39, %dma_start3A] : memref<50000x32xf32, #tpu.memory_space<vmem_shared>> -> memref<2000x32xf32, #tpu.memory_space<vmem_shared>>
            %dma_start3A_41 = arith.constant 0 : i32
            %dma_start3A_42 = tpu.memref_slice %arg8[%mul3A_37, %dma_start3A_41] : memref<50000x32xf32, #tpu.memory_space<hbm>> -> memref<2000x32xf32, #tpu.memory_space<hbm>>
            tpu.enqueue_dma source(%dma_start3A_42 : memref<2000x32xf32, #tpu.memory_space<hbm>>) target(%dma_start3A_40 : memref<2000x32xf32, #tpu.memory_space<vmem_shared>>) target_semaphore(%run_scoped3A : memref<!tpu.dma_semaphore, #tpu.memory_space<semaphore_mem>>)
            %dma_wait3A = arith.constant 0 : i32
            %dma_wait3A_43 = tpu.memref_slice %arg15[%mul3A_39, %dma_wait3A] : memref<50000x32xf32, #tpu.memory_space<vmem_shared>> -> memref<2000x32xf32, #tpu.memory_space<vmem_shared>>
            %dma_wait3A_44 = arith.constant 0 : i32
            %dma_wait3A_45 = tpu.memref_slice %arg8[%mul3A_37, %dma_wait3A_44] : memref<50000x32xf32, #tpu.memory_space<hbm>> -> memref<2000x32xf32, #tpu.memory_space<hbm>>
            tpu.wait_dma2 semaphore(%run_scoped3A : memref<!tpu.dma_semaphore, #tpu.memory_space<semaphore_mem>>) src(%dma_wait3A_45 : memref<2000x32xf32, #tpu.memory_space<hbm>>) dst(%dma_wait3A_43 : memref<2000x32xf32, #tpu.memory_space<vmem_shared>>)
            tpu.yield
          }) : () -> ()
        } else {
        }
        %scan3A_35 = arith.constant 0 : i32
        scf.yield %scan3A_35 : i32
      }
      %scan3A_12 = arith.constant 2 : i32
      %barrier3A = arith.constant 0 : index
      tpu.barrier barrier_id(%barrier3A)
      %scan3A_13 = arith.constant 0 : i32
      %scan3A_14 = arith.constant 0 : i32
      %scan3A_15 = arith.constant 250 : i32
      %scan3A_16 = arith.addi %scan3A_14, %scan3A_15 : i32
      %scan3A_17 = arith.constant 1 : i32
      %scan3A_18 = scf.for %scan3A_28 = %scan3A_14 to %scan3A_16 step %scan3A_17 iter_args(%scan3A_29 = %scan3A_13) -> (i32)  : i32 {
        %mul3A = arith.constant 16 : i32
        %mul3A_30 = arith.muli %scan3A_28, %mul3A : i32
        %add3A = arith.addi %arg1, %mul3A_30 : i32
        %mul3A_31 = arith.constant 2 : i32
        %mul3A_32 = arith.muli %mul3A_31, %add3A : i32
        "tpu.region"() ({
          %run_scoped3A_52 = tpu.sem_alloc : memref<!tpu.dma_semaphore, #tpu.memory_space<semaphore_mem>>
          %dma_start3A = arith.constant 0 : i32
          %dma_start3A_53 = tpu.memref_slice %arg6[%mul3A_32, %dma_start3A] : memref<8000x100xi32, #tpu.memory_space<hbm>> -> memref<2x100xi32, #tpu.memory_space<hbm>>
          %dma_start3A_54 = arith.constant 0 : i32
          %dma_start3A_55 = tpu.memref_slice %arg6[%mul3A_32, %dma_start3A_54] : memref<8000x100xi32, #tpu.memory_space<hbm>> -> memref<2x100xi32, #tpu.memory_space<hbm>>
          tpu.enqueue_dma source(%dma_start3A_55 : memref<2x100xi32, #tpu.memory_space<hbm>>) target(%arg11 : memref<2x100xi32, #tpu.memory_space<vmem>>) target_semaphore(%run_scoped3A_52 : memref<!tpu.dma_semaphore, #tpu.memory_space<semaphore_mem>>)
          %dma_wait3A = arith.constant 0 : i32
          %dma_wait3A_56 = tpu.memref_slice %arg6[%mul3A_32, %dma_wait3A] : memref<8000x100xi32, #tpu.memory_space<hbm>> -> memref<2x100xi32, #tpu.memory_space<hbm>>
          %dma_wait3A_57 = arith.constant 0 : i32
          %dma_wait3A_58 = tpu.memref_slice %arg6[%mul3A_32, %dma_wait3A_57] : memref<8000x100xi32, #tpu.memory_space<hbm>> -> memref<2x100xi32, #tpu.memory_space<hbm>>
          tpu.wait_dma2 semaphore(%run_scoped3A_52 : memref<!tpu.dma_semaphore, #tpu.memory_space<semaphore_mem>>) src(%dma_wait3A_58 : memref<2x100xi32, #tpu.memory_space<hbm>>) dst(%arg11 : memref<2x100xi32, #tpu.memory_space<vmem>>)
          tpu.yield
        }) : () -> ()
        %mul3A_33 = arith.constant 2 : i32
        %mul3A_34 = arith.muli %mul3A_33, %add3A : i32
        "tpu.region"() ({
          %run_scoped3A_52 = tpu.sem_alloc : memref<!tpu.dma_semaphore, #tpu.memory_space<semaphore_mem>>
          %dma_start3A = arith.constant 0 : i32
          %dma_start3A_53 = tpu.memref_slice %arg7[%mul3A_34, %dma_start3A] : memref<8000x100xi32, #tpu.memory_space<hbm>> -> memref<2x100xi32, #tpu.memory_space<hbm>>
          %dma_start3A_54 = arith.constant 0 : i32
          %dma_start3A_55 = tpu.memref_slice %arg7[%mul3A_34, %dma_start3A_54] : memref<8000x100xi32, #tpu.memory_space<hbm>> -> memref<2x100xi32, #tpu.memory_space<hbm>>
          tpu.enqueue_dma source(%dma_start3A_55 : memref<2x100xi32, #tpu.memory_space<hbm>>) target(%arg12 : memref<2x100xi32, #tpu.memory_space<vmem>>) target_semaphore(%run_scoped3A_52 : memref<!tpu.dma_semaphore, #tpu.memory_space<semaphore_mem>>)
          %dma_wait3A = arith.constant 0 : i32
          %dma_wait3A_56 = tpu.memref_slice %arg7[%mul3A_34, %dma_wait3A] : memref<8000x100xi32, #tpu.memory_space<hbm>> -> memref<2x100xi32, #tpu.memory_space<hbm>>
          %dma_wait3A_57 = arith.constant 0 : i32
          %dma_wait3A_58 = tpu.memref_slice %arg7[%mul3A_34, %dma_wait3A_57] : memref<8000x100xi32, #tpu.memory_space<hbm>> -> memref<2x100xi32, #tpu.memory_space<hbm>>
          tpu.wait_dma2 semaphore(%run_scoped3A_52 : memref<!tpu.dma_semaphore, #tpu.memory_space<semaphore_mem>>) src(%dma_wait3A_58 : memref<2x100xi32, #tpu.memory_space<hbm>>) dst(%arg12 : memref<2x100xi32, #tpu.memory_space<vmem>>)
          tpu.yield
        }) : () -> ()
        %mul3A_35 = arith.constant 100 : i32
        %mul3A_36 = arith.muli %mul3A_35, %add3A : i32
        "tpu.region"() ({
          %run_scoped3A_52 = tpu.sem_alloc : memref<!tpu.dma_semaphore, #tpu.memory_space<semaphore_mem>>
          %dma_start3A = arith.constant 0 : i32
          %dma_start3A_53 = tpu.memref_slice %arg4[%mul3A_36, %dma_start3A] : memref<200000x128xf32, #tpu.memory_space<hbm>> -> memref<100x128xf32, #tpu.memory_space<hbm>>
          %dma_start3A_54 = arith.constant 0 : i32
          %dma_start3A_55 = tpu.memref_slice %arg4[%mul3A_36, %dma_start3A_54] : memref<200000x128xf32, #tpu.memory_space<hbm>> -> memref<100x128xf32, #tpu.memory_space<hbm>>
          tpu.enqueue_dma source(%dma_start3A_55 : memref<100x128xf32, #tpu.memory_space<hbm>>) target(%arg14 : memref<100x128xf32, #tpu.memory_space<vmem>>) target_semaphore(%run_scoped3A_52 : memref<!tpu.dma_semaphore, #tpu.memory_space<semaphore_mem>>)
          %dma_wait3A = arith.constant 0 : i32
          %dma_wait3A_56 = tpu.memref_slice %arg4[%mul3A_36, %dma_wait3A] : memref<200000x128xf32, #tpu.memory_space<hbm>> -> memref<100x128xf32, #tpu.memory_space<hbm>>
          %dma_wait3A_57 = arith.constant 0 : i32
          %dma_wait3A_58 = tpu.memref_slice %arg4[%mul3A_36, %dma_wait3A_57] : memref<200000x128xf32, #tpu.memory_space<hbm>> -> memref<100x128xf32, #tpu.memory_space<hbm>>
          tpu.wait_dma2 semaphore(%run_scoped3A_52 : memref<!tpu.dma_semaphore, #tpu.memory_space<semaphore_mem>>) src(%dma_wait3A_58 : memref<100x128xf32, #tpu.memory_space<hbm>>) dst(%arg14 : memref<100x128xf32, #tpu.memory_space<vmem>>)
          tpu.yield
        }) : () -> ()
        %run_scoped3A = arith.constant 0 : i32
        %run_scoped3A_37 = arith.constant 0 : i32
        "tpu.region"() ({
          %run_scoped3A_52 = tpu.sem_alloc : memref<!tpu.dma_semaphore, #tpu.memory_space<semaphore_mem>>
          %dma_start3A = arith.constant 0 : i32
          %dma_start3A_53 = arith.constant 0 : i32
          %dma_start3A_54 = tpu.memref_slice %arg13[%run_scoped3A_37, %dma_start3A, %dma_start3A_53] : memref<2x100x32xf32, #tpu.memory_space<vmem>> -> memref<1x100x32xf32, #tpu.memory_space<vmem>>
          %dma_start3A_55 = tpu.memref_squeeze %dma_start3A_54 : memref<1x100x32xf32, #tpu.memory_space<vmem>> -> memref<100x32xf32, #tpu.memory_space<vmem>>
          %dma_start3A_56 = arith.constant 0 : i32
          %dma_start3A_57 = tpu.memref_slice %arg11[%run_scoped3A, %dma_start3A_56] : memref<2x100xi32, #tpu.memory_space<vmem>> -> memref<1x100xi32, #tpu.memory_space<vmem>>
          %dma_start3A_58 = tpu.memref_squeeze %dma_start3A_57 : memref<1x100xi32, #tpu.memory_space<vmem>> -> memref<100xi32, #tpu.memory_space<vmem>>
          %dma_start3A_59 = arith.constant 0 : i32
          %dma_start3A_60 = arith.constant 0 : i32
          %dma_start3A_61 = tpu.memref_slice %arg2[%dma_start3A_59, %dma_start3A_60] : memref<50000x32xf32, #tpu.memory_space<hbm>> -> memref<50000x32xf32, #tpu.memory_space<hbm>>
          tpu.enqueue_indirect_dma source(%dma_start3A_61 : memref<50000x32xf32, #tpu.memory_space<hbm>>) target(%dma_start3A_55 : memref<100x32xf32, #tpu.memory_space<vmem>>) offsets(%dma_start3A_58 : memref<100xi32, #tpu.memory_space<vmem>>) semaphore(%run_scoped3A_52 : memref<!tpu.dma_semaphore, #tpu.memory_space<semaphore_mem>>)
          %dma_wait3A = arith.constant 0 : i32
          %dma_wait3A_62 = arith.constant 0 : i32
          %dma_wait3A_63 = tpu.memref_slice %arg13[%run_scoped3A_37, %dma_wait3A, %dma_wait3A_62] : memref<2x100x32xf32, #tpu.memory_space<vmem>> -> memref<1x100x32xf32, #tpu.memory_space<vmem>>
          %dma_wait3A_64 = tpu.memref_squeeze %dma_wait3A_63 : memref<1x100x32xf32, #tpu.memory_space<vmem>> -> memref<100x32xf32, #tpu.memory_space<vmem>>
          %dma_wait3A_65 = arith.constant 0 : i32
          %dma_wait3A_66 = tpu.memref_slice %arg11[%run_scoped3A, %dma_wait3A_65] : memref<2x100xi32, #tpu.memory_space<vmem>> -> memref<1x100xi32, #tpu.memory_space<vmem>>
          %dma_wait3A_67 = tpu.memref_squeeze %dma_wait3A_66 : memref<1x100xi32, #tpu.memory_space<vmem>> -> memref<100xi32, #tpu.memory_space<vmem>>
          %dma_wait3A_68 = arith.constant 0 : i32
          %dma_wait3A_69 = arith.constant 0 : i32
          %dma_wait3A_70 = tpu.memref_slice %arg2[%dma_wait3A_68, %dma_wait3A_69] : memref<50000x32xf32, #tpu.memory_space<hbm>> -> memref<50000x32xf32, #tpu.memory_space<hbm>>
          tpu.wait_indirect_dma semaphore(%run_scoped3A_52 : memref<!tpu.dma_semaphore, #tpu.memory_space<semaphore_mem>>) src(%dma_wait3A_70 : memref<50000x32xf32, #tpu.memory_space<hbm>>) dst(%dma_wait3A_64 : memref<100x32xf32, #tpu.memory_space<vmem>>)
          tpu.yield
        }) : () -> ()
        %run_scoped3A_38 = arith.constant 1 : i32
        %run_scoped3A_39 = arith.constant 1 : i32
        "tpu.region"() ({
          %run_scoped3A_52 = tpu.sem_alloc : memref<!tpu.dma_semaphore, #tpu.memory_space<semaphore_mem>>
          %dma_start3A = arith.constant 0 : i32
          %dma_start3A_53 = arith.constant 0 : i32
          %dma_start3A_54 = tpu.memref_slice %arg13[%run_scoped3A_39, %dma_start3A, %dma_start3A_53] : memref<2x100x32xf32, #tpu.memory_space<vmem>> -> memref<1x100x32xf32, #tpu.memory_space<vmem>>
          %dma_start3A_55 = tpu.memref_squeeze %dma_start3A_54 : memref<1x100x32xf32, #tpu.memory_space<vmem>> -> memref<100x32xf32, #tpu.memory_space<vmem>>
          %dma_start3A_56 = arith.constant 0 : i32
          %dma_start3A_57 = tpu.memref_slice %arg11[%run_scoped3A_38, %dma_start3A_56] : memref<2x100xi32, #tpu.memory_space<vmem>> -> memref<1x100xi32, #tpu.memory_space<vmem>>
          %dma_start3A_58 = tpu.memref_squeeze %dma_start3A_57 : memref<1x100xi32, #tpu.memory_space<vmem>> -> memref<100xi32, #tpu.memory_space<vmem>>
          %dma_start3A_59 = arith.constant 0 : i32
          %dma_start3A_60 = arith.constant 0 : i32
          %dma_start3A_61 = tpu.memref_slice %arg2[%dma_start3A_59, %dma_start3A_60] : memref<50000x32xf32, #tpu.memory_space<hbm>> -> memref<50000x32xf32, #tpu.memory_space<hbm>>
          tpu.enqueue_indirect_dma source(%dma_start3A_61 : memref<50000x32xf32, #tpu.memory_space<hbm>>) target(%dma_start3A_55 : memref<100x32xf32, #tpu.memory_space<vmem>>) offsets(%dma_start3A_58 : memref<100xi32, #tpu.memory_space<vmem>>) semaphore(%run_scoped3A_52 : memref<!tpu.dma_semaphore, #tpu.memory_space<semaphore_mem>>)
          %dma_wait3A = arith.constant 0 : i32
          %dma_wait3A_62 = arith.constant 0 : i32
          %dma_wait3A_63 = tpu.memref_slice %arg13[%run_scoped3A_39, %dma_wait3A, %dma_wait3A_62] : memref<2x100x32xf32, #tpu.memory_space<vmem>> -> memref<1x100x32xf32, #tpu.memory_space<vmem>>
          %dma_wait3A_64 = tpu.memref_squeeze %dma_wait3A_63 : memref<1x100x32xf32, #tpu.memory_space<vmem>> -> memref<100x32xf32, #tpu.memory_space<vmem>>
          %dma_wait3A_65 = arith.constant 0 : i32
          %dma_wait3A_66 = tpu.memref_slice %arg11[%run_scoped3A_38, %dma_wait3A_65] : memref<2x100xi32, #tpu.memory_space<vmem>> -> memref<1x100xi32, #tpu.memory_space<vmem>>
          %dma_wait3A_67 = tpu.memref_squeeze %dma_wait3A_66 : memref<1x100xi32, #tpu.memory_space<vmem>> -> memref<100xi32, #tpu.memory_space<vmem>>
          %dma_wait3A_68 = arith.constant 0 : i32
          %dma_wait3A_69 = arith.constant 0 : i32
          %dma_wait3A_70 = tpu.memref_slice %arg2[%dma_wait3A_68, %dma_wait3A_69] : memref<50000x32xf32, #tpu.memory_space<hbm>> -> memref<50000x32xf32, #tpu.memory_space<hbm>>
          tpu.wait_indirect_dma semaphore(%run_scoped3A_52 : memref<!tpu.dma_semaphore, #tpu.memory_space<semaphore_mem>>) src(%dma_wait3A_70 : memref<50000x32xf32, #tpu.memory_space<hbm>>) dst(%dma_wait3A_64 : memref<100x32xf32, #tpu.memory_space<vmem>>)
          tpu.yield
        }) : () -> ()
        %scan3A_40 = arith.constant 0 : i32
        %scan3A_41 = arith.constant 0 : i32
        %scan3A_42 = arith.constant 100 : i32
        %scan3A_43 = arith.addi %scan3A_41, %scan3A_42 : i32
        %scan3A_44 = arith.constant 1 : i32
        %scan3A_45 = scf.for %scan3A_52 = %scan3A_41 to %scan3A_43 step %scan3A_44 iter_args(%scan3A_53 = %scan3A_40) -> (i32)  : i32 {
          %get3A = arith.constant 0 : i32
          %get3A_54 = arith.index_cast %get3A : i32 to index
          %get3A_55 = arith.index_cast %scan3A_52 : i32 to index
          %get3A_56 = arith.constant 0 : index
          %get3A_57 = tpu.vector_load %arg13[%get3A_54, %get3A_55, %get3A_56] {strides = array<i32>} : memref<2x100x32xf32, #tpu.memory_space<vmem>>, vector<1x1x16xf32>,
          %get3A_58 = vector.shape_cast %get3A_57 : vector<1x1x16xf32> to vector<16xf32>
          %get3A_59 = arith.index_cast %scan3A_52 : i32 to index
          %get3A_60 = arith.constant 0 : index
          %get3A_61 = tpu.vector_load %arg14[%get3A_59, %get3A_60] {strides = array<i32>} : memref<100x128xf32, #tpu.memory_space<vmem>>, vector<1x16xf32>,
          %get3A_62 = vector.shape_cast %get3A_61 : vector<1x16xf32> to vector<16xf32>
          %mul3A_63 = arith.mulf %get3A_58, %get3A_62 : vector<16xf32>
          %swap3A = arith.constant 0 : i32
          %swap3A_64 = arith.index_cast %swap3A : i32 to index
          %swap3A_65 = arith.index_cast %scan3A_52 : i32 to index
          %swap3A_66 = arith.constant 0 : index
          %swap3A_67 = tpu.vector_load %arg13[%swap3A_64, %swap3A_65, %swap3A_66] {strides = array<i32>} : memref<2x100x32xf32, #tpu.memory_space<vmem>>, vector<1x1x16xf32>,
          %swap3A_68 = vector.shape_cast %swap3A_67 : vector<1x1x16xf32> to vector<16xf32>
          %swap3A_69 = vector.shape_cast %mul3A_63 : vector<16xf32> to vector<1x1x16xf32>
          tpu.vector_store %arg13[%swap3A_64, %swap3A_65, %swap3A_66], %swap3A_69 {strides = array<i32>} : memref<2x100x32xf32, #tpu.memory_space<vmem>>, vector<1x1x16xf32>,
          %get3A_70 = arith.constant 0 : i32
          %get3A_71 = arith.index_cast %get3A_70 : i32 to index
          %get3A_72 = arith.index_cast %scan3A_52 : i32 to index
          %get3A_73 = arith.constant 16 : index
          %get3A_74 = tpu.vector_load %arg13[%get3A_71, %get3A_72, %get3A_73] {strides = array<i32>} : memref<2x100x32xf32, #tpu.memory_space<vmem>>, vector<1x1x16xf32>,
          %get3A_75 = vector.shape_cast %get3A_74 : vector<1x1x16xf32> to vector<16xf32>
          %get3A_76 = arith.index_cast %scan3A_52 : i32 to index
          %get3A_77 = arith.constant 16 : index
          %get3A_78 = tpu.vector_load %arg14[%get3A_76, %get3A_77] {strides = array<i32>} : memref<100x128xf32, #tpu.memory_space<vmem>>, vector<1x16xf32>,
          %get3A_79 = vector.shape_cast %get3A_78 : vector<1x16xf32> to vector<16xf32>
          %mul3A_80 = arith.mulf %get3A_75, %get3A_79 : vector<16xf32>
          %swap3A_81 = arith.constant 0 : i32
          %swap3A_82 = arith.index_cast %swap3A_81 : i32 to index
          %swap3A_83 = arith.index_cast %scan3A_52 : i32 to index
          %swap3A_84 = arith.constant 16 : index
          %swap3A_85 = tpu.vector_load %arg13[%swap3A_82, %swap3A_83, %swap3A_84] {strides = array<i32>} : memref<2x100x32xf32, #tpu.memory_space<vmem>>, vector<1x1x16xf32>,
          %swap3A_86 = vector.shape_cast %swap3A_85 : vector<1x1x16xf32> to vector<16xf32>
          %swap3A_87 = vector.shape_cast %mul3A_80 : vector<16xf32> to vector<1x1x16xf32>
          tpu.vector_store %arg13[%swap3A_82, %swap3A_83, %swap3A_84], %swap3A_87 {strides = array<i32>} : memref<2x100x32xf32, #tpu.memory_space<vmem>>, vector<1x1x16xf32>,
          %get3A_88 = arith.constant 1 : i32
          %get3A_89 = arith.index_cast %get3A_88 : i32 to index
          %get3A_90 = arith.index_cast %scan3A_52 : i32 to index
          %get3A_91 = arith.constant 0 : index
          %get3A_92 = tpu.vector_load %arg13[%get3A_89, %get3A_90, %get3A_91] {strides = array<i32>} : memref<2x100x32xf32, #tpu.memory_space<vmem>>, vector<1x1x16xf32>,
          %get3A_93 = vector.shape_cast %get3A_92 : vector<1x1x16xf32> to vector<16xf32>
          %get3A_94 = arith.index_cast %scan3A_52 : i32 to index
          %get3A_95 = arith.constant 32 : index
          %get3A_96 = tpu.vector_load %arg14[%get3A_94, %get3A_95] {strides = array<i32>} : memref<100x128xf32, #tpu.memory_space<vmem>>, vector<1x16xf32>,
          %get3A_97 = vector.shape_cast %get3A_96 : vector<1x16xf32> to vector<16xf32>
          %mul3A_98 = arith.mulf %get3A_93, %get3A_97 : vector<16xf32>
          %swap3A_99 = arith.constant 1 : i32
          %swap3A_100 = arith.index_cast %swap3A_99 : i32 to index
          %swap3A_101 = arith.index_cast %scan3A_52 : i32 to index
          %swap3A_102 = arith.constant 0 : index
          %swap3A_103 = tpu.vector_load %arg13[%swap3A_100, %swap3A_101, %swap3A_102] {strides = array<i32>} : memref<2x100x32xf32, #tpu.memory_space<vmem>>, vector<1x1x16xf32>,
          %swap3A_104 = vector.shape_cast %swap3A_103 : vector<1x1x16xf32> to vector<16xf32>
          %swap3A_105 = vector.shape_cast %mul3A_98 : vector<16xf32> to vector<1x1x16xf32>
          tpu.vector_store %arg13[%swap3A_100, %swap3A_101, %swap3A_102], %swap3A_105 {strides = array<i32>} : memref<2x100x32xf32, #tpu.memory_space<vmem>>, vector<1x1x16xf32>,
          %get3A_106 = arith.constant 1 : i32
          %get3A_107 = arith.index_cast %get3A_106 : i32 to index
          %get3A_108 = arith.index_cast %scan3A_52 : i32 to index
          %get3A_109 = arith.constant 16 : index
          %get3A_110 = tpu.vector_load %arg13[%get3A_107, %get3A_108, %get3A_109] {strides = array<i32>} : memref<2x100x32xf32, #tpu.memory_space<vmem>>, vector<1x1x16xf32>,
          %get3A_111 = vector.shape_cast %get3A_110 : vector<1x1x16xf32> to vector<16xf32>
          %get3A_112 = arith.index_cast %scan3A_52 : i32 to index
          %get3A_113 = arith.constant 48 : index
          %get3A_114 = tpu.vector_load %arg14[%get3A_112, %get3A_113] {strides = array<i32>} : memref<100x128xf32, #tpu.memory_space<vmem>>, vector<1x16xf32>,
          %get3A_115 = vector.shape_cast %get3A_114 : vector<1x16xf32> to vector<16xf32>
          %mul3A_116 = arith.mulf %get3A_111, %get3A_115 : vector<16xf32>
          %swap3A_117 = arith.constant 1 : i32
          %swap3A_118 = arith.index_cast %swap3A_117 : i32 to index
          %swap3A_119 = arith.index_cast %scan3A_52 : i32 to index
          %swap3A_120 = arith.constant 16 : index
          %swap3A_121 = tpu.vector_load %arg13[%swap3A_118, %swap3A_119, %swap3A_120] {strides = array<i32>} : memref<2x100x32xf32, #tpu.memory_space<vmem>>, vector<1x1x16xf32>,
          %swap3A_122 = vector.shape_cast %swap3A_121 : vector<1x1x16xf32> to vector<16xf32>
          %swap3A_123 = vector.shape_cast %mul3A_116 : vector<16xf32> to vector<1x1x16xf32>
          tpu.vector_store %arg13[%swap3A_118, %swap3A_119, %swap3A_120], %swap3A_123 {strides = array<i32>} : memref<2x100x32xf32, #tpu.memory_space<vmem>>, vector<1x1x16xf32>,
          %scan3A_124 = arith.constant 0 : i32
          scf.yield %scan3A_124 : i32
        }
        %scan3A_46 = arith.constant 100 : i32
        %run_scoped3A_47 = arith.constant 0 : i32
        %run_scoped3A_48 = arith.constant 0 : i32
        "tpu.region"() ({
          %run_scoped3A_52 = tpu.sem_alloc : memref<!tpu.dma_semaphore, #tpu.memory_space<semaphore_mem>>
          %dma_start3A = arith.constant 0 : i32
          %dma_start3A_53 = arith.constant 0 : i32
          %dma_start3A_54 = tpu.memref_slice %arg13[%run_scoped3A_47, %dma_start3A, %dma_start3A_53] : memref<2x100x32xf32, #tpu.memory_space<vmem>> -> memref<1x100x32xf32, #tpu.memory_space<vmem>>
          %dma_start3A_55 = tpu.memref_squeeze %dma_start3A_54 : memref<1x100x32xf32, #tpu.memory_space<vmem>> -> memref<100x32xf32, #tpu.memory_space<vmem>>
          %dma_start3A_56 = arith.constant 0 : i32
          %dma_start3A_57 = tpu.memref_slice %arg12[%run_scoped3A_48, %dma_start3A_56] : memref<2x100xi32, #tpu.memory_space<vmem>> -> memref<1x100xi32, #tpu.memory_space<vmem>>
          %dma_start3A_58 = tpu.memref_squeeze %dma_start3A_57 : memref<1x100xi32, #tpu.memory_space<vmem>> -> memref<100xi32, #tpu.memory_space<vmem>>
          %dma_start3A_59 = arith.constant 0 : i32
          %dma_start3A_60 = arith.constant 0 : i32
          %dma_start3A_61 = tpu.memref_slice %arg15[%dma_start3A_59, %dma_start3A_60] : memref<50000x32xf32, #tpu.memory_space<vmem_shared>> -> memref<50000x32xf32, #tpu.memory_space<vmem_shared>>
          tpu.enqueue_indirect_dma source(%dma_start3A_55 : memref<100x32xf32, #tpu.memory_space<vmem>>) target(%dma_start3A_61 : memref<50000x32xf32, #tpu.memory_space<vmem_shared>>) offsets(%dma_start3A_58 : memref<100xi32, #tpu.memory_space<vmem>>) semaphore(%run_scoped3A_52 : memref<!tpu.dma_semaphore, #tpu.memory_space<semaphore_mem>>) {add = true}
          %dma_wait3A = arith.constant 0 : i32
          %dma_wait3A_62 = arith.constant 0 : i32
          %dma_wait3A_63 = tpu.memref_slice %arg13[%run_scoped3A_47, %dma_wait3A, %dma_wait3A_62] : memref<2x100x32xf32, #tpu.memory_space<vmem>> -> memref<1x100x32xf32, #tpu.memory_space<vmem>>
          %dma_wait3A_64 = tpu.memref_squeeze %dma_wait3A_63 : memref<1x100x32xf32, #tpu.memory_space<vmem>> -> memref<100x32xf32, #tpu.memory_space<vmem>>
          %dma_wait3A_65 = arith.constant 0 : i32
          %dma_wait3A_66 = tpu.memref_slice %arg12[%run_scoped3A_48, %dma_wait3A_65] : memref<2x100xi32, #tpu.memory_space<vmem>> -> memref<1x100xi32, #tpu.memory_space<vmem>>
          %dma_wait3A_67 = tpu.memref_squeeze %dma_wait3A_66 : memref<1x100xi32, #tpu.memory_space<vmem>> -> memref<100xi32, #tpu.memory_space<vmem>>
          %dma_wait3A_68 = arith.constant 0 : i32
          %dma_wait3A_69 = arith.constant 0 : i32
          %dma_wait3A_70 = tpu.memref_slice %arg15[%dma_wait3A_68, %dma_wait3A_69] : memref<50000x32xf32, #tpu.memory_space<vmem_shared>> -> memref<50000x32xf32, #tpu.memory_space<vmem_shared>>
          tpu.wait_indirect_dma semaphore(%run_scoped3A_52 : memref<!tpu.dma_semaphore, #tpu.memory_space<semaphore_mem>>) src(%dma_wait3A_64 : memref<100x32xf32, #tpu.memory_space<vmem>>) dst(%dma_wait3A_70 : memref<50000x32xf32, #tpu.memory_space<vmem_shared>>)
          tpu.yield
        }) : () -> ()
        %run_scoped3A_49 = arith.constant 1 : i32
        %run_scoped3A_50 = arith.constant 1 : i32
        "tpu.region"() ({
          %run_scoped3A_52 = tpu.sem_alloc : memref<!tpu.dma_semaphore, #tpu.memory_space<semaphore_mem>>
          %dma_start3A = arith.constant 0 : i32
          %dma_start3A_53 = arith.constant 0 : i32
          %dma_start3A_54 = tpu.memref_slice %arg13[%run_scoped3A_49, %dma_start3A, %dma_start3A_53] : memref<2x100x32xf32, #tpu.memory_space<vmem>> -> memref<1x100x32xf32, #tpu.memory_space<vmem>>
          %dma_start3A_55 = tpu.memref_squeeze %dma_start3A_54 : memref<1x100x32xf32, #tpu.memory_space<vmem>> -> memref<100x32xf32, #tpu.memory_space<vmem>>
          %dma_start3A_56 = arith.constant 0 : i32
          %dma_start3A_57 = tpu.memref_slice %arg12[%run_scoped3A_50, %dma_start3A_56] : memref<2x100xi32, #tpu.memory_space<vmem>> -> memref<1x100xi32, #tpu.memory_space<vmem>>
          %dma_start3A_58 = tpu.memref_squeeze %dma_start3A_57 : memref<1x100xi32, #tpu.memory_space<vmem>> -> memref<100xi32, #tpu.memory_space<vmem>>
          %dma_start3A_59 = arith.constant 0 : i32
          %dma_start3A_60 = arith.constant 0 : i32
          %dma_start3A_61 = tpu.memref_slice %arg15[%dma_start3A_59, %dma_start3A_60] : memref<50000x32xf32, #tpu.memory_space<vmem_shared>> -> memref<50000x32xf32, #tpu.memory_space<vmem_shared>>
          tpu.enqueue_indirect_dma source(%dma_start3A_55 : memref<100x32xf32, #tpu.memory_space<vmem>>) target(%dma_start3A_61 : memref<50000x32xf32, #tpu.memory_space<vmem_shared>>) offsets(%dma_start3A_58 : memref<100xi32, #tpu.memory_space<vmem>>) semaphore(%run_scoped3A_52 : memref<!tpu.dma_semaphore, #tpu.memory_space<semaphore_mem>>) {add = true}
          %dma_wait3A = arith.constant 0 : i32
          %dma_wait3A_62 = arith.constant 0 : i32
          %dma_wait3A_63 = tpu.memref_slice %arg13[%run_scoped3A_49, %dma_wait3A, %dma_wait3A_62] : memref<2x100x32xf32, #tpu.memory_space<vmem>> -> memref<1x100x32xf32, #tpu.memory_space<vmem>>
          %dma_wait3A_64 = tpu.memref_squeeze %dma_wait3A_63 : memref<1x100x32xf32, #tpu.memory_space<vmem>> -> memref<100x32xf32, #tpu.memory_space<vmem>>
          %dma_wait3A_65 = arith.constant 0 : i32
          %dma_wait3A_66 = tpu.memref_slice %arg12[%run_scoped3A_50, %dma_wait3A_65] : memref<2x100xi32, #tpu.memory_space<vmem>> -> memref<1x100xi32, #tpu.memory_space<vmem>>
          %dma_wait3A_67 = tpu.memref_squeeze %dma_wait3A_66 : memref<1x100xi32, #tpu.memory_space<vmem>> -> memref<100xi32, #tpu.memory_space<vmem>>
          %dma_wait3A_68 = arith.constant 0 : i32
          %dma_wait3A_69 = arith.constant 0 : i32
          %dma_wait3A_70 = tpu.memref_slice %arg15[%dma_wait3A_68, %dma_wait3A_69] : memref<50000x32xf32, #tpu.memory_space<vmem_shared>> -> memref<50000x32xf32, #tpu.memory_space<vmem_shared>>
          tpu.wait_indirect_dma semaphore(%run_scoped3A_52 : memref<!tpu.dma_semaphore, #tpu.memory_space<semaphore_mem>>) src(%dma_wait3A_64 : memref<100x32xf32, #tpu.memory_space<vmem>>) dst(%dma_wait3A_70 : memref<50000x32xf32, #tpu.memory_space<vmem_shared>>)
          tpu.yield
        }) : () -> ()
        %scan3A_51 = arith.constant 0 : i32
        scf.yield %scan3A_51 : i32
      }
      %scan3A_19 = arith.constant 250 : i32
      %barrier3A_20 = arith.constant 0 : index
      tpu.barrier barrier_id(%barrier3A_20)
      %scan3A_21 = arith.constant 0 : i32
      %scan3A_22 = arith.constant 0 : i32
      %scan3A_23 = arith.constant 2 : i32
      %scan3A_24 = arith.addi %scan3A_22, %scan3A_23 : i32
      %scan3A_25 = arith.constant 1 : i32
      %scan3A_26 = scf.for %scan3A_28 = %scan3A_22 to %scan3A_24 step %scan3A_25 iter_args(%scan3A_29 = %scan3A_21) -> (i32)  : i32 {
        %mul3A = arith.constant 16 : i32
        %mul3A_30 = arith.muli %scan3A_28, %mul3A : i32
        %add3A = arith.addi %arg1, %mul3A_30 : i32
        %lt3A = arith.constant 25 : i32
        %lt3A_31 = arith.cmpi slt, %add3A, %lt3A : i32
        %convert_element_type3A_32 = arith.extui %lt3A_31 : i1 to i32
        %cond3A_33 = arith.constant 0 : i32
        %cond3A_34 = arith.cmpi ne, %convert_element_type3A_32, %cond3A_33 : i32
        scf.if %cond3A_34 {
          %mul3A_36 = arith.constant 2000 : i32
          %mul3A_37 = arith.muli %add3A, %mul3A_36 : i32
          %mul3A_38 = arith.constant 2000 : i32
          %mul3A_39 = arith.muli %add3A, %mul3A_38 : i32
          "tpu.region"() ({
            %run_scoped3A = tpu.sem_alloc : memref<!tpu.dma_semaphore, #tpu.memory_space<semaphore_mem>>
            %dma_start3A = arith.constant 0 : i32
            %dma_start3A_40 = tpu.memref_slice %arg9[%mul3A_39, %dma_start3A] : memref<50000x32xf32, #tpu.memory_space<hbm>> -> memref<2000x32xf32, #tpu.memory_space<hbm>>
            %dma_start3A_41 = arith.constant 0 : i32
            %dma_start3A_42 = tpu.memref_slice %arg15[%mul3A_37, %dma_start3A_41] : memref<50000x32xf32, #tpu.memory_space<vmem_shared>> -> memref<2000x32xf32, #tpu.memory_space<vmem_shared>>
            tpu.enqueue_dma source(%dma_start3A_42 : memref<2000x32xf32, #tpu.memory_space<vmem_shared>>) target(%dma_start3A_40 : memref<2000x32xf32, #tpu.memory_space<hbm>>) target_semaphore(%run_scoped3A : memref<!tpu.dma_semaphore, #tpu.memory_space<semaphore_mem>>)
            %dma_wait3A = arith.constant 0 : i32
            %dma_wait3A_43 = tpu.memref_slice %arg9[%mul3A_39, %dma_wait3A] : memref<50000x32xf32, #tpu.memory_space<hbm>> -> memref<2000x32xf32, #tpu.memory_space<hbm>>
            %dma_wait3A_44 = arith.constant 0 : i32
            %dma_wait3A_45 = tpu.memref_slice %arg15[%mul3A_37, %dma_wait3A_44] : memref<50000x32xf32, #tpu.memory_space<vmem_shared>> -> memref<2000x32xf32, #tpu.memory_space<vmem_shared>>
            tpu.wait_dma2 semaphore(%run_scoped3A : memref<!tpu.dma_semaphore, #tpu.memory_space<semaphore_mem>>) src(%dma_wait3A_45 : memref<2000x32xf32, #tpu.memory_space<vmem_shared>>) dst(%dma_wait3A_43 : memref<2000x32xf32, #tpu.memory_space<hbm>>)
            tpu.yield
          }) : () -> ()
        } else {
        }
        %scan3A_35 = arith.constant 0 : i32
        scf.yield %scan3A_35 : i32
      }
      %scan3A_27 = arith.constant 2 : i32
    } else {
    }
    %eq3A_2 = arith.constant 1 : i32
    %eq3A_3 = arith.cmpi eq, %arg0, %eq3A_2 : i32
    %convert_element_type3A_4 = arith.extui %eq3A_3 : i1 to i32
    %cond3A_5 = arith.constant 0 : i32
    %cond3A_6 = arith.cmpi ne, %convert_element_type3A_4, %cond3A_5 : i32
    scf.if %cond3A_6 {
      %scan3A = arith.constant 0 : i32
      %scan3A_7 = arith.constant 0 : i32
      %scan3A_8 = arith.constant 2 : i32
      %scan3A_9 = arith.addi %scan3A_7, %scan3A_8 : i32
      %scan3A_10 = arith.constant 1 : i32
      %scan3A_11 = scf.for %scan3A_28 = %scan3A_7 to %scan3A_9 step %scan3A_10 iter_args(%scan3A_29 = %scan3A) -> (i32)  : i32 {
        %mul3A = arith.constant 16 : i32
        %mul3A_30 = arith.muli %scan3A_28, %mul3A : i32
        %add3A = arith.addi %arg1, %mul3A_30 : i32
        %lt3A = arith.constant 25 : i32
        %lt3A_31 = arith.cmpi slt, %add3A, %lt3A : i32
        %convert_element_type3A_32 = arith.extui %lt3A_31 : i1 to i32
        %cond3A_33 = arith.constant 0 : i32
        %cond3A_34 = arith.cmpi ne, %convert_element_type3A_32, %cond3A_33 : i32
        scf.if %cond3A_34 {
          %mul3A_36 = arith.constant 2000 : i32
          %mul3A_37 = arith.muli %add3A, %mul3A_36 : i32
          %mul3A_38 = arith.constant 2000 : i32
          %mul3A_39 = arith.muli %add3A, %mul3A_38 : i32
          "tpu.region"() ({
            %run_scoped3A = tpu.sem_alloc : memref<!tpu.dma_semaphore, #tpu.memory_space<semaphore_mem>>
            %dma_start3A = arith.constant 0 : i32
            %dma_start3A_40 = tpu.memref_slice %arg15[%mul3A_39, %dma_start3A] : memref<50000x32xf32, #tpu.memory_space<vmem_shared>> -> memref<2000x32xf32, #tpu.memory_space<vmem_shared>>
            %dma_start3A_41 = arith.constant 0 : i32
            %dma_start3A_42 = tpu.memref_slice %arg8[%mul3A_37, %dma_start3A_41] : memref<50000x32xf32, #tpu.memory_space<hbm>> -> memref<2000x32xf32, #tpu.memory_space<hbm>>
            tpu.enqueue_dma source(%dma_start3A_42 : memref<2000x32xf32, #tpu.memory_space<hbm>>) target(%dma_start3A_40 : memref<2000x32xf32, #tpu.memory_space<vmem_shared>>) target_semaphore(%run_scoped3A : memref<!tpu.dma_semaphore, #tpu.memory_space<semaphore_mem>>)
            %dma_wait3A = arith.constant 0 : i32
            %dma_wait3A_43 = tpu.memref_slice %arg15[%mul3A_39, %dma_wait3A] : memref<50000x32xf32, #tpu.memory_space<vmem_shared>> -> memref<2000x32xf32, #tpu.memory_space<vmem_shared>>
            %dma_wait3A_44 = arith.constant 0 : i32
            %dma_wait3A_45 = tpu.memref_slice %arg8[%mul3A_37, %dma_wait3A_44] : memref<50000x32xf32, #tpu.memory_space<hbm>> -> memref<2000x32xf32, #tpu.memory_space<hbm>>
            tpu.wait_dma2 semaphore(%run_scoped3A : memref<!tpu.dma_semaphore, #tpu.memory_space<semaphore_mem>>) src(%dma_wait3A_45 : memref<2000x32xf32, #tpu.memory_space<hbm>>) dst(%dma_wait3A_43 : memref<2000x32xf32, #tpu.memory_space<vmem_shared>>)
            tpu.yield
          }) : () -> ()
        } else {
        }
        %scan3A_35 = arith.constant 0 : i32
        scf.yield %scan3A_35 : i32
      }
      %scan3A_12 = arith.constant 2 : i32
      %barrier3A = arith.constant 0 : index
      tpu.barrier barrier_id(%barrier3A)
      %scan3A_13 = arith.constant 0 : i32
      %scan3A_14 = arith.constant 0 : i32
      %scan3A_15 = arith.constant 250 : i32
      %scan3A_16 = arith.addi %scan3A_14, %scan3A_15 : i32
      %scan3A_17 = arith.constant 1 : i32
      %scan3A_18 = scf.for %scan3A_28 = %scan3A_14 to %scan3A_16 step %scan3A_17 iter_args(%scan3A_29 = %scan3A_13) -> (i32)  : i32 {
        %mul3A = arith.constant 16 : i32
        %mul3A_30 = arith.muli %scan3A_28, %mul3A : i32
        %add3A = arith.addi %arg1, %mul3A_30 : i32
        %mul3A_31 = arith.constant 2 : i32
        %mul3A_32 = arith.muli %mul3A_31, %add3A : i32
        "tpu.region"() ({
          %run_scoped3A_52 = tpu.sem_alloc : memref<!tpu.dma_semaphore, #tpu.memory_space<semaphore_mem>>
          %dma_start3A = arith.constant 0 : i32
          %dma_start3A_53 = tpu.memref_slice %arg6[%mul3A_32, %dma_start3A] : memref<8000x100xi32, #tpu.memory_space<hbm>> -> memref<2x100xi32, #tpu.memory_space<hbm>>
          %dma_start3A_54 = arith.constant 0 : i32
          %dma_start3A_55 = tpu.memref_slice %arg6[%mul3A_32, %dma_start3A_54] : memref<8000x100xi32, #tpu.memory_space<hbm>> -> memref<2x100xi32, #tpu.memory_space<hbm>>
          tpu.enqueue_dma source(%dma_start3A_55 : memref<2x100xi32, #tpu.memory_space<hbm>>) target(%arg11 : memref<2x100xi32, #tpu.memory_space<vmem>>) target_semaphore(%run_scoped3A_52 : memref<!tpu.dma_semaphore, #tpu.memory_space<semaphore_mem>>)
          %dma_wait3A = arith.constant 0 : i32
          %dma_wait3A_56 = tpu.memref_slice %arg6[%mul3A_32, %dma_wait3A] : memref<8000x100xi32, #tpu.memory_space<hbm>> -> memref<2x100xi32, #tpu.memory_space<hbm>>
          %dma_wait3A_57 = arith.constant 0 : i32
          %dma_wait3A_58 = tpu.memref_slice %arg6[%mul3A_32, %dma_wait3A_57] : memref<8000x100xi32, #tpu.memory_space<hbm>> -> memref<2x100xi32, #tpu.memory_space<hbm>>
          tpu.wait_dma2 semaphore(%run_scoped3A_52 : memref<!tpu.dma_semaphore, #tpu.memory_space<semaphore_mem>>) src(%dma_wait3A_58 : memref<2x100xi32, #tpu.memory_space<hbm>>) dst(%arg11 : memref<2x100xi32, #tpu.memory_space<vmem>>)
          tpu.yield
        }) : () -> ()
        %mul3A_33 = arith.constant 2 : i32
        %mul3A_34 = arith.muli %mul3A_33, %add3A : i32
        "tpu.region"() ({
          %run_scoped3A_52 = tpu.sem_alloc : memref<!tpu.dma_semaphore, #tpu.memory_space<semaphore_mem>>
          %dma_start3A = arith.constant 0 : i32
          %dma_start3A_53 = tpu.memref_slice %arg7[%mul3A_34, %dma_start3A] : memref<8000x100xi32, #tpu.memory_space<hbm>> -> memref<2x100xi32, #tpu.memory_space<hbm>>
          %dma_start3A_54 = arith.constant 0 : i32
          %dma_start3A_55 = tpu.memref_slice %arg7[%mul3A_34, %dma_start3A_54] : memref<8000x100xi32, #tpu.memory_space<hbm>> -> memref<2x100xi32, #tpu.memory_space<hbm>>
          tpu.enqueue_dma source(%dma_start3A_55 : memref<2x100xi32, #tpu.memory_space<hbm>>) target(%arg12 : memref<2x100xi32, #tpu.memory_space<vmem>>) target_semaphore(%run_scoped3A_52 : memref<!tpu.dma_semaphore, #tpu.memory_space<semaphore_mem>>)
          %dma_wait3A = arith.constant 0 : i32
          %dma_wait3A_56 = tpu.memref_slice %arg7[%mul3A_34, %dma_wait3A] : memref<8000x100xi32, #tpu.memory_space<hbm>> -> memref<2x100xi32, #tpu.memory_space<hbm>>
          %dma_wait3A_57 = arith.constant 0 : i32
          %dma_wait3A_58 = tpu.memref_slice %arg7[%mul3A_34, %dma_wait3A_57] : memref<8000x100xi32, #tpu.memory_space<hbm>> -> memref<2x100xi32, #tpu.memory_space<hbm>>
          tpu.wait_dma2 semaphore(%run_scoped3A_52 : memref<!tpu.dma_semaphore, #tpu.memory_space<semaphore_mem>>) src(%dma_wait3A_58 : memref<2x100xi32, #tpu.memory_space<hbm>>) dst(%arg12 : memref<2x100xi32, #tpu.memory_space<vmem>>)
          tpu.yield
        }) : () -> ()
        %mul3A_35 = arith.constant 100 : i32
        %mul3A_36 = arith.muli %mul3A_35, %add3A : i32
        "tpu.region"() ({
          %run_scoped3A_52 = tpu.sem_alloc : memref<!tpu.dma_semaphore, #tpu.memory_space<semaphore_mem>>
          %dma_start3A = arith.constant 0 : i32
          %dma_start3A_53 = tpu.memref_slice %arg5[%mul3A_36, %dma_start3A] : memref<200000x128xf32, #tpu.memory_space<hbm>> -> memref<100x128xf32, #tpu.memory_space<hbm>>
          %dma_start3A_54 = arith.constant 0 : i32
          %dma_start3A_55 = tpu.memref_slice %arg5[%mul3A_36, %dma_start3A_54] : memref<200000x128xf32, #tpu.memory_space<hbm>> -> memref<100x128xf32, #tpu.memory_space<hbm>>
          tpu.enqueue_dma source(%dma_start3A_55 : memref<100x128xf32, #tpu.memory_space<hbm>>) target(%arg14 : memref<100x128xf32, #tpu.memory_space<vmem>>) target_semaphore(%run_scoped3A_52 : memref<!tpu.dma_semaphore, #tpu.memory_space<semaphore_mem>>)
          %dma_wait3A = arith.constant 0 : i32
          %dma_wait3A_56 = tpu.memref_slice %arg5[%mul3A_36, %dma_wait3A] : memref<200000x128xf32, #tpu.memory_space<hbm>> -> memref<100x128xf32, #tpu.memory_space<hbm>>
          %dma_wait3A_57 = arith.constant 0 : i32
          %dma_wait3A_58 = tpu.memref_slice %arg5[%mul3A_36, %dma_wait3A_57] : memref<200000x128xf32, #tpu.memory_space<hbm>> -> memref<100x128xf32, #tpu.memory_space<hbm>>
          tpu.wait_dma2 semaphore(%run_scoped3A_52 : memref<!tpu.dma_semaphore, #tpu.memory_space<semaphore_mem>>) src(%dma_wait3A_58 : memref<100x128xf32, #tpu.memory_space<hbm>>) dst(%arg14 : memref<100x128xf32, #tpu.memory_space<vmem>>)
          tpu.yield
        }) : () -> ()
        %run_scoped3A = arith.constant 0 : i32
        %run_scoped3A_37 = arith.constant 0 : i32
        "tpu.region"() ({
          %run_scoped3A_52 = tpu.sem_alloc : memref<!tpu.dma_semaphore, #tpu.memory_space<semaphore_mem>>
          %dma_start3A = arith.constant 0 : i32
          %dma_start3A_53 = arith.constant 0 : i32
          %dma_start3A_54 = tpu.memref_slice %arg13[%run_scoped3A_37, %dma_start3A, %dma_start3A_53] : memref<2x100x32xf32, #tpu.memory_space<vmem>> -> memref<1x100x32xf32, #tpu.memory_space<vmem>>
          %dma_start3A_55 = tpu.memref_squeeze %dma_start3A_54 : memref<1x100x32xf32, #tpu.memory_space<vmem>> -> memref<100x32xf32, #tpu.memory_space<vmem>>
          %dma_start3A_56 = arith.constant 0 : i32
          %dma_start3A_57 = tpu.memref_slice %arg11[%run_scoped3A, %dma_start3A_56] : memref<2x100xi32, #tpu.memory_space<vmem>> -> memref<1x100xi32, #tpu.memory_space<vmem>>
          %dma_start3A_58 = tpu.memref_squeeze %dma_start3A_57 : memref<1x100xi32, #tpu.memory_space<vmem>> -> memref<100xi32, #tpu.memory_space<vmem>>
          %dma_start3A_59 = arith.constant 0 : i32
          %dma_start3A_60 = arith.constant 0 : i32
          %dma_start3A_61 = tpu.memref_slice %arg3[%dma_start3A_59, %dma_start3A_60] : memref<50000x32xf32, #tpu.memory_space<hbm>> -> memref<50000x32xf32, #tpu.memory_space<hbm>>
          tpu.enqueue_indirect_dma source(%dma_start3A_61 : memref<50000x32xf32, #tpu.memory_space<hbm>>) target(%dma_start3A_55 : memref<100x32xf32, #tpu.memory_space<vmem>>) offsets(%dma_start3A_58 : memref<100xi32, #tpu.memory_space<vmem>>) semaphore(%run_scoped3A_52 : memref<!tpu.dma_semaphore, #tpu.memory_space<semaphore_mem>>)
          %dma_wait3A = arith.constant 0 : i32
          %dma_wait3A_62 = arith.constant 0 : i32
          %dma_wait3A_63 = tpu.memref_slice %arg13[%run_scoped3A_37, %dma_wait3A, %dma_wait3A_62] : memref<2x100x32xf32, #tpu.memory_space<vmem>> -> memref<1x100x32xf32, #tpu.memory_space<vmem>>
          %dma_wait3A_64 = tpu.memref_squeeze %dma_wait3A_63 : memref<1x100x32xf32, #tpu.memory_space<vmem>> -> memref<100x32xf32, #tpu.memory_space<vmem>>
          %dma_wait3A_65 = arith.constant 0 : i32
          %dma_wait3A_66 = tpu.memref_slice %arg11[%run_scoped3A, %dma_wait3A_65] : memref<2x100xi32, #tpu.memory_space<vmem>> -> memref<1x100xi32, #tpu.memory_space<vmem>>
          %dma_wait3A_67 = tpu.memref_squeeze %dma_wait3A_66 : memref<1x100xi32, #tpu.memory_space<vmem>> -> memref<100xi32, #tpu.memory_space<vmem>>
          %dma_wait3A_68 = arith.constant 0 : i32
          %dma_wait3A_69 = arith.constant 0 : i32
          %dma_wait3A_70 = tpu.memref_slice %arg3[%dma_wait3A_68, %dma_wait3A_69] : memref<50000x32xf32, #tpu.memory_space<hbm>> -> memref<50000x32xf32, #tpu.memory_space<hbm>>
          tpu.wait_indirect_dma semaphore(%run_scoped3A_52 : memref<!tpu.dma_semaphore, #tpu.memory_space<semaphore_mem>>) src(%dma_wait3A_70 : memref<50000x32xf32, #tpu.memory_space<hbm>>) dst(%dma_wait3A_64 : memref<100x32xf32, #tpu.memory_space<vmem>>)
          tpu.yield
        }) : () -> ()
        %run_scoped3A_38 = arith.constant 1 : i32
        %run_scoped3A_39 = arith.constant 1 : i32
        "tpu.region"() ({
          %run_scoped3A_52 = tpu.sem_alloc : memref<!tpu.dma_semaphore, #tpu.memory_space<semaphore_mem>>
          %dma_start3A = arith.constant 0 : i32
          %dma_start3A_53 = arith.constant 0 : i32
          %dma_start3A_54 = tpu.memref_slice %arg13[%run_scoped3A_39, %dma_start3A, %dma_start3A_53] : memref<2x100x32xf32, #tpu.memory_space<vmem>> -> memref<1x100x32xf32, #tpu.memory_space<vmem>>
          %dma_start3A_55 = tpu.memref_squeeze %dma_start3A_54 : memref<1x100x32xf32, #tpu.memory_space<vmem>> -> memref<100x32xf32, #tpu.memory_space<vmem>>
          %dma_start3A_56 = arith.constant 0 : i32
          %dma_start3A_57 = tpu.memref_slice %arg11[%run_scoped3A_38, %dma_start3A_56] : memref<2x100xi32, #tpu.memory_space<vmem>> -> memref<1x100xi32, #tpu.memory_space<vmem>>
          %dma_start3A_58 = tpu.memref_squeeze %dma_start3A_57 : memref<1x100xi32, #tpu.memory_space<vmem>> -> memref<100xi32, #tpu.memory_space<vmem>>
          %dma_start3A_59 = arith.constant 0 : i32
          %dma_start3A_60 = arith.constant 0 : i32
          %dma_start3A_61 = tpu.memref_slice %arg3[%dma_start3A_59, %dma_start3A_60] : memref<50000x32xf32, #tpu.memory_space<hbm>> -> memref<50000x32xf32, #tpu.memory_space<hbm>>
          tpu.enqueue_indirect_dma source(%dma_start3A_61 : memref<50000x32xf32, #tpu.memory_space<hbm>>) target(%dma_start3A_55 : memref<100x32xf32, #tpu.memory_space<vmem>>) offsets(%dma_start3A_58 : memref<100xi32, #tpu.memory_space<vmem>>) semaphore(%run_scoped3A_52 : memref<!tpu.dma_semaphore, #tpu.memory_space<semaphore_mem>>)
          %dma_wait3A = arith.constant 0 : i32
          %dma_wait3A_62 = arith.constant 0 : i32
          %dma_wait3A_63 = tpu.memref_slice %arg13[%run_scoped3A_39, %dma_wait3A, %dma_wait3A_62] : memref<2x100x32xf32, #tpu.memory_space<vmem>> -> memref<1x100x32xf32, #tpu.memory_space<vmem>>
          %dma_wait3A_64 = tpu.memref_squeeze %dma_wait3A_63 : memref<1x100x32xf32, #tpu.memory_space<vmem>> -> memref<100x32xf32, #tpu.memory_space<vmem>>
          %dma_wait3A_65 = arith.constant 0 : i32
          %dma_wait3A_66 = tpu.memref_slice %arg11[%run_scoped3A_38, %dma_wait3A_65] : memref<2x100xi32, #tpu.memory_space<vmem>> -> memref<1x100xi32, #tpu.memory_space<vmem>>
          %dma_wait3A_67 = tpu.memref_squeeze %dma_wait3A_66 : memref<1x100xi32, #tpu.memory_space<vmem>> -> memref<100xi32, #tpu.memory_space<vmem>>
          %dma_wait3A_68 = arith.constant 0 : i32
          %dma_wait3A_69 = arith.constant 0 : i32
          %dma_wait3A_70 = tpu.memref_slice %arg3[%dma_wait3A_68, %dma_wait3A_69] : memref<50000x32xf32, #tpu.memory_space<hbm>> -> memref<50000x32xf32, #tpu.memory_space<hbm>>
          tpu.wait_indirect_dma semaphore(%run_scoped3A_52 : memref<!tpu.dma_semaphore, #tpu.memory_space<semaphore_mem>>) src(%dma_wait3A_70 : memref<50000x32xf32, #tpu.memory_space<hbm>>) dst(%dma_wait3A_64 : memref<100x32xf32, #tpu.memory_space<vmem>>)
          tpu.yield
        }) : () -> ()
        %scan3A_40 = arith.constant 0 : i32
        %scan3A_41 = arith.constant 0 : i32
        %scan3A_42 = arith.constant 100 : i32
        %scan3A_43 = arith.addi %scan3A_41, %scan3A_42 : i32
        %scan3A_44 = arith.constant 1 : i32
        %scan3A_45 = scf.for %scan3A_52 = %scan3A_41 to %scan3A_43 step %scan3A_44 iter_args(%scan3A_53 = %scan3A_40) -> (i32)  : i32 {
          %get3A = arith.constant 0 : i32
          %get3A_54 = arith.index_cast %get3A : i32 to index
          %get3A_55 = arith.index_cast %scan3A_52 : i32 to index
          %get3A_56 = arith.constant 0 : index
          %get3A_57 = tpu.vector_load %arg13[%get3A_54, %get3A_55, %get3A_56] {strides = array<i32>} : memref<2x100x32xf32, #tpu.memory_space<vmem>>, vector<1x1x16xf32>,
          %get3A_58 = vector.shape_cast %get3A_57 : vector<1x1x16xf32> to vector<16xf32>
          %get3A_59 = arith.index_cast %scan3A_52 : i32 to index
          %get3A_60 = arith.constant 0 : index
          %get3A_61 = tpu.vector_load %arg14[%get3A_59, %get3A_60] {strides = array<i32>} : memref<100x128xf32, #tpu.memory_space<vmem>>, vector<1x16xf32>,
          %get3A_62 = vector.shape_cast %get3A_61 : vector<1x16xf32> to vector<16xf32>
          %mul3A_63 = arith.mulf %get3A_58, %get3A_62 : vector<16xf32>
          %swap3A = arith.constant 0 : i32
          %swap3A_64 = arith.index_cast %swap3A : i32 to index
          %swap3A_65 = arith.index_cast %scan3A_52 : i32 to index
          %swap3A_66 = arith.constant 0 : index
          %swap3A_67 = tpu.vector_load %arg13[%swap3A_64, %swap3A_65, %swap3A_66] {strides = array<i32>} : memref<2x100x32xf32, #tpu.memory_space<vmem>>, vector<1x1x16xf32>,
          %swap3A_68 = vector.shape_cast %swap3A_67 : vector<1x1x16xf32> to vector<16xf32>
          %swap3A_69 = vector.shape_cast %mul3A_63 : vector<16xf32> to vector<1x1x16xf32>
          tpu.vector_store %arg13[%swap3A_64, %swap3A_65, %swap3A_66], %swap3A_69 {strides = array<i32>} : memref<2x100x32xf32, #tpu.memory_space<vmem>>, vector<1x1x16xf32>,
          %get3A_70 = arith.constant 0 : i32
          %get3A_71 = arith.index_cast %get3A_70 : i32 to index
          %get3A_72 = arith.index_cast %scan3A_52 : i32 to index
          %get3A_73 = arith.constant 16 : index
          %get3A_74 = tpu.vector_load %arg13[%get3A_71, %get3A_72, %get3A_73] {strides = array<i32>} : memref<2x100x32xf32, #tpu.memory_space<vmem>>, vector<1x1x16xf32>,
          %get3A_75 = vector.shape_cast %get3A_74 : vector<1x1x16xf32> to vector<16xf32>
          %get3A_76 = arith.index_cast %scan3A_52 : i32 to index
          %get3A_77 = arith.constant 16 : index
          %get3A_78 = tpu.vector_load %arg14[%get3A_76, %get3A_77] {strides = array<i32>} : memref<100x128xf32, #tpu.memory_space<vmem>>, vector<1x16xf32>,
          %get3A_79 = vector.shape_cast %get3A_78 : vector<1x16xf32> to vector<16xf32>
          %mul3A_80 = arith.mulf %get3A_75, %get3A_79 : vector<16xf32>
          %swap3A_81 = arith.constant 0 : i32
          %swap3A_82 = arith.index_cast %swap3A_81 : i32 to index
          %swap3A_83 = arith.index_cast %scan3A_52 : i32 to index
          %swap3A_84 = arith.constant 16 : index
          %swap3A_85 = tpu.vector_load %arg13[%swap3A_82, %swap3A_83, %swap3A_84] {strides = array<i32>} : memref<2x100x32xf32, #tpu.memory_space<vmem>>, vector<1x1x16xf32>,
          %swap3A_86 = vector.shape_cast %swap3A_85 : vector<1x1x16xf32> to vector<16xf32>
          %swap3A_87 = vector.shape_cast %mul3A_80 : vector<16xf32> to vector<1x1x16xf32>
          tpu.vector_store %arg13[%swap3A_82, %swap3A_83, %swap3A_84], %swap3A_87 {strides = array<i32>} : memref<2x100x32xf32, #tpu.memory_space<vmem>>, vector<1x1x16xf32>,
          %get3A_88 = arith.constant 1 : i32
          %get3A_89 = arith.index_cast %get3A_88 : i32 to index
          %get3A_90 = arith.index_cast %scan3A_52 : i32 to index
          %get3A_91 = arith.constant 0 : index
          %get3A_92 = tpu.vector_load %arg13[%get3A_89, %get3A_90, %get3A_91] {strides = array<i32>} : memref<2x100x32xf32, #tpu.memory_space<vmem>>, vector<1x1x16xf32>,
          %get3A_93 = vector.shape_cast %get3A_92 : vector<1x1x16xf32> to vector<16xf32>
          %get3A_94 = arith.index_cast %scan3A_52 : i32 to index
          %get3A_95 = arith.constant 32 : index
          %get3A_96 = tpu.vector_load %arg14[%get3A_94, %get3A_95] {strides = array<i32>} : memref<100x128xf32, #tpu.memory_space<vmem>>, vector<1x16xf32>,
          %get3A_97 = vector.shape_cast %get3A_96 : vector<1x16xf32> to vector<16xf32>
          %mul3A_98 = arith.mulf %get3A_93, %get3A_97 : vector<16xf32>
          %swap3A_99 = arith.constant 1 : i32
          %swap3A_100 = arith.index_cast %swap3A_99 : i32 to index
          %swap3A_101 = arith.index_cast %scan3A_52 : i32 to index
          %swap3A_102 = arith.constant 0 : index
          %swap3A_103 = tpu.vector_load %arg13[%swap3A_100, %swap3A_101, %swap3A_102] {strides = array<i32>} : memref<2x100x32xf32, #tpu.memory_space<vmem>>, vector<1x1x16xf32>,
          %swap3A_104 = vector.shape_cast %swap3A_103 : vector<1x1x16xf32> to vector<16xf32>
          %swap3A_105 = vector.shape_cast %mul3A_98 : vector<16xf32> to vector<1x1x16xf32>
          tpu.vector_store %arg13[%swap3A_100, %swap3A_101, %swap3A_102], %swap3A_105 {strides = array<i32>} : memref<2x100x32xf32, #tpu.memory_space<vmem>>, vector<1x1x16xf32>,
          %get3A_106 = arith.constant 1 : i32
          %get3A_107 = arith.index_cast %get3A_106 : i32 to index
          %get3A_108 = arith.index_cast %scan3A_52 : i32 to index
          %get3A_109 = arith.constant 16 : index
          %get3A_110 = tpu.vector_load %arg13[%get3A_107, %get3A_108, %get3A_109] {strides = array<i32>} : memref<2x100x32xf32, #tpu.memory_space<vmem>>, vector<1x1x16xf32>,
          %get3A_111 = vector.shape_cast %get3A_110 : vector<1x1x16xf32> to vector<16xf32>
          %get3A_112 = arith.index_cast %scan3A_52 : i32 to index
          %get3A_113 = arith.constant 48 : index
          %get3A_114 = tpu.vector_load %arg14[%get3A_112, %get3A_113] {strides = array<i32>} : memref<100x128xf32, #tpu.memory_space<vmem>>, vector<1x16xf32>,
          %get3A_115 = vector.shape_cast %get3A_114 : vector<1x16xf32> to vector<16xf32>
          %mul3A_116 = arith.mulf %get3A_111, %get3A_115 : vector<16xf32>
          %swap3A_117 = arith.constant 1 : i32
          %swap3A_118 = arith.index_cast %swap3A_117 : i32 to index
          %swap3A_119 = arith.index_cast %scan3A_52 : i32 to index
          %swap3A_120 = arith.constant 16 : index
          %swap3A_121 = tpu.vector_load %arg13[%swap3A_118, %swap3A_119, %swap3A_120] {strides = array<i32>} : memref<2x100x32xf32, #tpu.memory_space<vmem>>, vector<1x1x16xf32>,
          %swap3A_122 = vector.shape_cast %swap3A_121 : vector<1x1x16xf32> to vector<16xf32>
          %swap3A_123 = vector.shape_cast %mul3A_116 : vector<16xf32> to vector<1x1x16xf32>
          tpu.vector_store %arg13[%swap3A_118, %swap3A_119, %swap3A_120], %swap3A_123 {strides = array<i32>} : memref<2x100x32xf32, #tpu.memory_space<vmem>>, vector<1x1x16xf32>,
          %scan3A_124 = arith.constant 0 : i32
          scf.yield %scan3A_124 : i32
        }
        %scan3A_46 = arith.constant 100 : i32
        %run_scoped3A_47 = arith.constant 0 : i32
        %run_scoped3A_48 = arith.constant 0 : i32
        "tpu.region"() ({
          %run_scoped3A_52 = tpu.sem_alloc : memref<!tpu.dma_semaphore, #tpu.memory_space<semaphore_mem>>
          %dma_start3A = arith.constant 0 : i32
          %dma_start3A_53 = arith.constant 0 : i32
          %dma_start3A_54 = tpu.memref_slice %arg13[%run_scoped3A_47, %dma_start3A, %dma_start3A_53] : memref<2x100x32xf32, #tpu.memory_space<vmem>> -> memref<1x100x32xf32, #tpu.memory_space<vmem>>
          %dma_start3A_55 = tpu.memref_squeeze %dma_start3A_54 : memref<1x100x32xf32, #tpu.memory_space<vmem>> -> memref<100x32xf32, #tpu.memory_space<vmem>>
          %dma_start3A_56 = arith.constant 0 : i32
          %dma_start3A_57 = tpu.memref_slice %arg12[%run_scoped3A_48, %dma_start3A_56] : memref<2x100xi32, #tpu.memory_space<vmem>> -> memref<1x100xi32, #tpu.memory_space<vmem>>
          %dma_start3A_58 = tpu.memref_squeeze %dma_start3A_57 : memref<1x100xi32, #tpu.memory_space<vmem>> -> memref<100xi32, #tpu.memory_space<vmem>>
          %dma_start3A_59 = arith.constant 0 : i32
          %dma_start3A_60 = arith.constant 0 : i32
          %dma_start3A_61 = tpu.memref_slice %arg15[%dma_start3A_59, %dma_start3A_60] : memref<50000x32xf32, #tpu.memory_space<vmem_shared>> -> memref<50000x32xf32, #tpu.memory_space<vmem_shared>>
          tpu.enqueue_indirect_dma source(%dma_start3A_55 : memref<100x32xf32, #tpu.memory_space<vmem>>) target(%dma_start3A_61 : memref<50000x32xf32, #tpu.memory_space<vmem_shared>>) offsets(%dma_start3A_58 : memref<100xi32, #tpu.memory_space<vmem>>) semaphore(%run_scoped3A_52 : memref<!tpu.dma_semaphore, #tpu.memory_space<semaphore_mem>>) {add = true}
          %dma_wait3A = arith.constant 0 : i32
          %dma_wait3A_62 = arith.constant 0 : i32
          %dma_wait3A_63 = tpu.memref_slice %arg13[%run_scoped3A_47, %dma_wait3A, %dma_wait3A_62] : memref<2x100x32xf32, #tpu.memory_space<vmem>> -> memref<1x100x32xf32, #tpu.memory_space<vmem>>
          %dma_wait3A_64 = tpu.memref_squeeze %dma_wait3A_63 : memref<1x100x32xf32, #tpu.memory_space<vmem>> -> memref<100x32xf32, #tpu.memory_space<vmem>>
          %dma_wait3A_65 = arith.constant 0 : i32
          %dma_wait3A_66 = tpu.memref_slice %arg12[%run_scoped3A_48, %dma_wait3A_65] : memref<2x100xi32, #tpu.memory_space<vmem>> -> memref<1x100xi32, #tpu.memory_space<vmem>>
          %dma_wait3A_67 = tpu.memref_squeeze %dma_wait3A_66 : memref<1x100xi32, #tpu.memory_space<vmem>> -> memref<100xi32, #tpu.memory_space<vmem>>
          %dma_wait3A_68 = arith.constant 0 : i32
          %dma_wait3A_69 = arith.constant 0 : i32
          %dma_wait3A_70 = tpu.memref_slice %arg15[%dma_wait3A_68, %dma_wait3A_69] : memref<50000x32xf32, #tpu.memory_space<vmem_shared>> -> memref<50000x32xf32, #tpu.memory_space<vmem_shared>>
          tpu.wait_indirect_dma semaphore(%run_scoped3A_52 : memref<!tpu.dma_semaphore, #tpu.memory_space<semaphore_mem>>) src(%dma_wait3A_64 : memref<100x32xf32, #tpu.memory_space<vmem>>) dst(%dma_wait3A_70 : memref<50000x32xf32, #tpu.memory_space<vmem_shared>>)
          tpu.yield
        }) : () -> ()
        %run_scoped3A_49 = arith.constant 1 : i32
        %run_scoped3A_50 = arith.constant 1 : i32
        "tpu.region"() ({
          %run_scoped3A_52 = tpu.sem_alloc : memref<!tpu.dma_semaphore, #tpu.memory_space<semaphore_mem>>
          %dma_start3A = arith.constant 0 : i32
          %dma_start3A_53 = arith.constant 0 : i32
          %dma_start3A_54 = tpu.memref_slice %arg13[%run_scoped3A_49, %dma_start3A, %dma_start3A_53] : memref<2x100x32xf32, #tpu.memory_space<vmem>> -> memref<1x100x32xf32, #tpu.memory_space<vmem>>
          %dma_start3A_55 = tpu.memref_squeeze %dma_start3A_54 : memref<1x100x32xf32, #tpu.memory_space<vmem>> -> memref<100x32xf32, #tpu.memory_space<vmem>>
          %dma_start3A_56 = arith.constant 0 : i32
          %dma_start3A_57 = tpu.memref_slice %arg12[%run_scoped3A_50, %dma_start3A_56] : memref<2x100xi32, #tpu.memory_space<vmem>> -> memref<1x100xi32, #tpu.memory_space<vmem>>
          %dma_start3A_58 = tpu.memref_squeeze %dma_start3A_57 : memref<1x100xi32, #tpu.memory_space<vmem>> -> memref<100xi32, #tpu.memory_space<vmem>>
          %dma_start3A_59 = arith.constant 0 : i32
          %dma_start3A_60 = arith.constant 0 : i32
          %dma_start3A_61 = tpu.memref_slice %arg15[%dma_start3A_59, %dma_start3A_60] : memref<50000x32xf32, #tpu.memory_space<vmem_shared>> -> memref<50000x32xf32, #tpu.memory_space<vmem_shared>>
          tpu.enqueue_indirect_dma source(%dma_start3A_55 : memref<100x32xf32, #tpu.memory_space<vmem>>) target(%dma_start3A_61 : memref<50000x32xf32, #tpu.memory_space<vmem_shared>>) offsets(%dma_start3A_58 : memref<100xi32, #tpu.memory_space<vmem>>) semaphore(%run_scoped3A_52 : memref<!tpu.dma_semaphore, #tpu.memory_space<semaphore_mem>>) {add = true}
          %dma_wait3A = arith.constant 0 : i32
          %dma_wait3A_62 = arith.constant 0 : i32
          %dma_wait3A_63 = tpu.memref_slice %arg13[%run_scoped3A_49, %dma_wait3A, %dma_wait3A_62] : memref<2x100x32xf32, #tpu.memory_space<vmem>> -> memref<1x100x32xf32, #tpu.memory_space<vmem>>
          %dma_wait3A_64 = tpu.memref_squeeze %dma_wait3A_63 : memref<1x100x32xf32, #tpu.memory_space<vmem>> -> memref<100x32xf32, #tpu.memory_space<vmem>>
          %dma_wait3A_65 = arith.constant 0 : i32
          %dma_wait3A_66 = tpu.memref_slice %arg12[%run_scoped3A_50, %dma_wait3A_65] : memref<2x100xi32, #tpu.memory_space<vmem>> -> memref<1x100xi32, #tpu.memory_space<vmem>>
          %dma_wait3A_67 = tpu.memref_squeeze %dma_wait3A_66 : memref<1x100xi32, #tpu.memory_space<vmem>> -> memref<100xi32, #tpu.memory_space<vmem>>
          %dma_wait3A_68 = arith.constant 0 : i32
          %dma_wait3A_69 = arith.constant 0 : i32
          %dma_wait3A_70 = tpu.memref_slice %arg15[%dma_wait3A_68, %dma_wait3A_69] : memref<50000x32xf32, #tpu.memory_space<vmem_shared>> -> memref<50000x32xf32, #tpu.memory_space<vmem_shared>>
          tpu.wait_indirect_dma semaphore(%run_scoped3A_52 : memref<!tpu.dma_semaphore, #tpu.memory_space<semaphore_mem>>) src(%dma_wait3A_64 : memref<100x32xf32, #tpu.memory_space<vmem>>) dst(%dma_wait3A_70 : memref<50000x32xf32, #tpu.memory_space<vmem_shared>>)
          tpu.yield
        }) : () -> ()
        %scan3A_51 = arith.constant 0 : i32
        scf.yield %scan3A_51 : i32
      }
      %scan3A_19 = arith.constant 250 : i32
      %barrier3A_20 = arith.constant 0 : index
      tpu.barrier barrier_id(%barrier3A_20)
      %scan3A_21 = arith.constant 0 : i32
      %scan3A_22 = arith.constant 0 : i32
      %scan3A_23 = arith.constant 2 : i32
      %scan3A_24 = arith.addi %scan3A_22, %scan3A_23 : i32
      %scan3A_25 = arith.constant 1 : i32
      %scan3A_26 = scf.for %scan3A_28 = %scan3A_22 to %scan3A_24 step %scan3A_25 iter_args(%scan3A_29 = %scan3A_21) -> (i32)  : i32 {
        %mul3A = arith.constant 16 : i32
        %mul3A_30 = arith.muli %scan3A_28, %mul3A : i32
        %add3A = arith.addi %arg1, %mul3A_30 : i32
        %lt3A = arith.constant 25 : i32
        %lt3A_31 = arith.cmpi slt, %add3A, %lt3A : i32
        %convert_element_type3A_32 = arith.extui %lt3A_31 : i1 to i32
        %cond3A_33 = arith.constant 0 : i32
        %cond3A_34 = arith.cmpi ne, %convert_element_type3A_32, %cond3A_33 : i32
        scf.if %cond3A_34 {
          %mul3A_36 = arith.constant 2000 : i32
          %mul3A_37 = arith.muli %add3A, %mul3A_36 : i32
          %mul3A_38 = arith.constant 2000 : i32
          %mul3A_39 = arith.muli %add3A, %mul3A_38 : i32
          "tpu.region"() ({
            %run_scoped3A = tpu.sem_alloc : memref<!tpu.dma_semaphore, #tpu.memory_space<semaphore_mem>>
            %dma_start3A = arith.constant 0 : i32
            %dma_start3A_40 = tpu.memref_slice %arg10[%mul3A_39, %dma_start3A] : memref<50000x32xf32, #tpu.memory_space<hbm>> -> memref<2000x32xf32, #tpu.memory_space<hbm>>
            %dma_start3A_41 = arith.constant 0 : i32
            %dma_start3A_42 = tpu.memref_slice %arg15[%mul3A_37, %dma_start3A_41] : memref<50000x32xf32, #tpu.memory_space<vmem_shared>> -> memref<2000x32xf32, #tpu.memory_space<vmem_shared>>
            tpu.enqueue_dma source(%dma_start3A_42 : memref<2000x32xf32, #tpu.memory_space<vmem_shared>>) target(%dma_start3A_40 : memref<2000x32xf32, #tpu.memory_space<hbm>>) target_semaphore(%run_scoped3A : memref<!tpu.dma_semaphore, #tpu.memory_space<semaphore_mem>>)
            %dma_wait3A = arith.constant 0 : i32
            %dma_wait3A_43 = tpu.memref_slice %arg10[%mul3A_39, %dma_wait3A] : memref<50000x32xf32, #tpu.memory_space<hbm>> -> memref<2000x32xf32, #tpu.memory_space<hbm>>
            %dma_wait3A_44 = arith.constant 0 : i32
            %dma_wait3A_45 = tpu.memref_slice %arg15[%mul3A_37, %dma_wait3A_44] : memref<50000x32xf32, #tpu.memory_space<vmem_shared>> -> memref<2000x32xf32, #tpu.memory_space<vmem_shared>>
            tpu.wait_dma2 semaphore(%run_scoped3A : memref<!tpu.dma_semaphore, #tpu.memory_space<semaphore_mem>>) src(%dma_wait3A_45 : memref<2000x32xf32, #tpu.memory_space<vmem_shared>>) dst(%dma_wait3A_43 : memref<2000x32xf32, #tpu.memory_space<hbm>>)
            tpu.yield
          }) : () -> ()
        } else {
        }
        %scan3A_35 = arith.constant 0 : i32
        scf.yield %scan3A_35 : i32
      }
      %scan3A_27 = arith.constant 2 : i32
    } else {
    }
    return
  }
}

#map = affine_map<(d0, d1) -> (0, 0)>
module attributes {stable_mosaic.version = 14 : i64} {
  func.func @k(%arg0: i32, %arg1: i32, %arg2: memref<50000x32xf32, #tpu.memory_space<hbm>>, %arg3: memref<50000x32xf32, #tpu.memory_space<hbm>>, %arg4: memref<200000x128xf32, #tpu.memory_space<hbm>>, %arg5: memref<200000x128xf32, #tpu.memory_space<hbm>>, %arg6: memref<8000x100xi32, #tpu.memory_space<hbm>>, %arg7: memref<8000x100xi32, #tpu.memory_space<hbm>>, %arg8: memref<50000x32xf32, #tpu.memory_space<hbm>>, %arg9: memref<50000x32xf32, #tpu.memory_space<hbm>>, %arg10: memref<50000x32xf32, #tpu.memory_space<hbm>>, %arg11: memref<2x100xi32, #tpu.memory_space<vmem>>, %arg12: memref<2x100xi32, #tpu.memory_space<vmem>>, %arg13: memref<2x100x32xf32, #tpu.memory_space<vmem>>, %arg14: memref<100x128xf32, #tpu.memory_space<vmem>>, %arg15: memref<50000x32xf32, #tpu.memory_space<vmem_shared>>, %arg16: memref<!tpu.dma_semaphore, #tpu.memory_space<semaphore_mem>>) attributes {dimension_semantics = [#tpu.dimension_semantics<core_parallel>, #tpu.dimension_semantics<subcore_parallel>], iteration_bounds = array<i64: 2, 16>, scalar_prefetch = 0 : i64, scratch_operands = 6 : i64, tpu.core_type = #tpu.core_type<sc_vector_subcore>, window_params = [{transform_indices = #map}, {transform_indices = #map}, {transform_indices = #map}, {transform_indices = #map}, {transform_indices = #map}, {transform_indices = #map}, {transform_indices = #map}, {transform_indices = #map}, {transform_indices = #map}]} {
    %eq3A = arith.constant 0 : i32
    %eq3A_0 = arith.cmpi eq, %arg0, %eq3A : i32
    %convert_element_type3A = arith.extui %eq3A_0 : i1 to i32
    %cond3A = arith.constant 0 : i32
    %cond3A_1 = arith.cmpi ne, %convert_element_type3A, %cond3A : i32
    scf.if %cond3A_1 {
      %scan3A = arith.constant 0 : i32
      %scan3A_7 = arith.constant 0 : i32
      %scan3A_8 = arith.constant 2 : i32
      %scan3A_9 = arith.addi %scan3A_7, %scan3A_8 : i32
      %scan3A_10 = arith.constant 1 : i32
      %scan3A_11 = scf.for %scan3A_28 = %scan3A_7 to %scan3A_9 step %scan3A_10 iter_args(%scan3A_29 = %scan3A) -> (i32)  : i32 {
        %mul3A = arith.constant 16 : i32
        %mul3A_30 = arith.muli %scan3A_28, %mul3A : i32
        %add3A = arith.addi %arg1, %mul3A_30 : i32
        %lt3A = arith.constant 25 : i32
        %lt3A_31 = arith.cmpi slt, %add3A, %lt3A : i32
        %convert_element_type3A_32 = arith.extui %lt3A_31 : i1 to i32
        %cond3A_33 = arith.constant 0 : i32
        %cond3A_34 = arith.cmpi ne, %convert_element_type3A_32, %cond3A_33 : i32
        scf.if %cond3A_34 {
          %mul3A_36 = arith.constant 2000 : i32
          %mul3A_37 = arith.muli %add3A, %mul3A_36 : i32
          %mul3A_38 = arith.constant 2000 : i32
          %mul3A_39 = arith.muli %add3A, %mul3A_38 : i32
          "tpu.region"() ({
            %run_scoped3A = tpu.sem_alloc : memref<!tpu.dma_semaphore, #tpu.memory_space<semaphore_mem>>
            %dma_start3A = arith.constant 0 : i32
            %dma_start3A_40 = tpu.memref_slice %arg15[%mul3A_39, %dma_start3A] : memref<50000x32xf32, #tpu.memory_space<vmem_shared>> -> memref<2000x32xf32, #tpu.memory_space<vmem_shared>>
            %dma_start3A_41 = arith.constant 0 : i32
            %dma_start3A_42 = tpu.memref_slice %arg8[%mul3A_37, %dma_start3A_41] : memref<50000x32xf32, #tpu.memory_space<hbm>> -> memref<2000x32xf32, #tpu.memory_space<hbm>>
            tpu.enqueue_dma source(%dma_start3A_42 : memref<2000x32xf32, #tpu.memory_space<hbm>>) target(%dma_start3A_40 : memref<2000x32xf32, #tpu.memory_space<vmem_shared>>) target_semaphore(%run_scoped3A : memref<!tpu.dma_semaphore, #tpu.memory_space<semaphore_mem>>)
            %dma_wait3A = arith.constant 0 : i32
            %dma_wait3A_43 = tpu.memref_slice %arg15[%mul3A_39, %dma_wait3A] : memref<50000x32xf32, #tpu.memory_space<vmem_shared>> -> memref<2000x32xf32, #tpu.memory_space<vmem_shared>>
            %dma_wait3A_44 = arith.constant 0 : i32
            %dma_wait3A_45 = tpu.memref_slice %arg8[%mul3A_37, %dma_wait3A_44] : memref<50000x32xf32, #tpu.memory_space<hbm>> -> memref<2000x32xf32, #tpu.memory_space<hbm>>
            tpu.wait_dma2 semaphore(%run_scoped3A : memref<!tpu.dma_semaphore, #tpu.memory_space<semaphore_mem>>) src(%dma_wait3A_45 : memref<2000x32xf32, #tpu.memory_space<hbm>>) dst(%dma_wait3A_43 : memref<2000x32xf32, #tpu.memory_space<vmem_shared>>)
            tpu.yield
          }) : () -> ()
        } else {
        }
        %scan3A_35 = arith.constant 0 : i32
        scf.yield %scan3A_35 : i32
      }
      %scan3A_12 = arith.constant 2 : i32
      %barrier3A = arith.constant 0 : index
      tpu.barrier barrier_id(%barrier3A)
      %scan3A_13 = arith.constant 0 : i32
      %scan3A_14 = arith.constant 0 : i32
      %scan3A_15 = arith.constant 250 : i32
      %scan3A_16 = arith.addi %scan3A_14, %scan3A_15 : i32
      %scan3A_17 = arith.constant 1 : i32
      %scan3A_18 = scf.for %scan3A_28 = %scan3A_14 to %scan3A_16 step %scan3A_17 iter_args(%scan3A_29 = %scan3A_13) -> (i32)  : i32 {
        %mul3A = arith.constant 16 : i32
        %mul3A_30 = arith.muli %scan3A_28, %mul3A : i32
        %add3A = arith.addi %arg1, %mul3A_30 : i32
        %mul3A_31 = arith.constant 2 : i32
        %mul3A_32 = arith.muli %mul3A_31, %add3A : i32
        "tpu.region"() ({
          %run_scoped3A_52 = tpu.sem_alloc : memref<!tpu.dma_semaphore, #tpu.memory_space<semaphore_mem>>
          %dma_start3A = arith.constant 0 : i32
          %dma_start3A_53 = tpu.memref_slice %arg6[%mul3A_32, %dma_start3A] : memref<8000x100xi32, #tpu.memory_space<hbm>> -> memref<2x100xi32, #tpu.memory_space<hbm>>
          %dma_start3A_54 = arith.constant 0 : i32
          %dma_start3A_55 = tpu.memref_slice %arg6[%mul3A_32, %dma_start3A_54] : memref<8000x100xi32, #tpu.memory_space<hbm>> -> memref<2x100xi32, #tpu.memory_space<hbm>>
          tpu.enqueue_dma source(%dma_start3A_55 : memref<2x100xi32, #tpu.memory_space<hbm>>) target(%arg11 : memref<2x100xi32, #tpu.memory_space<vmem>>) target_semaphore(%run_scoped3A_52 : memref<!tpu.dma_semaphore, #tpu.memory_space<semaphore_mem>>)
          %dma_wait3A = arith.constant 0 : i32
          %dma_wait3A_56 = tpu.memref_slice %arg6[%mul3A_32, %dma_wait3A] : memref<8000x100xi32, #tpu.memory_space<hbm>> -> memref<2x100xi32, #tpu.memory_space<hbm>>
          %dma_wait3A_57 = arith.constant 0 : i32
          %dma_wait3A_58 = tpu.memref_slice %arg6[%mul3A_32, %dma_wait3A_57] : memref<8000x100xi32, #tpu.memory_space<hbm>> -> memref<2x100xi32, #tpu.memory_space<hbm>>
          tpu.wait_dma2 semaphore(%run_scoped3A_52 : memref<!tpu.dma_semaphore, #tpu.memory_space<semaphore_mem>>) src(%dma_wait3A_58 : memref<2x100xi32, #tpu.memory_space<hbm>>) dst(%arg11 : memref<2x100xi32, #tpu.memory_space<vmem>>)
          tpu.yield
        }) : () -> ()
        %mul3A_33 = arith.constant 2 : i32
        %mul3A_34 = arith.muli %mul3A_33, %add3A : i32
        "tpu.region"() ({
          %run_scoped3A_52 = tpu.sem_alloc : memref<!tpu.dma_semaphore, #tpu.memory_space<semaphore_mem>>
          %dma_start3A = arith.constant 0 : i32
          %dma_start3A_53 = tpu.memref_slice %arg7[%mul3A_34, %dma_start3A] : memref<8000x100xi32, #tpu.memory_space<hbm>> -> memref<2x100xi32, #tpu.memory_space<hbm>>
          %dma_start3A_54 = arith.constant 0 : i32
          %dma_start3A_55 = tpu.memref_slice %arg7[%mul3A_34, %dma_start3A_54] : memref<8000x100xi32, #tpu.memory_space<hbm>> -> memref<2x100xi32, #tpu.memory_space<hbm>>
          tpu.enqueue_dma source(%dma_start3A_55 : memref<2x100xi32, #tpu.memory_space<hbm>>) target(%arg12 : memref<2x100xi32, #tpu.memory_space<vmem>>) target_semaphore(%run_scoped3A_52 : memref<!tpu.dma_semaphore, #tpu.memory_space<semaphore_mem>>)
          %dma_wait3A = arith.constant 0 : i32
          %dma_wait3A_56 = tpu.memref_slice %arg7[%mul3A_34, %dma_wait3A] : memref<8000x100xi32, #tpu.memory_space<hbm>> -> memref<2x100xi32, #tpu.memory_space<hbm>>
          %dma_wait3A_57 = arith.constant 0 : i32
          %dma_wait3A_58 = tpu.memref_slice %arg7[%mul3A_34, %dma_wait3A_57] : memref<8000x100xi32, #tpu.memory_space<hbm>> -> memref<2x100xi32, #tpu.memory_space<hbm>>
          tpu.wait_dma2 semaphore(%run_scoped3A_52 : memref<!tpu.dma_semaphore, #tpu.memory_space<semaphore_mem>>) src(%dma_wait3A_58 : memref<2x100xi32, #tpu.memory_space<hbm>>) dst(%arg12 : memref<2x100xi32, #tpu.memory_space<vmem>>)
          tpu.yield
        }) : () -> ()
        %mul3A_35 = arith.constant 100 : i32
        %mul3A_36 = arith.muli %mul3A_35, %add3A : i32
        "tpu.region"() ({
          %run_scoped3A_52 = tpu.sem_alloc : memref<!tpu.dma_semaphore, #tpu.memory_space<semaphore_mem>>
          %dma_start3A = arith.constant 0 : i32
          %dma_start3A_53 = tpu.memref_slice %arg4[%mul3A_36, %dma_start3A] : memref<200000x128xf32, #tpu.memory_space<hbm>> -> memref<100x128xf32, #tpu.memory_space<hbm>>
          %dma_start3A_54 = arith.constant 0 : i32
          %dma_start3A_55 = tpu.memref_slice %arg4[%mul3A_36, %dma_start3A_54] : memref<200000x128xf32, #tpu.memory_space<hbm>> -> memref<100x128xf32, #tpu.memory_space<hbm>>
          tpu.enqueue_dma source(%dma_start3A_55 : memref<100x128xf32, #tpu.memory_space<hbm>>) target(%arg14 : memref<100x128xf32, #tpu.memory_space<vmem>>) target_semaphore(%run_scoped3A_52 : memref<!tpu.dma_semaphore, #tpu.memory_space<semaphore_mem>>)
          %dma_wait3A = arith.constant 0 : i32
          %dma_wait3A_56 = tpu.memref_slice %arg4[%mul3A_36, %dma_wait3A] : memref<200000x128xf32, #tpu.memory_space<hbm>> -> memref<100x128xf32, #tpu.memory_space<hbm>>
          %dma_wait3A_57 = arith.constant 0 : i32
          %dma_wait3A_58 = tpu.memref_slice %arg4[%mul3A_36, %dma_wait3A_57] : memref<200000x128xf32, #tpu.memory_space<hbm>> -> memref<100x128xf32, #tpu.memory_space<hbm>>
          tpu.wait_dma2 semaphore(%run_scoped3A_52 : memref<!tpu.dma_semaphore, #tpu.memory_space<semaphore_mem>>) src(%dma_wait3A_58 : memref<100x128xf32, #tpu.memory_space<hbm>>) dst(%arg14 : memref<100x128xf32, #tpu.memory_space<vmem>>)
          tpu.yield
        }) : () -> ()
        %run_scoped3A = arith.constant 0 : i32
        %run_scoped3A_37 = arith.constant 0 : i32
        "tpu.region"() ({
          %run_scoped3A_52 = tpu.sem_alloc : memref<!tpu.dma_semaphore, #tpu.memory_space<semaphore_mem>>
          %dma_start3A = arith.constant 0 : i32
          %dma_start3A_53 = arith.constant 0 : i32
          %dma_start3A_54 = tpu.memref_slice %arg13[%run_scoped3A_37, %dma_start3A, %dma_start3A_53] : memref<2x100x32xf32, #tpu.memory_space<vmem>> -> memref<1x100x32xf32, #tpu.memory_space<vmem>>
          %dma_start3A_55 = tpu.memref_squeeze %dma_start3A_54 : memref<1x100x32xf32, #tpu.memory_space<vmem>> -> memref<100x32xf32, #tpu.memory_space<vmem>>
          %dma_start3A_56 = arith.constant 0 : i32
          %dma_start3A_57 = tpu.memref_slice %arg11[%run_scoped3A, %dma_start3A_56] : memref<2x100xi32, #tpu.memory_space<vmem>> -> memref<1x100xi32, #tpu.memory_space<vmem>>
          %dma_start3A_58 = tpu.memref_squeeze %dma_start3A_57 : memref<1x100xi32, #tpu.memory_space<vmem>> -> memref<100xi32, #tpu.memory_space<vmem>>
          %dma_start3A_59 = arith.constant 0 : i32
          %dma_start3A_60 = arith.constant 0 : i32
          %dma_start3A_61 = tpu.memref_slice %arg2[%dma_start3A_59, %dma_start3A_60] : memref<50000x32xf32, #tpu.memory_space<hbm>> -> memref<50000x32xf32, #tpu.memory_space<hbm>>
          tpu.enqueue_indirect_dma source(%dma_start3A_61 : memref<50000x32xf32, #tpu.memory_space<hbm>>) target(%dma_start3A_55 : memref<100x32xf32, #tpu.memory_space<vmem>>) offsets(%dma_start3A_58 : memref<100xi32, #tpu.memory_space<vmem>>) semaphore(%run_scoped3A_52 : memref<!tpu.dma_semaphore, #tpu.memory_space<semaphore_mem>>)
          %dma_wait3A = arith.constant 0 : i32
          %dma_wait3A_62 = arith.constant 0 : i32
          %dma_wait3A_63 = tpu.memref_slice %arg13[%run_scoped3A_37, %dma_wait3A, %dma_wait3A_62] : memref<2x100x32xf32, #tpu.memory_space<vmem>> -> memref<1x100x32xf32, #tpu.memory_space<vmem>>
          %dma_wait3A_64 = tpu.memref_squeeze %dma_wait3A_63 : memref<1x100x32xf32, #tpu.memory_space<vmem>> -> memref<100x32xf32, #tpu.memory_space<vmem>>
          %dma_wait3A_65 = arith.constant 0 : i32
          %dma_wait3A_66 = tpu.memref_slice %arg11[%run_scoped3A, %dma_wait3A_65] : memref<2x100xi32, #tpu.memory_space<vmem>> -> memref<1x100xi32, #tpu.memory_space<vmem>>
          %dma_wait3A_67 = tpu.memref_squeeze %dma_wait3A_66 : memref<1x100xi32, #tpu.memory_space<vmem>> -> memref<100xi32, #tpu.memory_space<vmem>>
          %dma_wait3A_68 = arith.constant 0 : i32
          %dma_wait3A_69 = arith.constant 0 : i32
          %dma_wait3A_70 = tpu.memref_slice %arg2[%dma_wait3A_68, %dma_wait3A_69] : memref<50000x32xf32, #tpu.memory_space<hbm>> -> memref<50000x32xf32, #tpu.memory_space<hbm>>
          tpu.wait_indirect_dma semaphore(%run_scoped3A_52 : memref<!tpu.dma_semaphore, #tpu.memory_space<semaphore_mem>>) src(%dma_wait3A_70 : memref<50000x32xf32, #tpu.memory_space<hbm>>) dst(%dma_wait3A_64 : memref<100x32xf32, #tpu.memory_space<vmem>>)
          tpu.yield
        }) : () -> ()
        %run_scoped3A_38 = arith.constant 1 : i32
        %run_scoped3A_39 = arith.constant 1 : i32
        "tpu.region"() ({
          %run_scoped3A_52 = tpu.sem_alloc : memref<!tpu.dma_semaphore, #tpu.memory_space<semaphore_mem>>
          %dma_start3A = arith.constant 0 : i32
          %dma_start3A_53 = arith.constant 0 : i32
          %dma_start3A_54 = tpu.memref_slice %arg13[%run_scoped3A_39, %dma_start3A, %dma_start3A_53] : memref<2x100x32xf32, #tpu.memory_space<vmem>> -> memref<1x100x32xf32, #tpu.memory_space<vmem>>
          %dma_start3A_55 = tpu.memref_squeeze %dma_start3A_54 : memref<1x100x32xf32, #tpu.memory_space<vmem>> -> memref<100x32xf32, #tpu.memory_space<vmem>>
          %dma_start3A_56 = arith.constant 0 : i32
          %dma_start3A_57 = tpu.memref_slice %arg11[%run_scoped3A_38, %dma_start3A_56] : memref<2x100xi32, #tpu.memory_space<vmem>> -> memref<1x100xi32, #tpu.memory_space<vmem>>
          %dma_start3A_58 = tpu.memref_squeeze %dma_start3A_57 : memref<1x100xi32, #tpu.memory_space<vmem>> -> memref<100xi32, #tpu.memory_space<vmem>>
          %dma_start3A_59 = arith.constant 0 : i32
          %dma_start3A_60 = arith.constant 0 : i32
          %dma_start3A_61 = tpu.memref_slice %arg2[%dma_start3A_59, %dma_start3A_60] : memref<50000x32xf32, #tpu.memory_space<hbm>> -> memref<50000x32xf32, #tpu.memory_space<hbm>>
          tpu.enqueue_indirect_dma source(%dma_start3A_61 : memref<50000x32xf32, #tpu.memory_space<hbm>>) target(%dma_start3A_55 : memref<100x32xf32, #tpu.memory_space<vmem>>) offsets(%dma_start3A_58 : memref<100xi32, #tpu.memory_space<vmem>>) semaphore(%run_scoped3A_52 : memref<!tpu.dma_semaphore, #tpu.memory_space<semaphore_mem>>)
          %dma_wait3A = arith.constant 0 : i32
          %dma_wait3A_62 = arith.constant 0 : i32
          %dma_wait3A_63 = tpu.memref_slice %arg13[%run_scoped3A_39, %dma_wait3A, %dma_wait3A_62] : memref<2x100x32xf32, #tpu.memory_space<vmem>> -> memref<1x100x32xf32, #tpu.memory_space<vmem>>
          %dma_wait3A_64 = tpu.memref_squeeze %dma_wait3A_63 : memref<1x100x32xf32, #tpu.memory_space<vmem>> -> memref<100x32xf32, #tpu.memory_space<vmem>>
          %dma_wait3A_65 = arith.constant 0 : i32
          %dma_wait3A_66 = tpu.memref_slice %arg11[%run_scoped3A_38, %dma_wait3A_65] : memref<2x100xi32, #tpu.memory_space<vmem>> -> memref<1x100xi32, #tpu.memory_space<vmem>>
          %dma_wait3A_67 = tpu.memref_squeeze %dma_wait3A_66 : memref<1x100xi32, #tpu.memory_space<vmem>> -> memref<100xi32, #tpu.memory_space<vmem>>
          %dma_wait3A_68 = arith.constant 0 : i32
          %dma_wait3A_69 = arith.constant 0 : i32
          %dma_wait3A_70 = tpu.memref_slice %arg2[%dma_wait3A_68, %dma_wait3A_69] : memref<50000x32xf32, #tpu.memory_space<hbm>> -> memref<50000x32xf32, #tpu.memory_space<hbm>>
          tpu.wait_indirect_dma semaphore(%run_scoped3A_52 : memref<!tpu.dma_semaphore, #tpu.memory_space<semaphore_mem>>) src(%dma_wait3A_70 : memref<50000x32xf32, #tpu.memory_space<hbm>>) dst(%dma_wait3A_64 : memref<100x32xf32, #tpu.memory_space<vmem>>)
          tpu.yield
        }) : () -> ()
        %scan3A_40 = arith.constant 0 : i32
        %scan3A_41 = arith.constant 0 : i32
        %scan3A_42 = arith.constant 100 : i32
        %scan3A_43 = arith.addi %scan3A_41, %scan3A_42 : i32
        %scan3A_44 = arith.constant 1 : i32
        %scan3A_45 = scf.for %scan3A_52 = %scan3A_41 to %scan3A_43 step %scan3A_44 iter_args(%scan3A_53 = %scan3A_40) -> (i32)  : i32 {
          %get3A = arith.constant 0 : i32
          %get3A_54 = arith.index_cast %get3A : i32 to index
          %get3A_55 = arith.index_cast %scan3A_52 : i32 to index
          %get3A_56 = arith.constant 0 : index
          %get3A_57 = tpu.vector_load %arg13[%get3A_54, %get3A_55, %get3A_56] {strides = array<i32>} : memref<2x100x32xf32, #tpu.memory_space<vmem>>, vector<1x1x16xf32>,
          %get3A_58 = vector.shape_cast %get3A_57 : vector<1x1x16xf32> to vector<16xf32>
          %get3A_59 = arith.index_cast %scan3A_52 : i32 to index
          %get3A_60 = arith.constant 0 : index
          %get3A_61 = tpu.vector_load %arg14[%get3A_59, %get3A_60] {strides = array<i32>} : memref<100x128xf32, #tpu.memory_space<vmem>>, vector<1x16xf32>,
          %get3A_62 = vector.shape_cast %get3A_61 : vector<1x16xf32> to vector<16xf32>
          %mul3A_63 = arith.mulf %get3A_58, %get3A_62 : vector<16xf32>
          %swap3A = arith.constant 0 : i32
          %swap3A_64 = arith.index_cast %swap3A : i32 to index
          %swap3A_65 = arith.index_cast %scan3A_52 : i32 to index
          %swap3A_66 = arith.constant 0 : index
          %swap3A_67 = tpu.vector_load %arg13[%swap3A_64, %swap3A_65, %swap3A_66] {strides = array<i32>} : memref<2x100x32xf32, #tpu.memory_space<vmem>>, vector<1x1x16xf32>,
          %swap3A_68 = vector.shape_cast %swap3A_67 : vector<1x1x16xf32> to vector<16xf32>
          %swap3A_69 = vector.shape_cast %mul3A_63 : vector<16xf32> to vector<1x1x16xf32>
          tpu.vector_store %arg13[%swap3A_64, %swap3A_65, %swap3A_66], %swap3A_69 {strides = array<i32>} : memref<2x100x32xf32, #tpu.memory_space<vmem>>, vector<1x1x16xf32>,
          %get3A_70 = arith.constant 0 : i32
          %get3A_71 = arith.index_cast %get3A_70 : i32 to index
          %get3A_72 = arith.index_cast %scan3A_52 : i32 to index
          %get3A_73 = arith.constant 16 : index
          %get3A_74 = tpu.vector_load %arg13[%get3A_71, %get3A_72, %get3A_73] {strides = array<i32>} : memref<2x100x32xf32, #tpu.memory_space<vmem>>, vector<1x1x16xf32>,
          %get3A_75 = vector.shape_cast %get3A_74 : vector<1x1x16xf32> to vector<16xf32>
          %get3A_76 = arith.index_cast %scan3A_52 : i32 to index
          %get3A_77 = arith.constant 16 : index
          %get3A_78 = tpu.vector_load %arg14[%get3A_76, %get3A_77] {strides = array<i32>} : memref<100x128xf32, #tpu.memory_space<vmem>>, vector<1x16xf32>,
          %get3A_79 = vector.shape_cast %get3A_78 : vector<1x16xf32> to vector<16xf32>
          %mul3A_80 = arith.mulf %get3A_75, %get3A_79 : vector<16xf32>
          %swap3A_81 = arith.constant 0 : i32
          %swap3A_82 = arith.index_cast %swap3A_81 : i32 to index
          %swap3A_83 = arith.index_cast %scan3A_52 : i32 to index
          %swap3A_84 = arith.constant 16 : index
          %swap3A_85 = tpu.vector_load %arg13[%swap3A_82, %swap3A_83, %swap3A_84] {strides = array<i32>} : memref<2x100x32xf32, #tpu.memory_space<vmem>>, vector<1x1x16xf32>,
          %swap3A_86 = vector.shape_cast %swap3A_85 : vector<1x1x16xf32> to vector<16xf32>
          %swap3A_87 = vector.shape_cast %mul3A_80 : vector<16xf32> to vector<1x1x16xf32>
          tpu.vector_store %arg13[%swap3A_82, %swap3A_83, %swap3A_84], %swap3A_87 {strides = array<i32>} : memref<2x100x32xf32, #tpu.memory_space<vmem>>, vector<1x1x16xf32>,
          %get3A_88 = arith.constant 1 : i32
          %get3A_89 = arith.index_cast %get3A_88 : i32 to index
          %get3A_90 = arith.index_cast %scan3A_52 : i32 to index
          %get3A_91 = arith.constant 0 : index
          %get3A_92 = tpu.vector_load %arg13[%get3A_89, %get3A_90, %get3A_91] {strides = array<i32>} : memref<2x100x32xf32, #tpu.memory_space<vmem>>, vector<1x1x16xf32>,
          %get3A_93 = vector.shape_cast %get3A_92 : vector<1x1x16xf32> to vector<16xf32>
          %get3A_94 = arith.index_cast %scan3A_52 : i32 to index
          %get3A_95 = arith.constant 32 : index
          %get3A_96 = tpu.vector_load %arg14[%get3A_94, %get3A_95] {strides = array<i32>} : memref<100x128xf32, #tpu.memory_space<vmem>>, vector<1x16xf32>,
          %get3A_97 = vector.shape_cast %get3A_96 : vector<1x16xf32> to vector<16xf32>
          %mul3A_98 = arith.mulf %get3A_93, %get3A_97 : vector<16xf32>
          %swap3A_99 = arith.constant 1 : i32
          %swap3A_100 = arith.index_cast %swap3A_99 : i32 to index
          %swap3A_101 = arith.index_cast %scan3A_52 : i32 to index
          %swap3A_102 = arith.constant 0 : index
          %swap3A_103 = tpu.vector_load %arg13[%swap3A_100, %swap3A_101, %swap3A_102] {strides = array<i32>} : memref<2x100x32xf32, #tpu.memory_space<vmem>>, vector<1x1x16xf32>,
          %swap3A_104 = vector.shape_cast %swap3A_103 : vector<1x1x16xf32> to vector<16xf32>
          %swap3A_105 = vector.shape_cast %mul3A_98 : vector<16xf32> to vector<1x1x16xf32>
          tpu.vector_store %arg13[%swap3A_100, %swap3A_101, %swap3A_102], %swap3A_105 {strides = array<i32>} : memref<2x100x32xf32, #tpu.memory_space<vmem>>, vector<1x1x16xf32>,
          %get3A_106 = arith.constant 1 : i32
          %get3A_107 = arith.index_cast %get3A_106 : i32 to index
          %get3A_108 = arith.index_cast %scan3A_52 : i32 to index
          %get3A_109 = arith.constant 16 : index
          %get3A_110 = tpu.vector_load %arg13[%get3A_107, %get3A_108, %get3A_109] {strides = array<i32>} : memref<2x100x32xf32, #tpu.memory_space<vmem>>, vector<1x1x16xf32>,
          %get3A_111 = vector.shape_cast %get3A_110 : vector<1x1x16xf32> to vector<16xf32>
          %get3A_112 = arith.index_cast %scan3A_52 : i32 to index
          %get3A_113 = arith.constant 48 : index
          %get3A_114 = tpu.vector_load %arg14[%get3A_112, %get3A_113] {strides = array<i32>} : memref<100x128xf32, #tpu.memory_space<vmem>>, vector<1x16xf32>,
          %get3A_115 = vector.shape_cast %get3A_114 : vector<1x16xf32> to vector<16xf32>
          %mul3A_116 = arith.mulf %get3A_111, %get3A_115 : vector<16xf32>
          %swap3A_117 = arith.constant 1 : i32
          %swap3A_118 = arith.index_cast %swap3A_117 : i32 to index
          %swap3A_119 = arith.index_cast %scan3A_52 : i32 to index
          %swap3A_120 = arith.constant 16 : index
          %swap3A_121 = tpu.vector_load %arg13[%swap3A_118, %swap3A_119, %swap3A_120] {strides = array<i32>} : memref<2x100x32xf32, #tpu.memory_space<vmem>>, vector<1x1x16xf32>,
          %swap3A_122 = vector.shape_cast %swap3A_121 : vector<1x1x16xf32> to vector<16xf32>
          %swap3A_123 = vector.shape_cast %mul3A_116 : vector<16xf32> to vector<1x1x16xf32>
          tpu.vector_store %arg13[%swap3A_118, %swap3A_119, %swap3A_120], %swap3A_123 {strides = array<i32>} : memref<2x100x32xf32, #tpu.memory_space<vmem>>, vector<1x1x16xf32>,
          %scan3A_124 = arith.constant 0 : i32
          scf.yield %scan3A_124 : i32
        }
        %scan3A_46 = arith.constant 100 : i32
        %run_scoped3A_47 = arith.constant 0 : i32
        %run_scoped3A_48 = arith.constant 0 : i32
        "tpu.region"() ({
          %run_scoped3A_52 = tpu.sem_alloc : memref<!tpu.dma_semaphore, #tpu.memory_space<semaphore_mem>>
          %dma_start3A = arith.constant 0 : i32
          %dma_start3A_53 = arith.constant 0 : i32
          %dma_start3A_54 = tpu.memref_slice %arg13[%run_scoped3A_47, %dma_start3A, %dma_start3A_53] : memref<2x100x32xf32, #tpu.memory_space<vmem>> -> memref<1x100x32xf32, #tpu.memory_space<vmem>>
          %dma_start3A_55 = tpu.memref_squeeze %dma_start3A_54 : memref<1x100x32xf32, #tpu.memory_space<vmem>> -> memref<100x32xf32, #tpu.memory_space<vmem>>
          %dma_start3A_56 = arith.constant 0 : i32
          %dma_start3A_57 = tpu.memref_slice %arg12[%run_scoped3A_48, %dma_start3A_56] : memref<2x100xi32, #tpu.memory_space<vmem>> -> memref<1x100xi32, #tpu.memory_space<vmem>>
          %dma_start3A_58 = tpu.memref_squeeze %dma_start3A_57 : memref<1x100xi32, #tpu.memory_space<vmem>> -> memref<100xi32, #tpu.memory_space<vmem>>
          %dma_start3A_59 = arith.constant 0 : i32
          %dma_start3A_60 = arith.constant 0 : i32
          %dma_start3A_61 = tpu.memref_slice %arg15[%dma_start3A_59, %dma_start3A_60] : memref<50000x32xf32, #tpu.memory_space<vmem_shared>> -> memref<50000x32xf32, #tpu.memory_space<vmem_shared>>
          tpu.enqueue_indirect_dma source(%dma_start3A_55 : memref<100x32xf32, #tpu.memory_space<vmem>>) target(%dma_start3A_61 : memref<50000x32xf32, #tpu.memory_space<vmem_shared>>) offsets(%dma_start3A_58 : memref<100xi32, #tpu.memory_space<vmem>>) semaphore(%run_scoped3A_52 : memref<!tpu.dma_semaphore, #tpu.memory_space<semaphore_mem>>) {add = true}
          %dma_wait3A = arith.constant 0 : i32
          %dma_wait3A_62 = arith.constant 0 : i32
          %dma_wait3A_63 = tpu.memref_slice %arg13[%run_scoped3A_47, %dma_wait3A, %dma_wait3A_62] : memref<2x100x32xf32, #tpu.memory_space<vmem>> -> memref<1x100x32xf32, #tpu.memory_space<vmem>>
          %dma_wait3A_64 = tpu.memref_squeeze %dma_wait3A_63 : memref<1x100x32xf32, #tpu.memory_space<vmem>> -> memref<100x32xf32, #tpu.memory_space<vmem>>
          %dma_wait3A_65 = arith.constant 0 : i32
          %dma_wait3A_66 = tpu.memref_slice %arg12[%run_scoped3A_48, %dma_wait3A_65] : memref<2x100xi32, #tpu.memory_space<vmem>> -> memref<1x100xi32, #tpu.memory_space<vmem>>
          %dma_wait3A_67 = tpu.memref_squeeze %dma_wait3A_66 : memref<1x100xi32, #tpu.memory_space<vmem>> -> memref<100xi32, #tpu.memory_space<vmem>>
          %dma_wait3A_68 = arith.constant 0 : i32
          %dma_wait3A_69 = arith.constant 0 : i32
          %dma_wait3A_70 = tpu.memref_slice %arg15[%dma_wait3A_68, %dma_wait3A_69] : memref<50000x32xf32, #tpu.memory_space<vmem_shared>> -> memref<50000x32xf32, #tpu.memory_space<vmem_shared>>
          tpu.wait_indirect_dma semaphore(%run_scoped3A_52 : memref<!tpu.dma_semaphore, #tpu.memory_space<semaphore_mem>>) src(%dma_wait3A_64 : memref<100x32xf32, #tpu.memory_space<vmem>>) dst(%dma_wait3A_70 : memref<50000x32xf32, #tpu.memory_space<vmem_shared>>)
          tpu.yield
        }) : () -> ()
        %run_scoped3A_49 = arith.constant 1 : i32
        %run_scoped3A_50 = arith.constant 1 : i32
        "tpu.region"() ({
          %run_scoped3A_52 = tpu.sem_alloc : memref<!tpu.dma_semaphore, #tpu.memory_space<semaphore_mem>>
          %dma_start3A = arith.constant 0 : i32
          %dma_start3A_53 = arith.constant 0 : i32
          %dma_start3A_54 = tpu.memref_slice %arg13[%run_scoped3A_49, %dma_start3A, %dma_start3A_53] : memref<2x100x32xf32, #tpu.memory_space<vmem>> -> memref<1x100x32xf32, #tpu.memory_space<vmem>>
          %dma_start3A_55 = tpu.memref_squeeze %dma_start3A_54 : memref<1x100x32xf32, #tpu.memory_space<vmem>> -> memref<100x32xf32, #tpu.memory_space<vmem>>
          %dma_start3A_56 = arith.constant 0 : i32
          %dma_start3A_57 = tpu.memref_slice %arg12[%run_scoped3A_50, %dma_start3A_56] : memref<2x100xi32, #tpu.memory_space<vmem>> -> memref<1x100xi32, #tpu.memory_space<vmem>>
          %dma_start3A_58 = tpu.memref_squeeze %dma_start3A_57 : memref<1x100xi32, #tpu.memory_space<vmem>> -> memref<100xi32, #tpu.memory_space<vmem>>
          %dma_start3A_59 = arith.constant 0 : i32
          %dma_start3A_60 = arith.constant 0 : i32
          %dma_start3A_61 = tpu.memref_slice %arg15[%dma_start3A_59, %dma_start3A_60] : memref<50000x32xf32, #tpu.memory_space<vmem_shared>> -> memref<50000x32xf32, #tpu.memory_space<vmem_shared>>
          tpu.enqueue_indirect_dma source(%dma_start3A_55 : memref<100x32xf32, #tpu.memory_space<vmem>>) target(%dma_start3A_61 : memref<50000x32xf32, #tpu.memory_space<vmem_shared>>) offsets(%dma_start3A_58 : memref<100xi32, #tpu.memory_space<vmem>>) semaphore(%run_scoped3A_52 : memref<!tpu.dma_semaphore, #tpu.memory_space<semaphore_mem>>) {add = true}
          %dma_wait3A = arith.constant 0 : i32
          %dma_wait3A_62 = arith.constant 0 : i32
          %dma_wait3A_63 = tpu.memref_slice %arg13[%run_scoped3A_49, %dma_wait3A, %dma_wait3A_62] : memref<2x100x32xf32, #tpu.memory_space<vmem>> -> memref<1x100x32xf32, #tpu.memory_space<vmem>>
          %dma_wait3A_64 = tpu.memref_squeeze %dma_wait3A_63 : memref<1x100x32xf32, #tpu.memory_space<vmem>> -> memref<100x32xf32, #tpu.memory_space<vmem>>
          %dma_wait3A_65 = arith.constant 0 : i32
          %dma_wait3A_66 = tpu.memref_slice %arg12[%run_scoped3A_50, %dma_wait3A_65] : memref<2x100xi32, #tpu.memory_space<vmem>> -> memref<1x100xi32, #tpu.memory_space<vmem>>
          %dma_wait3A_67 = tpu.memref_squeeze %dma_wait3A_66 : memref<1x100xi32, #tpu.memory_space<vmem>> -> memref<100xi32, #tpu.memory_space<vmem>>
          %dma_wait3A_68 = arith.constant 0 : i32
          %dma_wait3A_69 = arith.constant 0 : i32
          %dma_wait3A_70 = tpu.memref_slice %arg15[%dma_wait3A_68, %dma_wait3A_69] : memref<50000x32xf32, #tpu.memory_space<vmem_shared>> -> memref<50000x32xf32, #tpu.memory_space<vmem_shared>>
          tpu.wait_indirect_dma semaphore(%run_scoped3A_52 : memref<!tpu.dma_semaphore, #tpu.memory_space<semaphore_mem>>) src(%dma_wait3A_64 : memref<100x32xf32, #tpu.memory_space<vmem>>) dst(%dma_wait3A_70 : memref<50000x32xf32, #tpu.memory_space<vmem_shared>>)
          tpu.yield
        }) : () -> ()
        %scan3A_51 = arith.constant 0 : i32
        scf.yield %scan3A_51 : i32
      }
      %scan3A_19 = arith.constant 250 : i32
      %barrier3A_20 = arith.constant 0 : index
      tpu.barrier barrier_id(%barrier3A_20)
      %scan3A_21 = arith.constant 0 : i32
      %scan3A_22 = arith.constant 0 : i32
      %scan3A_23 = arith.constant 2 : i32
      %scan3A_24 = arith.addi %scan3A_22, %scan3A_23 : i32
      %scan3A_25 = arith.constant 1 : i32
      %scan3A_26 = scf.for %scan3A_28 = %scan3A_22 to %scan3A_24 step %scan3A_25 iter_args(%scan3A_29 = %scan3A_21) -> (i32)  : i32 {
        %mul3A = arith.constant 16 : i32
        %mul3A_30 = arith.muli %scan3A_28, %mul3A : i32
        %add3A = arith.addi %arg1, %mul3A_30 : i32
        %lt3A = arith.constant 25 : i32
        %lt3A_31 = arith.cmpi slt, %add3A, %lt3A : i32
        %convert_element_type3A_32 = arith.extui %lt3A_31 : i1 to i32
        %cond3A_33 = arith.constant 0 : i32
        %cond3A_34 = arith.cmpi ne, %convert_element_type3A_32, %cond3A_33 : i32
        scf.if %cond3A_34 {
          %mul3A_36 = arith.constant 2000 : i32
          %mul3A_37 = arith.muli %add3A, %mul3A_36 : i32
          %mul3A_38 = arith.constant 2000 : i32
          %mul3A_39 = arith.muli %add3A, %mul3A_38 : i32
          "tpu.region"() ({
            %run_scoped3A = tpu.sem_alloc : memref<!tpu.dma_semaphore, #tpu.memory_space<semaphore_mem>>
            %dma_start3A = arith.constant 0 : i32
            %dma_start3A_40 = tpu.memref_slice %arg9[%mul3A_39, %dma_start3A] : memref<50000x32xf32, #tpu.memory_space<hbm>> -> memref<2000x32xf32, #tpu.memory_space<hbm>>
            %dma_start3A_41 = arith.constant 0 : i32
            %dma_start3A_42 = tpu.memref_slice %arg15[%mul3A_37, %dma_start3A_41] : memref<50000x32xf32, #tpu.memory_space<vmem_shared>> -> memref<2000x32xf32, #tpu.memory_space<vmem_shared>>
            tpu.enqueue_dma source(%dma_start3A_42 : memref<2000x32xf32, #tpu.memory_space<vmem_shared>>) target(%dma_start3A_40 : memref<2000x32xf32, #tpu.memory_space<hbm>>) target_semaphore(%run_scoped3A : memref<!tpu.dma_semaphore, #tpu.memory_space<semaphore_mem>>)
            %dma_wait3A = arith.constant 0 : i32
            %dma_wait3A_43 = tpu.memref_slice %arg9[%mul3A_39, %dma_wait3A] : memref<50000x32xf32, #tpu.memory_space<hbm>> -> memref<2000x32xf32, #tpu.memory_space<hbm>>
            %dma_wait3A_44 = arith.constant 0 : i32
            %dma_wait3A_45 = tpu.memref_slice %arg15[%mul3A_37, %dma_wait3A_44] : memref<50000x32xf32, #tpu.memory_space<vmem_shared>> -> memref<2000x32xf32, #tpu.memory_space<vmem_shared>>
            tpu.wait_dma2 semaphore(%run_scoped3A : memref<!tpu.dma_semaphore, #tpu.memory_space<semaphore_mem>>) src(%dma_wait3A_45 : memref<2000x32xf32, #tpu.memory_space<vmem_shared>>) dst(%dma_wait3A_43 : memref<2000x32xf32, #tpu.memory_space<hbm>>)
            tpu.yield
          }) : () -> ()
        } else {
        }
        %scan3A_35 = arith.constant 0 : i32
        scf.yield %scan3A_35 : i32
      }
      %scan3A_27 = arith.constant 2 : i32
    } else {
    }
    %eq3A_2 = arith.constant 1 : i32
    %eq3A_3 = arith.cmpi eq, %arg0, %eq3A_2 : i32
    %convert_element_type3A_4 = arith.extui %eq3A_3 : i1 to i32
    %cond3A_5 = arith.constant 0 : i32
    %cond3A_6 = arith.cmpi ne, %convert_element_type3A_4, %cond3A_5 : i32
    scf.if %cond3A_6 {
      %scan3A = arith.constant 0 : i32
      %scan3A_7 = arith.constant 0 : i32
      %scan3A_8 = arith.constant 2 : i32
      %scan3A_9 = arith.addi %scan3A_7, %scan3A_8 : i32
      %scan3A_10 = arith.constant 1 : i32
      %scan3A_11 = scf.for %scan3A_28 = %scan3A_7 to %scan3A_9 step %scan3A_10 iter_args(%scan3A_29 = %scan3A) -> (i32)  : i32 {
        %mul3A = arith.constant 16 : i32
        %mul3A_30 = arith.muli %scan3A_28, %mul3A : i32
        %add3A = arith.addi %arg1, %mul3A_30 : i32
        %lt3A = arith.constant 25 : i32
        %lt3A_31 = arith.cmpi slt, %add3A, %lt3A : i32
        %convert_element_type3A_32 = arith.extui %lt3A_31 : i1 to i32
        %cond3A_33 = arith.constant 0 : i32
        %cond3A_34 = arith.cmpi ne, %convert_element_type3A_32, %cond3A_33 : i32
        scf.if %cond3A_34 {
          %mul3A_36 = arith.constant 2000 : i32
          %mul3A_37 = arith.muli %add3A, %mul3A_36 : i32
          %mul3A_38 = arith.constant 2000 : i32
          %mul3A_39 = arith.muli %add3A, %mul3A_38 : i32
          "tpu.region"() ({
            %run_scoped3A = tpu.sem_alloc : memref<!tpu.dma_semaphore, #tpu.memory_space<semaphore_mem>>
            %dma_start3A = arith.constant 0 : i32
            %dma_start3A_40 = tpu.memref_slice %arg15[%mul3A_39, %dma_start3A] : memref<50000x32xf32, #tpu.memory_space<vmem_shared>> -> memref<2000x32xf32, #tpu.memory_space<vmem_shared>>
            %dma_start3A_41 = arith.constant 0 : i32
            %dma_start3A_42 = tpu.memref_slice %arg8[%mul3A_37, %dma_start3A_41] : memref<50000x32xf32, #tpu.memory_space<hbm>> -> memref<2000x32xf32, #tpu.memory_space<hbm>>
            tpu.enqueue_dma source(%dma_start3A_42 : memref<2000x32xf32, #tpu.memory_space<hbm>>) target(%dma_start3A_40 : memref<2000x32xf32, #tpu.memory_space<vmem_shared>>) target_semaphore(%run_scoped3A : memref<!tpu.dma_semaphore, #tpu.memory_space<semaphore_mem>>)
            %dma_wait3A = arith.constant 0 : i32
            %dma_wait3A_43 = tpu.memref_slice %arg15[%mul3A_39, %dma_wait3A] : memref<50000x32xf32, #tpu.memory_space<vmem_shared>> -> memref<2000x32xf32, #tpu.memory_space<vmem_shared>>
            %dma_wait3A_44 = arith.constant 0 : i32
            %dma_wait3A_45 = tpu.memref_slice %arg8[%mul3A_37, %dma_wait3A_44] : memref<50000x32xf32, #tpu.memory_space<hbm>> -> memref<2000x32xf32, #tpu.memory_space<hbm>>
            tpu.wait_dma2 semaphore(%run_scoped3A : memref<!tpu.dma_semaphore, #tpu.memory_space<semaphore_mem>>) src(%dma_wait3A_45 : memref<2000x32xf32, #tpu.memory_space<hbm>>) dst(%dma_wait3A_43 : memref<2000x32xf32, #tpu.memory_space<vmem_shared>>)
            tpu.yield
          }) : () -> ()
        } else {
        }
        %scan3A_35 = arith.constant 0 : i32
        scf.yield %scan3A_35 : i32
      }
      %scan3A_12 = arith.constant 2 : i32
      %barrier3A = arith.constant 0 : index
      tpu.barrier barrier_id(%barrier3A)
      %scan3A_13 = arith.constant 0 : i32
      %scan3A_14 = arith.constant 0 : i32
      %scan3A_15 = arith.constant 250 : i32
      %scan3A_16 = arith.addi %scan3A_14, %scan3A_15 : i32
      %scan3A_17 = arith.constant 1 : i32
      %scan3A_18 = scf.for %scan3A_28 = %scan3A_14 to %scan3A_16 step %scan3A_17 iter_args(%scan3A_29 = %scan3A_13) -> (i32)  : i32 {
        %mul3A = arith.constant 16 : i32
        %mul3A_30 = arith.muli %scan3A_28, %mul3A : i32
        %add3A = arith.addi %arg1, %mul3A_30 : i32
        %mul3A_31 = arith.constant 2 : i32
        %mul3A_32 = arith.muli %mul3A_31, %add3A : i32
        "tpu.region"() ({
          %run_scoped3A_52 = tpu.sem_alloc : memref<!tpu.dma_semaphore, #tpu.memory_space<semaphore_mem>>
          %dma_start3A = arith.constant 0 : i32
          %dma_start3A_53 = tpu.memref_slice %arg6[%mul3A_32, %dma_start3A] : memref<8000x100xi32, #tpu.memory_space<hbm>> -> memref<2x100xi32, #tpu.memory_space<hbm>>
          %dma_start3A_54 = arith.constant 0 : i32
          %dma_start3A_55 = tpu.memref_slice %arg6[%mul3A_32, %dma_start3A_54] : memref<8000x100xi32, #tpu.memory_space<hbm>> -> memref<2x100xi32, #tpu.memory_space<hbm>>
          tpu.enqueue_dma source(%dma_start3A_55 : memref<2x100xi32, #tpu.memory_space<hbm>>) target(%arg11 : memref<2x100xi32, #tpu.memory_space<vmem>>) target_semaphore(%run_scoped3A_52 : memref<!tpu.dma_semaphore, #tpu.memory_space<semaphore_mem>>)
          %dma_wait3A = arith.constant 0 : i32
          %dma_wait3A_56 = tpu.memref_slice %arg6[%mul3A_32, %dma_wait3A] : memref<8000x100xi32, #tpu.memory_space<hbm>> -> memref<2x100xi32, #tpu.memory_space<hbm>>
          %dma_wait3A_57 = arith.constant 0 : i32
          %dma_wait3A_58 = tpu.memref_slice %arg6[%mul3A_32, %dma_wait3A_57] : memref<8000x100xi32, #tpu.memory_space<hbm>> -> memref<2x100xi32, #tpu.memory_space<hbm>>
          tpu.wait_dma2 semaphore(%run_scoped3A_52 : memref<!tpu.dma_semaphore, #tpu.memory_space<semaphore_mem>>) src(%dma_wait3A_58 : memref<2x100xi32, #tpu.memory_space<hbm>>) dst(%arg11 : memref<2x100xi32, #tpu.memory_space<vmem>>)
          tpu.yield
        }) : () -> ()
        %mul3A_33 = arith.constant 2 : i32
        %mul3A_34 = arith.muli %mul3A_33, %add3A : i32
        "tpu.region"() ({
          %run_scoped3A_52 = tpu.sem_alloc : memref<!tpu.dma_semaphore, #tpu.memory_space<semaphore_mem>>
          %dma_start3A = arith.constant 0 : i32
          %dma_start3A_53 = tpu.memref_slice %arg7[%mul3A_34, %dma_start3A] : memref<8000x100xi32, #tpu.memory_space<hbm>> -> memref<2x100xi32, #tpu.memory_space<hbm>>
          %dma_start3A_54 = arith.constant 0 : i32
          %dma_start3A_55 = tpu.memref_slice %arg7[%mul3A_34, %dma_start3A_54] : memref<8000x100xi32, #tpu.memory_space<hbm>> -> memref<2x100xi32, #tpu.memory_space<hbm>>
          tpu.enqueue_dma source(%dma_start3A_55 : memref<2x100xi32, #tpu.memory_space<hbm>>) target(%arg12 : memref<2x100xi32, #tpu.memory_space<vmem>>) target_semaphore(%run_scoped3A_52 : memref<!tpu.dma_semaphore, #tpu.memory_space<semaphore_mem>>)
          %dma_wait3A = arith.constant 0 : i32
          %dma_wait3A_56 = tpu.memref_slice %arg7[%mul3A_34, %dma_wait3A] : memref<8000x100xi32, #tpu.memory_space<hbm>> -> memref<2x100xi32, #tpu.memory_space<hbm>>
          %dma_wait3A_57 = arith.constant 0 : i32
          %dma_wait3A_58 = tpu.memref_slice %arg7[%mul3A_34, %dma_wait3A_57] : memref<8000x100xi32, #tpu.memory_space<hbm>> -> memref<2x100xi32, #tpu.memory_space<hbm>>
          tpu.wait_dma2 semaphore(%run_scoped3A_52 : memref<!tpu.dma_semaphore, #tpu.memory_space<semaphore_mem>>) src(%dma_wait3A_58 : memref<2x100xi32, #tpu.memory_space<hbm>>) dst(%arg12 : memref<2x100xi32, #tpu.memory_space<vmem>>)
          tpu.yield
        }) : () -> ()
        %mul3A_35 = arith.constant 100 : i32
        %mul3A_36 = arith.muli %mul3A_35, %add3A : i32
        "tpu.region"() ({
          %run_scoped3A_52 = tpu.sem_alloc : memref<!tpu.dma_semaphore, #tpu.memory_space<semaphore_mem>>
          %dma_start3A = arith.constant 0 : i32
          %dma_start3A_53 = tpu.memref_slice %arg5[%mul3A_36, %dma_start3A] : memref<200000x128xf32, #tpu.memory_space<hbm>> -> memref<100x128xf32, #tpu.memory_space<hbm>>
          %dma_start3A_54 = arith.constant 0 : i32
          %dma_start3A_55 = tpu.memref_slice %arg5[%mul3A_36, %dma_start3A_54] : memref<200000x128xf32, #tpu.memory_space<hbm>> -> memref<100x128xf32, #tpu.memory_space<hbm>>
          tpu.enqueue_dma source(%dma_start3A_55 : memref<100x128xf32, #tpu.memory_space<hbm>>) target(%arg14 : memref<100x128xf32, #tpu.memory_space<vmem>>) target_semaphore(%run_scoped3A_52 : memref<!tpu.dma_semaphore, #tpu.memory_space<semaphore_mem>>)
          %dma_wait3A = arith.constant 0 : i32
          %dma_wait3A_56 = tpu.memref_slice %arg5[%mul3A_36, %dma_wait3A] : memref<200000x128xf32, #tpu.memory_space<hbm>> -> memref<100x128xf32, #tpu.memory_space<hbm>>
          %dma_wait3A_57 = arith.constant 0 : i32
          %dma_wait3A_58 = tpu.memref_slice %arg5[%mul3A_36, %dma_wait3A_57] : memref<200000x128xf32, #tpu.memory_space<hbm>> -> memref<100x128xf32, #tpu.memory_space<hbm>>
          tpu.wait_dma2 semaphore(%run_scoped3A_52 : memref<!tpu.dma_semaphore, #tpu.memory_space<semaphore_mem>>) src(%dma_wait3A_58 : memref<100x128xf32, #tpu.memory_space<hbm>>) dst(%arg14 : memref<100x128xf32, #tpu.memory_space<vmem>>)
          tpu.yield
        }) : () -> ()
        %run_scoped3A = arith.constant 0 : i32
        %run_scoped3A_37 = arith.constant 0 : i32
        "tpu.region"() ({
          %run_scoped3A_52 = tpu.sem_alloc : memref<!tpu.dma_semaphore, #tpu.memory_space<semaphore_mem>>
          %dma_start3A = arith.constant 0 : i32
          %dma_start3A_53 = arith.constant 0 : i32
          %dma_start3A_54 = tpu.memref_slice %arg13[%run_scoped3A_37, %dma_start3A, %dma_start3A_53] : memref<2x100x32xf32, #tpu.memory_space<vmem>> -> memref<1x100x32xf32, #tpu.memory_space<vmem>>
          %dma_start3A_55 = tpu.memref_squeeze %dma_start3A_54 : memref<1x100x32xf32, #tpu.memory_space<vmem>> -> memref<100x32xf32, #tpu.memory_space<vmem>>
          %dma_start3A_56 = arith.constant 0 : i32
          %dma_start3A_57 = tpu.memref_slice %arg11[%run_scoped3A, %dma_start3A_56] : memref<2x100xi32, #tpu.memory_space<vmem>> -> memref<1x100xi32, #tpu.memory_space<vmem>>
          %dma_start3A_58 = tpu.memref_squeeze %dma_start3A_57 : memref<1x100xi32, #tpu.memory_space<vmem>> -> memref<100xi32, #tpu.memory_space<vmem>>
          %dma_start3A_59 = arith.constant 0 : i32
          %dma_start3A_60 = arith.constant 0 : i32
          %dma_start3A_61 = tpu.memref_slice %arg3[%dma_start3A_59, %dma_start3A_60] : memref<50000x32xf32, #tpu.memory_space<hbm>> -> memref<50000x32xf32, #tpu.memory_space<hbm>>
          tpu.enqueue_indirect_dma source(%dma_start3A_61 : memref<50000x32xf32, #tpu.memory_space<hbm>>) target(%dma_start3A_55 : memref<100x32xf32, #tpu.memory_space<vmem>>) offsets(%dma_start3A_58 : memref<100xi32, #tpu.memory_space<vmem>>) semaphore(%run_scoped3A_52 : memref<!tpu.dma_semaphore, #tpu.memory_space<semaphore_mem>>)
          %dma_wait3A = arith.constant 0 : i32
          %dma_wait3A_62 = arith.constant 0 : i32
          %dma_wait3A_63 = tpu.memref_slice %arg13[%run_scoped3A_37, %dma_wait3A, %dma_wait3A_62] : memref<2x100x32xf32, #tpu.memory_space<vmem>> -> memref<1x100x32xf32, #tpu.memory_space<vmem>>
          %dma_wait3A_64 = tpu.memref_squeeze %dma_wait3A_63 : memref<1x100x32xf32, #tpu.memory_space<vmem>> -> memref<100x32xf32, #tpu.memory_space<vmem>>
          %dma_wait3A_65 = arith.constant 0 : i32
          %dma_wait3A_66 = tpu.memref_slice %arg11[%run_scoped3A, %dma_wait3A_65] : memref<2x100xi32, #tpu.memory_space<vmem>> -> memref<1x100xi32, #tpu.memory_space<vmem>>
          %dma_wait3A_67 = tpu.memref_squeeze %dma_wait3A_66 : memref<1x100xi32, #tpu.memory_space<vmem>> -> memref<100xi32, #tpu.memory_space<vmem>>
          %dma_wait3A_68 = arith.constant 0 : i32
          %dma_wait3A_69 = arith.constant 0 : i32
          %dma_wait3A_70 = tpu.memref_slice %arg3[%dma_wait3A_68, %dma_wait3A_69] : memref<50000x32xf32, #tpu.memory_space<hbm>> -> memref<50000x32xf32, #tpu.memory_space<hbm>>
          tpu.wait_indirect_dma semaphore(%run_scoped3A_52 : memref<!tpu.dma_semaphore, #tpu.memory_space<semaphore_mem>>) src(%dma_wait3A_70 : memref<50000x32xf32, #tpu.memory_space<hbm>>) dst(%dma_wait3A_64 : memref<100x32xf32, #tpu.memory_space<vmem>>)
          tpu.yield
        }) : () -> ()
        %run_scoped3A_38 = arith.constant 1 : i32
        %run_scoped3A_39 = arith.constant 1 : i32
        "tpu.region"() ({
          %run_scoped3A_52 = tpu.sem_alloc : memref<!tpu.dma_semaphore, #tpu.memory_space<semaphore_mem>>
          %dma_start3A = arith.constant 0 : i32
          %dma_start3A_53 = arith.constant 0 : i32
          %dma_start3A_54 = tpu.memref_slice %arg13[%run_scoped3A_39, %dma_start3A, %dma_start3A_53] : memref<2x100x32xf32, #tpu.memory_space<vmem>> -> memref<1x100x32xf32, #tpu.memory_space<vmem>>
          %dma_start3A_55 = tpu.memref_squeeze %dma_start3A_54 : memref<1x100x32xf32, #tpu.memory_space<vmem>> -> memref<100x32xf32, #tpu.memory_space<vmem>>
          %dma_start3A_56 = arith.constant 0 : i32
          %dma_start3A_57 = tpu.memref_slice %arg11[%run_scoped3A_38, %dma_start3A_56] : memref<2x100xi32, #tpu.memory_space<vmem>> -> memref<1x100xi32, #tpu.memory_space<vmem>>
          %dma_start3A_58 = tpu.memref_squeeze %dma_start3A_57 : memref<1x100xi32, #tpu.memory_space<vmem>> -> memref<100xi32, #tpu.memory_space<vmem>>
          %dma_start3A_59 = arith.constant 0 : i32
          %dma_start3A_60 = arith.constant 0 : i32
          %dma_start3A_61 = tpu.memref_slice %arg3[%dma_start3A_59, %dma_start3A_60] : memref<50000x32xf32, #tpu.memory_space<hbm>> -> memref<50000x32xf32, #tpu.memory_space<hbm>>
          tpu.enqueue_indirect_dma source(%dma_start3A_61 : memref<50000x32xf32, #tpu.memory_space<hbm>>) target(%dma_start3A_55 : memref<100x32xf32, #tpu.memory_space<vmem>>) offsets(%dma_start3A_58 : memref<100xi32, #tpu.memory_space<vmem>>) semaphore(%run_scoped3A_52 : memref<!tpu.dma_semaphore, #tpu.memory_space<semaphore_mem>>)
          %dma_wait3A = arith.constant 0 : i32
          %dma_wait3A_62 = arith.constant 0 : i32
          %dma_wait3A_63 = tpu.memref_slice %arg13[%run_scoped3A_39, %dma_wait3A, %dma_wait3A_62] : memref<2x100x32xf32, #tpu.memory_space<vmem>> -> memref<1x100x32xf32, #tpu.memory_space<vmem>>
          %dma_wait3A_64 = tpu.memref_squeeze %dma_wait3A_63 : memref<1x100x32xf32, #tpu.memory_space<vmem>> -> memref<100x32xf32, #tpu.memory_space<vmem>>
          %dma_wait3A_65 = arith.constant 0 : i32
          %dma_wait3A_66 = tpu.memref_slice %arg11[%run_scoped3A_38, %dma_wait3A_65] : memref<2x100xi32, #tpu.memory_space<vmem>> -> memref<1x100xi32, #tpu.memory_space<vmem>>
          %dma_wait3A_67 = tpu.memref_squeeze %dma_wait3A_66 : memref<1x100xi32, #tpu.memory_space<vmem>> -> memref<100xi32, #tpu.memory_space<vmem>>
          %dma_wait3A_68 = arith.constant 0 : i32
          %dma_wait3A_69 = arith.constant 0 : i32
          %dma_wait3A_70 = tpu.memref_slice %arg3[%dma_wait3A_68, %dma_wait3A_69] : memref<50000x32xf32, #tpu.memory_space<hbm>> -> memref<50000x32xf32, #tpu.memory_space<hbm>>
          tpu.wait_indirect_dma semaphore(%run_scoped3A_52 : memref<!tpu.dma_semaphore, #tpu.memory_space<semaphore_mem>>) src(%dma_wait3A_70 : memref<50000x32xf32, #tpu.memory_space<hbm>>) dst(%dma_wait3A_64 : memref<100x32xf32, #tpu.memory_space<vmem>>)
          tpu.yield
        }) : () -> ()
        %scan3A_40 = arith.constant 0 : i32
        %scan3A_41 = arith.constant 0 : i32
        %scan3A_42 = arith.constant 100 : i32
        %scan3A_43 = arith.addi %scan3A_41, %scan3A_42 : i32
        %scan3A_44 = arith.constant 1 : i32
        %scan3A_45 = scf.for %scan3A_52 = %scan3A_41 to %scan3A_43 step %scan3A_44 iter_args(%scan3A_53 = %scan3A_40) -> (i32)  : i32 {
          %get3A = arith.constant 0 : i32
          %get3A_54 = arith.index_cast %get3A : i32 to index
          %get3A_55 = arith.index_cast %scan3A_52 : i32 to index
          %get3A_56 = arith.constant 0 : index
          %get3A_57 = tpu.vector_load %arg13[%get3A_54, %get3A_55, %get3A_56] {strides = array<i32>} : memref<2x100x32xf32, #tpu.memory_space<vmem>>, vector<1x1x16xf32>,
          %get3A_58 = vector.shape_cast %get3A_57 : vector<1x1x16xf32> to vector<16xf32>
          %get3A_59 = arith.index_cast %scan3A_52 : i32 to index
          %get3A_60 = arith.constant 0 : index
          %get3A_61 = tpu.vector_load %arg14[%get3A_59, %get3A_60] {strides = array<i32>} : memref<100x128xf32, #tpu.memory_space<vmem>>, vector<1x16xf32>,
          %get3A_62 = vector.shape_cast %get3A_61 : vector<1x16xf32> to vector<16xf32>
          %mul3A_63 = arith.mulf %get3A_58, %get3A_62 : vector<16xf32>
          %swap3A = arith.constant 0 : i32
          %swap3A_64 = arith.index_cast %swap3A : i32 to index
          %swap3A_65 = arith.index_cast %scan3A_52 : i32 to index
          %swap3A_66 = arith.constant 0 : index
          %swap3A_67 = tpu.vector_load %arg13[%swap3A_64, %swap3A_65, %swap3A_66] {strides = array<i32>} : memref<2x100x32xf32, #tpu.memory_space<vmem>>, vector<1x1x16xf32>,
          %swap3A_68 = vector.shape_cast %swap3A_67 : vector<1x1x16xf32> to vector<16xf32>
          %swap3A_69 = vector.shape_cast %mul3A_63 : vector<16xf32> to vector<1x1x16xf32>
          tpu.vector_store %arg13[%swap3A_64, %swap3A_65, %swap3A_66], %swap3A_69 {strides = array<i32>} : memref<2x100x32xf32, #tpu.memory_space<vmem>>, vector<1x1x16xf32>,
          %get3A_70 = arith.constant 0 : i32
          %get3A_71 = arith.index_cast %get3A_70 : i32 to index
          %get3A_72 = arith.index_cast %scan3A_52 : i32 to index
          %get3A_73 = arith.constant 16 : index
          %get3A_74 = tpu.vector_load %arg13[%get3A_71, %get3A_72, %get3A_73] {strides = array<i32>} : memref<2x100x32xf32, #tpu.memory_space<vmem>>, vector<1x1x16xf32>,
          %get3A_75 = vector.shape_cast %get3A_74 : vector<1x1x16xf32> to vector<16xf32>
          %get3A_76 = arith.index_cast %scan3A_52 : i32 to index
          %get3A_77 = arith.constant 16 : index
          %get3A_78 = tpu.vector_load %arg14[%get3A_76, %get3A_77] {strides = array<i32>} : memref<100x128xf32, #tpu.memory_space<vmem>>, vector<1x16xf32>,
          %get3A_79 = vector.shape_cast %get3A_78 : vector<1x16xf32> to vector<16xf32>
          %mul3A_80 = arith.mulf %get3A_75, %get3A_79 : vector<16xf32>
          %swap3A_81 = arith.constant 0 : i32
          %swap3A_82 = arith.index_cast %swap3A_81 : i32 to index
          %swap3A_83 = arith.index_cast %scan3A_52 : i32 to index
          %swap3A_84 = arith.constant 16 : index
          %swap3A_85 = tpu.vector_load %arg13[%swap3A_82, %swap3A_83, %swap3A_84] {strides = array<i32>} : memref<2x100x32xf32, #tpu.memory_space<vmem>>, vector<1x1x16xf32>,
          %swap3A_86 = vector.shape_cast %swap3A_85 : vector<1x1x16xf32> to vector<16xf32>
          %swap3A_87 = vector.shape_cast %mul3A_80 : vector<16xf32> to vector<1x1x16xf32>
          tpu.vector_store %arg13[%swap3A_82, %swap3A_83, %swap3A_84], %swap3A_87 {strides = array<i32>} : memref<2x100x32xf32, #tpu.memory_space<vmem>>, vector<1x1x16xf32>,
          %get3A_88 = arith.constant 1 : i32
          %get3A_89 = arith.index_cast %get3A_88 : i32 to index
          %get3A_90 = arith.index_cast %scan3A_52 : i32 to index
          %get3A_91 = arith.constant 0 : index
          %get3A_92 = tpu.vector_load %arg13[%get3A_89, %get3A_90, %get3A_91] {strides = array<i32>} : memref<2x100x32xf32, #tpu.memory_space<vmem>>, vector<1x1x16xf32>,
          %get3A_93 = vector.shape_cast %get3A_92 : vector<1x1x16xf32> to vector<16xf32>
          %get3A_94 = arith.index_cast %scan3A_52 : i32 to index
          %get3A_95 = arith.constant 32 : index
          %get3A_96 = tpu.vector_load %arg14[%get3A_94, %get3A_95] {strides = array<i32>} : memref<100x128xf32, #tpu.memory_space<vmem>>, vector<1x16xf32>,
          %get3A_97 = vector.shape_cast %get3A_96 : vector<1x16xf32> to vector<16xf32>
          %mul3A_98 = arith.mulf %get3A_93, %get3A_97 : vector<16xf32>
          %swap3A_99 = arith.constant 1 : i32
          %swap3A_100 = arith.index_cast %swap3A_99 : i32 to index
          %swap3A_101 = arith.index_cast %scan3A_52 : i32 to index
          %swap3A_102 = arith.constant 0 : index
          %swap3A_103 = tpu.vector_load %arg13[%swap3A_100, %swap3A_101, %swap3A_102] {strides = array<i32>} : memref<2x100x32xf32, #tpu.memory_space<vmem>>, vector<1x1x16xf32>,
          %swap3A_104 = vector.shape_cast %swap3A_103 : vector<1x1x16xf32> to vector<16xf32>
          %swap3A_105 = vector.shape_cast %mul3A_98 : vector<16xf32> to vector<1x1x16xf32>
          tpu.vector_store %arg13[%swap3A_100, %swap3A_101, %swap3A_102], %swap3A_105 {strides = array<i32>} : memref<2x100x32xf32, #tpu.memory_space<vmem>>, vector<1x1x16xf32>,
          %get3A_106 = arith.constant 1 : i32
          %get3A_107 = arith.index_cast %get3A_106 : i32 to index
          %get3A_108 = arith.index_cast %scan3A_52 : i32 to index
          %get3A_109 = arith.constant 16 : index
          %get3A_110 = tpu.vector_load %arg13[%get3A_107, %get3A_108, %get3A_109] {strides = array<i32>} : memref<2x100x32xf32, #tpu.memory_space<vmem>>, vector<1x1x16xf32>,
          %get3A_111 = vector.shape_cast %get3A_110 : vector<1x1x16xf32> to vector<16xf32>
          %get3A_112 = arith.index_cast %scan3A_52 : i32 to index
          %get3A_113 = arith.constant 48 : index
          %get3A_114 = tpu.vector_load %arg14[%get3A_112, %get3A_113] {strides = array<i32>} : memref<100x128xf32, #tpu.memory_space<vmem>>, vector<1x16xf32>,
          %get3A_115 = vector.shape_cast %get3A_114 : vector<1x16xf32> to vector<16xf32>
          %mul3A_116 = arith.mulf %get3A_111, %get3A_115 : vector<16xf32>
          %swap3A_117 = arith.constant 1 : i32
          %swap3A_118 = arith.index_cast %swap3A_117 : i32 to index
          %swap3A_119 = arith.index_cast %scan3A_52 : i32 to index
          %swap3A_120 = arith.constant 16 : index
          %swap3A_121 = tpu.vector_load %arg13[%swap3A_118, %swap3A_119, %swap3A_120] {strides = array<i32>} : memref<2x100x32xf32, #tpu.memory_space<vmem>>, vector<1x1x16xf32>,
          %swap3A_122 = vector.shape_cast %swap3A_121 : vector<1x1x16xf32> to vector<16xf32>
          %swap3A_123 = vector.shape_cast %mul3A_116 : vector<16xf32> to vector<1x1x16xf32>
          tpu.vector_store %arg13[%swap3A_118, %swap3A_119, %swap3A_120], %swap3A_123 {strides = array<i32>} : memref<2x100x32xf32, #tpu.memory_space<vmem>>, vector<1x1x16xf32>,
          %scan3A_124 = arith.constant 0 : i32
          scf.yield %scan3A_124 : i32
        }
        %scan3A_46 = arith.constant 100 : i32
        %run_scoped3A_47 = arith.constant 0 : i32
        %run_scoped3A_48 = arith.constant 0 : i32
        "tpu.region"() ({
          %run_scoped3A_52 = tpu.sem_alloc : memref<!tpu.dma_semaphore, #tpu.memory_space<semaphore_mem>>
          %dma_start3A = arith.constant 0 : i32
          %dma_start3A_53 = arith.constant 0 : i32
          %dma_start3A_54 = tpu.memref_slice %arg13[%run_scoped3A_47, %dma_start3A, %dma_start3A_53] : memref<2x100x32xf32, #tpu.memory_space<vmem>> -> memref<1x100x32xf32, #tpu.memory_space<vmem>>
          %dma_start3A_55 = tpu.memref_squeeze %dma_start3A_54 : memref<1x100x32xf32, #tpu.memory_space<vmem>> -> memref<100x32xf32, #tpu.memory_space<vmem>>
          %dma_start3A_56 = arith.constant 0 : i32
          %dma_start3A_57 = tpu.memref_slice %arg12[%run_scoped3A_48, %dma_start3A_56] : memref<2x100xi32, #tpu.memory_space<vmem>> -> memref<1x100xi32, #tpu.memory_space<vmem>>
          %dma_start3A_58 = tpu.memref_squeeze %dma_start3A_57 : memref<1x100xi32, #tpu.memory_space<vmem>> -> memref<100xi32, #tpu.memory_space<vmem>>
          %dma_start3A_59 = arith.constant 0 : i32
          %dma_start3A_60 = arith.constant 0 : i32
          %dma_start3A_61 = tpu.memref_slice %arg15[%dma_start3A_59, %dma_start3A_60] : memref<50000x32xf32, #tpu.memory_space<vmem_shared>> -> memref<50000x32xf32, #tpu.memory_space<vmem_shared>>
          tpu.enqueue_indirect_dma source(%dma_start3A_55 : memref<100x32xf32, #tpu.memory_space<vmem>>) target(%dma_start3A_61 : memref<50000x32xf32, #tpu.memory_space<vmem_shared>>) offsets(%dma_start3A_58 : memref<100xi32, #tpu.memory_space<vmem>>) semaphore(%run_scoped3A_52 : memref<!tpu.dma_semaphore, #tpu.memory_space<semaphore_mem>>) {add = true}
          %dma_wait3A = arith.constant 0 : i32
          %dma_wait3A_62 = arith.constant 0 : i32
          %dma_wait3A_63 = tpu.memref_slice %arg13[%run_scoped3A_47, %dma_wait3A, %dma_wait3A_62] : memref<2x100x32xf32, #tpu.memory_space<vmem>> -> memref<1x100x32xf32, #tpu.memory_space<vmem>>
          %dma_wait3A_64 = tpu.memref_squeeze %dma_wait3A_63 : memref<1x100x32xf32, #tpu.memory_space<vmem>> -> memref<100x32xf32, #tpu.memory_space<vmem>>
          %dma_wait3A_65 = arith.constant 0 : i32
          %dma_wait3A_66 = tpu.memref_slice %arg12[%run_scoped3A_48, %dma_wait3A_65] : memref<2x100xi32, #tpu.memory_space<vmem>> -> memref<1x100xi32, #tpu.memory_space<vmem>>
          %dma_wait3A_67 = tpu.memref_squeeze %dma_wait3A_66 : memref<1x100xi32, #tpu.memory_space<vmem>> -> memref<100xi32, #tpu.memory_space<vmem>>
          %dma_wait3A_68 = arith.constant 0 : i32
          %dma_wait3A_69 = arith.constant 0 : i32
          %dma_wait3A_70 = tpu.memref_slice %arg15[%dma_wait3A_68, %dma_wait3A_69] : memref<50000x32xf32, #tpu.memory_space<vmem_shared>> -> memref<50000x32xf32, #tpu.memory_space<vmem_shared>>
          tpu.wait_indirect_dma semaphore(%run_scoped3A_52 : memref<!tpu.dma_semaphore, #tpu.memory_space<semaphore_mem>>) src(%dma_wait3A_64 : memref<100x32xf32, #tpu.memory_space<vmem>>) dst(%dma_wait3A_70 : memref<50000x32xf32, #tpu.memory_space<vmem_shared>>)
          tpu.yield
        }) : () -> ()
        %run_scoped3A_49 = arith.constant 1 : i32
        %run_scoped3A_50 = arith.constant 1 : i32
        "tpu.region"() ({
          %run_scoped3A_52 = tpu.sem_alloc : memref<!tpu.dma_semaphore, #tpu.memory_space<semaphore_mem>>
          %dma_start3A = arith.constant 0 : i32
          %dma_start3A_53 = arith.constant 0 : i32
          %dma_start3A_54 = tpu.memref_slice %arg13[%run_scoped3A_49, %dma_start3A, %dma_start3A_53] : memref<2x100x32xf32, #tpu.memory_space<vmem>> -> memref<1x100x32xf32, #tpu.memory_space<vmem>>
          %dma_start3A_55 = tpu.memref_squeeze %dma_start3A_54 : memref<1x100x32xf32, #tpu.memory_space<vmem>> -> memref<100x32xf32, #tpu.memory_space<vmem>>
          %dma_start3A_56 = arith.constant 0 : i32
          %dma_start3A_57 = tpu.memref_slice %arg12[%run_scoped3A_50, %dma_start3A_56] : memref<2x100xi32, #tpu.memory_space<vmem>> -> memref<1x100xi32, #tpu.memory_space<vmem>>
          %dma_start3A_58 = tpu.memref_squeeze %dma_start3A_57 : memref<1x100xi32, #tpu.memory_space<vmem>> -> memref<100xi32, #tpu.memory_space<vmem>>
          %dma_start3A_59 = arith.constant 0 : i32
          %dma_start3A_60 = arith.constant 0 : i32
          %dma_start3A_61 = tpu.memref_slice %arg15[%dma_start3A_59, %dma_start3A_60] : memref<50000x32xf32, #tpu.memory_space<vmem_shared>> -> memref<50000x32xf32, #tpu.memory_space<vmem_shared>>
          tpu.enqueue_indirect_dma source(%dma_start3A_55 : memref<100x32xf32, #tpu.memory_space<vmem>>) target(%dma_start3A_61 : memref<50000x32xf32, #tpu.memory_space<vmem_shared>>) offsets(%dma_start3A_58 : memref<100xi32, #tpu.memory_space<vmem>>) semaphore(%run_scoped3A_52 : memref<!tpu.dma_semaphore, #tpu.memory_space<semaphore_mem>>) {add = true}
          %dma_wait3A = arith.constant 0 : i32
          %dma_wait3A_62 = arith.constant 0 : i32
          %dma_wait3A_63 = tpu.memref_slice %arg13[%run_scoped3A_49, %dma_wait3A, %dma_wait3A_62] : memref<2x100x32xf32, #tpu.memory_space<vmem>> -> memref<1x100x32xf32, #tpu.memory_space<vmem>>
          %dma_wait3A_64 = tpu.memref_squeeze %dma_wait3A_63 : memref<1x100x32xf32, #tpu.memory_space<vmem>> -> memref<100x32xf32, #tpu.memory_space<vmem>>
          %dma_wait3A_65 = arith.constant 0 : i32
          %dma_wait3A_66 = tpu.memref_slice %arg12[%run_scoped3A_50, %dma_wait3A_65] : memref<2x100xi32, #tpu.memory_space<vmem>> -> memref<1x100xi32, #tpu.memory_space<vmem>>
          %dma_wait3A_67 = tpu.memref_squeeze %dma_wait3A_66 : memref<1x100xi32, #tpu.memory_space<vmem>> -> memref<100xi32, #tpu.memory_space<vmem>>
          %dma_wait3A_68 = arith.constant 0 : i32
          %dma_wait3A_69 = arith.constant 0 : i32
          %dma_wait3A_70 = tpu.memref_slice %arg15[%dma_wait3A_68, %dma_wait3A_69] : memref<50000x32xf32, #tpu.memory_space<vmem_shared>> -> memref<50000x32xf32, #tpu.memory_space<vmem_shared>>
          tpu.wait_indirect_dma semaphore(%run_scoped3A_52 : memref<!tpu.dma_semaphore, #tpu.memory_space<semaphore_mem>>) src(%dma_wait3A_64 : memref<100x32xf32, #tpu.memory_space<vmem>>) dst(%dma_wait3A_70 : memref<50000x32xf32, #tpu.memory_space<vmem_shared>>)
          tpu.yield
        }) : () -> ()
        %scan3A_51 = arith.constant 0 : i32
        scf.yield %scan3A_51 : i32
      }
      %scan3A_19 = arith.constant 250 : i32
      %barrier3A_20 = arith.constant 0 : index
      tpu.barrier barrier_id(%barrier3A_20)
      %scan3A_21 = arith.constant 0 : i32
      %scan3A_22 = arith.constant 0 : i32
      %scan3A_23 = arith.constant 2 : i32
      %scan3A_24 = arith.addi %scan3A_22, %scan3A_23 : i32
      %scan3A_25 = arith.constant 1 : i32
      %scan3A_26 = scf.for %scan3A_28 = %scan3A_22 to %scan3A_24 step %scan3A_25 iter_args(%scan3A_29 = %scan3A_21) -> (i32)  : i32 {
        %mul3A = arith.constant 16 : i32
        %mul3A_30 = arith.muli %scan3A_28, %mul3A : i32
        %add3A = arith.addi %arg1, %mul3A_30 : i32
        %lt3A = arith.constant 25 : i32
        %lt3A_31 = arith.cmpi slt, %add3A, %lt3A : i32
        %convert_element_type3A_32 = arith.extui %lt3A_31 : i1 to i32
        %cond3A_33 = arith.constant 0 : i32
        %cond3A_34 = arith.cmpi ne, %convert_element_type3A_32, %cond3A_33 : i32
        scf.if %cond3A_34 {
          %mul3A_36 = arith.constant 2000 : i32
          %mul3A_37 = arith.muli %add3A, %mul3A_36 : i32
          %mul3A_38 = arith.constant 2000 : i32
          %mul3A_39 = arith.muli %add3A, %mul3A_38 : i32
          "tpu.region"() ({
            %run_scoped3A = tpu.sem_alloc : memref<!tpu.dma_semaphore, #tpu.memory_space<semaphore_mem>>
            %dma_start3A = arith.constant 0 : i32
            %dma_start3A_40 = tpu.memref_slice %arg10[%mul3A_39, %dma_start3A] : memref<50000x32xf32, #tpu.memory_space<hbm>> -> memref<2000x32xf32, #tpu.memory_space<hbm>>
            %dma_start3A_41 = arith.constant 0 : i32
            %dma_start3A_42 = tpu.memref_slice %arg15[%mul3A_37, %dma_start3A_41] : memref<50000x32xf32, #tpu.memory_space<vmem_shared>> -> memref<2000x32xf32, #tpu.memory_space<vmem_shared>>
            tpu.enqueue_dma source(%dma_start3A_42 : memref<2000x32xf32, #tpu.memory_space<vmem_shared>>) target(%dma_start3A_40 : memref<2000x32xf32, #tpu.memory_space<hbm>>) target_semaphore(%run_scoped3A : memref<!tpu.dma_semaphore, #tpu.memory_space<semaphore_mem>>)
            %dma_wait3A = arith.constant 0 : i32
            %dma_wait3A_43 = tpu.memref_slice %arg10[%mul3A_39, %dma_wait3A] : memref<50000x32xf32, #tpu.memory_space<hbm>> -> memref<2000x32xf32, #tpu.memory_space<hbm>>
            %dma_wait3A_44 = arith.constant 0 : i32
            %dma_wait3A_45 = tpu.memref_slice %arg15[%mul3A_37, %dma_wait3A_44] : memref<50000x32xf32, #tpu.memory_space<vmem_shared>> -> memref<2000x32xf32, #tpu.memory_space<vmem_shared>>
            tpu.wait_dma2 semaphore(%run_scoped3A : memref<!tpu.dma_semaphore, #tpu.memory_space<semaphore_mem>>) src(%dma_wait3A_45 : memref<2000x32xf32, #tpu.memory_space<vmem_shared>>) dst(%dma_wait3A_43 : memref<2000x32xf32, #tpu.memory_space<hbm>>)
            tpu.yield
          }) : () -> ()
        } else {
        }
        %scan3A_35 = arith.constant 0 : i32
        scf.yield %scan3A_35 : i32
      }
      %scan3A_27 = arith.constant 2 : i32
    } else {
    }
    return
  }
}

#map = affine_map<(d0, d1) -> (0, 0)>
module attributes {stable_mosaic.version = 14 : i64} {
  func.func @k(%arg0: i32, %arg1: i32, %arg2: memref<50000x32xf32, #tpu.memory_space<hbm>>, %arg3: memref<50000x32xf32, #tpu.memory_space<hbm>>, %arg4: memref<200000x128xf32, #tpu.memory_space<hbm>>, %arg5: memref<200000x128xf32, #tpu.memory_space<hbm>>, %arg6: memref<8000x100xi32, #tpu.memory_space<hbm>>, %arg7: memref<8000x100xi32, #tpu.memory_space<hbm>>, %arg8: memref<50000x32xf32, #tpu.memory_space<hbm>>, %arg9: memref<50000x32xf32, #tpu.memory_space<hbm>>, %arg10: memref<50000x32xf32, #tpu.memory_space<hbm>>, %arg11: memref<2x100xi32, #tpu.memory_space<vmem>>, %arg12: memref<2x100xi32, #tpu.memory_space<vmem>>, %arg13: memref<2x100x32xf32, #tpu.memory_space<vmem>>, %arg14: memref<100x128xf32, #tpu.memory_space<vmem>>, %arg15: memref<50000x32xf32, #tpu.memory_space<vmem_shared>>, %arg16: memref<!tpu.dma_semaphore, #tpu.memory_space<semaphore_mem>>) attributes {dimension_semantics = [#tpu.dimension_semantics<core_parallel>, #tpu.dimension_semantics<subcore_parallel>], iteration_bounds = array<i64: 2, 16>, scalar_prefetch = 0 : i64, scratch_operands = 6 : i64, tpu.core_type = #tpu.core_type<sc_vector_subcore>, window_params = [{transform_indices = #map}, {transform_indices = #map}, {transform_indices = #map}, {transform_indices = #map}, {transform_indices = #map}, {transform_indices = #map}, {transform_indices = #map}, {transform_indices = #map}, {transform_indices = #map}]} {
    %eq3A = arith.constant 0 : i32
    %eq3A_0 = arith.cmpi eq, %arg0, %eq3A : i32
    %convert_element_type3A = arith.extui %eq3A_0 : i1 to i32
    %cond3A = arith.constant 0 : i32
    %cond3A_1 = arith.cmpi ne, %convert_element_type3A, %cond3A : i32
    scf.if %cond3A_1 {
      %scan3A = arith.constant 0 : i32
      %scan3A_7 = arith.constant 0 : i32
      %scan3A_8 = arith.constant 2 : i32
      %scan3A_9 = arith.addi %scan3A_7, %scan3A_8 : i32
      %scan3A_10 = arith.constant 1 : i32
      %scan3A_11 = scf.for %scan3A_28 = %scan3A_7 to %scan3A_9 step %scan3A_10 iter_args(%scan3A_29 = %scan3A) -> (i32)  : i32 {
        %mul3A = arith.constant 16 : i32
        %mul3A_30 = arith.muli %scan3A_28, %mul3A : i32
        %add3A = arith.addi %arg1, %mul3A_30 : i32
        %lt3A = arith.constant 25 : i32
        %lt3A_31 = arith.cmpi slt, %add3A, %lt3A : i32
        %convert_element_type3A_32 = arith.extui %lt3A_31 : i1 to i32
        %cond3A_33 = arith.constant 0 : i32
        %cond3A_34 = arith.cmpi ne, %convert_element_type3A_32, %cond3A_33 : i32
        scf.if %cond3A_34 {
          %mul3A_36 = arith.constant 2000 : i32
          %mul3A_37 = arith.muli %add3A, %mul3A_36 : i32
          %mul3A_38 = arith.constant 2000 : i32
          %mul3A_39 = arith.muli %add3A, %mul3A_38 : i32
          "tpu.region"() ({
            %run_scoped3A = tpu.sem_alloc : memref<!tpu.dma_semaphore, #tpu.memory_space<semaphore_mem>>
            %dma_start3A = arith.constant 0 : i32
            %dma_start3A_40 = tpu.memref_slice %arg15[%mul3A_39, %dma_start3A] : memref<50000x32xf32, #tpu.memory_space<vmem_shared>> -> memref<2000x32xf32, #tpu.memory_space<vmem_shared>>
            %dma_start3A_41 = arith.constant 0 : i32
            %dma_start3A_42 = tpu.memref_slice %arg8[%mul3A_37, %dma_start3A_41] : memref<50000x32xf32, #tpu.memory_space<hbm>> -> memref<2000x32xf32, #tpu.memory_space<hbm>>
            tpu.enqueue_dma source(%dma_start3A_42 : memref<2000x32xf32, #tpu.memory_space<hbm>>) target(%dma_start3A_40 : memref<2000x32xf32, #tpu.memory_space<vmem_shared>>) target_semaphore(%run_scoped3A : memref<!tpu.dma_semaphore, #tpu.memory_space<semaphore_mem>>)
            %dma_wait3A = arith.constant 0 : i32
            %dma_wait3A_43 = tpu.memref_slice %arg15[%mul3A_39, %dma_wait3A] : memref<50000x32xf32, #tpu.memory_space<vmem_shared>> -> memref<2000x32xf32, #tpu.memory_space<vmem_shared>>
            %dma_wait3A_44 = arith.constant 0 : i32
            %dma_wait3A_45 = tpu.memref_slice %arg8[%mul3A_37, %dma_wait3A_44] : memref<50000x32xf32, #tpu.memory_space<hbm>> -> memref<2000x32xf32, #tpu.memory_space<hbm>>
            tpu.wait_dma2 semaphore(%run_scoped3A : memref<!tpu.dma_semaphore, #tpu.memory_space<semaphore_mem>>) src(%dma_wait3A_45 : memref<2000x32xf32, #tpu.memory_space<hbm>>) dst(%dma_wait3A_43 : memref<2000x32xf32, #tpu.memory_space<vmem_shared>>)
            tpu.yield
          }) : () -> ()
        } else {
        }
        %scan3A_35 = arith.constant 0 : i32
        scf.yield %scan3A_35 : i32
      }
      %scan3A_12 = arith.constant 2 : i32
      %barrier3A = arith.constant 0 : index
      tpu.barrier barrier_id(%barrier3A)
      %scan3A_13 = arith.constant 0 : i32
      %scan3A_14 = arith.constant 0 : i32
      %scan3A_15 = arith.constant 250 : i32
      %scan3A_16 = arith.addi %scan3A_14, %scan3A_15 : i32
      %scan3A_17 = arith.constant 1 : i32
      %scan3A_18 = scf.for %scan3A_28 = %scan3A_14 to %scan3A_16 step %scan3A_17 iter_args(%scan3A_29 = %scan3A_13) -> (i32)  : i32 {
        %mul3A = arith.constant 16 : i32
        %mul3A_30 = arith.muli %scan3A_28, %mul3A : i32
        %add3A = arith.addi %arg1, %mul3A_30 : i32
        %mul3A_31 = arith.constant 2 : i32
        %mul3A_32 = arith.muli %mul3A_31, %add3A : i32
        "tpu.region"() ({
          %run_scoped3A_52 = tpu.sem_alloc : memref<!tpu.dma_semaphore, #tpu.memory_space<semaphore_mem>>
          %dma_start3A = arith.constant 0 : i32
          %dma_start3A_53 = tpu.memref_slice %arg6[%mul3A_32, %dma_start3A] : memref<8000x100xi32, #tpu.memory_space<hbm>> -> memref<2x100xi32, #tpu.memory_space<hbm>>
          %dma_start3A_54 = arith.constant 0 : i32
          %dma_start3A_55 = tpu.memref_slice %arg6[%mul3A_32, %dma_start3A_54] : memref<8000x100xi32, #tpu.memory_space<hbm>> -> memref<2x100xi32, #tpu.memory_space<hbm>>
          tpu.enqueue_dma source(%dma_start3A_55 : memref<2x100xi32, #tpu.memory_space<hbm>>) target(%arg11 : memref<2x100xi32, #tpu.memory_space<vmem>>) target_semaphore(%run_scoped3A_52 : memref<!tpu.dma_semaphore, #tpu.memory_space<semaphore_mem>>)
          %dma_wait3A = arith.constant 0 : i32
          %dma_wait3A_56 = tpu.memref_slice %arg6[%mul3A_32, %dma_wait3A] : memref<8000x100xi32, #tpu.memory_space<hbm>> -> memref<2x100xi32, #tpu.memory_space<hbm>>
          %dma_wait3A_57 = arith.constant 0 : i32
          %dma_wait3A_58 = tpu.memref_slice %arg6[%mul3A_32, %dma_wait3A_57] : memref<8000x100xi32, #tpu.memory_space<hbm>> -> memref<2x100xi32, #tpu.memory_space<hbm>>
          tpu.wait_dma2 semaphore(%run_scoped3A_52 : memref<!tpu.dma_semaphore, #tpu.memory_space<semaphore_mem>>) src(%dma_wait3A_58 : memref<2x100xi32, #tpu.memory_space<hbm>>) dst(%arg11 : memref<2x100xi32, #tpu.memory_space<vmem>>)
          tpu.yield
        }) : () -> ()
        %mul3A_33 = arith.constant 2 : i32
        %mul3A_34 = arith.muli %mul3A_33, %add3A : i32
        "tpu.region"() ({
          %run_scoped3A_52 = tpu.sem_alloc : memref<!tpu.dma_semaphore, #tpu.memory_space<semaphore_mem>>
          %dma_start3A = arith.constant 0 : i32
          %dma_start3A_53 = tpu.memref_slice %arg7[%mul3A_34, %dma_start3A] : memref<8000x100xi32, #tpu.memory_space<hbm>> -> memref<2x100xi32, #tpu.memory_space<hbm>>
          %dma_start3A_54 = arith.constant 0 : i32
          %dma_start3A_55 = tpu.memref_slice %arg7[%mul3A_34, %dma_start3A_54] : memref<8000x100xi32, #tpu.memory_space<hbm>> -> memref<2x100xi32, #tpu.memory_space<hbm>>
          tpu.enqueue_dma source(%dma_start3A_55 : memref<2x100xi32, #tpu.memory_space<hbm>>) target(%arg12 : memref<2x100xi32, #tpu.memory_space<vmem>>) target_semaphore(%run_scoped3A_52 : memref<!tpu.dma_semaphore, #tpu.memory_space<semaphore_mem>>)
          %dma_wait3A = arith.constant 0 : i32
          %dma_wait3A_56 = tpu.memref_slice %arg7[%mul3A_34, %dma_wait3A] : memref<8000x100xi32, #tpu.memory_space<hbm>> -> memref<2x100xi32, #tpu.memory_space<hbm>>
          %dma_wait3A_57 = arith.constant 0 : i32
          %dma_wait3A_58 = tpu.memref_slice %arg7[%mul3A_34, %dma_wait3A_57] : memref<8000x100xi32, #tpu.memory_space<hbm>> -> memref<2x100xi32, #tpu.memory_space<hbm>>
          tpu.wait_dma2 semaphore(%run_scoped3A_52 : memref<!tpu.dma_semaphore, #tpu.memory_space<semaphore_mem>>) src(%dma_wait3A_58 : memref<2x100xi32, #tpu.memory_space<hbm>>) dst(%arg12 : memref<2x100xi32, #tpu.memory_space<vmem>>)
          tpu.yield
        }) : () -> ()
        %mul3A_35 = arith.constant 100 : i32
        %mul3A_36 = arith.muli %mul3A_35, %add3A : i32
        "tpu.region"() ({
          %run_scoped3A_52 = tpu.sem_alloc : memref<!tpu.dma_semaphore, #tpu.memory_space<semaphore_mem>>
          %dma_start3A = arith.constant 0 : i32
          %dma_start3A_53 = tpu.memref_slice %arg4[%mul3A_36, %dma_start3A] : memref<200000x128xf32, #tpu.memory_space<hbm>> -> memref<100x128xf32, #tpu.memory_space<hbm>>
          %dma_start3A_54 = arith.constant 0 : i32
          %dma_start3A_55 = tpu.memref_slice %arg4[%mul3A_36, %dma_start3A_54] : memref<200000x128xf32, #tpu.memory_space<hbm>> -> memref<100x128xf32, #tpu.memory_space<hbm>>
          tpu.enqueue_dma source(%dma_start3A_55 : memref<100x128xf32, #tpu.memory_space<hbm>>) target(%arg14 : memref<100x128xf32, #tpu.memory_space<vmem>>) target_semaphore(%run_scoped3A_52 : memref<!tpu.dma_semaphore, #tpu.memory_space<semaphore_mem>>)
          %dma_wait3A = arith.constant 0 : i32
          %dma_wait3A_56 = tpu.memref_slice %arg4[%mul3A_36, %dma_wait3A] : memref<200000x128xf32, #tpu.memory_space<hbm>> -> memref<100x128xf32, #tpu.memory_space<hbm>>
          %dma_wait3A_57 = arith.constant 0 : i32
          %dma_wait3A_58 = tpu.memref_slice %arg4[%mul3A_36, %dma_wait3A_57] : memref<200000x128xf32, #tpu.memory_space<hbm>> -> memref<100x128xf32, #tpu.memory_space<hbm>>
          tpu.wait_dma2 semaphore(%run_scoped3A_52 : memref<!tpu.dma_semaphore, #tpu.memory_space<semaphore_mem>>) src(%dma_wait3A_58 : memref<100x128xf32, #tpu.memory_space<hbm>>) dst(%arg14 : memref<100x128xf32, #tpu.memory_space<vmem>>)
          tpu.yield
        }) : () -> ()
        %run_scoped3A = arith.constant 0 : i32
        %run_scoped3A_37 = arith.constant 0 : i32
        "tpu.region"() ({
          %run_scoped3A_52 = tpu.sem_alloc : memref<!tpu.dma_semaphore, #tpu.memory_space<semaphore_mem>>
          %dma_start3A = arith.constant 0 : i32
          %dma_start3A_53 = arith.constant 0 : i32
          %dma_start3A_54 = tpu.memref_slice %arg13[%run_scoped3A_37, %dma_start3A, %dma_start3A_53] : memref<2x100x32xf32, #tpu.memory_space<vmem>> -> memref<1x100x32xf32, #tpu.memory_space<vmem>>
          %dma_start3A_55 = tpu.memref_squeeze %dma_start3A_54 : memref<1x100x32xf32, #tpu.memory_space<vmem>> -> memref<100x32xf32, #tpu.memory_space<vmem>>
          %dma_start3A_56 = arith.constant 0 : i32
          %dma_start3A_57 = tpu.memref_slice %arg11[%run_scoped3A, %dma_start3A_56] : memref<2x100xi32, #tpu.memory_space<vmem>> -> memref<1x100xi32, #tpu.memory_space<vmem>>
          %dma_start3A_58 = tpu.memref_squeeze %dma_start3A_57 : memref<1x100xi32, #tpu.memory_space<vmem>> -> memref<100xi32, #tpu.memory_space<vmem>>
          %dma_start3A_59 = arith.constant 0 : i32
          %dma_start3A_60 = arith.constant 0 : i32
          %dma_start3A_61 = tpu.memref_slice %arg2[%dma_start3A_59, %dma_start3A_60] : memref<50000x32xf32, #tpu.memory_space<hbm>> -> memref<50000x32xf32, #tpu.memory_space<hbm>>
          tpu.enqueue_indirect_dma source(%dma_start3A_61 : memref<50000x32xf32, #tpu.memory_space<hbm>>) target(%dma_start3A_55 : memref<100x32xf32, #tpu.memory_space<vmem>>) offsets(%dma_start3A_58 : memref<100xi32, #tpu.memory_space<vmem>>) semaphore(%run_scoped3A_52 : memref<!tpu.dma_semaphore, #tpu.memory_space<semaphore_mem>>)
          %dma_wait3A = arith.constant 0 : i32
          %dma_wait3A_62 = arith.constant 0 : i32
          %dma_wait3A_63 = tpu.memref_slice %arg13[%run_scoped3A_37, %dma_wait3A, %dma_wait3A_62] : memref<2x100x32xf32, #tpu.memory_space<vmem>> -> memref<1x100x32xf32, #tpu.memory_space<vmem>>
          %dma_wait3A_64 = tpu.memref_squeeze %dma_wait3A_63 : memref<1x100x32xf32, #tpu.memory_space<vmem>> -> memref<100x32xf32, #tpu.memory_space<vmem>>
          %dma_wait3A_65 = arith.constant 0 : i32
          %dma_wait3A_66 = tpu.memref_slice %arg11[%run_scoped3A, %dma_wait3A_65] : memref<2x100xi32, #tpu.memory_space<vmem>> -> memref<1x100xi32, #tpu.memory_space<vmem>>
          %dma_wait3A_67 = tpu.memref_squeeze %dma_wait3A_66 : memref<1x100xi32, #tpu.memory_space<vmem>> -> memref<100xi32, #tpu.memory_space<vmem>>
          %dma_wait3A_68 = arith.constant 0 : i32
          %dma_wait3A_69 = arith.constant 0 : i32
          %dma_wait3A_70 = tpu.memref_slice %arg2[%dma_wait3A_68, %dma_wait3A_69] : memref<50000x32xf32, #tpu.memory_space<hbm>> -> memref<50000x32xf32, #tpu.memory_space<hbm>>
          tpu.wait_indirect_dma semaphore(%run_scoped3A_52 : memref<!tpu.dma_semaphore, #tpu.memory_space<semaphore_mem>>) src(%dma_wait3A_70 : memref<50000x32xf32, #tpu.memory_space<hbm>>) dst(%dma_wait3A_64 : memref<100x32xf32, #tpu.memory_space<vmem>>)
          tpu.yield
        }) : () -> ()
        %run_scoped3A_38 = arith.constant 1 : i32
        %run_scoped3A_39 = arith.constant 1 : i32
        "tpu.region"() ({
          %run_scoped3A_52 = tpu.sem_alloc : memref<!tpu.dma_semaphore, #tpu.memory_space<semaphore_mem>>
          %dma_start3A = arith.constant 0 : i32
          %dma_start3A_53 = arith.constant 0 : i32
          %dma_start3A_54 = tpu.memref_slice %arg13[%run_scoped3A_39, %dma_start3A, %dma_start3A_53] : memref<2x100x32xf32, #tpu.memory_space<vmem>> -> memref<1x100x32xf32, #tpu.memory_space<vmem>>
          %dma_start3A_55 = tpu.memref_squeeze %dma_start3A_54 : memref<1x100x32xf32, #tpu.memory_space<vmem>> -> memref<100x32xf32, #tpu.memory_space<vmem>>
          %dma_start3A_56 = arith.constant 0 : i32
          %dma_start3A_57 = tpu.memref_slice %arg11[%run_scoped3A_38, %dma_start3A_56] : memref<2x100xi32, #tpu.memory_space<vmem>> -> memref<1x100xi32, #tpu.memory_space<vmem>>
          %dma_start3A_58 = tpu.memref_squeeze %dma_start3A_57 : memref<1x100xi32, #tpu.memory_space<vmem>> -> memref<100xi32, #tpu.memory_space<vmem>>
          %dma_start3A_59 = arith.constant 0 : i32
          %dma_start3A_60 = arith.constant 0 : i32
          %dma_start3A_61 = tpu.memref_slice %arg2[%dma_start3A_59, %dma_start3A_60] : memref<50000x32xf32, #tpu.memory_space<hbm>> -> memref<50000x32xf32, #tpu.memory_space<hbm>>
          tpu.enqueue_indirect_dma source(%dma_start3A_61 : memref<50000x32xf32, #tpu.memory_space<hbm>>) target(%dma_start3A_55 : memref<100x32xf32, #tpu.memory_space<vmem>>) offsets(%dma_start3A_58 : memref<100xi32, #tpu.memory_space<vmem>>) semaphore(%run_scoped3A_52 : memref<!tpu.dma_semaphore, #tpu.memory_space<semaphore_mem>>)
          %dma_wait3A = arith.constant 0 : i32
          %dma_wait3A_62 = arith.constant 0 : i32
          %dma_wait3A_63 = tpu.memref_slice %arg13[%run_scoped3A_39, %dma_wait3A, %dma_wait3A_62] : memref<2x100x32xf32, #tpu.memory_space<vmem>> -> memref<1x100x32xf32, #tpu.memory_space<vmem>>
          %dma_wait3A_64 = tpu.memref_squeeze %dma_wait3A_63 : memref<1x100x32xf32, #tpu.memory_space<vmem>> -> memref<100x32xf32, #tpu.memory_space<vmem>>
          %dma_wait3A_65 = arith.constant 0 : i32
          %dma_wait3A_66 = tpu.memref_slice %arg11[%run_scoped3A_38, %dma_wait3A_65] : memref<2x100xi32, #tpu.memory_space<vmem>> -> memref<1x100xi32, #tpu.memory_space<vmem>>
          %dma_wait3A_67 = tpu.memref_squeeze %dma_wait3A_66 : memref<1x100xi32, #tpu.memory_space<vmem>> -> memref<100xi32, #tpu.memory_space<vmem>>
          %dma_wait3A_68 = arith.constant 0 : i32
          %dma_wait3A_69 = arith.constant 0 : i32
          %dma_wait3A_70 = tpu.memref_slice %arg2[%dma_wait3A_68, %dma_wait3A_69] : memref<50000x32xf32, #tpu.memory_space<hbm>> -> memref<50000x32xf32, #tpu.memory_space<hbm>>
          tpu.wait_indirect_dma semaphore(%run_scoped3A_52 : memref<!tpu.dma_semaphore, #tpu.memory_space<semaphore_mem>>) src(%dma_wait3A_70 : memref<50000x32xf32, #tpu.memory_space<hbm>>) dst(%dma_wait3A_64 : memref<100x32xf32, #tpu.memory_space<vmem>>)
          tpu.yield
        }) : () -> ()
        %scan3A_40 = arith.constant 0 : i32
        %scan3A_41 = arith.constant 0 : i32
        %scan3A_42 = arith.constant 100 : i32
        %scan3A_43 = arith.addi %scan3A_41, %scan3A_42 : i32
        %scan3A_44 = arith.constant 1 : i32
        %scan3A_45 = scf.for %scan3A_52 = %scan3A_41 to %scan3A_43 step %scan3A_44 iter_args(%scan3A_53 = %scan3A_40) -> (i32)  : i32 {
          %get3A = arith.constant 0 : i32
          %get3A_54 = arith.index_cast %get3A : i32 to index
          %get3A_55 = arith.index_cast %scan3A_52 : i32 to index
          %get3A_56 = arith.constant 0 : index
          %get3A_57 = tpu.vector_load %arg13[%get3A_54, %get3A_55, %get3A_56] {strides = array<i32>} : memref<2x100x32xf32, #tpu.memory_space<vmem>>, vector<1x1x16xf32>,
          %get3A_58 = vector.shape_cast %get3A_57 : vector<1x1x16xf32> to vector<16xf32>
          %get3A_59 = arith.index_cast %scan3A_52 : i32 to index
          %get3A_60 = arith.constant 0 : index
          %get3A_61 = tpu.vector_load %arg14[%get3A_59, %get3A_60] {strides = array<i32>} : memref<100x128xf32, #tpu.memory_space<vmem>>, vector<1x16xf32>,
          %get3A_62 = vector.shape_cast %get3A_61 : vector<1x16xf32> to vector<16xf32>
          %mul3A_63 = arith.mulf %get3A_58, %get3A_62 : vector<16xf32>
          %swap3A = arith.constant 0 : i32
          %swap3A_64 = arith.index_cast %swap3A : i32 to index
          %swap3A_65 = arith.index_cast %scan3A_52 : i32 to index
          %swap3A_66 = arith.constant 0 : index
          %swap3A_67 = tpu.vector_load %arg13[%swap3A_64, %swap3A_65, %swap3A_66] {strides = array<i32>} : memref<2x100x32xf32, #tpu.memory_space<vmem>>, vector<1x1x16xf32>,
          %swap3A_68 = vector.shape_cast %swap3A_67 : vector<1x1x16xf32> to vector<16xf32>
          %swap3A_69 = vector.shape_cast %mul3A_63 : vector<16xf32> to vector<1x1x16xf32>
          tpu.vector_store %arg13[%swap3A_64, %swap3A_65, %swap3A_66], %swap3A_69 {strides = array<i32>} : memref<2x100x32xf32, #tpu.memory_space<vmem>>, vector<1x1x16xf32>,
          %get3A_70 = arith.constant 0 : i32
          %get3A_71 = arith.index_cast %get3A_70 : i32 to index
          %get3A_72 = arith.index_cast %scan3A_52 : i32 to index
          %get3A_73 = arith.constant 16 : index
          %get3A_74 = tpu.vector_load %arg13[%get3A_71, %get3A_72, %get3A_73] {strides = array<i32>} : memref<2x100x32xf32, #tpu.memory_space<vmem>>, vector<1x1x16xf32>,
          %get3A_75 = vector.shape_cast %get3A_74 : vector<1x1x16xf32> to vector<16xf32>
          %get3A_76 = arith.index_cast %scan3A_52 : i32 to index
          %get3A_77 = arith.constant 16 : index
          %get3A_78 = tpu.vector_load %arg14[%get3A_76, %get3A_77] {strides = array<i32>} : memref<100x128xf32, #tpu.memory_space<vmem>>, vector<1x16xf32>,
          %get3A_79 = vector.shape_cast %get3A_78 : vector<1x16xf32> to vector<16xf32>
          %mul3A_80 = arith.mulf %get3A_75, %get3A_79 : vector<16xf32>
          %swap3A_81 = arith.constant 0 : i32
          %swap3A_82 = arith.index_cast %swap3A_81 : i32 to index
          %swap3A_83 = arith.index_cast %scan3A_52 : i32 to index
          %swap3A_84 = arith.constant 16 : index
          %swap3A_85 = tpu.vector_load %arg13[%swap3A_82, %swap3A_83, %swap3A_84] {strides = array<i32>} : memref<2x100x32xf32, #tpu.memory_space<vmem>>, vector<1x1x16xf32>,
          %swap3A_86 = vector.shape_cast %swap3A_85 : vector<1x1x16xf32> to vector<16xf32>
          %swap3A_87 = vector.shape_cast %mul3A_80 : vector<16xf32> to vector<1x1x16xf32>
          tpu.vector_store %arg13[%swap3A_82, %swap3A_83, %swap3A_84], %swap3A_87 {strides = array<i32>} : memref<2x100x32xf32, #tpu.memory_space<vmem>>, vector<1x1x16xf32>,
          %get3A_88 = arith.constant 1 : i32
          %get3A_89 = arith.index_cast %get3A_88 : i32 to index
          %get3A_90 = arith.index_cast %scan3A_52 : i32 to index
          %get3A_91 = arith.constant 0 : index
          %get3A_92 = tpu.vector_load %arg13[%get3A_89, %get3A_90, %get3A_91] {strides = array<i32>} : memref<2x100x32xf32, #tpu.memory_space<vmem>>, vector<1x1x16xf32>,
          %get3A_93 = vector.shape_cast %get3A_92 : vector<1x1x16xf32> to vector<16xf32>
          %get3A_94 = arith.index_cast %scan3A_52 : i32 to index
          %get3A_95 = arith.constant 32 : index
          %get3A_96 = tpu.vector_load %arg14[%get3A_94, %get3A_95] {strides = array<i32>} : memref<100x128xf32, #tpu.memory_space<vmem>>, vector<1x16xf32>,
          %get3A_97 = vector.shape_cast %get3A_96 : vector<1x16xf32> to vector<16xf32>
          %mul3A_98 = arith.mulf %get3A_93, %get3A_97 : vector<16xf32>
          %swap3A_99 = arith.constant 1 : i32
          %swap3A_100 = arith.index_cast %swap3A_99 : i32 to index
          %swap3A_101 = arith.index_cast %scan3A_52 : i32 to index
          %swap3A_102 = arith.constant 0 : index
          %swap3A_103 = tpu.vector_load %arg13[%swap3A_100, %swap3A_101, %swap3A_102] {strides = array<i32>} : memref<2x100x32xf32, #tpu.memory_space<vmem>>, vector<1x1x16xf32>,
          %swap3A_104 = vector.shape_cast %swap3A_103 : vector<1x1x16xf32> to vector<16xf32>
          %swap3A_105 = vector.shape_cast %mul3A_98 : vector<16xf32> to vector<1x1x16xf32>
          tpu.vector_store %arg13[%swap3A_100, %swap3A_101, %swap3A_102], %swap3A_105 {strides = array<i32>} : memref<2x100x32xf32, #tpu.memory_space<vmem>>, vector<1x1x16xf32>,
          %get3A_106 = arith.constant 1 : i32
          %get3A_107 = arith.index_cast %get3A_106 : i32 to index
          %get3A_108 = arith.index_cast %scan3A_52 : i32 to index
          %get3A_109 = arith.constant 16 : index
          %get3A_110 = tpu.vector_load %arg13[%get3A_107, %get3A_108, %get3A_109] {strides = array<i32>} : memref<2x100x32xf32, #tpu.memory_space<vmem>>, vector<1x1x16xf32>,
          %get3A_111 = vector.shape_cast %get3A_110 : vector<1x1x16xf32> to vector<16xf32>
          %get3A_112 = arith.index_cast %scan3A_52 : i32 to index
          %get3A_113 = arith.constant 48 : index
          %get3A_114 = tpu.vector_load %arg14[%get3A_112, %get3A_113] {strides = array<i32>} : memref<100x128xf32, #tpu.memory_space<vmem>>, vector<1x16xf32>,
          %get3A_115 = vector.shape_cast %get3A_114 : vector<1x16xf32> to vector<16xf32>
          %mul3A_116 = arith.mulf %get3A_111, %get3A_115 : vector<16xf32>
          %swap3A_117 = arith.constant 1 : i32
          %swap3A_118 = arith.index_cast %swap3A_117 : i32 to index
          %swap3A_119 = arith.index_cast %scan3A_52 : i32 to index
          %swap3A_120 = arith.constant 16 : index
          %swap3A_121 = tpu.vector_load %arg13[%swap3A_118, %swap3A_119, %swap3A_120] {strides = array<i32>} : memref<2x100x32xf32, #tpu.memory_space<vmem>>, vector<1x1x16xf32>,
          %swap3A_122 = vector.shape_cast %swap3A_121 : vector<1x1x16xf32> to vector<16xf32>
          %swap3A_123 = vector.shape_cast %mul3A_116 : vector<16xf32> to vector<1x1x16xf32>
          tpu.vector_store %arg13[%swap3A_118, %swap3A_119, %swap3A_120], %swap3A_123 {strides = array<i32>} : memref<2x100x32xf32, #tpu.memory_space<vmem>>, vector<1x1x16xf32>,
          %scan3A_124 = arith.constant 0 : i32
          scf.yield %scan3A_124 : i32
        }
        %scan3A_46 = arith.constant 100 : i32
        %run_scoped3A_47 = arith.constant 0 : i32
        %run_scoped3A_48 = arith.constant 0 : i32
        "tpu.region"() ({
          %run_scoped3A_52 = tpu.sem_alloc : memref<!tpu.dma_semaphore, #tpu.memory_space<semaphore_mem>>
          %dma_start3A = arith.constant 0 : i32
          %dma_start3A_53 = arith.constant 0 : i32
          %dma_start3A_54 = tpu.memref_slice %arg13[%run_scoped3A_47, %dma_start3A, %dma_start3A_53] : memref<2x100x32xf32, #tpu.memory_space<vmem>> -> memref<1x100x32xf32, #tpu.memory_space<vmem>>
          %dma_start3A_55 = tpu.memref_squeeze %dma_start3A_54 : memref<1x100x32xf32, #tpu.memory_space<vmem>> -> memref<100x32xf32, #tpu.memory_space<vmem>>
          %dma_start3A_56 = arith.constant 0 : i32
          %dma_start3A_57 = tpu.memref_slice %arg12[%run_scoped3A_48, %dma_start3A_56] : memref<2x100xi32, #tpu.memory_space<vmem>> -> memref<1x100xi32, #tpu.memory_space<vmem>>
          %dma_start3A_58 = tpu.memref_squeeze %dma_start3A_57 : memref<1x100xi32, #tpu.memory_space<vmem>> -> memref<100xi32, #tpu.memory_space<vmem>>
          %dma_start3A_59 = arith.constant 0 : i32
          %dma_start3A_60 = arith.constant 0 : i32
          %dma_start3A_61 = tpu.memref_slice %arg15[%dma_start3A_59, %dma_start3A_60] : memref<50000x32xf32, #tpu.memory_space<vmem_shared>> -> memref<50000x32xf32, #tpu.memory_space<vmem_shared>>
          tpu.enqueue_indirect_dma source(%dma_start3A_55 : memref<100x32xf32, #tpu.memory_space<vmem>>) target(%dma_start3A_61 : memref<50000x32xf32, #tpu.memory_space<vmem_shared>>) offsets(%dma_start3A_58 : memref<100xi32, #tpu.memory_space<vmem>>) semaphore(%run_scoped3A_52 : memref<!tpu.dma_semaphore, #tpu.memory_space<semaphore_mem>>) {add = true}
          %dma_wait3A = arith.constant 0 : i32
          %dma_wait3A_62 = arith.constant 0 : i32
          %dma_wait3A_63 = tpu.memref_slice %arg13[%run_scoped3A_47, %dma_wait3A, %dma_wait3A_62] : memref<2x100x32xf32, #tpu.memory_space<vmem>> -> memref<1x100x32xf32, #tpu.memory_space<vmem>>
          %dma_wait3A_64 = tpu.memref_squeeze %dma_wait3A_63 : memref<1x100x32xf32, #tpu.memory_space<vmem>> -> memref<100x32xf32, #tpu.memory_space<vmem>>
          %dma_wait3A_65 = arith.constant 0 : i32
          %dma_wait3A_66 = tpu.memref_slice %arg12[%run_scoped3A_48, %dma_wait3A_65] : memref<2x100xi32, #tpu.memory_space<vmem>> -> memref<1x100xi32, #tpu.memory_space<vmem>>
          %dma_wait3A_67 = tpu.memref_squeeze %dma_wait3A_66 : memref<1x100xi32, #tpu.memory_space<vmem>> -> memref<100xi32, #tpu.memory_space<vmem>>
          %dma_wait3A_68 = arith.constant 0 : i32
          %dma_wait3A_69 = arith.constant 0 : i32
          %dma_wait3A_70 = tpu.memref_slice %arg15[%dma_wait3A_68, %dma_wait3A_69] : memref<50000x32xf32, #tpu.memory_space<vmem_shared>> -> memref<50000x32xf32, #tpu.memory_space<vmem_shared>>
          tpu.wait_indirect_dma semaphore(%run_scoped3A_52 : memref<!tpu.dma_semaphore, #tpu.memory_space<semaphore_mem>>) src(%dma_wait3A_64 : memref<100x32xf32, #tpu.memory_space<vmem>>) dst(%dma_wait3A_70 : memref<50000x32xf32, #tpu.memory_space<vmem_shared>>)
          tpu.yield
        }) : () -> ()
        %run_scoped3A_49 = arith.constant 1 : i32
        %run_scoped3A_50 = arith.constant 1 : i32
        "tpu.region"() ({
          %run_scoped3A_52 = tpu.sem_alloc : memref<!tpu.dma_semaphore, #tpu.memory_space<semaphore_mem>>
          %dma_start3A = arith.constant 0 : i32
          %dma_start3A_53 = arith.constant 0 : i32
          %dma_start3A_54 = tpu.memref_slice %arg13[%run_scoped3A_49, %dma_start3A, %dma_start3A_53] : memref<2x100x32xf32, #tpu.memory_space<vmem>> -> memref<1x100x32xf32, #tpu.memory_space<vmem>>
          %dma_start3A_55 = tpu.memref_squeeze %dma_start3A_54 : memref<1x100x32xf32, #tpu.memory_space<vmem>> -> memref<100x32xf32, #tpu.memory_space<vmem>>
          %dma_start3A_56 = arith.constant 0 : i32
          %dma_start3A_57 = tpu.memref_slice %arg12[%run_scoped3A_50, %dma_start3A_56] : memref<2x100xi32, #tpu.memory_space<vmem>> -> memref<1x100xi32, #tpu.memory_space<vmem>>
          %dma_start3A_58 = tpu.memref_squeeze %dma_start3A_57 : memref<1x100xi32, #tpu.memory_space<vmem>> -> memref<100xi32, #tpu.memory_space<vmem>>
          %dma_start3A_59 = arith.constant 0 : i32
          %dma_start3A_60 = arith.constant 0 : i32
          %dma_start3A_61 = tpu.memref_slice %arg15[%dma_start3A_59, %dma_start3A_60] : memref<50000x32xf32, #tpu.memory_space<vmem_shared>> -> memref<50000x32xf32, #tpu.memory_space<vmem_shared>>
          tpu.enqueue_indirect_dma source(%dma_start3A_55 : memref<100x32xf32, #tpu.memory_space<vmem>>) target(%dma_start3A_61 : memref<50000x32xf32, #tpu.memory_space<vmem_shared>>) offsets(%dma_start3A_58 : memref<100xi32, #tpu.memory_space<vmem>>) semaphore(%run_scoped3A_52 : memref<!tpu.dma_semaphore, #tpu.memory_space<semaphore_mem>>) {add = true}
          %dma_wait3A = arith.constant 0 : i32
          %dma_wait3A_62 = arith.constant 0 : i32
          %dma_wait3A_63 = tpu.memref_slice %arg13[%run_scoped3A_49, %dma_wait3A, %dma_wait3A_62] : memref<2x100x32xf32, #tpu.memory_space<vmem>> -> memref<1x100x32xf32, #tpu.memory_space<vmem>>
          %dma_wait3A_64 = tpu.memref_squeeze %dma_wait3A_63 : memref<1x100x32xf32, #tpu.memory_space<vmem>> -> memref<100x32xf32, #tpu.memory_space<vmem>>
          %dma_wait3A_65 = arith.constant 0 : i32
          %dma_wait3A_66 = tpu.memref_slice %arg12[%run_scoped3A_50, %dma_wait3A_65] : memref<2x100xi32, #tpu.memory_space<vmem>> -> memref<1x100xi32, #tpu.memory_space<vmem>>
          %dma_wait3A_67 = tpu.memref_squeeze %dma_wait3A_66 : memref<1x100xi32, #tpu.memory_space<vmem>> -> memref<100xi32, #tpu.memory_space<vmem>>
          %dma_wait3A_68 = arith.constant 0 : i32
          %dma_wait3A_69 = arith.constant 0 : i32
          %dma_wait3A_70 = tpu.memref_slice %arg15[%dma_wait3A_68, %dma_wait3A_69] : memref<50000x32xf32, #tpu.memory_space<vmem_shared>> -> memref<50000x32xf32, #tpu.memory_space<vmem_shared>>
          tpu.wait_indirect_dma semaphore(%run_scoped3A_52 : memref<!tpu.dma_semaphore, #tpu.memory_space<semaphore_mem>>) src(%dma_wait3A_64 : memref<100x32xf32, #tpu.memory_space<vmem>>) dst(%dma_wait3A_70 : memref<50000x32xf32, #tpu.memory_space<vmem_shared>>)
          tpu.yield
        }) : () -> ()
        %scan3A_51 = arith.constant 0 : i32
        scf.yield %scan3A_51 : i32
      }
      %scan3A_19 = arith.constant 250 : i32
      %barrier3A_20 = arith.constant 0 : index
      tpu.barrier barrier_id(%barrier3A_20)
      %scan3A_21 = arith.constant 0 : i32
      %scan3A_22 = arith.constant 0 : i32
      %scan3A_23 = arith.constant 2 : i32
      %scan3A_24 = arith.addi %scan3A_22, %scan3A_23 : i32
      %scan3A_25 = arith.constant 1 : i32
      %scan3A_26 = scf.for %scan3A_28 = %scan3A_22 to %scan3A_24 step %scan3A_25 iter_args(%scan3A_29 = %scan3A_21) -> (i32)  : i32 {
        %mul3A = arith.constant 16 : i32
        %mul3A_30 = arith.muli %scan3A_28, %mul3A : i32
        %add3A = arith.addi %arg1, %mul3A_30 : i32
        %lt3A = arith.constant 25 : i32
        %lt3A_31 = arith.cmpi slt, %add3A, %lt3A : i32
        %convert_element_type3A_32 = arith.extui %lt3A_31 : i1 to i32
        %cond3A_33 = arith.constant 0 : i32
        %cond3A_34 = arith.cmpi ne, %convert_element_type3A_32, %cond3A_33 : i32
        scf.if %cond3A_34 {
          %mul3A_36 = arith.constant 2000 : i32
          %mul3A_37 = arith.muli %add3A, %mul3A_36 : i32
          %mul3A_38 = arith.constant 2000 : i32
          %mul3A_39 = arith.muli %add3A, %mul3A_38 : i32
          "tpu.region"() ({
            %run_scoped3A = tpu.sem_alloc : memref<!tpu.dma_semaphore, #tpu.memory_space<semaphore_mem>>
            %dma_start3A = arith.constant 0 : i32
            %dma_start3A_40 = tpu.memref_slice %arg9[%mul3A_39, %dma_start3A] : memref<50000x32xf32, #tpu.memory_space<hbm>> -> memref<2000x32xf32, #tpu.memory_space<hbm>>
            %dma_start3A_41 = arith.constant 0 : i32
            %dma_start3A_42 = tpu.memref_slice %arg15[%mul3A_37, %dma_start3A_41] : memref<50000x32xf32, #tpu.memory_space<vmem_shared>> -> memref<2000x32xf32, #tpu.memory_space<vmem_shared>>
            tpu.enqueue_dma source(%dma_start3A_42 : memref<2000x32xf32, #tpu.memory_space<vmem_shared>>) target(%dma_start3A_40 : memref<2000x32xf32, #tpu.memory_space<hbm>>) target_semaphore(%run_scoped3A : memref<!tpu.dma_semaphore, #tpu.memory_space<semaphore_mem>>)
            %dma_wait3A = arith.constant 0 : i32
            %dma_wait3A_43 = tpu.memref_slice %arg9[%mul3A_39, %dma_wait3A] : memref<50000x32xf32, #tpu.memory_space<hbm>> -> memref<2000x32xf32, #tpu.memory_space<hbm>>
            %dma_wait3A_44 = arith.constant 0 : i32
            %dma_wait3A_45 = tpu.memref_slice %arg15[%mul3A_37, %dma_wait3A_44] : memref<50000x32xf32, #tpu.memory_space<vmem_shared>> -> memref<2000x32xf32, #tpu.memory_space<vmem_shared>>
            tpu.wait_dma2 semaphore(%run_scoped3A : memref<!tpu.dma_semaphore, #tpu.memory_space<semaphore_mem>>) src(%dma_wait3A_45 : memref<2000x32xf32, #tpu.memory_space<vmem_shared>>) dst(%dma_wait3A_43 : memref<2000x32xf32, #tpu.memory_space<hbm>>)
            tpu.yield
          }) : () -> ()
        } else {
        }
        %scan3A_35 = arith.constant 0 : i32
        scf.yield %scan3A_35 : i32
      }
      %scan3A_27 = arith.constant 2 : i32
    } else {
    }
    %eq3A_2 = arith.constant 1 : i32
    %eq3A_3 = arith.cmpi eq, %arg0, %eq3A_2 : i32
    %convert_element_type3A_4 = arith.extui %eq3A_3 : i1 to i32
    %cond3A_5 = arith.constant 0 : i32
    %cond3A_6 = arith.cmpi ne, %convert_element_type3A_4, %cond3A_5 : i32
    scf.if %cond3A_6 {
      %scan3A = arith.constant 0 : i32
      %scan3A_7 = arith.constant 0 : i32
      %scan3A_8 = arith.constant 2 : i32
      %scan3A_9 = arith.addi %scan3A_7, %scan3A_8 : i32
      %scan3A_10 = arith.constant 1 : i32
      %scan3A_11 = scf.for %scan3A_28 = %scan3A_7 to %scan3A_9 step %scan3A_10 iter_args(%scan3A_29 = %scan3A) -> (i32)  : i32 {
        %mul3A = arith.constant 16 : i32
        %mul3A_30 = arith.muli %scan3A_28, %mul3A : i32
        %add3A = arith.addi %arg1, %mul3A_30 : i32
        %lt3A = arith.constant 25 : i32
        %lt3A_31 = arith.cmpi slt, %add3A, %lt3A : i32
        %convert_element_type3A_32 = arith.extui %lt3A_31 : i1 to i32
        %cond3A_33 = arith.constant 0 : i32
        %cond3A_34 = arith.cmpi ne, %convert_element_type3A_32, %cond3A_33 : i32
        scf.if %cond3A_34 {
          %mul3A_36 = arith.constant 2000 : i32
          %mul3A_37 = arith.muli %add3A, %mul3A_36 : i32
          %mul3A_38 = arith.constant 2000 : i32
          %mul3A_39 = arith.muli %add3A, %mul3A_38 : i32
          "tpu.region"() ({
            %run_scoped3A = tpu.sem_alloc : memref<!tpu.dma_semaphore, #tpu.memory_space<semaphore_mem>>
            %dma_start3A = arith.constant 0 : i32
            %dma_start3A_40 = tpu.memref_slice %arg15[%mul3A_39, %dma_start3A] : memref<50000x32xf32, #tpu.memory_space<vmem_shared>> -> memref<2000x32xf32, #tpu.memory_space<vmem_shared>>
            %dma_start3A_41 = arith.constant 0 : i32
            %dma_start3A_42 = tpu.memref_slice %arg8[%mul3A_37, %dma_start3A_41] : memref<50000x32xf32, #tpu.memory_space<hbm>> -> memref<2000x32xf32, #tpu.memory_space<hbm>>
            tpu.enqueue_dma source(%dma_start3A_42 : memref<2000x32xf32, #tpu.memory_space<hbm>>) target(%dma_start3A_40 : memref<2000x32xf32, #tpu.memory_space<vmem_shared>>) target_semaphore(%run_scoped3A : memref<!tpu.dma_semaphore, #tpu.memory_space<semaphore_mem>>)
            %dma_wait3A = arith.constant 0 : i32
            %dma_wait3A_43 = tpu.memref_slice %arg15[%mul3A_39, %dma_wait3A] : memref<50000x32xf32, #tpu.memory_space<vmem_shared>> -> memref<2000x32xf32, #tpu.memory_space<vmem_shared>>
            %dma_wait3A_44 = arith.constant 0 : i32
            %dma_wait3A_45 = tpu.memref_slice %arg8[%mul3A_37, %dma_wait3A_44] : memref<50000x32xf32, #tpu.memory_space<hbm>> -> memref<2000x32xf32, #tpu.memory_space<hbm>>
            tpu.wait_dma2 semaphore(%run_scoped3A : memref<!tpu.dma_semaphore, #tpu.memory_space<semaphore_mem>>) src(%dma_wait3A_45 : memref<2000x32xf32, #tpu.memory_space<hbm>>) dst(%dma_wait3A_43 : memref<2000x32xf32, #tpu.memory_space<vmem_shared>>)
            tpu.yield
          }) : () -> ()
        } else {
        }
        %scan3A_35 = arith.constant 0 : i32
        scf.yield %scan3A_35 : i32
      }
      %scan3A_12 = arith.constant 2 : i32
      %barrier3A = arith.constant 0 : index
      tpu.barrier barrier_id(%barrier3A)
      %scan3A_13 = arith.constant 0 : i32
      %scan3A_14 = arith.constant 0 : i32
      %scan3A_15 = arith.constant 250 : i32
      %scan3A_16 = arith.addi %scan3A_14, %scan3A_15 : i32
      %scan3A_17 = arith.constant 1 : i32
      %scan3A_18 = scf.for %scan3A_28 = %scan3A_14 to %scan3A_16 step %scan3A_17 iter_args(%scan3A_29 = %scan3A_13) -> (i32)  : i32 {
        %mul3A = arith.constant 16 : i32
        %mul3A_30 = arith.muli %scan3A_28, %mul3A : i32
        %add3A = arith.addi %arg1, %mul3A_30 : i32
        %mul3A_31 = arith.constant 2 : i32
        %mul3A_32 = arith.muli %mul3A_31, %add3A : i32
        "tpu.region"() ({
          %run_scoped3A_52 = tpu.sem_alloc : memref<!tpu.dma_semaphore, #tpu.memory_space<semaphore_mem>>
          %dma_start3A = arith.constant 0 : i32
          %dma_start3A_53 = tpu.memref_slice %arg6[%mul3A_32, %dma_start3A] : memref<8000x100xi32, #tpu.memory_space<hbm>> -> memref<2x100xi32, #tpu.memory_space<hbm>>
          %dma_start3A_54 = arith.constant 0 : i32
          %dma_start3A_55 = tpu.memref_slice %arg6[%mul3A_32, %dma_start3A_54] : memref<8000x100xi32, #tpu.memory_space<hbm>> -> memref<2x100xi32, #tpu.memory_space<hbm>>
          tpu.enqueue_dma source(%dma_start3A_55 : memref<2x100xi32, #tpu.memory_space<hbm>>) target(%arg11 : memref<2x100xi32, #tpu.memory_space<vmem>>) target_semaphore(%run_scoped3A_52 : memref<!tpu.dma_semaphore, #tpu.memory_space<semaphore_mem>>)
          %dma_wait3A = arith.constant 0 : i32
          %dma_wait3A_56 = tpu.memref_slice %arg6[%mul3A_32, %dma_wait3A] : memref<8000x100xi32, #tpu.memory_space<hbm>> -> memref<2x100xi32, #tpu.memory_space<hbm>>
          %dma_wait3A_57 = arith.constant 0 : i32
          %dma_wait3A_58 = tpu.memref_slice %arg6[%mul3A_32, %dma_wait3A_57] : memref<8000x100xi32, #tpu.memory_space<hbm>> -> memref<2x100xi32, #tpu.memory_space<hbm>>
          tpu.wait_dma2 semaphore(%run_scoped3A_52 : memref<!tpu.dma_semaphore, #tpu.memory_space<semaphore_mem>>) src(%dma_wait3A_58 : memref<2x100xi32, #tpu.memory_space<hbm>>) dst(%arg11 : memref<2x100xi32, #tpu.memory_space<vmem>>)
          tpu.yield
        }) : () -> ()
        %mul3A_33 = arith.constant 2 : i32
        %mul3A_34 = arith.muli %mul3A_33, %add3A : i32
        "tpu.region"() ({
          %run_scoped3A_52 = tpu.sem_alloc : memref<!tpu.dma_semaphore, #tpu.memory_space<semaphore_mem>>
          %dma_start3A = arith.constant 0 : i32
          %dma_start3A_53 = tpu.memref_slice %arg7[%mul3A_34, %dma_start3A] : memref<8000x100xi32, #tpu.memory_space<hbm>> -> memref<2x100xi32, #tpu.memory_space<hbm>>
          %dma_start3A_54 = arith.constant 0 : i32
          %dma_start3A_55 = tpu.memref_slice %arg7[%mul3A_34, %dma_start3A_54] : memref<8000x100xi32, #tpu.memory_space<hbm>> -> memref<2x100xi32, #tpu.memory_space<hbm>>
          tpu.enqueue_dma source(%dma_start3A_55 : memref<2x100xi32, #tpu.memory_space<hbm>>) target(%arg12 : memref<2x100xi32, #tpu.memory_space<vmem>>) target_semaphore(%run_scoped3A_52 : memref<!tpu.dma_semaphore, #tpu.memory_space<semaphore_mem>>)
          %dma_wait3A = arith.constant 0 : i32
          %dma_wait3A_56 = tpu.memref_slice %arg7[%mul3A_34, %dma_wait3A] : memref<8000x100xi32, #tpu.memory_space<hbm>> -> memref<2x100xi32, #tpu.memory_space<hbm>>
          %dma_wait3A_57 = arith.constant 0 : i32
          %dma_wait3A_58 = tpu.memref_slice %arg7[%mul3A_34, %dma_wait3A_57] : memref<8000x100xi32, #tpu.memory_space<hbm>> -> memref<2x100xi32, #tpu.memory_space<hbm>>
          tpu.wait_dma2 semaphore(%run_scoped3A_52 : memref<!tpu.dma_semaphore, #tpu.memory_space<semaphore_mem>>) src(%dma_wait3A_58 : memref<2x100xi32, #tpu.memory_space<hbm>>) dst(%arg12 : memref<2x100xi32, #tpu.memory_space<vmem>>)
          tpu.yield
        }) : () -> ()
        %mul3A_35 = arith.constant 100 : i32
        %mul3A_36 = arith.muli %mul3A_35, %add3A : i32
        "tpu.region"() ({
          %run_scoped3A_52 = tpu.sem_alloc : memref<!tpu.dma_semaphore, #tpu.memory_space<semaphore_mem>>
          %dma_start3A = arith.constant 0 : i32
          %dma_start3A_53 = tpu.memref_slice %arg5[%mul3A_36, %dma_start3A] : memref<200000x128xf32, #tpu.memory_space<hbm>> -> memref<100x128xf32, #tpu.memory_space<hbm>>
          %dma_start3A_54 = arith.constant 0 : i32
          %dma_start3A_55 = tpu.memref_slice %arg5[%mul3A_36, %dma_start3A_54] : memref<200000x128xf32, #tpu.memory_space<hbm>> -> memref<100x128xf32, #tpu.memory_space<hbm>>
          tpu.enqueue_dma source(%dma_start3A_55 : memref<100x128xf32, #tpu.memory_space<hbm>>) target(%arg14 : memref<100x128xf32, #tpu.memory_space<vmem>>) target_semaphore(%run_scoped3A_52 : memref<!tpu.dma_semaphore, #tpu.memory_space<semaphore_mem>>)
          %dma_wait3A = arith.constant 0 : i32
          %dma_wait3A_56 = tpu.memref_slice %arg5[%mul3A_36, %dma_wait3A] : memref<200000x128xf32, #tpu.memory_space<hbm>> -> memref<100x128xf32, #tpu.memory_space<hbm>>
          %dma_wait3A_57 = arith.constant 0 : i32
          %dma_wait3A_58 = tpu.memref_slice %arg5[%mul3A_36, %dma_wait3A_57] : memref<200000x128xf32, #tpu.memory_space<hbm>> -> memref<100x128xf32, #tpu.memory_space<hbm>>
          tpu.wait_dma2 semaphore(%run_scoped3A_52 : memref<!tpu.dma_semaphore, #tpu.memory_space<semaphore_mem>>) src(%dma_wait3A_58 : memref<100x128xf32, #tpu.memory_space<hbm>>) dst(%arg14 : memref<100x128xf32, #tpu.memory_space<vmem>>)
          tpu.yield
        }) : () -> ()
        %run_scoped3A = arith.constant 0 : i32
        %run_scoped3A_37 = arith.constant 0 : i32
        "tpu.region"() ({
          %run_scoped3A_52 = tpu.sem_alloc : memref<!tpu.dma_semaphore, #tpu.memory_space<semaphore_mem>>
          %dma_start3A = arith.constant 0 : i32
          %dma_start3A_53 = arith.constant 0 : i32
          %dma_start3A_54 = tpu.memref_slice %arg13[%run_scoped3A_37, %dma_start3A, %dma_start3A_53] : memref<2x100x32xf32, #tpu.memory_space<vmem>> -> memref<1x100x32xf32, #tpu.memory_space<vmem>>
          %dma_start3A_55 = tpu.memref_squeeze %dma_start3A_54 : memref<1x100x32xf32, #tpu.memory_space<vmem>> -> memref<100x32xf32, #tpu.memory_space<vmem>>
          %dma_start3A_56 = arith.constant 0 : i32
          %dma_start3A_57 = tpu.memref_slice %arg11[%run_scoped3A, %dma_start3A_56] : memref<2x100xi32, #tpu.memory_space<vmem>> -> memref<1x100xi32, #tpu.memory_space<vmem>>
          %dma_start3A_58 = tpu.memref_squeeze %dma_start3A_57 : memref<1x100xi32, #tpu.memory_space<vmem>> -> memref<100xi32, #tpu.memory_space<vmem>>
          %dma_start3A_59 = arith.constant 0 : i32
          %dma_start3A_60 = arith.constant 0 : i32
          %dma_start3A_61 = tpu.memref_slice %arg3[%dma_start3A_59, %dma_start3A_60] : memref<50000x32xf32, #tpu.memory_space<hbm>> -> memref<50000x32xf32, #tpu.memory_space<hbm>>
          tpu.enqueue_indirect_dma source(%dma_start3A_61 : memref<50000x32xf32, #tpu.memory_space<hbm>>) target(%dma_start3A_55 : memref<100x32xf32, #tpu.memory_space<vmem>>) offsets(%dma_start3A_58 : memref<100xi32, #tpu.memory_space<vmem>>) semaphore(%run_scoped3A_52 : memref<!tpu.dma_semaphore, #tpu.memory_space<semaphore_mem>>)
          %dma_wait3A = arith.constant 0 : i32
          %dma_wait3A_62 = arith.constant 0 : i32
          %dma_wait3A_63 = tpu.memref_slice %arg13[%run_scoped3A_37, %dma_wait3A, %dma_wait3A_62] : memref<2x100x32xf32, #tpu.memory_space<vmem>> -> memref<1x100x32xf32, #tpu.memory_space<vmem>>
          %dma_wait3A_64 = tpu.memref_squeeze %dma_wait3A_63 : memref<1x100x32xf32, #tpu.memory_space<vmem>> -> memref<100x32xf32, #tpu.memory_space<vmem>>
          %dma_wait3A_65 = arith.constant 0 : i32
          %dma_wait3A_66 = tpu.memref_slice %arg11[%run_scoped3A, %dma_wait3A_65] : memref<2x100xi32, #tpu.memory_space<vmem>> -> memref<1x100xi32, #tpu.memory_space<vmem>>
          %dma_wait3A_67 = tpu.memref_squeeze %dma_wait3A_66 : memref<1x100xi32, #tpu.memory_space<vmem>> -> memref<100xi32, #tpu.memory_space<vmem>>
          %dma_wait3A_68 = arith.constant 0 : i32
          %dma_wait3A_69 = arith.constant 0 : i32
          %dma_wait3A_70 = tpu.memref_slice %arg3[%dma_wait3A_68, %dma_wait3A_69] : memref<50000x32xf32, #tpu.memory_space<hbm>> -> memref<50000x32xf32, #tpu.memory_space<hbm>>
          tpu.wait_indirect_dma semaphore(%run_scoped3A_52 : memref<!tpu.dma_semaphore, #tpu.memory_space<semaphore_mem>>) src(%dma_wait3A_70 : memref<50000x32xf32, #tpu.memory_space<hbm>>) dst(%dma_wait3A_64 : memref<100x32xf32, #tpu.memory_space<vmem>>)
          tpu.yield
        }) : () -> ()
        %run_scoped3A_38 = arith.constant 1 : i32
        %run_scoped3A_39 = arith.constant 1 : i32
        "tpu.region"() ({
          %run_scoped3A_52 = tpu.sem_alloc : memref<!tpu.dma_semaphore, #tpu.memory_space<semaphore_mem>>
          %dma_start3A = arith.constant 0 : i32
          %dma_start3A_53 = arith.constant 0 : i32
          %dma_start3A_54 = tpu.memref_slice %arg13[%run_scoped3A_39, %dma_start3A, %dma_start3A_53] : memref<2x100x32xf32, #tpu.memory_space<vmem>> -> memref<1x100x32xf32, #tpu.memory_space<vmem>>
          %dma_start3A_55 = tpu.memref_squeeze %dma_start3A_54 : memref<1x100x32xf32, #tpu.memory_space<vmem>> -> memref<100x32xf32, #tpu.memory_space<vmem>>
          %dma_start3A_56 = arith.constant 0 : i32
          %dma_start3A_57 = tpu.memref_slice %arg11[%run_scoped3A_38, %dma_start3A_56] : memref<2x100xi32, #tpu.memory_space<vmem>> -> memref<1x100xi32, #tpu.memory_space<vmem>>
          %dma_start3A_58 = tpu.memref_squeeze %dma_start3A_57 : memref<1x100xi32, #tpu.memory_space<vmem>> -> memref<100xi32, #tpu.memory_space<vmem>>
          %dma_start3A_59 = arith.constant 0 : i32
          %dma_start3A_60 = arith.constant 0 : i32
          %dma_start3A_61 = tpu.memref_slice %arg3[%dma_start3A_59, %dma_start3A_60] : memref<50000x32xf32, #tpu.memory_space<hbm>> -> memref<50000x32xf32, #tpu.memory_space<hbm>>
          tpu.enqueue_indirect_dma source(%dma_start3A_61 : memref<50000x32xf32, #tpu.memory_space<hbm>>) target(%dma_start3A_55 : memref<100x32xf32, #tpu.memory_space<vmem>>) offsets(%dma_start3A_58 : memref<100xi32, #tpu.memory_space<vmem>>) semaphore(%run_scoped3A_52 : memref<!tpu.dma_semaphore, #tpu.memory_space<semaphore_mem>>)
          %dma_wait3A = arith.constant 0 : i32
          %dma_wait3A_62 = arith.constant 0 : i32
          %dma_wait3A_63 = tpu.memref_slice %arg13[%run_scoped3A_39, %dma_wait3A, %dma_wait3A_62] : memref<2x100x32xf32, #tpu.memory_space<vmem>> -> memref<1x100x32xf32, #tpu.memory_space<vmem>>
          %dma_wait3A_64 = tpu.memref_squeeze %dma_wait3A_63 : memref<1x100x32xf32, #tpu.memory_space<vmem>> -> memref<100x32xf32, #tpu.memory_space<vmem>>
          %dma_wait3A_65 = arith.constant 0 : i32
          %dma_wait3A_66 = tpu.memref_slice %arg11[%run_scoped3A_38, %dma_wait3A_65] : memref<2x100xi32, #tpu.memory_space<vmem>> -> memref<1x100xi32, #tpu.memory_space<vmem>>
          %dma_wait3A_67 = tpu.memref_squeeze %dma_wait3A_66 : memref<1x100xi32, #tpu.memory_space<vmem>> -> memref<100xi32, #tpu.memory_space<vmem>>
          %dma_wait3A_68 = arith.constant 0 : i32
          %dma_wait3A_69 = arith.constant 0 : i32
          %dma_wait3A_70 = tpu.memref_slice %arg3[%dma_wait3A_68, %dma_wait3A_69] : memref<50000x32xf32, #tpu.memory_space<hbm>> -> memref<50000x32xf32, #tpu.memory_space<hbm>>
          tpu.wait_indirect_dma semaphore(%run_scoped3A_52 : memref<!tpu.dma_semaphore, #tpu.memory_space<semaphore_mem>>) src(%dma_wait3A_70 : memref<50000x32xf32, #tpu.memory_space<hbm>>) dst(%dma_wait3A_64 : memref<100x32xf32, #tpu.memory_space<vmem>>)
          tpu.yield
        }) : () -> ()
        %scan3A_40 = arith.constant 0 : i32
        %scan3A_41 = arith.constant 0 : i32
        %scan3A_42 = arith.constant 100 : i32
        %scan3A_43 = arith.addi %scan3A_41, %scan3A_42 : i32
        %scan3A_44 = arith.constant 1 : i32
        %scan3A_45 = scf.for %scan3A_52 = %scan3A_41 to %scan3A_43 step %scan3A_44 iter_args(%scan3A_53 = %scan3A_40) -> (i32)  : i32 {
          %get3A = arith.constant 0 : i32
          %get3A_54 = arith.index_cast %get3A : i32 to index
          %get3A_55 = arith.index_cast %scan3A_52 : i32 to index
          %get3A_56 = arith.constant 0 : index
          %get3A_57 = tpu.vector_load %arg13[%get3A_54, %get3A_55, %get3A_56] {strides = array<i32>} : memref<2x100x32xf32, #tpu.memory_space<vmem>>, vector<1x1x16xf32>,
          %get3A_58 = vector.shape_cast %get3A_57 : vector<1x1x16xf32> to vector<16xf32>
          %get3A_59 = arith.index_cast %scan3A_52 : i32 to index
          %get3A_60 = arith.constant 0 : index
          %get3A_61 = tpu.vector_load %arg14[%get3A_59, %get3A_60] {strides = array<i32>} : memref<100x128xf32, #tpu.memory_space<vmem>>, vector<1x16xf32>,
          %get3A_62 = vector.shape_cast %get3A_61 : vector<1x16xf32> to vector<16xf32>
          %mul3A_63 = arith.mulf %get3A_58, %get3A_62 : vector<16xf32>
          %swap3A = arith.constant 0 : i32
          %swap3A_64 = arith.index_cast %swap3A : i32 to index
          %swap3A_65 = arith.index_cast %scan3A_52 : i32 to index
          %swap3A_66 = arith.constant 0 : index
          %swap3A_67 = tpu.vector_load %arg13[%swap3A_64, %swap3A_65, %swap3A_66] {strides = array<i32>} : memref<2x100x32xf32, #tpu.memory_space<vmem>>, vector<1x1x16xf32>,
          %swap3A_68 = vector.shape_cast %swap3A_67 : vector<1x1x16xf32> to vector<16xf32>
          %swap3A_69 = vector.shape_cast %mul3A_63 : vector<16xf32> to vector<1x1x16xf32>
          tpu.vector_store %arg13[%swap3A_64, %swap3A_65, %swap3A_66], %swap3A_69 {strides = array<i32>} : memref<2x100x32xf32, #tpu.memory_space<vmem>>, vector<1x1x16xf32>,
          %get3A_70 = arith.constant 0 : i32
          %get3A_71 = arith.index_cast %get3A_70 : i32 to index
          %get3A_72 = arith.index_cast %scan3A_52 : i32 to index
          %get3A_73 = arith.constant 16 : index
          %get3A_74 = tpu.vector_load %arg13[%get3A_71, %get3A_72, %get3A_73] {strides = array<i32>} : memref<2x100x32xf32, #tpu.memory_space<vmem>>, vector<1x1x16xf32>,
          %get3A_75 = vector.shape_cast %get3A_74 : vector<1x1x16xf32> to vector<16xf32>
          %get3A_76 = arith.index_cast %scan3A_52 : i32 to index
          %get3A_77 = arith.constant 16 : index
          %get3A_78 = tpu.vector_load %arg14[%get3A_76, %get3A_77] {strides = array<i32>} : memref<100x128xf32, #tpu.memory_space<vmem>>, vector<1x16xf32>,
          %get3A_79 = vector.shape_cast %get3A_78 : vector<1x16xf32> to vector<16xf32>
          %mul3A_80 = arith.mulf %get3A_75, %get3A_79 : vector<16xf32>
          %swap3A_81 = arith.constant 0 : i32
          %swap3A_82 = arith.index_cast %swap3A_81 : i32 to index
          %swap3A_83 = arith.index_cast %scan3A_52 : i32 to index
          %swap3A_84 = arith.constant 16 : index
          %swap3A_85 = tpu.vector_load %arg13[%swap3A_82, %swap3A_83, %swap3A_84] {strides = array<i32>} : memref<2x100x32xf32, #tpu.memory_space<vmem>>, vector<1x1x16xf32>,
          %swap3A_86 = vector.shape_cast %swap3A_85 : vector<1x1x16xf32> to vector<16xf32>
          %swap3A_87 = vector.shape_cast %mul3A_80 : vector<16xf32> to vector<1x1x16xf32>
          tpu.vector_store %arg13[%swap3A_82, %swap3A_83, %swap3A_84], %swap3A_87 {strides = array<i32>} : memref<2x100x32xf32, #tpu.memory_space<vmem>>, vector<1x1x16xf32>,
          %get3A_88 = arith.constant 1 : i32
          %get3A_89 = arith.index_cast %get3A_88 : i32 to index
          %get3A_90 = arith.index_cast %scan3A_52 : i32 to index
          %get3A_91 = arith.constant 0 : index
          %get3A_92 = tpu.vector_load %arg13[%get3A_89, %get3A_90, %get3A_91] {strides = array<i32>} : memref<2x100x32xf32, #tpu.memory_space<vmem>>, vector<1x1x16xf32>,
          %get3A_93 = vector.shape_cast %get3A_92 : vector<1x1x16xf32> to vector<16xf32>
          %get3A_94 = arith.index_cast %scan3A_52 : i32 to index
          %get3A_95 = arith.constant 32 : index
          %get3A_96 = tpu.vector_load %arg14[%get3A_94, %get3A_95] {strides = array<i32>} : memref<100x128xf32, #tpu.memory_space<vmem>>, vector<1x16xf32>,
          %get3A_97 = vector.shape_cast %get3A_96 : vector<1x16xf32> to vector<16xf32>
          %mul3A_98 = arith.mulf %get3A_93, %get3A_97 : vector<16xf32>
          %swap3A_99 = arith.constant 1 : i32
          %swap3A_100 = arith.index_cast %swap3A_99 : i32 to index
          %swap3A_101 = arith.index_cast %scan3A_52 : i32 to index
          %swap3A_102 = arith.constant 0 : index
          %swap3A_103 = tpu.vector_load %arg13[%swap3A_100, %swap3A_101, %swap3A_102] {strides = array<i32>} : memref<2x100x32xf32, #tpu.memory_space<vmem>>, vector<1x1x16xf32>,
          %swap3A_104 = vector.shape_cast %swap3A_103 : vector<1x1x16xf32> to vector<16xf32>
          %swap3A_105 = vector.shape_cast %mul3A_98 : vector<16xf32> to vector<1x1x16xf32>
          tpu.vector_store %arg13[%swap3A_100, %swap3A_101, %swap3A_102], %swap3A_105 {strides = array<i32>} : memref<2x100x32xf32, #tpu.memory_space<vmem>>, vector<1x1x16xf32>,
          %get3A_106 = arith.constant 1 : i32
          %get3A_107 = arith.index_cast %get3A_106 : i32 to index
          %get3A_108 = arith.index_cast %scan3A_52 : i32 to index
          %get3A_109 = arith.constant 16 : index
          %get3A_110 = tpu.vector_load %arg13[%get3A_107, %get3A_108, %get3A_109] {strides = array<i32>} : memref<2x100x32xf32, #tpu.memory_space<vmem>>, vector<1x1x16xf32>,
          %get3A_111 = vector.shape_cast %get3A_110 : vector<1x1x16xf32> to vector<16xf32>
          %get3A_112 = arith.index_cast %scan3A_52 : i32 to index
          %get3A_113 = arith.constant 48 : index
          %get3A_114 = tpu.vector_load %arg14[%get3A_112, %get3A_113] {strides = array<i32>} : memref<100x128xf32, #tpu.memory_space<vmem>>, vector<1x16xf32>,
          %get3A_115 = vector.shape_cast %get3A_114 : vector<1x16xf32> to vector<16xf32>
          %mul3A_116 = arith.mulf %get3A_111, %get3A_115 : vector<16xf32>
          %swap3A_117 = arith.constant 1 : i32
          %swap3A_118 = arith.index_cast %swap3A_117 : i32 to index
          %swap3A_119 = arith.index_cast %scan3A_52 : i32 to index
          %swap3A_120 = arith.constant 16 : index
          %swap3A_121 = tpu.vector_load %arg13[%swap3A_118, %swap3A_119, %swap3A_120] {strides = array<i32>} : memref<2x100x32xf32, #tpu.memory_space<vmem>>, vector<1x1x16xf32>,
          %swap3A_122 = vector.shape_cast %swap3A_121 : vector<1x1x16xf32> to vector<16xf32>
          %swap3A_123 = vector.shape_cast %mul3A_116 : vector<16xf32> to vector<1x1x16xf32>
          tpu.vector_store %arg13[%swap3A_118, %swap3A_119, %swap3A_120], %swap3A_123 {strides = array<i32>} : memref<2x100x32xf32, #tpu.memory_space<vmem>>, vector<1x1x16xf32>,
          %scan3A_124 = arith.constant 0 : i32
          scf.yield %scan3A_124 : i32
        }
        %scan3A_46 = arith.constant 100 : i32
        %run_scoped3A_47 = arith.constant 0 : i32
        %run_scoped3A_48 = arith.constant 0 : i32
        "tpu.region"() ({
          %run_scoped3A_52 = tpu.sem_alloc : memref<!tpu.dma_semaphore, #tpu.memory_space<semaphore_mem>>
          %dma_start3A = arith.constant 0 : i32
          %dma_start3A_53 = arith.constant 0 : i32
          %dma_start3A_54 = tpu.memref_slice %arg13[%run_scoped3A_47, %dma_start3A, %dma_start3A_53] : memref<2x100x32xf32, #tpu.memory_space<vmem>> -> memref<1x100x32xf32, #tpu.memory_space<vmem>>
          %dma_start3A_55 = tpu.memref_squeeze %dma_start3A_54 : memref<1x100x32xf32, #tpu.memory_space<vmem>> -> memref<100x32xf32, #tpu.memory_space<vmem>>
          %dma_start3A_56 = arith.constant 0 : i32
          %dma_start3A_57 = tpu.memref_slice %arg12[%run_scoped3A_48, %dma_start3A_56] : memref<2x100xi32, #tpu.memory_space<vmem>> -> memref<1x100xi32, #tpu.memory_space<vmem>>
          %dma_start3A_58 = tpu.memref_squeeze %dma_start3A_57 : memref<1x100xi32, #tpu.memory_space<vmem>> -> memref<100xi32, #tpu.memory_space<vmem>>
          %dma_start3A_59 = arith.constant 0 : i32
          %dma_start3A_60 = arith.constant 0 : i32
          %dma_start3A_61 = tpu.memref_slice %arg15[%dma_start3A_59, %dma_start3A_60] : memref<50000x32xf32, #tpu.memory_space<vmem_shared>> -> memref<50000x32xf32, #tpu.memory_space<vmem_shared>>
          tpu.enqueue_indirect_dma source(%dma_start3A_55 : memref<100x32xf32, #tpu.memory_space<vmem>>) target(%dma_start3A_61 : memref<50000x32xf32, #tpu.memory_space<vmem_shared>>) offsets(%dma_start3A_58 : memref<100xi32, #tpu.memory_space<vmem>>) semaphore(%run_scoped3A_52 : memref<!tpu.dma_semaphore, #tpu.memory_space<semaphore_mem>>) {add = true}
          %dma_wait3A = arith.constant 0 : i32
          %dma_wait3A_62 = arith.constant 0 : i32
          %dma_wait3A_63 = tpu.memref_slice %arg13[%run_scoped3A_47, %dma_wait3A, %dma_wait3A_62] : memref<2x100x32xf32, #tpu.memory_space<vmem>> -> memref<1x100x32xf32, #tpu.memory_space<vmem>>
          %dma_wait3A_64 = tpu.memref_squeeze %dma_wait3A_63 : memref<1x100x32xf32, #tpu.memory_space<vmem>> -> memref<100x32xf32, #tpu.memory_space<vmem>>
          %dma_wait3A_65 = arith.constant 0 : i32
          %dma_wait3A_66 = tpu.memref_slice %arg12[%run_scoped3A_48, %dma_wait3A_65] : memref<2x100xi32, #tpu.memory_space<vmem>> -> memref<1x100xi32, #tpu.memory_space<vmem>>
          %dma_wait3A_67 = tpu.memref_squeeze %dma_wait3A_66 : memref<1x100xi32, #tpu.memory_space<vmem>> -> memref<100xi32, #tpu.memory_space<vmem>>
          %dma_wait3A_68 = arith.constant 0 : i32
          %dma_wait3A_69 = arith.constant 0 : i32
          %dma_wait3A_70 = tpu.memref_slice %arg15[%dma_wait3A_68, %dma_wait3A_69] : memref<50000x32xf32, #tpu.memory_space<vmem_shared>> -> memref<50000x32xf32, #tpu.memory_space<vmem_shared>>
          tpu.wait_indirect_dma semaphore(%run_scoped3A_52 : memref<!tpu.dma_semaphore, #tpu.memory_space<semaphore_mem>>) src(%dma_wait3A_64 : memref<100x32xf32, #tpu.memory_space<vmem>>) dst(%dma_wait3A_70 : memref<50000x32xf32, #tpu.memory_space<vmem_shared>>)
          tpu.yield
        }) : () -> ()
        %run_scoped3A_49 = arith.constant 1 : i32
        %run_scoped3A_50 = arith.constant 1 : i32
        "tpu.region"() ({
          %run_scoped3A_52 = tpu.sem_alloc : memref<!tpu.dma_semaphore, #tpu.memory_space<semaphore_mem>>
          %dma_start3A = arith.constant 0 : i32
          %dma_start3A_53 = arith.constant 0 : i32
          %dma_start3A_54 = tpu.memref_slice %arg13[%run_scoped3A_49, %dma_start3A, %dma_start3A_53] : memref<2x100x32xf32, #tpu.memory_space<vmem>> -> memref<1x100x32xf32, #tpu.memory_space<vmem>>
          %dma_start3A_55 = tpu.memref_squeeze %dma_start3A_54 : memref<1x100x32xf32, #tpu.memory_space<vmem>> -> memref<100x32xf32, #tpu.memory_space<vmem>>
          %dma_start3A_56 = arith.constant 0 : i32
          %dma_start3A_57 = tpu.memref_slice %arg12[%run_scoped3A_50, %dma_start3A_56] : memref<2x100xi32, #tpu.memory_space<vmem>> -> memref<1x100xi32, #tpu.memory_space<vmem>>
          %dma_start3A_58 = tpu.memref_squeeze %dma_start3A_57 : memref<1x100xi32, #tpu.memory_space<vmem>> -> memref<100xi32, #tpu.memory_space<vmem>>
          %dma_start3A_59 = arith.constant 0 : i32
          %dma_start3A_60 = arith.constant 0 : i32
          %dma_start3A_61 = tpu.memref_slice %arg15[%dma_start3A_59, %dma_start3A_60] : memref<50000x32xf32, #tpu.memory_space<vmem_shared>> -> memref<50000x32xf32, #tpu.memory_space<vmem_shared>>
          tpu.enqueue_indirect_dma source(%dma_start3A_55 : memref<100x32xf32, #tpu.memory_space<vmem>>) target(%dma_start3A_61 : memref<50000x32xf32, #tpu.memory_space<vmem_shared>>) offsets(%dma_start3A_58 : memref<100xi32, #tpu.memory_space<vmem>>) semaphore(%run_scoped3A_52 : memref<!tpu.dma_semaphore, #tpu.memory_space<semaphore_mem>>) {add = true}
          %dma_wait3A = arith.constant 0 : i32
          %dma_wait3A_62 = arith.constant 0 : i32
          %dma_wait3A_63 = tpu.memref_slice %arg13[%run_scoped3A_49, %dma_wait3A, %dma_wait3A_62] : memref<2x100x32xf32, #tpu.memory_space<vmem>> -> memref<1x100x32xf32, #tpu.memory_space<vmem>>
          %dma_wait3A_64 = tpu.memref_squeeze %dma_wait3A_63 : memref<1x100x32xf32, #tpu.memory_space<vmem>> -> memref<100x32xf32, #tpu.memory_space<vmem>>
          %dma_wait3A_65 = arith.constant 0 : i32
          %dma_wait3A_66 = tpu.memref_slice %arg12[%run_scoped3A_50, %dma_wait3A_65] : memref<2x100xi32, #tpu.memory_space<vmem>> -> memref<1x100xi32, #tpu.memory_space<vmem>>
          %dma_wait3A_67 = tpu.memref_squeeze %dma_wait3A_66 : memref<1x100xi32, #tpu.memory_space<vmem>> -> memref<100xi32, #tpu.memory_space<vmem>>
          %dma_wait3A_68 = arith.constant 0 : i32
          %dma_wait3A_69 = arith.constant 0 : i32
          %dma_wait3A_70 = tpu.memref_slice %arg15[%dma_wait3A_68, %dma_wait3A_69] : memref<50000x32xf32, #tpu.memory_space<vmem_shared>> -> memref<50000x32xf32, #tpu.memory_space<vmem_shared>>
          tpu.wait_indirect_dma semaphore(%run_scoped3A_52 : memref<!tpu.dma_semaphore, #tpu.memory_space<semaphore_mem>>) src(%dma_wait3A_64 : memref<100x32xf32, #tpu.memory_space<vmem>>) dst(%dma_wait3A_70 : memref<50000x32xf32, #tpu.memory_space<vmem_shared>>)
          tpu.yield
        }) : () -> ()
        %scan3A_51 = arith.constant 0 : i32
        scf.yield %scan3A_51 : i32
      }
      %scan3A_19 = arith.constant 250 : i32
      %barrier3A_20 = arith.constant 0 : index
      tpu.barrier barrier_id(%barrier3A_20)
      %scan3A_21 = arith.constant 0 : i32
      %scan3A_22 = arith.constant 0 : i32
      %scan3A_23 = arith.constant 2 : i32
      %scan3A_24 = arith.addi %scan3A_22, %scan3A_23 : i32
      %scan3A_25 = arith.constant 1 : i32
      %scan3A_26 = scf.for %scan3A_28 = %scan3A_22 to %scan3A_24 step %scan3A_25 iter_args(%scan3A_29 = %scan3A_21) -> (i32)  : i32 {
        %mul3A = arith.constant 16 : i32
        %mul3A_30 = arith.muli %scan3A_28, %mul3A : i32
        %add3A = arith.addi %arg1, %mul3A_30 : i32
        %lt3A = arith.constant 25 : i32
        %lt3A_31 = arith.cmpi slt, %add3A, %lt3A : i32
        %convert_element_type3A_32 = arith.extui %lt3A_31 : i1 to i32
        %cond3A_33 = arith.constant 0 : i32
        %cond3A_34 = arith.cmpi ne, %convert_element_type3A_32, %cond3A_33 : i32
        scf.if %cond3A_34 {
          %mul3A_36 = arith.constant 2000 : i32
          %mul3A_37 = arith.muli %add3A, %mul3A_36 : i32
          %mul3A_38 = arith.constant 2000 : i32
          %mul3A_39 = arith.muli %add3A, %mul3A_38 : i32
          "tpu.region"() ({
            %run_scoped3A = tpu.sem_alloc : memref<!tpu.dma_semaphore, #tpu.memory_space<semaphore_mem>>
            %dma_start3A = arith.constant 0 : i32
            %dma_start3A_40 = tpu.memref_slice %arg10[%mul3A_39, %dma_start3A] : memref<50000x32xf32, #tpu.memory_space<hbm>> -> memref<2000x32xf32, #tpu.memory_space<hbm>>
            %dma_start3A_41 = arith.constant 0 : i32
            %dma_start3A_42 = tpu.memref_slice %arg15[%mul3A_37, %dma_start3A_41] : memref<50000x32xf32, #tpu.memory_space<vmem_shared>> -> memref<2000x32xf32, #tpu.memory_space<vmem_shared>>
            tpu.enqueue_dma source(%dma_start3A_42 : memref<2000x32xf32, #tpu.memory_space<vmem_shared>>) target(%dma_start3A_40 : memref<2000x32xf32, #tpu.memory_space<hbm>>) target_semaphore(%run_scoped3A : memref<!tpu.dma_semaphore, #tpu.memory_space<semaphore_mem>>)
            %dma_wait3A = arith.constant 0 : i32
            %dma_wait3A_43 = tpu.memref_slice %arg10[%mul3A_39, %dma_wait3A] : memref<50000x32xf32, #tpu.memory_space<hbm>> -> memref<2000x32xf32, #tpu.memory_space<hbm>>
            %dma_wait3A_44 = arith.constant 0 : i32
            %dma_wait3A_45 = tpu.memref_slice %arg15[%mul3A_37, %dma_wait3A_44] : memref<50000x32xf32, #tpu.memory_space<vmem_shared>> -> memref<2000x32xf32, #tpu.memory_space<vmem_shared>>
            tpu.wait_dma2 semaphore(%run_scoped3A : memref<!tpu.dma_semaphore, #tpu.memory_space<semaphore_mem>>) src(%dma_wait3A_45 : memref<2000x32xf32, #tpu.memory_space<vmem_shared>>) dst(%dma_wait3A_43 : memref<2000x32xf32, #tpu.memory_space<hbm>>)
            tpu.yield
          }) : () -> ()
        } else {
        }
        %scan3A_35 = arith.constant 0 : i32
        scf.yield %scan3A_35 : i32
      }
      %scan3A_27 = arith.constant 2 : i32
    } else {
    }
    return
  }
}

module attributes {stable_mosaic.version = 14 : i64} {
  func.func @_embed_block(%arg0: i32, %arg1: memref<1x1x2000xi32, #tpu.memory_space<vmem>>, %arg2: memref<128x64xf32, #tpu.memory_space<vmem>>, %arg3: memref<64x64xf32, #tpu.memory_space<vmem>>, %arg4: memref<2000x64xf32, #tpu.memory_space<vmem>>, %arg5: memref<2000x32xf32, #tpu.memory_space<vmem>>, %arg6: memref<2000x32xf32, #tpu.memory_space<vmem>>) attributes {dimension_semantics = [#tpu.dimension_semantics<arbitrary>], iteration_bounds = array<i64: 25>, scalar_prefetch = 0 : i64, scratch_operands = 0 : i64, tpu.core_type = #tpu.core_type<tc>, window_params = [{transform_indices = @transform_0, window_bounds = array<i64: 1, 1, 2000>}, {pipeline_mode = #tpu.pipeline_mode<synchronous>, transform_indices = @transform_1, window_bounds = array<i64: 128, 64>}, {pipeline_mode = #tpu.pipeline_mode<synchronous>, transform_indices = @transform_2, window_bounds = array<i64: 64, 64>}, {transform_indices = @transform_3, window_bounds = array<i64: 2000, 64>}, {transform_indices = @transform_4, window_bounds = array<i64: 2000, 32>}, {transform_indices = @transform_5, window_bounds = array<i64: 2000, 32>}]} {
    %get3A = arith.constant 0 : index
    %get3A_0 = arith.constant 0 : index
    %get3A_1 = arith.constant 0 : index
    %get3A_2 = vector.load %arg1[%get3A, %get3A_0, %get3A_1] : memref<1x1x2000xi32, #tpu.memory_space<vmem>>, vector<1x1x2000xi32>
    %get3A_3 = vector.shape_cast %get3A_2 : vector<1x1x2000xi32> to vector<2000xi32>
    %broadcast_in_dim3A = vector.shape_cast %get3A_3 : vector<2000xi32> to vector<2000x1xi32>
    %iota3A = tpu.iota {dimensions = array<i32: 1>} : vector<2000x128xi32>
    %eq3A = vector.broadcast %broadcast_in_dim3A : vector<2000x1xi32> to vector<2000x128xi32>
    %eq3A_4 = arith.cmpi eq, %eq3A, %iota3A : vector<2000x128xi32>
    %convert_element_type3A = arith.extui %eq3A_4 : vector<2000x128xi1> to vector<2000x128xi32>
    %convert_element_type3A_5 = arith.sitofp %convert_element_type3A : vector<2000x128xi32> to vector<2000x128xf32>
    %get3A_6 = arith.constant 0 : index
    %get3A_7 = arith.constant 0 : index
    %get3A_8 = vector.load %arg2[%get3A_6, %get3A_7] : memref<128x64xf32, #tpu.memory_space<vmem>>, vector<128x64xf32>
    %convert_element_type3A_9 = arith.truncf %get3A_8 : vector<128x64xf32> to vector<128x64xbf16>
    %convert_element_type3A_10 = arith.extf %convert_element_type3A_9 : vector<128x64xbf16> to vector<128x64xf32>
    %sub3A = arith.subf %get3A_8, %convert_element_type3A_10 : vector<128x64xf32>
    %convert_element_type3A_11 = arith.truncf %sub3A : vector<128x64xf32> to vector<128x64xbf16>
    %convert_element_type3A_12 = arith.extf %convert_element_type3A_11 : vector<128x64xbf16> to vector<128x64xf32>
    %sub3A_13 = arith.subf %sub3A, %convert_element_type3A_12 : vector<128x64xf32>
    %dot_general3A = arith.constant dense<0.000000e+00> : vector<2000x64xf32>
    %dot_general3A_14 = tpu.matmul %convert_element_type3A_5, %convert_element_type3A_10, %dot_general3A {dimension_numbers = #tpu.dot_dimension_numbers<[1], [0], [0], [1], [0, 0, 1, 1], [], []>, transpose_lhs_hint = false} : vector<2000x128xf32>, vector<128x64xf32>, vector<2000x64xf32> -> vector<2000x64xf32>
    %dot_general3A_15 = arith.constant dense<0.000000e+00> : vector<2000x64xf32>
    %dot_general3A_16 = tpu.matmul %convert_element_type3A_5, %convert_element_type3A_12, %dot_general3A_15 {dimension_numbers = #tpu.dot_dimension_numbers<[1], [0], [0], [1], [0, 0, 1, 1], [], []>, transpose_lhs_hint = false} : vector<2000x128xf32>, vector<128x64xf32>, vector<2000x64xf32> -> vector<2000x64xf32>
    %add3A = arith.addf %dot_general3A_14, %dot_general3A_16 : vector<2000x64xf32>
    %dot_general3A_17 = arith.constant dense<0.000000e+00> : vector<2000x64xf32>
    %dot_general3A_18 = tpu.matmul %convert_element_type3A_5, %sub3A_13, %dot_general3A_17 {dimension_numbers = #tpu.dot_dimension_numbers<[1], [0], [0], [1], [0, 0, 1, 1], [], []>, transpose_lhs_hint = false} : vector<2000x128xf32>, vector<128x64xf32>, vector<2000x64xf32> -> vector<2000x64xf32>
    %add3A_19 = arith.addf %add3A, %dot_general3A_18 : vector<2000x64xf32>
    %swap3A = arith.constant 0 : index
    %swap3A_20 = arith.constant 0 : index
    %swap3A_21 = vector.load %arg4[%swap3A, %swap3A_20] : memref<2000x64xf32, #tpu.memory_space<vmem>>, vector<2000x64xf32>
    tpu.vector_store %arg4[%swap3A, %swap3A_20], %add3A_19 {strides = array<i32>} : memref<2000x64xf32, #tpu.memory_space<vmem>>, vector<2000x64xf32>,
    %get3A_22 = arith.constant 0 : index
    %get3A_23 = arith.constant 0 : index
    %get3A_24 = vector.load %arg3[%get3A_22, %get3A_23] : memref<64x64xf32, #tpu.memory_space<vmem>>, vector<64x64xf32>
    %convert_element_type3A_25 = arith.truncf %add3A_19 : vector<2000x64xf32> to vector<2000x64xbf16>
    %convert_element_type3A_26 = arith.extf %convert_element_type3A_25 : vector<2000x64xbf16> to vector<2000x64xf32>
    %sub3A_27 = arith.subf %add3A_19, %convert_element_type3A_26 : vector<2000x64xf32>
    %convert_element_type3A_28 = arith.truncf %sub3A_27 : vector<2000x64xf32> to vector<2000x64xbf16>
    %convert_element_type3A_29 = arith.extf %convert_element_type3A_28 : vector<2000x64xbf16> to vector<2000x64xf32>
    %sub3A_30 = arith.subf %sub3A_27, %convert_element_type3A_29 : vector<2000x64xf32>
    %convert_element_type3A_31 = arith.truncf %get3A_24 : vector<64x64xf32> to vector<64x64xbf16>
    %convert_element_type3A_32 = arith.extf %convert_element_type3A_31 : vector<64x64xbf16> to vector<64x64xf32>
    %sub3A_33 = arith.subf %get3A_24, %convert_element_type3A_32 : vector<64x64xf32>
    %convert_element_type3A_34 = arith.truncf %sub3A_33 : vector<64x64xf32> to vector<64x64xbf16>
    %convert_element_type3A_35 = arith.extf %convert_element_type3A_34 : vector<64x64xbf16> to vector<64x64xf32>
    %sub3A_36 = arith.subf %sub3A_33, %convert_element_type3A_35 : vector<64x64xf32>
    %dot_general3A_37 = arith.constant dense<0.000000e+00> : vector<2000x64xf32>
    %dot_general3A_38 = tpu.matmul %convert_element_type3A_26, %convert_element_type3A_32, %dot_general3A_37 {dimension_numbers = #tpu.dot_dimension_numbers<[1], [0], [0], [1], [0, 0, 1, 1], [], []>, transpose_lhs_hint = false} : vector<2000x64xf32>, vector<64x64xf32>, vector<2000x64xf32> -> vector<2000x64xf32>
    %dot_general3A_39 = arith.constant dense<0.000000e+00> : vector<2000x64xf32>
    %dot_general3A_40 = tpu.matmul %convert_element_type3A_26, %convert_element_type3A_35, %dot_general3A_39 {dimension_numbers = #tpu.dot_dimension_numbers<[1], [0], [0], [1], [0, 0, 1, 1], [], []>, transpose_lhs_hint = false} : vector<2000x64xf32>, vector<64x64xf32>, vector<2000x64xf32> -> vector<2000x64xf32>
    %dot_general3A_41 = arith.constant dense<0.000000e+00> : vector<2000x64xf32>
    %dot_general3A_42 = tpu.matmul %convert_element_type3A_29, %convert_element_type3A_32, %dot_general3A_41 {dimension_numbers = #tpu.dot_dimension_numbers<[1], [0], [0], [1], [0, 0, 1, 1], [], []>, transpose_lhs_hint = false} : vector<2000x64xf32>, vector<64x64xf32>, vector<2000x64xf32> -> vector<2000x64xf32>
    %add3A_43 = arith.addf %dot_general3A_40, %dot_general3A_42 : vector<2000x64xf32>
    %add3A_44 = arith.addf %dot_general3A_38, %add3A_43 : vector<2000x64xf32>
    %dot_general3A_45 = arith.constant dense<0.000000e+00> : vector<2000x64xf32>
    %dot_general3A_46 = tpu.matmul %convert_element_type3A_26, %sub3A_36, %dot_general3A_45 {dimension_numbers = #tpu.dot_dimension_numbers<[1], [0], [0], [1], [0, 0, 1, 1], [], []>, transpose_lhs_hint = false} : vector<2000x64xf32>, vector<64x64xf32>, vector<2000x64xf32> -> vector<2000x64xf32>
    %dot_general3A_47 = arith.constant dense<0.000000e+00> : vector<2000x64xf32>
    %dot_general3A_48 = tpu.matmul %convert_element_type3A_29, %convert_element_type3A_35, %dot_general3A_47 {dimension_numbers = #tpu.dot_dimension_numbers<[1], [0], [0], [1], [0, 0, 1, 1], [], []>, transpose_lhs_hint = false} : vector<2000x64xf32>, vector<64x64xf32>, vector<2000x64xf32> -> vector<2000x64xf32>
    %add3A_49 = arith.addf %dot_general3A_46, %dot_general3A_48 : vector<2000x64xf32>
    %dot_general3A_50 = arith.constant dense<0.000000e+00> : vector<2000x64xf32>
    %dot_general3A_51 = tpu.matmul %sub3A_30, %convert_element_type3A_32, %dot_general3A_50 {dimension_numbers = #tpu.dot_dimension_numbers<[1], [0], [0], [1], [0, 0, 1, 1], [], []>, transpose_lhs_hint = false} : vector<2000x64xf32>, vector<64x64xf32>, vector<2000x64xf32> -> vector<2000x64xf32>
    %add3A_52 = arith.addf %add3A_49, %dot_general3A_51 : vector<2000x64xf32>
    %add3A_53 = arith.addf %add3A_44, %add3A_52 : vector<2000x64xf32>
    %slice3A = vector.extract_strided_slice %add3A_53 {offsets = [0, 0], sizes = [2000, 32], strides = [1, 1]} : vector<2000x64xf32> to vector<2000x32xf32>
    %swap3A_54 = arith.constant 0 : index
    %swap3A_55 = arith.constant 0 : index
    %swap3A_56 = vector.load %arg5[%swap3A_54, %swap3A_55] : memref<2000x32xf32, #tpu.memory_space<vmem>>, vector<2000x32xf32>
    tpu.vector_store %arg5[%swap3A_54, %swap3A_55], %slice3A {strides = array<i32>} : memref<2000x32xf32, #tpu.memory_space<vmem>>, vector<2000x32xf32>,
    %slice3A_57 = vector.extract_strided_slice %add3A_53 {offsets = [0, 32], sizes = [2000, 32], strides = [1, 1]} : vector<2000x64xf32> to vector<2000x32xf32>
    %swap3A_58 = arith.constant 0 : index
    %swap3A_59 = arith.constant 0 : index
    %swap3A_60 = vector.load %arg6[%swap3A_58, %swap3A_59] : memref<2000x32xf32, #tpu.memory_space<vmem>>, vector<2000x32xf32>
    tpu.vector_store %arg6[%swap3A_58, %swap3A_59], %slice3A_57 {strides = array<i32>} : memref<2000x32xf32, #tpu.memory_space<vmem>>, vector<2000x32xf32>,
    return
  }
  func.func @transform_0(%arg0: i32) -> (i32, i32, i32) {
    %c0_i32 = arith.constant 0 : i32
    %c0_i32_0 = arith.constant 0 : i32
    %c0_i32_1 = arith.constant 0 : i32
    return %arg0, %c0_i32, %c0_i32_0 : i32, i32, i32
  }
  func.func @transform_1(%arg0: i32) -> (i32, i32) {
    %c0_i32 = arith.constant 0 : i32
    %c0_i32_0 = arith.constant 0 : i32
    %c0_i32_1 = arith.constant 0 : i32
    return %c0_i32, %c0_i32_0 : i32, i32
  }
  func.func @transform_2(%arg0: i32) -> (i32, i32) {
    %c0_i32 = arith.constant 0 : i32
    %c0_i32_0 = arith.constant 0 : i32
    %c0_i32_1 = arith.constant 0 : i32
    return %c0_i32, %c0_i32_0 : i32, i32
  }
  func.func @transform_3(%arg0: i32) -> (i32, i32) {
    %c0_i32 = arith.constant 0 : i32
    %c0_i32_0 = arith.constant 0 : i32
    return %arg0, %c0_i32 : i32, i32
  }
  func.func @transform_4(%arg0: i32) -> (i32, i32) {
    %c0_i32 = arith.constant 0 : i32
    %c0_i32_0 = arith.constant 0 : i32
    return %arg0, %c0_i32 : i32, i32
  }
  func.func @transform_5(%arg0: i32) -> (i32, i32) {
    %c0_i32 = arith.constant 0 : i32
    %c0_i32_0 = arith.constant 0 : i32
    return %arg0, %c0_i32 : i32, i32
  }
}

module attributes {stable_mosaic.version = 14 : i64} {
  func.func @_filter_block(%arg0: i32, %arg1: memref<1x1x4000xf32, #tpu.memory_space<vmem>>, %arg2: memref<8x64xf32, #tpu.memory_space<vmem>>, %arg3: memref<1x64xf32, #tpu.memory_space<vmem>>, %arg4: memref<64x64xf32, #tpu.memory_space<vmem>>, %arg5: memref<1x64xf32, #tpu.memory_space<vmem>>, %arg6: memref<1000x128xf32, #tpu.memory_space<vmem>>, %arg7: memref<1000x128xf32, #tpu.memory_space<vmem>>) attributes {dimension_semantics = [#tpu.dimension_semantics<arbitrary>], iteration_bounds = array<i64: 200>, scalar_prefetch = 0 : i64, scratch_operands = 0 : i64, tpu.core_type = #tpu.core_type<tc>, window_params = [{transform_indices = @transform_0, window_bounds = array<i64: 1, 1, 4000>}, {pipeline_mode = #tpu.pipeline_mode<synchronous>, transform_indices = @transform_1, window_bounds = array<i64: 8, 64>}, {pipeline_mode = #tpu.pipeline_mode<synchronous>, transform_indices = @transform_2, window_bounds = array<i64: 1, 64>}, {pipeline_mode = #tpu.pipeline_mode<synchronous>, transform_indices = @transform_3, window_bounds = array<i64: 64, 64>}, {pipeline_mode = #tpu.pipeline_mode<synchronous>, transform_indices = @transform_4, window_bounds = array<i64: 1, 64>}, {transform_indices = @transform_5, window_bounds = array<i64: 1000, 128>}, {transform_indices = @transform_6, window_bounds = array<i64: 1000, 128>}]} {
    %get3A = arith.constant 0 : index
    %get3A_0 = arith.constant 0 : index
    %get3A_1 = arith.constant 0 : index
    %get3A_2 = vector.load %arg1[%get3A, %get3A_0, %get3A_1] : memref<1x1x4000xf32, #tpu.memory_space<vmem>>, vector<1x1x4000xf32>
    %get3A_3 = vector.shape_cast %get3A_2 : vector<1x1x4000xf32> to vector<4000xf32>
    %broadcast_in_dim3A = vector.shape_cast %get3A_3 : vector<4000xf32> to vector<4000x1xf32>
    %iota3A = tpu.iota {dimensions = array<i32: 1>} : vector<4000x8xi32>
    %convert_element_type3A = arith.sitofp %iota3A : vector<4000x8xi32> to vector<4000x8xf32>
    %mul3A = arith.constant 1.250000e+00 : f32
    %mul3A_4 = vector.broadcast %mul3A : f32 to vector<4000x8xf32>
    %mul3A_5 = arith.mulf %convert_element_type3A, %mul3A_4 : vector<4000x8xf32>
    %sub3A = vector.broadcast %broadcast_in_dim3A : vector<4000x1xf32> to vector<4000x8xf32>
    %sub3A_6 = arith.subf %sub3A, %mul3A_5 : vector<4000x8xf32>
    %integer_pow3A = arith.mulf %sub3A_6, %sub3A_6 : vector<4000x8xf32>
    %neg3A = arith.constant 0.000000e+00 : f32
    %neg3A_7 = vector.broadcast %neg3A : f32 to vector<4000x8xf32>
    %neg3A_8 = arith.subf %neg3A_7, %integer_pow3A : vector<4000x8xf32>
    %mul3A_9 = arith.constant 8.000000e-01 : f32
    %mul3A_10 = vector.broadcast %mul3A_9 : f32 to vector<4000x8xf32>
    %mul3A_11 = arith.mulf %neg3A_8, %mul3A_10 : vector<4000x8xf32>
    %exp3A = math.exp %mul3A_11 : vector<4000x8xf32>
    %get3A_12 = arith.constant 0 : index
    %get3A_13 = arith.constant 0 : index
    %get3A_14 = vector.load %arg2[%get3A_12, %get3A_13] : memref<8x64xf32, #tpu.memory_space<vmem>>, vector<8x64xf32>
    %convert_element_type3A_15 = arith.truncf %exp3A : vector<4000x8xf32> to vector<4000x8xbf16>
    %convert_element_type3A_16 = arith.extf %convert_element_type3A_15 : vector<4000x8xbf16> to vector<4000x8xf32>
    %sub3A_17 = arith.subf %exp3A, %convert_element_type3A_16 : vector<4000x8xf32>
    %convert_element_type3A_18 = arith.truncf %sub3A_17 : vector<4000x8xf32> to vector<4000x8xbf16>
    %convert_element_type3A_19 = arith.extf %convert_element_type3A_18 : vector<4000x8xbf16> to vector<4000x8xf32>
    %sub3A_20 = arith.subf %sub3A_17, %convert_element_type3A_19 : vector<4000x8xf32>
    %convert_element_type3A_21 = arith.truncf %get3A_14 : vector<8x64xf32> to vector<8x64xbf16>
    %convert_element_type3A_22 = arith.extf %convert_element_type3A_21 : vector<8x64xbf16> to vector<8x64xf32>
    %sub3A_23 = arith.subf %get3A_14, %convert_element_type3A_22 : vector<8x64xf32>
    %convert_element_type3A_24 = arith.truncf %sub3A_23 : vector<8x64xf32> to vector<8x64xbf16>
    %convert_element_type3A_25 = arith.extf %convert_element_type3A_24 : vector<8x64xbf16> to vector<8x64xf32>
    %sub3A_26 = arith.subf %sub3A_23, %convert_element_type3A_25 : vector<8x64xf32>
    %dot_general3A = arith.constant dense<0.000000e+00> : vector<4000x64xf32>
    %dot_general3A_27 = tpu.matmul %convert_element_type3A_16, %convert_element_type3A_22, %dot_general3A {dimension_numbers = #tpu.dot_dimension_numbers<[1], [0], [0], [1], [0, 0, 1, 1], [], []>, transpose_lhs_hint = false} : vector<4000x8xf32>, vector<8x64xf32>, vector<4000x64xf32> -> vector<4000x64xf32>
    %dot_general3A_28 = arith.constant dense<0.000000e+00> : vector<4000x64xf32>
    %dot_general3A_29 = tpu.matmul %convert_element_type3A_16, %convert_element_type3A_25, %dot_general3A_28 {dimension_numbers = #tpu.dot_dimension_numbers<[1], [0], [0], [1], [0, 0, 1, 1], [], []>, transpose_lhs_hint = false} : vector<4000x8xf32>, vector<8x64xf32>, vector<4000x64xf32> -> vector<4000x64xf32>
    %dot_general3A_30 = arith.constant dense<0.000000e+00> : vector<4000x64xf32>
    %dot_general3A_31 = tpu.matmul %convert_element_type3A_19, %convert_element_type3A_22, %dot_general3A_30 {dimension_numbers = #tpu.dot_dimension_numbers<[1], [0], [0], [1], [0, 0, 1, 1], [], []>, transpose_lhs_hint = false} : vector<4000x8xf32>, vector<8x64xf32>, vector<4000x64xf32> -> vector<4000x64xf32>
    %add3A = arith.addf %dot_general3A_29, %dot_general3A_31 : vector<4000x64xf32>
    %add3A_32 = arith.addf %dot_general3A_27, %add3A : vector<4000x64xf32>
    %dot_general3A_33 = arith.constant dense<0.000000e+00> : vector<4000x64xf32>
    %dot_general3A_34 = tpu.matmul %convert_element_type3A_16, %sub3A_26, %dot_general3A_33 {dimension_numbers = #tpu.dot_dimension_numbers<[1], [0], [0], [1], [0, 0, 1, 1], [], []>, transpose_lhs_hint = false} : vector<4000x8xf32>, vector<8x64xf32>, vector<4000x64xf32> -> vector<4000x64xf32>
    %dot_general3A_35 = arith.constant dense<0.000000e+00> : vector<4000x64xf32>
    %dot_general3A_36 = tpu.matmul %convert_element_type3A_19, %convert_element_type3A_25, %dot_general3A_35 {dimension_numbers = #tpu.dot_dimension_numbers<[1], [0], [0], [1], [0, 0, 1, 1], [], []>, transpose_lhs_hint = false} : vector<4000x8xf32>, vector<8x64xf32>, vector<4000x64xf32> -> vector<4000x64xf32>
    %add3A_37 = arith.addf %dot_general3A_34, %dot_general3A_36 : vector<4000x64xf32>
    %dot_general3A_38 = arith.constant dense<0.000000e+00> : vector<4000x64xf32>
    %dot_general3A_39 = tpu.matmul %sub3A_20, %convert_element_type3A_22, %dot_general3A_38 {dimension_numbers = #tpu.dot_dimension_numbers<[1], [0], [0], [1], [0, 0, 1, 1], [], []>, transpose_lhs_hint = false} : vector<4000x8xf32>, vector<8x64xf32>, vector<4000x64xf32> -> vector<4000x64xf32>
    %add3A_40 = arith.addf %add3A_37, %dot_general3A_39 : vector<4000x64xf32>
    %add3A_41 = arith.addf %add3A_32, %add3A_40 : vector<4000x64xf32>
    %get3A_42 = arith.constant 0 : index
    %get3A_43 = arith.constant 0 : index
    %get3A_44 = vector.load %arg3[%get3A_42, %get3A_43] : memref<1x64xf32, #tpu.memory_space<vmem>>, vector<1x64xf32>
    %add3A_45 = vector.broadcast %get3A_44 : vector<1x64xf32> to vector<4000x64xf32>
    %add3A_46 = arith.addf %add3A_41, %add3A_45 : vector<4000x64xf32>
    %mul3A_47 = arith.constant 5.000000e-01 : f32
    %mul3A_48 = vector.broadcast %mul3A_47 : f32 to vector<4000x64xf32>
    %mul3A_49 = arith.mulf %mul3A_48, %add3A_46 : vector<4000x64xf32>
    %max3A = arith.constant 0.000000e+00 : f32
    %max3A_50 = vector.broadcast %max3A : f32 to vector<4000x64xf32>
    %max3A_51 = arith.maximumf %mul3A_49, %max3A_50 : vector<4000x64xf32>
    %abs3A = math.absf %mul3A_49 : vector<4000x64xf32>
    %neg3A_52 = arith.constant 0.000000e+00 : f32
    %neg3A_53 = vector.broadcast %neg3A_52 : f32 to vector<4000x64xf32>
    %neg3A_54 = arith.subf %neg3A_53, %abs3A : vector<4000x64xf32>
    %exp3A_55 = math.exp %neg3A_54 : vector<4000x64xf32>
    %add3A_56 = arith.constant 1.000000e+00 : f32
    %add3A_57 = vector.broadcast %add3A_56 : f32 to vector<4000x64xf32>
    %add3A_58 = arith.addf %add3A_57, %exp3A_55 : vector<4000x64xf32>
    %log3A = math.log %add3A_58 : vector<4000x64xf32>
    %add3A_59 = arith.addf %max3A_51, %log3A : vector<4000x64xf32>
    %mul3A_60 = arith.constant 2.000000e+00 : f32
    %mul3A_61 = vector.broadcast %mul3A_60 : f32 to vector<4000x64xf32>
    %mul3A_62 = arith.mulf %mul3A_61, %add3A_59 : vector<4000x64xf32>
    %get3A_63 = arith.constant 0 : index
    %get3A_64 = arith.constant 0 : index
    %get3A_65 = vector.load %arg4[%get3A_63, %get3A_64] : memref<64x64xf32, #tpu.memory_space<vmem>>, vector<64x64xf32>
    %convert_element_type3A_66 = arith.truncf %mul3A_62 : vector<4000x64xf32> to vector<4000x64xbf16>
    %convert_element_type3A_67 = arith.extf %convert_element_type3A_66 : vector<4000x64xbf16> to vector<4000x64xf32>
    %sub3A_68 = arith.subf %mul3A_62, %convert_element_type3A_67 : vector<4000x64xf32>
    %convert_element_type3A_69 = arith.truncf %sub3A_68 : vector<4000x64xf32> to vector<4000x64xbf16>
    %convert_element_type3A_70 = arith.extf %convert_element_type3A_69 : vector<4000x64xbf16> to vector<4000x64xf32>
    %sub3A_71 = arith.subf %sub3A_68, %convert_element_type3A_70 : vector<4000x64xf32>
    %convert_element_type3A_72 = arith.truncf %get3A_65 : vector<64x64xf32> to vector<64x64xbf16>
    %convert_element_type3A_73 = arith.extf %convert_element_type3A_72 : vector<64x64xbf16> to vector<64x64xf32>
    %sub3A_74 = arith.subf %get3A_65, %convert_element_type3A_73 : vector<64x64xf32>
    %convert_element_type3A_75 = arith.truncf %sub3A_74 : vector<64x64xf32> to vector<64x64xbf16>
    %convert_element_type3A_76 = arith.extf %convert_element_type3A_75 : vector<64x64xbf16> to vector<64x64xf32>
    %sub3A_77 = arith.subf %sub3A_74, %convert_element_type3A_76 : vector<64x64xf32>
    %dot_general3A_78 = arith.constant dense<0.000000e+00> : vector<4000x64xf32>
    %dot_general3A_79 = tpu.matmul %convert_element_type3A_67, %convert_element_type3A_73, %dot_general3A_78 {dimension_numbers = #tpu.dot_dimension_numbers<[1], [0], [0], [1], [0, 0, 1, 1], [], []>, transpose_lhs_hint = false} : vector<4000x64xf32>, vector<64x64xf32>, vector<4000x64xf32> -> vector<4000x64xf32>
    %dot_general3A_80 = arith.constant dense<0.000000e+00> : vector<4000x64xf32>
    %dot_general3A_81 = tpu.matmul %convert_element_type3A_67, %convert_element_type3A_76, %dot_general3A_80 {dimension_numbers = #tpu.dot_dimension_numbers<[1], [0], [0], [1], [0, 0, 1, 1], [], []>, transpose_lhs_hint = false} : vector<4000x64xf32>, vector<64x64xf32>, vector<4000x64xf32> -> vector<4000x64xf32>
    %dot_general3A_82 = arith.constant dense<0.000000e+00> : vector<4000x64xf32>
    %dot_general3A_83 = tpu.matmul %convert_element_type3A_70, %convert_element_type3A_73, %dot_general3A_82 {dimension_numbers = #tpu.dot_dimension_numbers<[1], [0], [0], [1], [0, 0, 1, 1], [], []>, transpose_lhs_hint = false} : vector<4000x64xf32>, vector<64x64xf32>, vector<4000x64xf32> -> vector<4000x64xf32>
    %add3A_84 = arith.addf %dot_general3A_81, %dot_general3A_83 : vector<4000x64xf32>
    %add3A_85 = arith.addf %dot_general3A_79, %add3A_84 : vector<4000x64xf32>
    %dot_general3A_86 = arith.constant dense<0.000000e+00> : vector<4000x64xf32>
    %dot_general3A_87 = tpu.matmul %convert_element_type3A_67, %sub3A_77, %dot_general3A_86 {dimension_numbers = #tpu.dot_dimension_numbers<[1], [0], [0], [1], [0, 0, 1, 1], [], []>, transpose_lhs_hint = false} : vector<4000x64xf32>, vector<64x64xf32>, vector<4000x64xf32> -> vector<4000x64xf32>
    %dot_general3A_88 = arith.constant dense<0.000000e+00> : vector<4000x64xf32>
    %dot_general3A_89 = tpu.matmul %convert_element_type3A_70, %convert_element_type3A_76, %dot_general3A_88 {dimension_numbers = #tpu.dot_dimension_numbers<[1], [0], [0], [1], [0, 0, 1, 1], [], []>, transpose_lhs_hint = false} : vector<4000x64xf32>, vector<64x64xf32>, vector<4000x64xf32> -> vector<4000x64xf32>
    %add3A_90 = arith.addf %dot_general3A_87, %dot_general3A_89 : vector<4000x64xf32>
    %dot_general3A_91 = arith.constant dense<0.000000e+00> : vector<4000x64xf32>
    %dot_general3A_92 = tpu.matmul %sub3A_71, %convert_element_type3A_73, %dot_general3A_91 {dimension_numbers = #tpu.dot_dimension_numbers<[1], [0], [0], [1], [0, 0, 1, 1], [], []>, transpose_lhs_hint = false} : vector<4000x64xf32>, vector<64x64xf32>, vector<4000x64xf32> -> vector<4000x64xf32>
    %add3A_93 = arith.addf %add3A_90, %dot_general3A_92 : vector<4000x64xf32>
    %add3A_94 = arith.addf %add3A_85, %add3A_93 : vector<4000x64xf32>
    %get3A_95 = arith.constant 0 : index
    %get3A_96 = arith.constant 0 : index
    %get3A_97 = vector.load %arg5[%get3A_95, %get3A_96] : memref<1x64xf32, #tpu.memory_space<vmem>>, vector<1x64xf32>
    %add3A_98 = vector.broadcast %get3A_97 : vector<1x64xf32> to vector<4000x64xf32>
    %add3A_99 = arith.addf %add3A_94, %add3A_98 : vector<4000x64xf32>
    %slice3A = vector.extract_strided_slice %add3A_99 {offsets = [0, 0], sizes = [1000, 32], strides = [1, 1]} : vector<4000x64xf32> to vector<1000x32xf32>
    %slice3A_100 = vector.extract_strided_slice %add3A_99 {offsets = [1000, 0], sizes = [1000, 32], strides = [1, 1]} : vector<4000x64xf32> to vector<1000x32xf32>
    %slice3A_101 = vector.extract_strided_slice %add3A_99 {offsets = [2000, 0], sizes = [1000, 32], strides = [1, 1]} : vector<4000x64xf32> to vector<1000x32xf32>
    %slice3A_102 = vector.extract_strided_slice %add3A_99 {offsets = [3000, 0], sizes = [1000, 32], strides = [1, 1]} : vector<4000x64xf32> to vector<1000x32xf32>
    %concatenate3A = tpu.concatenate %slice3A, %slice3A_100, %slice3A_101, %slice3A_102 in 1 : vector<1000x32xf32>, vector<1000x32xf32>, vector<1000x32xf32>, vector<1000x32xf32> -> vector<1000x128xf32>
    %swap3A = arith.constant 0 : index
    %swap3A_103 = arith.constant 0 : index
    %swap3A_104 = vector.load %arg6[%swap3A, %swap3A_103] : memref<1000x128xf32, #tpu.memory_space<vmem>>, vector<1000x128xf32>
    tpu.vector_store %arg6[%swap3A, %swap3A_103], %concatenate3A {strides = array<i32>} : memref<1000x128xf32, #tpu.memory_space<vmem>>, vector<1000x128xf32>,
    %slice3A_105 = vector.extract_strided_slice %add3A_99 {offsets = [0, 32], sizes = [1000, 32], strides = [1, 1]} : vector<4000x64xf32> to vector<1000x32xf32>
    %slice3A_106 = vector.extract_strided_slice %add3A_99 {offsets = [1000, 32], sizes = [1000, 32], strides = [1, 1]} : vector<4000x64xf32> to vector<1000x32xf32>
    %slice3A_107 = vector.extract_strided_slice %add3A_99 {offsets = [2000, 32], sizes = [1000, 32], strides = [1, 1]} : vector<4000x64xf32> to vector<1000x32xf32>
    %slice3A_108 = vector.extract_strided_slice %add3A_99 {offsets = [3000, 32], sizes = [1000, 32], strides = [1, 1]} : vector<4000x64xf32> to vector<1000x32xf32>
    %concatenate3A_109 = tpu.concatenate %slice3A_105, %slice3A_106, %slice3A_107, %slice3A_108 in 1 : vector<1000x32xf32>, vector<1000x32xf32>, vector<1000x32xf32>, vector<1000x32xf32> -> vector<1000x128xf32>
    %swap3A_110 = arith.constant 0 : index
    %swap3A_111 = arith.constant 0 : index
    %swap3A_112 = vector.load %arg7[%swap3A_110, %swap3A_111] : memref<1000x128xf32, #tpu.memory_space<vmem>>, vector<1000x128xf32>
    tpu.vector_store %arg7[%swap3A_110, %swap3A_111], %concatenate3A_109 {strides = array<i32>} : memref<1000x128xf32, #tpu.memory_space<vmem>>, vector<1000x128xf32>,
    return
  }
  func.func @transform_0(%arg0: i32) -> (i32, i32, i32) {
    %c0_i32 = arith.constant 0 : i32
    %c0_i32_0 = arith.constant 0 : i32
    %c0_i32_1 = arith.constant 0 : i32
    return %arg0, %c0_i32, %c0_i32_0 : i32, i32, i32
  }
  func.func @transform_1(%arg0: i32) -> (i32, i32) {
    %c0_i32 = arith.constant 0 : i32
    %c0_i32_0 = arith.constant 0 : i32
    %c0_i32_1 = arith.constant 0 : i32
    return %c0_i32, %c0_i32_0 : i32, i32
  }
  func.func @transform_2(%arg0: i32) -> (i32, i32) {
    %c0_i32 = arith.constant 0 : i32
    %c0_i32_0 = arith.constant 0 : i32
    %c0_i32_1 = arith.constant 0 : i32
    return %c0_i32, %c0_i32_0 : i32, i32
  }
  func.func @transform_3(%arg0: i32) -> (i32, i32) {
    %c0_i32 = arith.constant 0 : i32
    %c0_i32_0 = arith.constant 0 : i32
    %c0_i32_1 = arith.constant 0 : i32
    return %c0_i32, %c0_i32_0 : i32, i32
  }
  func.func @transform_4(%arg0: i32) -> (i32, i32) {
    %c0_i32 = arith.constant 0 : i32
    %c0_i32_0 = arith.constant 0 : i32
    %c0_i32_1 = arith.constant 0 : i32
    return %c0_i32, %c0_i32_0 : i32, i32
  }
  func.func @transform_5(%arg0: i32) -> (i32, i32) {
    %c0_i32 = arith.constant 0 : i32
    %c0_i32_0 = arith.constant 0 : i32
    return %arg0, %c0_i32 : i32, i32
  }
  func.func @transform_6(%arg0: i32) -> (i32, i32) {
    %c0_i32 = arith.constant 0 : i32
    %c0_i32_0 = arith.constant 0 : i32
    return %arg0, %c0_i32 : i32, i32
  }
}

module attributes {stable_mosaic.version = 14 : i64} {
  func.func @_update_block(%arg0: i32, %arg1: memref<2000x32xf32, #tpu.memory_space<vmem>>, %arg2: memref<2000x32xf32, #tpu.memory_space<vmem>>, %arg3: memref<2000x64xf32, #tpu.memory_space<vmem>>, %arg4: memref<64x64xf32, #tpu.memory_space<vmem>>, %arg5: memref<1x64xf32, #tpu.memory_space<vmem>>, %arg6: memref<64x64xf32, #tpu.memory_space<vmem>>, %arg7: memref<1x64xf32, #tpu.memory_space<vmem>>, %arg8: memref<64x64xf32, #tpu.memory_space<vmem>>, %arg9: memref<2000x64xf32, #tpu.memory_space<vmem>>, %arg10: memref<2000x32xf32, #tpu.memory_space<vmem>>, %arg11: memref<2000x32xf32, #tpu.memory_space<vmem>>) attributes {dimension_semantics = [#tpu.dimension_semantics<arbitrary>], iteration_bounds = array<i64: 25>, scalar_prefetch = 0 : i64, scratch_operands = 0 : i64, tpu.core_type = #tpu.core_type<tc>, window_params = [{transform_indices = @transform_0, window_bounds = array<i64: 2000, 32>}, {transform_indices = @transform_1, window_bounds = array<i64: 2000, 32>}, {transform_indices = @transform_2, window_bounds = array<i64: 2000, 64>}, {pipeline_mode = #tpu.pipeline_mode<synchronous>, transform_indices = @transform_3, window_bounds = array<i64: 64, 64>}, {pipeline_mode = #tpu.pipeline_mode<synchronous>, transform_indices = @transform_4, window_bounds = array<i64: 1, 64>}, {pipeline_mode = #tpu.pipeline_mode<synchronous>, transform_indices = @transform_5, window_bounds = array<i64: 64, 64>}, {pipeline_mode = #tpu.pipeline_mode<synchronous>, transform_indices = @transform_6, window_bounds = array<i64: 1, 64>}, {pipeline_mode = #tpu.pipeline_mode<synchronous>, transform_indices = @transform_7, window_bounds = array<i64: 64, 64>}, {transform_indices = @transform_8, window_bounds = array<i64: 2000, 64>}, {transform_indices = @transform_9, window_bounds = array<i64: 2000, 32>}, {transform_indices = @transform_10, window_bounds = array<i64: 2000, 32>}]} {
    %get3A = arith.constant 0 : index
    %get3A_0 = arith.constant 0 : index
    %get3A_1 = vector.load %arg1[%get3A, %get3A_0] : memref<2000x32xf32, #tpu.memory_space<vmem>>, vector<2000x32xf32>
    %get3A_2 = arith.constant 0 : index
    %get3A_3 = arith.constant 0 : index
    %get3A_4 = vector.load %arg2[%get3A_2, %get3A_3] : memref<2000x32xf32, #tpu.memory_space<vmem>>, vector<2000x32xf32>
    %concatenate3A = tpu.concatenate %get3A_1, %get3A_4 in 1 : vector<2000x32xf32>, vector<2000x32xf32> -> vector<2000x64xf32>
    %get3A_5 = arith.constant 0 : index
    %get3A_6 = arith.constant 0 : index
    %get3A_7 = vector.load %arg4[%get3A_5, %get3A_6] : memref<64x64xf32, #tpu.memory_space<vmem>>, vector<64x64xf32>
    %convert_element_type3A = arith.truncf %concatenate3A : vector<2000x64xf32> to vector<2000x64xbf16>
    %convert_element_type3A_8 = arith.extf %convert_element_type3A : vector<2000x64xbf16> to vector<2000x64xf32>
    %sub3A = arith.subf %concatenate3A, %convert_element_type3A_8 : vector<2000x64xf32>
    %convert_element_type3A_9 = arith.truncf %sub3A : vector<2000x64xf32> to vector<2000x64xbf16>
    %convert_element_type3A_10 = arith.extf %convert_element_type3A_9 : vector<2000x64xbf16> to vector<2000x64xf32>
    %sub3A_11 = arith.subf %sub3A, %convert_element_type3A_10 : vector<2000x64xf32>
    %convert_element_type3A_12 = arith.truncf %get3A_7 : vector<64x64xf32> to vector<64x64xbf16>
    %convert_element_type3A_13 = arith.extf %convert_element_type3A_12 : vector<64x64xbf16> to vector<64x64xf32>
    %sub3A_14 = arith.subf %get3A_7, %convert_element_type3A_13 : vector<64x64xf32>
    %convert_element_type3A_15 = arith.truncf %sub3A_14 : vector<64x64xf32> to vector<64x64xbf16>
    %convert_element_type3A_16 = arith.extf %convert_element_type3A_15 : vector<64x64xbf16> to vector<64x64xf32>
    %sub3A_17 = arith.subf %sub3A_14, %convert_element_type3A_16 : vector<64x64xf32>
    %dot_general3A = arith.constant dense<0.000000e+00> : vector<2000x64xf32>
    %dot_general3A_18 = tpu.matmul %convert_element_type3A_8, %convert_element_type3A_13, %dot_general3A {dimension_numbers = #tpu.dot_dimension_numbers<[1], [0], [0], [1], [0, 0, 1, 1], [], []>, transpose_lhs_hint = false} : vector<2000x64xf32>, vector<64x64xf32>, vector<2000x64xf32> -> vector<2000x64xf32>
    %dot_general3A_19 = arith.constant dense<0.000000e+00> : vector<2000x64xf32>
    %dot_general3A_20 = tpu.matmul %convert_element_type3A_8, %convert_element_type3A_16, %dot_general3A_19 {dimension_numbers = #tpu.dot_dimension_numbers<[1], [0], [0], [1], [0, 0, 1, 1], [], []>, transpose_lhs_hint = false} : vector<2000x64xf32>, vector<64x64xf32>, vector<2000x64xf32> -> vector<2000x64xf32>
    %dot_general3A_21 = arith.constant dense<0.000000e+00> : vector<2000x64xf32>
    %dot_general3A_22 = tpu.matmul %convert_element_type3A_10, %convert_element_type3A_13, %dot_general3A_21 {dimension_numbers = #tpu.dot_dimension_numbers<[1], [0], [0], [1], [0, 0, 1, 1], [], []>, transpose_lhs_hint = false} : vector<2000x64xf32>, vector<64x64xf32>, vector<2000x64xf32> -> vector<2000x64xf32>
    %add3A = arith.addf %dot_general3A_20, %dot_general3A_22 : vector<2000x64xf32>
    %add3A_23 = arith.addf %dot_general3A_18, %add3A : vector<2000x64xf32>
    %dot_general3A_24 = arith.constant dense<0.000000e+00> : vector<2000x64xf32>
    %dot_general3A_25 = tpu.matmul %convert_element_type3A_8, %sub3A_17, %dot_general3A_24 {dimension_numbers = #tpu.dot_dimension_numbers<[1], [0], [0], [1], [0, 0, 1, 1], [], []>, transpose_lhs_hint = false} : vector<2000x64xf32>, vector<64x64xf32>, vector<2000x64xf32> -> vector<2000x64xf32>
    %dot_general3A_26 = arith.constant dense<0.000000e+00> : vector<2000x64xf32>
    %dot_general3A_27 = tpu.matmul %convert_element_type3A_10, %convert_element_type3A_16, %dot_general3A_26 {dimension_numbers = #tpu.dot_dimension_numbers<[1], [0], [0], [1], [0, 0, 1, 1], [], []>, transpose_lhs_hint = false} : vector<2000x64xf32>, vector<64x64xf32>, vector<2000x64xf32> -> vector<2000x64xf32>
    %add3A_28 = arith.addf %dot_general3A_25, %dot_general3A_27 : vector<2000x64xf32>
    %dot_general3A_29 = arith.constant dense<0.000000e+00> : vector<2000x64xf32>
    %dot_general3A_30 = tpu.matmul %sub3A_11, %convert_element_type3A_13, %dot_general3A_29 {dimension_numbers = #tpu.dot_dimension_numbers<[1], [0], [0], [1], [0, 0, 1, 1], [], []>, transpose_lhs_hint = false} : vector<2000x64xf32>, vector<64x64xf32>, vector<2000x64xf32> -> vector<2000x64xf32>
    %add3A_31 = arith.addf %add3A_28, %dot_general3A_30 : vector<2000x64xf32>
    %add3A_32 = arith.addf %add3A_23, %add3A_31 : vector<2000x64xf32>
    %get3A_33 = arith.constant 0 : index
    %get3A_34 = arith.constant 0 : index
    %get3A_35 = vector.load %arg5[%get3A_33, %get3A_34] : memref<1x64xf32, #tpu.memory_space<vmem>>, vector<1x64xf32>
    %add3A_36 = vector.broadcast %get3A_35 : vector<1x64xf32> to vector<2000x64xf32>
    %add3A_37 = arith.addf %add3A_32, %add3A_36 : vector<2000x64xf32>
    %mul3A = arith.constant 5.000000e-01 : f32
    %mul3A_38 = vector.broadcast %mul3A : f32 to vector<2000x64xf32>
    %mul3A_39 = arith.mulf %mul3A_38, %add3A_37 : vector<2000x64xf32>
    %max3A = arith.constant 0.000000e+00 : f32
    %max3A_40 = vector.broadcast %max3A : f32 to vector<2000x64xf32>
    %max3A_41 = arith.maximumf %mul3A_39, %max3A_40 : vector<2000x64xf32>
    %abs3A = math.absf %mul3A_39 : vector<2000x64xf32>
    %neg3A = arith.constant 0.000000e+00 : f32
    %neg3A_42 = vector.broadcast %neg3A : f32 to vector<2000x64xf32>
    %neg3A_43 = arith.subf %neg3A_42, %abs3A : vector<2000x64xf32>
    %exp3A = math.exp %neg3A_43 : vector<2000x64xf32>
    %add3A_44 = arith.constant 1.000000e+00 : f32
    %add3A_45 = vector.broadcast %add3A_44 : f32 to vector<2000x64xf32>
    %add3A_46 = arith.addf %add3A_45, %exp3A : vector<2000x64xf32>
    %log3A = math.log %add3A_46 : vector<2000x64xf32>
    %add3A_47 = arith.addf %max3A_41, %log3A : vector<2000x64xf32>
    %mul3A_48 = arith.constant 2.000000e+00 : f32
    %mul3A_49 = vector.broadcast %mul3A_48 : f32 to vector<2000x64xf32>
    %mul3A_50 = arith.mulf %mul3A_49, %add3A_47 : vector<2000x64xf32>
    %get3A_51 = arith.constant 0 : index
    %get3A_52 = arith.constant 0 : index
    %get3A_53 = vector.load %arg3[%get3A_51, %get3A_52] : memref<2000x64xf32, #tpu.memory_space<vmem>>, vector<2000x64xf32>
    %get3A_54 = arith.constant 0 : index
    %get3A_55 = arith.constant 0 : index
    %get3A_56 = vector.load %arg6[%get3A_54, %get3A_55] : memref<64x64xf32, #tpu.memory_space<vmem>>, vector<64x64xf32>
    %convert_element_type3A_57 = arith.truncf %mul3A_50 : vector<2000x64xf32> to vector<2000x64xbf16>
    %convert_element_type3A_58 = arith.extf %convert_element_type3A_57 : vector<2000x64xbf16> to vector<2000x64xf32>
    %sub3A_59 = arith.subf %mul3A_50, %convert_element_type3A_58 : vector<2000x64xf32>
    %convert_element_type3A_60 = arith.truncf %sub3A_59 : vector<2000x64xf32> to vector<2000x64xbf16>
    %convert_element_type3A_61 = arith.extf %convert_element_type3A_60 : vector<2000x64xbf16> to vector<2000x64xf32>
    %sub3A_62 = arith.subf %sub3A_59, %convert_element_type3A_61 : vector<2000x64xf32>
    %convert_element_type3A_63 = arith.truncf %get3A_56 : vector<64x64xf32> to vector<64x64xbf16>
    %convert_element_type3A_64 = arith.extf %convert_element_type3A_63 : vector<64x64xbf16> to vector<64x64xf32>
    %sub3A_65 = arith.subf %get3A_56, %convert_element_type3A_64 : vector<64x64xf32>
    %convert_element_type3A_66 = arith.truncf %sub3A_65 : vector<64x64xf32> to vector<64x64xbf16>
    %convert_element_type3A_67 = arith.extf %convert_element_type3A_66 : vector<64x64xbf16> to vector<64x64xf32>
    %sub3A_68 = arith.subf %sub3A_65, %convert_element_type3A_67 : vector<64x64xf32>
    %dot_general3A_69 = arith.constant dense<0.000000e+00> : vector<2000x64xf32>
    %dot_general3A_70 = tpu.matmul %convert_element_type3A_58, %convert_element_type3A_64, %dot_general3A_69 {dimension_numbers = #tpu.dot_dimension_numbers<[1], [0], [0], [1], [0, 0, 1, 1], [], []>, transpose_lhs_hint = false} : vector<2000x64xf32>, vector<64x64xf32>, vector<2000x64xf32> -> vector<2000x64xf32>
    %dot_general3A_71 = arith.constant dense<0.000000e+00> : vector<2000x64xf32>
    %dot_general3A_72 = tpu.matmul %convert_element_type3A_58, %convert_element_type3A_67, %dot_general3A_71 {dimension_numbers = #tpu.dot_dimension_numbers<[1], [0], [0], [1], [0, 0, 1, 1], [], []>, transpose_lhs_hint = false} : vector<2000x64xf32>, vector<64x64xf32>, vector<2000x64xf32> -> vector<2000x64xf32>
    %dot_general3A_73 = arith.constant dense<0.000000e+00> : vector<2000x64xf32>
    %dot_general3A_74 = tpu.matmul %convert_element_type3A_61, %convert_element_type3A_64, %dot_general3A_73 {dimension_numbers = #tpu.dot_dimension_numbers<[1], [0], [0], [1], [0, 0, 1, 1], [], []>, transpose_lhs_hint = false} : vector<2000x64xf32>, vector<64x64xf32>, vector<2000x64xf32> -> vector<2000x64xf32>
    %add3A_75 = arith.addf %dot_general3A_72, %dot_general3A_74 : vector<2000x64xf32>
    %add3A_76 = arith.addf %dot_general3A_70, %add3A_75 : vector<2000x64xf32>
    %dot_general3A_77 = arith.constant dense<0.000000e+00> : vector<2000x64xf32>
    %dot_general3A_78 = tpu.matmul %convert_element_type3A_58, %sub3A_68, %dot_general3A_77 {dimension_numbers = #tpu.dot_dimension_numbers<[1], [0], [0], [1], [0, 0, 1, 1], [], []>, transpose_lhs_hint = false} : vector<2000x64xf32>, vector<64x64xf32>, vector<2000x64xf32> -> vector<2000x64xf32>
    %dot_general3A_79 = arith.constant dense<0.000000e+00> : vector<2000x64xf32>
    %dot_general3A_80 = tpu.matmul %convert_element_type3A_61, %convert_element_type3A_67, %dot_general3A_79 {dimension_numbers = #tpu.dot_dimension_numbers<[1], [0], [0], [1], [0, 0, 1, 1], [], []>, transpose_lhs_hint = false} : vector<2000x64xf32>, vector<64x64xf32>, vector<2000x64xf32> -> vector<2000x64xf32>
    %add3A_81 = arith.addf %dot_general3A_78, %dot_general3A_80 : vector<2000x64xf32>
    %dot_general3A_82 = arith.constant dense<0.000000e+00> : vector<2000x64xf32>
    %dot_general3A_83 = tpu.matmul %sub3A_62, %convert_element_type3A_64, %dot_general3A_82 {dimension_numbers = #tpu.dot_dimension_numbers<[1], [0], [0], [1], [0, 0, 1, 1], [], []>, transpose_lhs_hint = false} : vector<2000x64xf32>, vector<64x64xf32>, vector<2000x64xf32> -> vector<2000x64xf32>
    %add3A_84 = arith.addf %add3A_81, %dot_general3A_83 : vector<2000x64xf32>
    %add3A_85 = arith.addf %add3A_76, %add3A_84 : vector<2000x64xf32>
    %add3A_86 = arith.addf %get3A_53, %add3A_85 : vector<2000x64xf32>
    %get3A_87 = arith.constant 0 : index
    %get3A_88 = arith.constant 0 : index
    %get3A_89 = vector.load %arg7[%get3A_87, %get3A_88] : memref<1x64xf32, #tpu.memory_space<vmem>>, vector<1x64xf32>
    %add3A_90 = vector.broadcast %get3A_89 : vector<1x64xf32> to vector<2000x64xf32>
    %add3A_91 = arith.addf %add3A_86, %add3A_90 : vector<2000x64xf32>
    %swap3A = arith.constant 0 : index
    %swap3A_92 = arith.constant 0 : index
    %swap3A_93 = vector.load %arg9[%swap3A, %swap3A_92] : memref<2000x64xf32, #tpu.memory_space<vmem>>, vector<2000x64xf32>
    tpu.vector_store %arg9[%swap3A, %swap3A_92], %add3A_91 {strides = array<i32>} : memref<2000x64xf32, #tpu.memory_space<vmem>>, vector<2000x64xf32>,
    %get3A_94 = arith.constant 0 : index
    %get3A_95 = arith.constant 0 : index
    %get3A_96 = vector.load %arg8[%get3A_94, %get3A_95] : memref<64x64xf32, #tpu.memory_space<vmem>>, vector<64x64xf32>
    %convert_element_type3A_97 = arith.truncf %add3A_91 : vector<2000x64xf32> to vector<2000x64xbf16>
    %convert_element_type3A_98 = arith.extf %convert_element_type3A_97 : vector<2000x64xbf16> to vector<2000x64xf32>
    %sub3A_99 = arith.subf %add3A_91, %convert_element_type3A_98 : vector<2000x64xf32>
    %convert_element_type3A_100 = arith.truncf %sub3A_99 : vector<2000x64xf32> to vector<2000x64xbf16>
    %convert_element_type3A_101 = arith.extf %convert_element_type3A_100 : vector<2000x64xbf16> to vector<2000x64xf32>
    %sub3A_102 = arith.subf %sub3A_99, %convert_element_type3A_101 : vector<2000x64xf32>
    %convert_element_type3A_103 = arith.truncf %get3A_96 : vector<64x64xf32> to vector<64x64xbf16>
    %convert_element_type3A_104 = arith.extf %convert_element_type3A_103 : vector<64x64xbf16> to vector<64x64xf32>
    %sub3A_105 = arith.subf %get3A_96, %convert_element_type3A_104 : vector<64x64xf32>
    %convert_element_type3A_106 = arith.truncf %sub3A_105 : vector<64x64xf32> to vector<64x64xbf16>
    %convert_element_type3A_107 = arith.extf %convert_element_type3A_106 : vector<64x64xbf16> to vector<64x64xf32>
    %sub3A_108 = arith.subf %sub3A_105, %convert_element_type3A_107 : vector<64x64xf32>
    %dot_general3A_109 = arith.constant dense<0.000000e+00> : vector<2000x64xf32>
    %dot_general3A_110 = tpu.matmul %convert_element_type3A_98, %convert_element_type3A_104, %dot_general3A_109 {dimension_numbers = #tpu.dot_dimension_numbers<[1], [0], [0], [1], [0, 0, 1, 1], [], []>, transpose_lhs_hint = false} : vector<2000x64xf32>, vector<64x64xf32>, vector<2000x64xf32> -> vector<2000x64xf32>
    %dot_general3A_111 = arith.constant dense<0.000000e+00> : vector<2000x64xf32>
    %dot_general3A_112 = tpu.matmul %convert_element_type3A_98, %convert_element_type3A_107, %dot_general3A_111 {dimension_numbers = #tpu.dot_dimension_numbers<[1], [0], [0], [1], [0, 0, 1, 1], [], []>, transpose_lhs_hint = false} : vector<2000x64xf32>, vector<64x64xf32>, vector<2000x64xf32> -> vector<2000x64xf32>
    %dot_general3A_113 = arith.constant dense<0.000000e+00> : vector<2000x64xf32>
    %dot_general3A_114 = tpu.matmul %convert_element_type3A_101, %convert_element_type3A_104, %dot_general3A_113 {dimension_numbers = #tpu.dot_dimension_numbers<[1], [0], [0], [1], [0, 0, 1, 1], [], []>, transpose_lhs_hint = false} : vector<2000x64xf32>, vector<64x64xf32>, vector<2000x64xf32> -> vector<2000x64xf32>
    %add3A_115 = arith.addf %dot_general3A_112, %dot_general3A_114 : vector<2000x64xf32>
    %add3A_116 = arith.addf %dot_general3A_110, %add3A_115 : vector<2000x64xf32>
    %dot_general3A_117 = arith.constant dense<0.000000e+00> : vector<2000x64xf32>
    %dot_general3A_118 = tpu.matmul %convert_element_type3A_98, %sub3A_108, %dot_general3A_117 {dimension_numbers = #tpu.dot_dimension_numbers<[1], [0], [0], [1], [0, 0, 1, 1], [], []>, transpose_lhs_hint = false} : vector<2000x64xf32>, vector<64x64xf32>, vector<2000x64xf32> -> vector<2000x64xf32>
    %dot_general3A_119 = arith.constant dense<0.000000e+00> : vector<2000x64xf32>
    %dot_general3A_120 = tpu.matmul %convert_element_type3A_101, %convert_element_type3A_107, %dot_general3A_119 {dimension_numbers = #tpu.dot_dimension_numbers<[1], [0], [0], [1], [0, 0, 1, 1], [], []>, transpose_lhs_hint = false} : vector<2000x64xf32>, vector<64x64xf32>, vector<2000x64xf32> -> vector<2000x64xf32>
    %add3A_121 = arith.addf %dot_general3A_118, %dot_general3A_120 : vector<2000x64xf32>
    %dot_general3A_122 = arith.constant dense<0.000000e+00> : vector<2000x64xf32>
    %dot_general3A_123 = tpu.matmul %sub3A_102, %convert_element_type3A_104, %dot_general3A_122 {dimension_numbers = #tpu.dot_dimension_numbers<[1], [0], [0], [1], [0, 0, 1, 1], [], []>, transpose_lhs_hint = false} : vector<2000x64xf32>, vector<64x64xf32>, vector<2000x64xf32> -> vector<2000x64xf32>
    %add3A_124 = arith.addf %add3A_121, %dot_general3A_123 : vector<2000x64xf32>
    %add3A_125 = arith.addf %add3A_116, %add3A_124 : vector<2000x64xf32>
    %slice3A = vector.extract_strided_slice %add3A_125 {offsets = [0, 0], sizes = [2000, 32], strides = [1, 1]} : vector<2000x64xf32> to vector<2000x32xf32>
    %swap3A_126 = arith.constant 0 : index
    %swap3A_127 = arith.constant 0 : index
    %swap3A_128 = vector.load %arg10[%swap3A_126, %swap3A_127] : memref<2000x32xf32, #tpu.memory_space<vmem>>, vector<2000x32xf32>
    tpu.vector_store %arg10[%swap3A_126, %swap3A_127], %slice3A {strides = array<i32>} : memref<2000x32xf32, #tpu.memory_space<vmem>>, vector<2000x32xf32>,
    %slice3A_129 = vector.extract_strided_slice %add3A_125 {offsets = [0, 32], sizes = [2000, 32], strides = [1, 1]} : vector<2000x64xf32> to vector<2000x32xf32>
    %swap3A_130 = arith.constant 0 : index
    %swap3A_131 = arith.constant 0 : index
    %swap3A_132 = vector.load %arg11[%swap3A_130, %swap3A_131] : memref<2000x32xf32, #tpu.memory_space<vmem>>, vector<2000x32xf32>
    tpu.vector_store %arg11[%swap3A_130, %swap3A_131], %slice3A_129 {strides = array<i32>} : memref<2000x32xf32, #tpu.memory_space<vmem>>, vector<2000x32xf32>,
    return
  }
  func.func @transform_0(%arg0: i32) -> (i32, i32) {
    %c0_i32 = arith.constant 0 : i32
    %c0_i32_0 = arith.constant 0 : i32
    return %arg0, %c0_i32 : i32, i32
  }
  func.func @transform_1(%arg0: i32) -> (i32, i32) {
    %c0_i32 = arith.constant 0 : i32
    %c0_i32_0 = arith.constant 0 : i32
    return %arg0, %c0_i32 : i32, i32
  }
  func.func @transform_2(%arg0: i32) -> (i32, i32) {
    %c0_i32 = arith.constant 0 : i32
    %c0_i32_0 = arith.constant 0 : i32
    return %arg0, %c0_i32 : i32, i32
  }
  func.func @transform_3(%arg0: i32) -> (i32, i32) {
    %c0_i32 = arith.constant 0 : i32
    %c0_i32_0 = arith.constant 0 : i32
    %c0_i32_1 = arith.constant 0 : i32
    return %c0_i32, %c0_i32_0 : i32, i32
  }
  func.func @transform_4(%arg0: i32) -> (i32, i32) {
    %c0_i32 = arith.constant 0 : i32
    %c0_i32_0 = arith.constant 0 : i32
    %c0_i32_1 = arith.constant 0 : i32
    return %c0_i32, %c0_i32_0 : i32, i32
  }
  func.func @transform_5(%arg0: i32) -> (i32, i32) {
    %c0_i32 = arith.constant 0 : i32
    %c0_i32_0 = arith.constant 0 : i32
    %c0_i32_1 = arith.constant 0 : i32
    return %c0_i32, %c0_i32_0 : i32, i32
  }
  func.func @transform_6(%arg0: i32) -> (i32, i32) {
    %c0_i32 = arith.constant 0 : i32
    %c0_i32_0 = arith.constant 0 : i32
    %c0_i32_1 = arith.constant 0 : i32
    return %c0_i32, %c0_i32_0 : i32, i32
  }
  func.func @transform_7(%arg0: i32) -> (i32, i32) {
    %c0_i32 = arith.constant 0 : i32
    %c0_i32_0 = arith.constant 0 : i32
    %c0_i32_1 = arith.constant 0 : i32
    return %c0_i32, %c0_i32_0 : i32, i32
  }
  func.func @transform_8(%arg0: i32) -> (i32, i32) {
    %c0_i32 = arith.constant 0 : i32
    %c0_i32_0 = arith.constant 0 : i32
    return %arg0, %c0_i32 : i32, i32
  }
  func.func @transform_9(%arg0: i32) -> (i32, i32) {
    %c0_i32 = arith.constant 0 : i32
    %c0_i32_0 = arith.constant 0 : i32
    return %arg0, %c0_i32 : i32, i32
  }
  func.func @transform_10(%arg0: i32) -> (i32, i32) {
    %c0_i32 = arith.constant 0 : i32
    %c0_i32_0 = arith.constant 0 : i32
    return %arg0, %c0_i32 : i32, i32
  }
}

module attributes {stable_mosaic.version = 14 : i64} {
  func.func @_head_block(%arg0: i32, %arg1: memref<2000x32xf32, #tpu.memory_space<vmem>>, %arg2: memref<2000x32xf32, #tpu.memory_space<vmem>>, %arg3: memref<2000x64xf32, #tpu.memory_space<vmem>>, %arg4: memref<64x64xf32, #tpu.memory_space<vmem>>, %arg5: memref<1x64xf32, #tpu.memory_space<vmem>>, %arg6: memref<64x64xf32, #tpu.memory_space<vmem>>, %arg7: memref<1x64xf32, #tpu.memory_space<vmem>>, %arg8: memref<64x64xf32, #tpu.memory_space<vmem>>, %arg9: memref<1x64xf32, #tpu.memory_space<vmem>>, %arg10: memref<1x64xf32, #tpu.memory_space<vmem>>, %arg11: memref<1x1xf32, #tpu.memory_space<vmem>>, %arg12: memref<2000x16xf32, #tpu.memory_space<vmem>>) attributes {dimension_semantics = [#tpu.dimension_semantics<arbitrary>], iteration_bounds = array<i64: 25>, scalar_prefetch = 0 : i64, scratch_operands = 0 : i64, tpu.core_type = #tpu.core_type<tc>, window_params = [{transform_indices = @transform_0, window_bounds = array<i64: 2000, 32>}, {transform_indices = @transform_1, window_bounds = array<i64: 2000, 32>}, {transform_indices = @transform_2, window_bounds = array<i64: 2000, 64>}, {pipeline_mode = #tpu.pipeline_mode<synchronous>, transform_indices = @transform_3, window_bounds = array<i64: 64, 64>}, {pipeline_mode = #tpu.pipeline_mode<synchronous>, transform_indices = @transform_4, window_bounds = array<i64: 1, 64>}, {pipeline_mode = #tpu.pipeline_mode<synchronous>, transform_indices = @transform_5, window_bounds = array<i64: 64, 64>}, {pipeline_mode = #tpu.pipeline_mode<synchronous>, transform_indices = @transform_6, window_bounds = array<i64: 1, 64>}, {pipeline_mode = #tpu.pipeline_mode<synchronous>, transform_indices = @transform_7, window_bounds = array<i64: 64, 64>}, {pipeline_mode = #tpu.pipeline_mode<synchronous>, transform_indices = @transform_8, window_bounds = array<i64: 1, 64>}, {pipeline_mode = #tpu.pipeline_mode<synchronous>, transform_indices = @transform_9, window_bounds = array<i64: 1, 64>}, {pipeline_mode = #tpu.pipeline_mode<synchronous>, transform_indices = @transform_10, window_bounds = array<i64: 1, 1>}, {transform_indices = @transform_11, window_bounds = array<i64: 2000, 16>}]} {
    %get3A = arith.constant 0 : index
    %get3A_0 = arith.constant 0 : index
    %get3A_1 = vector.load %arg1[%get3A, %get3A_0] : memref<2000x32xf32, #tpu.memory_space<vmem>>, vector<2000x32xf32>
    %get3A_2 = arith.constant 0 : index
    %get3A_3 = arith.constant 0 : index
    %get3A_4 = vector.load %arg2[%get3A_2, %get3A_3] : memref<2000x32xf32, #tpu.memory_space<vmem>>, vector<2000x32xf32>
    %concatenate3A = tpu.concatenate %get3A_1, %get3A_4 in 1 : vector<2000x32xf32>, vector<2000x32xf32> -> vector<2000x64xf32>
    %get3A_5 = arith.constant 0 : index
    %get3A_6 = arith.constant 0 : index
    %get3A_7 = vector.load %arg4[%get3A_5, %get3A_6] : memref<64x64xf32, #tpu.memory_space<vmem>>, vector<64x64xf32>
    %convert_element_type3A = arith.truncf %concatenate3A : vector<2000x64xf32> to vector<2000x64xbf16>
    %convert_element_type3A_8 = arith.extf %convert_element_type3A : vector<2000x64xbf16> to vector<2000x64xf32>
    %sub3A = arith.subf %concatenate3A, %convert_element_type3A_8 : vector<2000x64xf32>
    %convert_element_type3A_9 = arith.truncf %sub3A : vector<2000x64xf32> to vector<2000x64xbf16>
    %convert_element_type3A_10 = arith.extf %convert_element_type3A_9 : vector<2000x64xbf16> to vector<2000x64xf32>
    %sub3A_11 = arith.subf %sub3A, %convert_element_type3A_10 : vector<2000x64xf32>
    %convert_element_type3A_12 = arith.truncf %get3A_7 : vector<64x64xf32> to vector<64x64xbf16>
    %convert_element_type3A_13 = arith.extf %convert_element_type3A_12 : vector<64x64xbf16> to vector<64x64xf32>
    %sub3A_14 = arith.subf %get3A_7, %convert_element_type3A_13 : vector<64x64xf32>
    %convert_element_type3A_15 = arith.truncf %sub3A_14 : vector<64x64xf32> to vector<64x64xbf16>
    %convert_element_type3A_16 = arith.extf %convert_element_type3A_15 : vector<64x64xbf16> to vector<64x64xf32>
    %sub3A_17 = arith.subf %sub3A_14, %convert_element_type3A_16 : vector<64x64xf32>
    %dot_general3A = arith.constant dense<0.000000e+00> : vector<2000x64xf32>
    %dot_general3A_18 = tpu.matmul %convert_element_type3A_8, %convert_element_type3A_13, %dot_general3A {dimension_numbers = #tpu.dot_dimension_numbers<[1], [0], [0], [1], [0, 0, 1, 1], [], []>, transpose_lhs_hint = false} : vector<2000x64xf32>, vector<64x64xf32>, vector<2000x64xf32> -> vector<2000x64xf32>
    %dot_general3A_19 = arith.constant dense<0.000000e+00> : vector<2000x64xf32>
    %dot_general3A_20 = tpu.matmul %convert_element_type3A_8, %convert_element_type3A_16, %dot_general3A_19 {dimension_numbers = #tpu.dot_dimension_numbers<[1], [0], [0], [1], [0, 0, 1, 1], [], []>, transpose_lhs_hint = false} : vector<2000x64xf32>, vector<64x64xf32>, vector<2000x64xf32> -> vector<2000x64xf32>
    %dot_general3A_21 = arith.constant dense<0.000000e+00> : vector<2000x64xf32>
    %dot_general3A_22 = tpu.matmul %convert_element_type3A_10, %convert_element_type3A_13, %dot_general3A_21 {dimension_numbers = #tpu.dot_dimension_numbers<[1], [0], [0], [1], [0, 0, 1, 1], [], []>, transpose_lhs_hint = false} : vector<2000x64xf32>, vector<64x64xf32>, vector<2000x64xf32> -> vector<2000x64xf32>
    %add3A = arith.addf %dot_general3A_20, %dot_general3A_22 : vector<2000x64xf32>
    %add3A_23 = arith.addf %dot_general3A_18, %add3A : vector<2000x64xf32>
    %dot_general3A_24 = arith.constant dense<0.000000e+00> : vector<2000x64xf32>
    %dot_general3A_25 = tpu.matmul %convert_element_type3A_8, %sub3A_17, %dot_general3A_24 {dimension_numbers = #tpu.dot_dimension_numbers<[1], [0], [0], [1], [0, 0, 1, 1], [], []>, transpose_lhs_hint = false} : vector<2000x64xf32>, vector<64x64xf32>, vector<2000x64xf32> -> vector<2000x64xf32>
    %dot_general3A_26 = arith.constant dense<0.000000e+00> : vector<2000x64xf32>
    %dot_general3A_27 = tpu.matmul %convert_element_type3A_10, %convert_element_type3A_16, %dot_general3A_26 {dimension_numbers = #tpu.dot_dimension_numbers<[1], [0], [0], [1], [0, 0, 1, 1], [], []>, transpose_lhs_hint = false} : vector<2000x64xf32>, vector<64x64xf32>, vector<2000x64xf32> -> vector<2000x64xf32>
    %add3A_28 = arith.addf %dot_general3A_25, %dot_general3A_27 : vector<2000x64xf32>
    %dot_general3A_29 = arith.constant dense<0.000000e+00> : vector<2000x64xf32>
    %dot_general3A_30 = tpu.matmul %sub3A_11, %convert_element_type3A_13, %dot_general3A_29 {dimension_numbers = #tpu.dot_dimension_numbers<[1], [0], [0], [1], [0, 0, 1, 1], [], []>, transpose_lhs_hint = false} : vector<2000x64xf32>, vector<64x64xf32>, vector<2000x64xf32> -> vector<2000x64xf32>
    %add3A_31 = arith.addf %add3A_28, %dot_general3A_30 : vector<2000x64xf32>
    %add3A_32 = arith.addf %add3A_23, %add3A_31 : vector<2000x64xf32>
    %get3A_33 = arith.constant 0 : index
    %get3A_34 = arith.constant 0 : index
    %get3A_35 = vector.load %arg5[%get3A_33, %get3A_34] : memref<1x64xf32, #tpu.memory_space<vmem>>, vector<1x64xf32>
    %add3A_36 = vector.broadcast %get3A_35 : vector<1x64xf32> to vector<2000x64xf32>
    %add3A_37 = arith.addf %add3A_32, %add3A_36 : vector<2000x64xf32>
    %mul3A = arith.constant 5.000000e-01 : f32
    %mul3A_38 = vector.broadcast %mul3A : f32 to vector<2000x64xf32>
    %mul3A_39 = arith.mulf %mul3A_38, %add3A_37 : vector<2000x64xf32>
    %max3A = arith.constant 0.000000e+00 : f32
    %max3A_40 = vector.broadcast %max3A : f32 to vector<2000x64xf32>
    %max3A_41 = arith.maximumf %mul3A_39, %max3A_40 : vector<2000x64xf32>
    %abs3A = math.absf %mul3A_39 : vector<2000x64xf32>
    %neg3A = arith.constant 0.000000e+00 : f32
    %neg3A_42 = vector.broadcast %neg3A : f32 to vector<2000x64xf32>
    %neg3A_43 = arith.subf %neg3A_42, %abs3A : vector<2000x64xf32>
    %exp3A = math.exp %neg3A_43 : vector<2000x64xf32>
    %add3A_44 = arith.constant 1.000000e+00 : f32
    %add3A_45 = vector.broadcast %add3A_44 : f32 to vector<2000x64xf32>
    %add3A_46 = arith.addf %add3A_45, %exp3A : vector<2000x64xf32>
    %log3A = math.log %add3A_46 : vector<2000x64xf32>
    %add3A_47 = arith.addf %max3A_41, %log3A : vector<2000x64xf32>
    %mul3A_48 = arith.constant 2.000000e+00 : f32
    %mul3A_49 = vector.broadcast %mul3A_48 : f32 to vector<2000x64xf32>
    %mul3A_50 = arith.mulf %mul3A_49, %add3A_47 : vector<2000x64xf32>
    %get3A_51 = arith.constant 0 : index
    %get3A_52 = arith.constant 0 : index
    %get3A_53 = vector.load %arg3[%get3A_51, %get3A_52] : memref<2000x64xf32, #tpu.memory_space<vmem>>, vector<2000x64xf32>
    %get3A_54 = arith.constant 0 : index
    %get3A_55 = arith.constant 0 : index
    %get3A_56 = vector.load %arg6[%get3A_54, %get3A_55] : memref<64x64xf32, #tpu.memory_space<vmem>>, vector<64x64xf32>
    %convert_element_type3A_57 = arith.truncf %mul3A_50 : vector<2000x64xf32> to vector<2000x64xbf16>
    %convert_element_type3A_58 = arith.extf %convert_element_type3A_57 : vector<2000x64xbf16> to vector<2000x64xf32>
    %sub3A_59 = arith.subf %mul3A_50, %convert_element_type3A_58 : vector<2000x64xf32>
    %convert_element_type3A_60 = arith.truncf %sub3A_59 : vector<2000x64xf32> to vector<2000x64xbf16>
    %convert_element_type3A_61 = arith.extf %convert_element_type3A_60 : vector<2000x64xbf16> to vector<2000x64xf32>
    %sub3A_62 = arith.subf %sub3A_59, %convert_element_type3A_61 : vector<2000x64xf32>
    %convert_element_type3A_63 = arith.truncf %get3A_56 : vector<64x64xf32> to vector<64x64xbf16>
    %convert_element_type3A_64 = arith.extf %convert_element_type3A_63 : vector<64x64xbf16> to vector<64x64xf32>
    %sub3A_65 = arith.subf %get3A_56, %convert_element_type3A_64 : vector<64x64xf32>
    %convert_element_type3A_66 = arith.truncf %sub3A_65 : vector<64x64xf32> to vector<64x64xbf16>
    %convert_element_type3A_67 = arith.extf %convert_element_type3A_66 : vector<64x64xbf16> to vector<64x64xf32>
    %sub3A_68 = arith.subf %sub3A_65, %convert_element_type3A_67 : vector<64x64xf32>
    %dot_general3A_69 = arith.constant dense<0.000000e+00> : vector<2000x64xf32>
    %dot_general3A_70 = tpu.matmul %convert_element_type3A_58, %convert_element_type3A_64, %dot_general3A_69 {dimension_numbers = #tpu.dot_dimension_numbers<[1], [0], [0], [1], [0, 0, 1, 1], [], []>, transpose_lhs_hint = false} : vector<2000x64xf32>, vector<64x64xf32>, vector<2000x64xf32> -> vector<2000x64xf32>
    %dot_general3A_71 = arith.constant dense<0.000000e+00> : vector<2000x64xf32>
    %dot_general3A_72 = tpu.matmul %convert_element_type3A_58, %convert_element_type3A_67, %dot_general3A_71 {dimension_numbers = #tpu.dot_dimension_numbers<[1], [0], [0], [1], [0, 0, 1, 1], [], []>, transpose_lhs_hint = false} : vector<2000x64xf32>, vector<64x64xf32>, vector<2000x64xf32> -> vector<2000x64xf32>
    %dot_general3A_73 = arith.constant dense<0.000000e+00> : vector<2000x64xf32>
    %dot_general3A_74 = tpu.matmul %convert_element_type3A_61, %convert_element_type3A_64, %dot_general3A_73 {dimension_numbers = #tpu.dot_dimension_numbers<[1], [0], [0], [1], [0, 0, 1, 1], [], []>, transpose_lhs_hint = false} : vector<2000x64xf32>, vector<64x64xf32>, vector<2000x64xf32> -> vector<2000x64xf32>
    %add3A_75 = arith.addf %dot_general3A_72, %dot_general3A_74 : vector<2000x64xf32>
    %add3A_76 = arith.addf %dot_general3A_70, %add3A_75 : vector<2000x64xf32>
    %dot_general3A_77 = arith.constant dense<0.000000e+00> : vector<2000x64xf32>
    %dot_general3A_78 = tpu.matmul %convert_element_type3A_58, %sub3A_68, %dot_general3A_77 {dimension_numbers = #tpu.dot_dimension_numbers<[1], [0], [0], [1], [0, 0, 1, 1], [], []>, transpose_lhs_hint = false} : vector<2000x64xf32>, vector<64x64xf32>, vector<2000x64xf32> -> vector<2000x64xf32>
    %dot_general3A_79 = arith.constant dense<0.000000e+00> : vector<2000x64xf32>
    %dot_general3A_80 = tpu.matmul %convert_element_type3A_61, %convert_element_type3A_67, %dot_general3A_79 {dimension_numbers = #tpu.dot_dimension_numbers<[1], [0], [0], [1], [0, 0, 1, 1], [], []>, transpose_lhs_hint = false} : vector<2000x64xf32>, vector<64x64xf32>, vector<2000x64xf32> -> vector<2000x64xf32>
    %add3A_81 = arith.addf %dot_general3A_78, %dot_general3A_80 : vector<2000x64xf32>
    %dot_general3A_82 = arith.constant dense<0.000000e+00> : vector<2000x64xf32>
    %dot_general3A_83 = tpu.matmul %sub3A_62, %convert_element_type3A_64, %dot_general3A_82 {dimension_numbers = #tpu.dot_dimension_numbers<[1], [0], [0], [1], [0, 0, 1, 1], [], []>, transpose_lhs_hint = false} : vector<2000x64xf32>, vector<64x64xf32>, vector<2000x64xf32> -> vector<2000x64xf32>
    %add3A_84 = arith.addf %add3A_81, %dot_general3A_83 : vector<2000x64xf32>
    %add3A_85 = arith.addf %add3A_76, %add3A_84 : vector<2000x64xf32>
    %add3A_86 = arith.addf %get3A_53, %add3A_85 : vector<2000x64xf32>
    %get3A_87 = arith.constant 0 : index
    %get3A_88 = arith.constant 0 : index
    %get3A_89 = vector.load %arg7[%get3A_87, %get3A_88] : memref<1x64xf32, #tpu.memory_space<vmem>>, vector<1x64xf32>
    %add3A_90 = vector.broadcast %get3A_89 : vector<1x64xf32> to vector<2000x64xf32>
    %add3A_91 = arith.addf %add3A_86, %add3A_90 : vector<2000x64xf32>
    %get3A_92 = arith.constant 0 : index
    %get3A_93 = arith.constant 0 : index
    %get3A_94 = vector.load %arg8[%get3A_92, %get3A_93] : memref<64x64xf32, #tpu.memory_space<vmem>>, vector<64x64xf32>
    %convert_element_type3A_95 = arith.truncf %add3A_91 : vector<2000x64xf32> to vector<2000x64xbf16>
    %convert_element_type3A_96 = arith.extf %convert_element_type3A_95 : vector<2000x64xbf16> to vector<2000x64xf32>
    %sub3A_97 = arith.subf %add3A_91, %convert_element_type3A_96 : vector<2000x64xf32>
    %convert_element_type3A_98 = arith.truncf %sub3A_97 : vector<2000x64xf32> to vector<2000x64xbf16>
    %convert_element_type3A_99 = arith.extf %convert_element_type3A_98 : vector<2000x64xbf16> to vector<2000x64xf32>
    %sub3A_100 = arith.subf %sub3A_97, %convert_element_type3A_99 : vector<2000x64xf32>
    %convert_element_type3A_101 = arith.truncf %get3A_94 : vector<64x64xf32> to vector<64x64xbf16>
    %convert_element_type3A_102 = arith.extf %convert_element_type3A_101 : vector<64x64xbf16> to vector<64x64xf32>
    %sub3A_103 = arith.subf %get3A_94, %convert_element_type3A_102 : vector<64x64xf32>
    %convert_element_type3A_104 = arith.truncf %sub3A_103 : vector<64x64xf32> to vector<64x64xbf16>
    %convert_element_type3A_105 = arith.extf %convert_element_type3A_104 : vector<64x64xbf16> to vector<64x64xf32>
    %sub3A_106 = arith.subf %sub3A_103, %convert_element_type3A_105 : vector<64x64xf32>
    %dot_general3A_107 = arith.constant dense<0.000000e+00> : vector<2000x64xf32>
    %dot_general3A_108 = tpu.matmul %convert_element_type3A_96, %convert_element_type3A_102, %dot_general3A_107 {dimension_numbers = #tpu.dot_dimension_numbers<[1], [0], [0], [1], [0, 0, 1, 1], [], []>, transpose_lhs_hint = false} : vector<2000x64xf32>, vector<64x64xf32>, vector<2000x64xf32> -> vector<2000x64xf32>
    %dot_general3A_109 = arith.constant dense<0.000000e+00> : vector<2000x64xf32>
    %dot_general3A_110 = tpu.matmul %convert_element_type3A_96, %convert_element_type3A_105, %dot_general3A_109 {dimension_numbers = #tpu.dot_dimension_numbers<[1], [0], [0], [1], [0, 0, 1, 1], [], []>, transpose_lhs_hint = false} : vector<2000x64xf32>, vector<64x64xf32>, vector<2000x64xf32> -> vector<2000x64xf32>
    %dot_general3A_111 = arith.constant dense<0.000000e+00> : vector<2000x64xf32>
    %dot_general3A_112 = tpu.matmul %convert_element_type3A_99, %convert_element_type3A_102, %dot_general3A_111 {dimension_numbers = #tpu.dot_dimension_numbers<[1], [0], [0], [1], [0, 0, 1, 1], [], []>, transpose_lhs_hint = false} : vector<2000x64xf32>, vector<64x64xf32>, vector<2000x64xf32> -> vector<2000x64xf32>
    %add3A_113 = arith.addf %dot_general3A_110, %dot_general3A_112 : vector<2000x64xf32>
    %add3A_114 = arith.addf %dot_general3A_108, %add3A_113 : vector<2000x64xf32>
    %dot_general3A_115 = arith.constant dense<0.000000e+00> : vector<2000x64xf32>
    %dot_general3A_116 = tpu.matmul %convert_element_type3A_96, %sub3A_106, %dot_general3A_115 {dimension_numbers = #tpu.dot_dimension_numbers<[1], [0], [0], [1], [0, 0, 1, 1], [], []>, transpose_lhs_hint = false} : vector<2000x64xf32>, vector<64x64xf32>, vector<2000x64xf32> -> vector<2000x64xf32>
    %dot_general3A_117 = arith.constant dense<0.000000e+00> : vector<2000x64xf32>
    %dot_general3A_118 = tpu.matmul %convert_element_type3A_99, %convert_element_type3A_105, %dot_general3A_117 {dimension_numbers = #tpu.dot_dimension_numbers<[1], [0], [0], [1], [0, 0, 1, 1], [], []>, transpose_lhs_hint = false} : vector<2000x64xf32>, vector<64x64xf32>, vector<2000x64xf32> -> vector<2000x64xf32>
    %add3A_119 = arith.addf %dot_general3A_116, %dot_general3A_118 : vector<2000x64xf32>
    %dot_general3A_120 = arith.constant dense<0.000000e+00> : vector<2000x64xf32>
    %dot_general3A_121 = tpu.matmul %sub3A_100, %convert_element_type3A_102, %dot_general3A_120 {dimension_numbers = #tpu.dot_dimension_numbers<[1], [0], [0], [1], [0, 0, 1, 1], [], []>, transpose_lhs_hint = false} : vector<2000x64xf32>, vector<64x64xf32>, vector<2000x64xf32> -> vector<2000x64xf32>
    %add3A_122 = arith.addf %add3A_119, %dot_general3A_121 : vector<2000x64xf32>
    %add3A_123 = arith.addf %add3A_114, %add3A_122 : vector<2000x64xf32>
    %get3A_124 = arith.constant 0 : index
    %get3A_125 = arith.constant 0 : index
    %get3A_126 = vector.load %arg9[%get3A_124, %get3A_125] : memref<1x64xf32, #tpu.memory_space<vmem>>, vector<1x64xf32>
    %add3A_127 = vector.broadcast %get3A_126 : vector<1x64xf32> to vector<2000x64xf32>
    %add3A_128 = arith.addf %add3A_123, %add3A_127 : vector<2000x64xf32>
    %max3A_129 = arith.constant 0.000000e+00 : f32
    %max3A_130 = vector.broadcast %max3A_129 : f32 to vector<2000x64xf32>
    %max3A_131 = arith.maximumf %add3A_128, %max3A_130 : vector<2000x64xf32>
    %abs3A_132 = math.absf %add3A_128 : vector<2000x64xf32>
    %neg3A_133 = arith.constant 0.000000e+00 : f32
    %neg3A_134 = vector.broadcast %neg3A_133 : f32 to vector<2000x64xf32>
    %neg3A_135 = arith.subf %neg3A_134, %abs3A_132 : vector<2000x64xf32>
    %exp3A_136 = math.exp %neg3A_135 : vector<2000x64xf32>
    %add3A_137 = arith.constant 1.000000e+00 : f32
    %add3A_138 = vector.broadcast %add3A_137 : f32 to vector<2000x64xf32>
    %add3A_139 = arith.addf %add3A_138, %exp3A_136 : vector<2000x64xf32>
    %log3A_140 = math.log %add3A_139 : vector<2000x64xf32>
    %add3A_141 = arith.addf %max3A_131, %log3A_140 : vector<2000x64xf32>
    %sub3A_142 = arith.constant 0.693147182 : f32
    %sub3A_143 = vector.broadcast %sub3A_142 : f32 to vector<2000x64xf32>
    %sub3A_144 = arith.subf %add3A_141, %sub3A_143 : vector<2000x64xf32>
    %get3A_145 = arith.constant 0 : index
    %get3A_146 = arith.constant 0 : index
    %get3A_147 = vector.load %arg10[%get3A_145, %get3A_146] : memref<1x64xf32, #tpu.memory_space<vmem>>, vector<1x64xf32>
    %mul3A_148 = vector.broadcast %get3A_147 : vector<1x64xf32> to vector<2000x64xf32>
    %mul3A_149 = arith.mulf %sub3A_144, %mul3A_148 : vector<2000x64xf32>
    %reduce_sum3A = arith.constant dense<0.000000e+00> : vector<2000xf32>
    %reduce_sum3A_150 = vector.multi_reduction <add>, %mul3A_149, %reduce_sum3A [1] : vector<2000x64xf32> to vector<2000xf32>
    %broadcast_in_dim3A = vector.shape_cast %reduce_sum3A_150 : vector<2000xf32> to vector<2000x1xf32>
    %get3A_151 = arith.constant 0 : index
    %get3A_152 = arith.constant 0 : index
    %get3A_153 = vector.load %arg11[%get3A_151, %get3A_152] : memref<1x1xf32, #tpu.memory_space<vmem>>, vector<1x1xf32>
    %get3A_154 = vector.extract %get3A_153[0, 0] : f32 from vector<1x1xf32>
    %add3A_155 = vector.broadcast %get3A_154 : f32 to vector<2000x1xf32>
    %add3A_156 = arith.addf %broadcast_in_dim3A, %add3A_155 : vector<2000x1xf32>
    %iota3A = tpu.iota {dimensions = array<i32: 1>} : vector<2000x16xi32>
    %eq3A = arith.constant 0 : i32
    %eq3A_157 = vector.broadcast %eq3A : i32 to vector<2000x16xi32>
    %eq3A_158 = arith.cmpi eq, %iota3A, %eq3A_157 : vector<2000x16xi32>
    %eq3A_159 = arith.constant 1 : i32
    %eq3A_160 = vector.broadcast %eq3A_159 : i32 to vector<2000x16xi32>
    %eq3A_161 = arith.cmpi eq, %iota3A, %eq3A_160 : vector<2000x16xi32>
    %jit3A = arith.constant 1.000000e+00 : f32
    %jit3A_162 = arith.constant 0.000000e+00 : f32
    %broadcast_in_dim3A_163 = vector.broadcast %jit3A : f32 to vector<2000x16xf32>
    %broadcast_in_dim3A_164 = vector.broadcast %jit3A_162 : f32 to vector<2000x16xf32>
    %select_n3A = arith.select %eq3A_161, %broadcast_in_dim3A_163, %broadcast_in_dim3A_164 : vector<2000x16xi1>, vector<2000x16xf32>
    %broadcast_in_dim3A_165 = vector.shape_cast %add3A_156 : vector<2000x1xf32> to vector<2000x1xf32>
    %broadcast_in_dim3A_166 = vector.broadcast %broadcast_in_dim3A_165 : vector<2000x1xf32> to vector<2000x16xf32>
    %select_n3A_167 = arith.select %eq3A_158, %broadcast_in_dim3A_166, %select_n3A : vector<2000x16xi1>, vector<2000x16xf32>
    %swap3A = arith.constant 0 : index
    %swap3A_168 = arith.constant 0 : index
    %swap3A_169 = vector.load %arg12[%swap3A, %swap3A_168] : memref<2000x16xf32, #tpu.memory_space<vmem>>, vector<2000x16xf32>
    tpu.vector_store %arg12[%swap3A, %swap3A_168], %select_n3A_167 {strides = array<i32>} : memref<2000x16xf32, #tpu.memory_space<vmem>>, vector<2000x16xf32>,
    return
  }
  func.func @transform_0(%arg0: i32) -> (i32, i32) {
    %c0_i32 = arith.constant 0 : i32
    %c0_i32_0 = arith.constant 0 : i32
    return %arg0, %c0_i32 : i32, i32
  }
  func.func @transform_1(%arg0: i32) -> (i32, i32) {
    %c0_i32 = arith.constant 0 : i32
    %c0_i32_0 = arith.constant 0 : i32
    return %arg0, %c0_i32 : i32, i32
  }
  func.func @transform_2(%arg0: i32) -> (i32, i32) {
    %c0_i32 = arith.constant 0 : i32
    %c0_i32_0 = arith.constant 0 : i32
    return %arg0, %c0_i32 : i32, i32
  }
  func.func @transform_3(%arg0: i32) -> (i32, i32) {
    %c0_i32 = arith.constant 0 : i32
    %c0_i32_0 = arith.constant 0 : i32
    %c0_i32_1 = arith.constant 0 : i32
    return %c0_i32, %c0_i32_0 : i32, i32
  }
  func.func @transform_4(%arg0: i32) -> (i32, i32) {
    %c0_i32 = arith.constant 0 : i32
    %c0_i32_0 = arith.constant 0 : i32
    %c0_i32_1 = arith.constant 0 : i32
    return %c0_i32, %c0_i32_0 : i32, i32
  }
  func.func @transform_5(%arg0: i32) -> (i32, i32) {
    %c0_i32 = arith.constant 0 : i32
    %c0_i32_0 = arith.constant 0 : i32
    %c0_i32_1 = arith.constant 0 : i32
    return %c0_i32, %c0_i32_0 : i32, i32
  }
  func.func @transform_6(%arg0: i32) -> (i32, i32) {
    %c0_i32 = arith.constant 0 : i32
    %c0_i32_0 = arith.constant 0 : i32
    %c0_i32_1 = arith.constant 0 : i32
    return %c0_i32, %c0_i32_0 : i32, i32
  }
  func.func @transform_7(%arg0: i32) -> (i32, i32) {
    %c0_i32 = arith.constant 0 : i32
    %c0_i32_0 = arith.constant 0 : i32
    %c0_i32_1 = arith.constant 0 : i32
    return %c0_i32, %c0_i32_0 : i32, i32
  }
  func.func @transform_8(%arg0: i32) -> (i32, i32) {
    %c0_i32 = arith.constant 0 : i32
    %c0_i32_0 = arith.constant 0 : i32
    %c0_i32_1 = arith.constant 0 : i32
    return %c0_i32, %c0_i32_0 : i32, i32
  }
  func.func @transform_9(%arg0: i32) -> (i32, i32) {
    %c0_i32 = arith.constant 0 : i32
    %c0_i32_0 = arith.constant 0 : i32
    %c0_i32_1 = arith.constant 0 : i32
    return %c0_i32, %c0_i32_0 : i32, i32
  }
  func.func @transform_10(%arg0: i32) -> (i32, i32) {
    %c0_i32 = arith.constant 0 : i32
    %c0_i32_0 = arith.constant 0 : i32
    %c0_i32_1 = arith.constant 0 : i32
    return %c0_i32, %c0_i32_0 : i32, i32
  }
  func.func @transform_11(%arg0: i32) -> (i32, i32) {
    %c0_i32 = arith.constant 0 : i32
    %c0_i32_0 = arith.constant 0 : i32
    return %arg0, %c0_i32 : i32, i32
  }
}

</mosaic_0001>

<sc_bundles>
// kernel: kernel.13.cloned.1.call-start
scs
__scs_entry_jumppad:
0x0: {  	(pc) =	sbr.rel $0x88, $3  }
0x1: {  	(tag) =	ssettag $0x0;
	lr =	simm.s32 $0x1  }
0x2: {  	[smem:$0x3F7D] =	sst lr;
	_ =	strace $0xD0000000  }
0x3: {  	_ = 	snop  }
0x4: {  	_ = 	snop  }
0x5: {  	_ = 	snop  }
0x6: {  	_ = 	snop  }
0x7: {  	_ = 	snop  }
__scs_overlays_trampoline_lowered:
0x8: {  	[smem:$0x3F8C] =	sst s0  }
0x9: {  	[smem:$0x3F8D] =	sst s1  }
0xa: {  	[smem:$0x3F8E] =	sst s2  }
0xb: {  	[smem:$0x3F8F] =	sst s3  }
0xc: {  	[smem:$0x3F90] =	sst s4  }
0xd: {  	[smem:$0x3F91] =	sst s5  }
0xe: {  	[smem:$0x3F92] =	sst s6  }
0xf: {  	[smem:$0x3F93] =	sst s7  }
0x10: {  	[smem:$0x3F94] =	sst s8  }
0x11: {  	[smem:$0x3F95] =	sst s9;
	s0 =	simm.s32 @!p0 $0x0  }
0x12: {  	s1 =	sld [smem:$0x3F7B];
	s0 =	simm.s32 @p0 $0x1  }
0x13: {  	[smem:$0x3F96] =	sst s0;
	s0 =	simm.s32 @!p1 $0x0  }
0x14: {  	s2 =	sld [smem:$0x3F7A];
	s0 =	simm.s32 @p1 $0x1  }
0x15: {  	[smem:$0x3F97] =	sst s0;
	s0 =	simm.s32 @!p2 $0x0  }
0x16: {  	s3 =	sld [smem:$0x3FDB];
	s0 =	simm.s32 @p2 $0x1  }
0x17: {  	s4 =	simm.s32 $0x1BF5;
	[smem:$0x3F99] =	sst s0  }
0x18: {  	s0 =	sld [smem:$0x3F7C];
	_ =	swait.ge [sflag:s4], $0x0  }
0x19: {  	s7 =	sld [smem:$0x3F7D]  }
0x1a: {  	s8 =	sadd.s32 $0xFFFFE003, lr  }
0x1b: {  	s9 =	sadd.s32 $0xFFFFFEF7, lr;
	s5 =	simm.s32 $0xFFFFFFFF;
	p2 =	slt.u32 s8, $0xFFFFF086  }
0x1c: {  	p1 =	slt.u32 s9, $0xF7A;
	s5 =	simm.s32 @!p2 $0x0  }
0x1d: {  	s5 =	simm.s32 @p1 $0x1;
	p0 =	seq.s32 s7, s2  }
0x1e: {  	s7 =	smul.u32 @!p0 $0xF7A, s2;
	p2 =	seq.s32 @!p0 s5, $0x0  }
0x1f: {  	s9 =	smul.u32 $0xF7A, s1;
	s8 =	simm.s32 @!p0 $0x1BF5;
	p2 =	por !p2, p0  }
0x20: {  	[sflag:s8] =	ssyncset.s32 @!p0 $0xFFFFF086;
	s6 =	sadd.s32 @!p0 s3, s7;
	s7 =	simm.s32 @!p0 $0x108  }
0x21: {  	s3 =	sadd.s32 s3, s9;
	s6 =	sadd.s32 @!p0 $0x88, s6;
	s7 =	simm.s32 @p2 $0x1082  }
0x22: {  	[simem:s7], [sflag:s8] =	dma.local @!p0 [hbm:s6], $0xF7A  }
0x23: {  	s9 =	sor.u32 $0xD0000000, s2;
	s6 =	simm.s32 $0x108;
	_ =	swait.ge @!p0 [sflag:s8], $0x0  }
0x24: {  	s3 =	sadd.s32 $0x88, s3;
	s6 =	simm.s32 @!p1 $0x1082;
	[sflag:s4] =	ssyncset.s32 $0xFFFFF086  }
0x25: {  	[simem:s6], [sflag:s4] =	dma.local [hbm:s3], $0xF7A  }
0x26: {  	[smem:$0x3F7D] =	sst s1;
	(tag) =	ssettag s2;
	_ =	strace s9  }
0x27: {  	s1 =	sld [smem:$0x3F8D]  }
0x28: {  	s2 =	sld [smem:$0x3F8E]  }
0x29: {  	s4 =	sld [smem:$0x3F90]  }
0x2a: {  	p0 =	seq.s32 s5, $0x0;
	s5 =	sld [smem:$0x3F91]  }
0x2b: {  	s6 =	sld [smem:$0x3F92]  }
0x2c: {  	s7 =	sld [smem:$0x3F93]  }
0x2d: {  	s3 =	simm.s32 $0x108;
	s8 =	sld [smem:$0x3F94]  }
0x2e: {  	s3 =	simm.s32 @!p0 $0x1082;
	s9 =	sld [smem:$0x3F95]  }
0x2f: {  	lr =	sadd.s32 s0, s3;
	s0 =	sld [smem:$0x3F8C]  }
0x30: {  	s3 =	sld [smem:$0x3F8F]  }
0x31: {  	[smem:$0x3F98] =	sst s10  }
0x32: {  	s10 =	sld [smem:$0x3F96];
	_ =	sdelay $0x3  }
0x33: {  	p0 =	seq.s32 s10, $0x1;
	s10 =	sld [smem:$0x3F98];
	_ =	sdelay $0x3  }
0x34: {  	[smem:$0x3F98] =	sst s10  }
0x35: {  	s10 =	sld [smem:$0x3F97];
	_ =	sdelay $0x3  }
0x36: {  	p1 =	seq.s32 s10, $0x1;
	s10 =	sld [smem:$0x3F98];
	_ =	sdelay $0x3  }
0x37: {  	[smem:$0x3F98] =	sst s10  }
0x38: {  	s10 =	sld [smem:$0x3F99]  }
0x39: {  	_ = 	snop;
	(pc) =	sbr.ind lr, $3  }
0x3a: {  	_ = 	snop  }
0x3b: {  	_ = 	snop  }
0x3c: {  	p2 =	seq.s32 s10, $0x1;
	s10 =	sld [smem:$0x3F98]  }
0x3d: {  	_ =	shalt  }
0x3e: {  	_ =	shalt  }
0x3f: {  	_ =	shalt  }
0x40: {  	_ =	shalt  }
0x41: {  	_ =	shalt  }
0x42: {  	_ =	shalt  }
0x43: {  	_ =	shalt  }
0x44: {  	_ =	shalt  }
0x45: {  	_ =	shalt  }
0x46: {  	_ =	shalt  }
0x47: {  	_ =	shalt  }
0x48: {  	_ =	shalt  }
0x49: {  	_ =	shalt  }
0x4a: {  	_ =	shalt  }
0x4b: {  	_ =	shalt  }
0x4c: {  	_ =	shalt  }
0x4d: {  	_ =	shalt  }
0x4e: {  	_ =	shalt  }
0x4f: {  	_ =	shalt  }
0x50: {  	_ =	shalt  }
0x51: {  	_ =	shalt  }
0x52: {  	_ =	shalt  }
0x53: {  	_ =	shalt  }
0x54: {  	_ =	shalt  }
0x55: {  	_ =	shalt  }
0x56: {  	_ =	shalt  }
0x57: {  	_ =	shalt  }
0x58: {  	_ =	shalt  }
0x59: {  	_ =	shalt  }
0x5a: {  	_ =	shalt  }
0x5b: {  	_ =	shalt  }
0x5c: {  	_ =	shalt  }
0x5d: {  	_ =	shalt  }
0x5e: {  	_ =	shalt  }
0x5f: {  	_ =	shalt  }
0x60: {  	_ =	shalt  }
0x61: {  	_ =	shalt  }
0x62: {  	_ =	shalt  }
0x63: {  	_ =	shalt  }
0x64: {  	_ =	shalt  }
0x65: {  	_ =	shalt  }
0x66: {  	_ =	shalt  }
0x67: {  	_ =	shalt  }
0x68: {  	_ =	shalt  }
0x69: {  	_ =	shalt  }
0x6a: {  	_ =	shalt  }
0x6b: {  	_ =	shalt  }
0x6c: {  	_ =	shalt  }
0x6d: {  	_ =	shalt  }
0x6e: {  	_ =	shalt  }
0x6f: {  	_ =	shalt  }
0x70: {  	_ =	shalt  }
0x71: {  	_ =	shalt  }
0x72: {  	_ =	shalt  }
0x73: {  	_ =	shalt  }
0x74: {  	_ =	shalt  }
0x75: {  	_ =	shalt  }
0x76: {  	_ =	shalt  }
0x77: {  	_ =	shalt  }
0x78: {  	_ =	shalt  }
0x79: {  	_ =	shalt  }
0x7a: {  	_ =	shalt  }
0x7b: {  	_ =	shalt  }
0x7c: {  	_ =	shalt  }
0x7d: {  	_ =	shalt  }
0x7e: {  	_ =	shalt  }
0x7f: {  	_ =	shalt  }
0x80: {  	_ =	shalt  }
0x81: {  	_ =	shalt  }
0x82: {  	_ =	shalt  }
0x83: {  	_ =	shalt  }
0x84: {  	_ =	shalt  }
0x85: {  	_ =	shalt  }
0x86: {  	_ =	shalt  }
0x87: {  	_ =	shalt  }
.Lfunc_end0:
.L_simem_size_0:
called_computation_lowered:
.L_overlay_start_0:
0x88: {  	s2 =	sld [smem:$0x3FD9]  }
0x89: {  	s3 =	sld [smem:$0x3FFE];
	_ =	sdelay $0x1  }
0x8a: {  	s1 =	srdreg.scid  }
0x8b: {  	s0 =	sand.u32 $0x1, s1  }
0x8c: {  	s16 =	sshll.u32 s0, $0xA;
	s2 =	sadd.s32 s3, s2  }
0x8d: {  	s2 =	sadd.s32 s2, s16  }
0x8e: {  	[smem:$0x3FA4] =	sst s2  }
0x8f: {  	_ = 	snop  }
0x90: {  	(tm) =	ssettm $0x1  }
0x91: {  	s17 =	sld [smem:$0x3FFB];
	_ =	sdelay $0x3  }
0x92: {  	_ =	strace s17  }
0x93: {  	s2 =	sld [smem:$0x3FFC];
	_ =	sdelay $0x3  }
0x94: {  	_ =	strace s2  }
0x95: {  	s2 =	sld [smem:$0x3FFD];
	_ =	sdelay $0x3  }
0x96: {  	_ =	strace s2  }
0x97: {  	_ =	strace $0x8FFFFFFF  }
0x98: {  	s18 =	sld [smem:$0x3FDB];
	_ =	sdelay $0x1  }
0x99: {  	s19 =	simm.s32 $_scs_section_size  }
0x9a: {  	s4 =	simm.s32 $_size__tile_overlayer_lowered;
	s5 =	simm.s32 $_tile_overlayer_lowered  }
0x9b: {  	s22 =	simm.s32 $0x1BFF;
	s21 =	sshll.u32 s5, $0x1;
	s2 =	sadd.s32 s19, s18  }
0x9c: {  	s6 =	simm.s32 $0x0;
	s20 =	sshll.u32 s4, $0x1;
	s4 =	sadd.s32 s21, s2  }
0x9d: {  	[timem:s6], [sflag:s22] =	dma.local [hbm:s4], s20  }
0x9e: {  	_ =	swait.ge [sflag:s22], s20  }
0x9f: {  	s3 =	ssub.s32 $0x0, s20;
	[sflag:s22] =	ssyncset.done $0x0  }
0xa0: {  	[sflag:s22] =	ssyncadd.s32 s3;
	_ =	sdelay $0x1  }
0xa1: {  	s23 =	simm.s32 $0x1B8B  }
0xa2: {  	_ =	swait.ge [sflag:s23], $0x1  }
0xa3: {  	[sflag:s23] =	ssyncset.done $0x0  }
0xa4: {  	s25 =	simm.s32 $0x1B8E;
	s24 =	sld [smem:$0x3FFE];
	[sflag:s23] =	ssyncadd.s32 $0xFFFFFFFF  }
0xa5: {  	s26 =	simm.s32 $execute0_lowered;
	[smem:$0x3FD2] =	sst s25  }
0xa6: {  	s4 =	sshll.u32 s26, $0x1;
	_ =	strace $0x80000046;
	[dreg:$0x1] =	wrdreg $0xFFFFFFFF  }
0xa7: {  	s28 =	simm.s32 $_size_execute0_lowered;
	s2 =	sadd.s32 s2, s4;
	[dreg:$0x0] =	wrdreg $0x0  }
0xa8: {  	s4 =	sshll.u32 s28, $0x1;
	[dreg:$0x2] =	wrdreg s2  }
0xa9: {  	[dreg:$0x3] =	wrdreg s4  }
0xaa: {  	[dreg:$0x4] =	wrdreg $0xC0  }
0xab: {  	_ =	task [dreg:s6], $0x5FFFF  }
0xac: {  	[dreg:$0x1] =	wrdreg $0xFFFFFFFF  }
0xad: {  	[dreg:$0x0] =	wrdreg $0x60  }
0xae: {  	[dreg:$0x2] =	wrdreg s24  }
0xaf: {  	[dreg:$0x3] =	wrdreg $0x4CA00  }
0xb0: {  	[dreg:$0x4] =	wrdreg $0x9  }
0xb1: {  	_ =	task.clear_ibuf [dreg:s6], $0x5FFFF;
	_ =	strace $0x90000046  }
0xb2: {  	s29 =	simm.s32 $0x9;
	_ =	strace $0x80000048  }
0xb3: {  	_ =	swait.ge [sflag:s29], $0x1  }
0xb4: {  	[sflag:s29] =	ssyncadd.s32 $0xFFFFFFFF  }
0xb5: {  	_ =	strace $0x90000048  }
0xb6: {  	_ =	sfence  }
0xb7: {  	s30 =	sld [smem:$0x0];
	_ =	sdelay $0x2  }
0xb8: {  	s31 =	sshll.u32 s1, $0xD;
	s1 =	sshrl.u32 s1, $0x2  }
0xb9: {  	s3 =	sand.u32 $0x4000, s31;
	s1 =	sadd.s32 s1, s30  }
0xba: {  	s0 =	sor.u32 s3, s0;
	s1 =	sshll.u32 s1, $0x11  }
0xbb: {  	s0 =	sor.u32 s1, s0  }
0xbc: {  	s0 =	sadd.s32 $0x8F2B, s0  }
0xbd: {  	[sflag:s0] =	ssyncadd.remote.s32 $0x1  }
0xbe: {  	_ =	sfence.sel $0xFFFF  }
0xbf: {  	[dreg:$0x0] =	wrdreg $0xFFFFFFFF;
	(pc) =	sbr.abs _section_cstart, $3  }
0xc0: {  	[dreg:$0x1] =	wrdreg $0xFFFFFFFF  }
0xc1: {  	_ =	task.clear_ibuf [dreg:s6], $0x2FFFF;
	_ =	strace $0x9FFFFFFF  }
0xc2: {  	(tm) =	ssettm $0x7FFFFFFF  }
0xc3: {  	_ =	shalt  }
tec
execute0_lowered:
.L_overlay_start_1:
0x0: {  	(tag) =	ssettag $0x1  }
0x1: {  	s0 =	rddreg [dreg:$0x0]  }
0x2: {  	s1 =	rddreg [dreg:$0x1]  }
0x3: {  	s2 =	simm.s32 $0x0;
	s7 =	srdreg.scid;
	s22 =	simm.s32 $0xD0  }
0x4: {  	s23 =	simm.s32 $0x1AA0;
	s24 =	simm.s32 $0x64;
	s25 =	simm.s32 $0x1A0  }
0x5: {  	s28 =	simm.s32 $0xE20;
	s29 =	simm.s32 $0x138;
	[smem:$0x7FF] =	sst s2  }
0x6: {  	s21 =	simm.s32 $0x1;
	s3 =	sadd.s32 $0x251400, s0;
	s5 =	sadd.s32 $0x282200, s0  }
0x7: {  	s4 =	sadd.s32 $0x7200, s0;
	s6 =	sadd.s32 $0x58F600, s0;
	s8 =	sadd.s32 $0x51000, s0  }
0x8: {  	s9 =	sadd.s32 $0x6A800, s0;
	s10 =	sand.u32 $0x1, s7;
	s16 =	sadd.s32 $0x84000, s0  }
0x9: {  	s7 =	stileid.u32;
	s18 =	sadd.s32 $0xB4E00, s0;
	_ =	strace $0x80000047  }
0xa: {  	s11 =	ssub.s32 $0x2, s10;
	s13 =	smul.u32 $0xFA00, s7;
	s17 =	sor.u32 $0x10, s7  }
0xb: {  	p0 =	seq.s32 s10, $0x1;
	[dreg:$0x3] =	wrdreg s18;
	s31 =	sshll.u32 s7, $0x6  }
0xc: {  	s12 =	sshrl.u32 s11, $0x1;
	s15 =	smul.u32 $0xFA00, s17;
	p1 =	sgt.u32 s17, $0x18  }
0xd: {  	s19 =	sor.u32 $0x1C01, s31;
	p2 =	slt.u32 s17, $0x19;
	s12 =	ssub.s32 s11, s12  }
.Ltmp0:
0xe: {  	s11 =	sadd.s32 $0xE5C00, s0;
	s26 =	sadd.s32 s13, s1;
	(pc) =	sbr.rel .LBB2_1-.Ltmp0, $4  }
0xf: {  	s30 =	sshrl.u32 s13, $0x3;
	s12 =	smax.u32 s12, $0x1;
	s13 =	sshrl.u32 s15, $0x3  }
0x10: {  	s14 =	sadd.s32 s16, s30;
	s15 =	sadd.s32 s15, s1;
	s18 =	sadd.s32 s18, s30  }
0x11: {  	s10 =	sadd.s32 s11, s30;
	s20 =	sshrl.u32 s26, $0x3;
	[dreg:$0x4] =	wrdreg s18  }
0x12: {  	s26 =	simm.s32 $0x68;
	s16 =	sadd.s32 s16, s13;
	[dreg:$0x5] =	wrdreg s10  }
.LBB2_12:
0x13: {  	s0 =	sadd.s32 s0, s13;
	s10 =	sshrl.u32 s15, $0x3  }
0x14: {  	[hbm:s0], [sflag:s19] =	dma.local [spmem:s10], $0x1F40  }
0x15: {  	_ =	swait.ge [sflag:s21], $0x1F40  }
0x16: {  	[sflag:s21] =	ssyncset.done $0x0  }
0x17: {  	[sflag:s21] =	ssyncadd.s32 $0xFFFFE0C0  }
.LBB2_13:
0x18: {  	s2 =	sadd.s32 $0x1, s2  }
0x19: {  	p3 =	sne.s32 s2, s12  }
.Ltmp1:
0x1a: {  	_ = 	snop;
	(pc) =	sbr.rel @!p3 .LBB2_14-.Ltmp1, $1  }
0x1b: {  	_ =	sdelay $0x3  }
.LBB2_1:
.Ltmp2:
0x1c: {  	(pc) =	sbr.rel @!p0 .LBB2_2-.Ltmp2, $2  }
0x1d: {  	_ =	sdelay $0x2  }
0x1e: {  	s0 =	sshrl.u32 @!p1 s15, $0x3  }
0x1f: {  	[spmem:s20], [sflag:s19] =	dma.local [hbm:s14], $0x1F40  }
0x20: {  	_ =	swait.ge [sflag:s21], $0x1F40  }
0x21: {  	[sflag:s21] =	ssyncset.done $0x0  }
0x22: {  	[sflag:s21] =	ssyncadd.s32 $0xFFFFE0C0  }
0x23: {  	[spmem:s0], [sflag:s19] =	dma.local @!p1 [hbm:s16], $0x1F40  }
0x24: {  	s0 =	simm.s32 @!p1 $0x1  }
0x25: {  	_ =	swait.ge @!p1 [sflag:s0], $0x1F40  }
0x26: {  	[sflag:s0] =	ssyncset.done @!p1 $0x0  }
0x27: {  	[sflag:s0] =	ssyncadd.s32 @!p1 $0xFFFFE0C0  }
0x28: {  	s30 =	simm.s32 $0x0;
	s31 =	simm.s32 $0x0;
	[bflag:$0x0] =	sbarrier.arrive $0xFFFF  }
.LBB2_8:
0x29: {  	s0 =	sshll.u32 s31, $0x4  }
0x2a: {  	s0 =	sor.u32 s7, s0  }
0x2b: {  	s10 =	smul.u32 $0x1A, s0;
	_ =	sdelay $0x1  }
0x2c: {  	s17 =	sadd.s32 s8, s10  }
0x2d: {  	[tilespmem:s30], [sflag:$0x1] =	stream.linear.gather [hbm4b:s17+s30], $0xD0, $0x38;
	[tilespmem:$0x1D340] =	vst v63  }
0x2e: {  	_ =	swait.ge [sflag:s21], $0xD0  }
0x2f: {  	[sflag:s21] =	ssyncset.done $0x0  }
0x30: {  	s10 =	sadd.s32 s9, s10;
	[sflag:s21] =	ssyncadd.s32 $0xFFFFFF30  }
0x31: {  	[tilespmem:s22], [sflag:$0x1] =	stream.linear.gather [hbm4b:s10+s30], $0xD0, $0x38;
	[tilespmem:$0x1D340] =	vst v63  }
0x32: {  	s0 =	smul.u32 $0x640, s0;
	_ =	swait.ge [sflag:s21], $0xD0  }
0x33: {  	[sflag:s21] =	ssyncset.done $0x0  }
0x34: {  	s0 =	sadd.s32 s6, s0;
	[sflag:s21] =	ssyncadd.s32 $0xFFFFFF30  }
0x35: {  	[tilespmem:s23], [sflag:$0x1] =	stream.linear.gather [hbm4b:s0+s30], $0x3200, $0x38;
	[tilespmem:$0x1D340] =	vst v63  }
0x36: {  	_ =	swait.ge [sflag:s21], $0x3200  }
0x37: {  	[sflag:s21] =	ssyncset.done $0x0  }
0x38: {  	[sflag:s21] =	ssyncadd.s32 $0xFFFFCE00  }
0x39: {  	[tilespmem:s25], [sflag:$0x1] =	stream.indirect.gather [hbm4b:s4+s24], $0x20, s30, s24, $0xb8;
	[tilespmem:$0x1D340] =	vst v63  }
0x3a: {  	_ =	swait.ge [sflag:s21], $0xC80  }
0x3b: {  	[sflag:s21] =	ssyncset.done $0x0  }
0x3c: {  	[sflag:s21] =	ssyncadd.s32 $0xFFFFF380  }
0x3d: {  	[tilespmem:s28], [sflag:$0x1] =	stream.indirect.gather [hbm4b:s4+s24], $0x20, s26, s24, $0xb8;
	[tilespmem:$0x1D340] =	vst v63  }
0x3e: {  	_ =	swait.ge [sflag:s21], $0xC80  }
0x3f: {  	[sflag:s21] =	ssyncset.done $0x0  }
0x40: {  	s0 =	simm.s32 $0xE30;
	[sflag:s21] =	ssyncadd.s32 $0xFFFFF380  }
0x41: {  	s18 =	simm.s32 $0x0;
	s17 =	simm.s32 $0xE30;
	s10 =	simm.s32 $0x200;
	v0 =	vld [tilespmem:s0+$0xFFFFF370]  }
.LBB2_9:
0x42: {  	p3 =	sne.s32 s10, $0xC600;
	v1 =	vld [tilespmem:s18+$0x1AA0];
	_ =	sdelay $0x4  }
0x43: {  	v0 =	vmul.f32 v1, v0;
	_ =	sdelay $0x1  }
0x44: {  	[tilespmem:s0+$0xFFFFF370] =	vst v0;
	v0 =	vld [tilespmem:s0+$0xFFFFF380]  }
0x45: {  	v1 =	vld [tilespmem:s18+$0x1AB0];
	_ =	sdelay $0x4  }
0x46: {  	v0 =	vmul.f32 v1, v0;
	_ =	sdelay $0x1  }
0x47: {  	[tilespmem:s0+$0xFFFFF380] =	vst v0;
	v0 =	vld [tilespmem:s0+$0xFFFFFFF0]  }
0x48: {  	v1 =	vld [tilespmem:s18+$0x1AC0];
	_ =	sdelay $0x4  }
0x49: {  	v0 =	vmul.f32 v1, v0;
	_ =	sdelay $0x1  }
0x4a: {  	[tilespmem:s0+$0xFFFFFFF0] =	vst v0;
	v0 =	vld [tilespmem:s0+$0x0]  }
0x4b: {  	v1 =	vld [tilespmem:s18+$0x1AD0];
	_ =	sdelay $0x2  }
.Ltmp3:
0x4c: {  	(pc) =	sbr.rel @p3 .LBB2_9-.Ltmp3, $4  }
0x4d: {  	_ = 	snop  }
0x4e: {  	v1 =	vmul.f32 v1, v0  }
0x4f: {  	s0 =	sadd.s32 $0x20, s0  }
0x50: {  	s18 =	sshra.s32 s10, $0x2;
	s10 =	sadd.s32 $0x200, s10;
	v0 =	vld [tilespmem:s0+$0xFFFFF370];
	[tilespmem:s17+$0x0] =	vst v1;
	s17 =	smov.u32 s0  }
0x51: {  	v1 =	vld [tilespmem:s18+$0x1AA0];
	_ =	sdelay $0x4  }
0x52: {  	v0 =	vmul.f32 v1, v0;
	_ =	sdelay $0x1  }
0x53: {  	v58 =	vld [tilespmem:s0+$0xFFFFF380];
	[tilespmem:s0+$0xFFFFF370] =	vst v0  }
0x54: {  	v59 =	vld [tilespmem:s18+$0x1AB0];
	_ =	sdelay $0x4  }
0x55: {  	v0 =	vmul.f32 v59, v58;
	_ =	sdelay $0x1  }
0x56: {  	v60 =	vld [tilespmem:s0+$0xFFFFFFF0];
	[tilespmem:s0+$0xFFFFF380] =	vst v0  }
0x57: {  	v61 =	vld [tilespmem:s18+$0x1AC0];
	_ =	sdelay $0x4  }
0x58: {  	v0 =	vmul.f32 v61, v60;
	_ =	sdelay $0x1  }
0x59: {  	v62 =	vld [tilespmem:s0+$0x0];
	[tilespmem:s0+$0xFFFFFFF0] =	vst v0  }
0x5a: {  	v63 =	vld [tilespmem:s18+$0x1AD0];
	_ =	sdelay $0x4  }
0x5b: {  	v0 =	vmul.f32 v63, v62;
	_ =	sdelay $0x1  }
0x5c: {  	[tilespmem:s17+$0x0] =	vst v0  }
0x5d: {  	[spmem:s1] =	stream.indirect.scatter.add.f32 [tilespmem:s25], [sflag:$0x1], $0x20, s22, s24, $0xb8;
	[tilespmem:$0x1D340] =	vst v63  }
0x5e: {  	s31 =	sadd.s32 $0x1, s31;
	_ =	swait.ge [sflag:s21], $0xC80  }
0x5f: {  	p3 =	sne.s32 s31, $0xFA;
	[sflag:s21] =	ssyncset.done $0x0  }
.Ltmp4:
0x60: {  	[sflag:s21] =	ssyncadd.s32 $0xFFFFF380;
	(pc) =	sbr.rel @p3 .LBB2_8-.Ltmp4, $4  }
0x61: {  	[spmem:s1] =	stream.indirect.scatter.add.f32 [tilespmem:s28], [sflag:$0x1], $0x20, s29, s24, $0xb8;
	[tilespmem:$0x1D340] =	vst v63  }
0x62: {  	_ =	swait.ge [sflag:s21], $0xC80  }
0x63: {  	[sflag:s21] =	ssyncset.done $0x0  }
0x64: {  	[sflag:s21] =	ssyncadd.s32 $0xFFFFF380  }
0x65: {  	[bflag:$0x0] =	sbarrier.arrive $0xFFFF  }
0x66: {  	s0 =	rddreg [dreg:$0x5]  }
0x67: {  	[hbm:s0], [sflag:s19] =	dma.local [spmem:s20], $0x1F40  }
.Ltmp5:
0x68: {  	_ = 	snop;
	(pc) =	sbr.rel @p1 .LBB2_13-.Ltmp5, $4  }
.Ltmp6:
0x69: {  	_ = 	snop;
	(pc) =	sbr.rel @!p1 .LBB2_12-.Ltmp6, $4  }
0x6a: {  	_ =	swait.ge [sflag:s21], $0x1F40  }
0x6b: {  	[sflag:s21] =	ssyncset.done $0x0  }
0x6c: {  	s0 =	smov.u32 s11;
	[sflag:s21] =	ssyncadd.s32 $0xFFFFE0C0  }
0x6d: {  	_ = 	snop  }
.LBB2_2:
0x6e: {  	[spmem:s20], [sflag:s19] =	dma.local [hbm:s14], $0x1F40  }
0x6f: {  	_ =	swait.ge [sflag:s21], $0x1F40  }
0x70: {  	[sflag:s21] =	ssyncset.done $0x0  }
0x71: {  	[sflag:s21] =	ssyncadd.s32 $0xFFFFE0C0  }
0x72: {  	[spmem:s0], [sflag:s19] =	dma.local @!p1 [hbm:s16], $0x1F40  }
0x73: {  	s0 =	simm.s32 @!p1 $0x1  }
0x74: {  	_ =	swait.ge @!p1 [sflag:s0], $0x1F40  }
0x75: {  	[sflag:s0] =	ssyncset.done @!p1 $0x0  }
0x76: {  	[sflag:s0] =	ssyncadd.s32 @!p1 $0xFFFFE0C0  }
0x77: {  	s30 =	simm.s32 $0x0;
	s31 =	simm.s32 $0x0;
	[bflag:$0x0] =	sbarrier.arrive $0xFFFF  }
.LBB2_3:
0x78: {  	s0 =	sshll.u32 s31, $0x4  }
0x79: {  	s0 =	sor.u32 s7, s0  }
0x7a: {  	s10 =	smul.u32 $0x1A, s0;
	_ =	sdelay $0x1  }
0x7b: {  	s17 =	sadd.s32 s8, s10  }
0x7c: {  	[tilespmem:s30], [sflag:$0x1] =	stream.linear.gather [hbm4b:s17+s30], $0xD0, $0x38;
	[tilespmem:$0x1D340] =	vst v63  }
0x7d: {  	_ =	swait.ge [sflag:s21], $0xD0  }
0x7e: {  	[sflag:s21] =	ssyncset.done $0x0  }
0x7f: {  	s10 =	sadd.s32 s9, s10;
	[sflag:s21] =	ssyncadd.s32 $0xFFFFFF30  }
0x80: {  	[tilespmem:s22], [sflag:$0x1] =	stream.linear.gather [hbm4b:s10+s30], $0xD0, $0x38;
	[tilespmem:$0x1D340] =	vst v63  }
0x81: {  	s0 =	smul.u32 $0x640, s0;
	_ =	swait.ge [sflag:s21], $0xD0  }
0x82: {  	[sflag:s21] =	ssyncset.done $0x0  }
0x83: {  	s0 =	sadd.s32 s5, s0;
	[sflag:s21] =	ssyncadd.s32 $0xFFFFFF30  }
0x84: {  	[tilespmem:s23], [sflag:$0x1] =	stream.linear.gather [hbm4b:s0+s30], $0x3200, $0x38;
	[tilespmem:$0x1D340] =	vst v63  }
0x85: {  	_ =	swait.ge [sflag:s21], $0x3200  }
0x86: {  	[sflag:s21] =	ssyncset.done $0x0  }
0x87: {  	[sflag:s21] =	ssyncadd.s32 $0xFFFFCE00  }
0x88: {  	[tilespmem:s25], [sflag:$0x1] =	stream.indirect.gather [hbm4b:s3+s24], $0x20, s30, s24, $0xb8;
	[tilespmem:$0x1D340] =	vst v63  }
0x89: {  	_ =	swait.ge [sflag:s21], $0xC80  }
0x8a: {  	[sflag:s21] =	ssyncset.done $0x0  }
0x8b: {  	[sflag:s21] =	ssyncadd.s32 $0xFFFFF380  }
0x8c: {  	[tilespmem:s28], [sflag:$0x1] =	stream.indirect.gather [hbm4b:s3+s24], $0x20, s26, s24, $0xb8;
	[tilespmem:$0x1D340] =	vst v63  }
0x8d: {  	_ =	swait.ge [sflag:s21], $0xC80  }
0x8e: {  	[sflag:s21] =	ssyncset.done $0x0  }
0x8f: {  	s0 =	simm.s32 $0xE30;
	[sflag:s21] =	ssyncadd.s32 $0xFFFFF380  }
0x90: {  	s18 =	simm.s32 $0x0;
	s17 =	simm.s32 $0xE30;
	s10 =	simm.s32 $0x200;
	v0 =	vld [tilespmem:s0+$0xFFFFF370]  }
.LBB2_4:
0x91: {  	p3 =	sne.s32 s10, $0xC600;
	v1 =	vld [tilespmem:s18+$0x1AA0];
	_ =	sdelay $0x4  }
0x92: {  	v0 =	vmul.f32 v1, v0;
	_ =	sdelay $0x1  }
0x93: {  	[tilespmem:s0+$0xFFFFF370] =	vst v0;
	v0 =	vld [tilespmem:s0+$0xFFFFF380]  }
0x94: {  	v1 =	vld [tilespmem:s18+$0x1AB0];
	_ =	sdelay $0x4  }
0x95: {  	v0 =	vmul.f32 v1, v0;
	_ =	sdelay $0x1  }
0x96: {  	[tilespmem:s0+$0xFFFFF380] =	vst v0;
	v0 =	vld [tilespmem:s0+$0xFFFFFFF0]  }
0x97: {  	v1 =	vld [tilespmem:s18+$0x1AC0];
	_ =	sdelay $0x4  }
0x98: {  	v0 =	vmul.f32 v1, v0;
	_ =	sdelay $0x1  }
0x99: {  	[tilespmem:s0+$0xFFFFFFF0] =	vst v0;
	v0 =	vld [tilespmem:s0+$0x0]  }
0x9a: {  	v1 =	vld [tilespmem:s18+$0x1AD0];
	_ =	sdelay $0x2  }
.Ltmp7:
0x9b: {  	(pc) =	sbr.rel @p3 .LBB2_4-.Ltmp7, $4  }
0x9c: {  	_ = 	snop  }
0x9d: {  	v1 =	vmul.f32 v1, v0  }
0x9e: {  	s0 =	sadd.s32 $0x20, s0  }
0x9f: {  	s18 =	sshra.s32 s10, $0x2;
	s10 =	sadd.s32 $0x200, s10;
	v0 =	vld [tilespmem:s0+$0xFFFFF370];
	[tilespmem:s17+$0x0] =	vst v1;
	s17 =	smov.u32 s0  }
0xa0: {  	v1 =	vld [tilespmem:s18+$0x1AA0];
	_ =	sdelay $0x4  }
0xa1: {  	v0 =	vmul.f32 v1, v0;
	_ =	sdelay $0x1  }
0xa2: {  	v58 =	vld [tilespmem:s0+$0xFFFFF380];
	[tilespmem:s0+$0xFFFFF370] =	vst v0  }
0xa3: {  	v59 =	vld [tilespmem:s18+$0x1AB0];
	_ =	sdelay $0x4  }
0xa4: {  	v0 =	vmul.f32 v59, v58;
	_ =	sdelay $0x1  }
0xa5: {  	v60 =	vld [tilespmem:s0+$0xFFFFFFF0];
	[tilespmem:s0+$0xFFFFF380] =	vst v0  }
0xa6: {  	v61 =	vld [tilespmem:s18+$0x1AC0];
	_ =	sdelay $0x4  }
0xa7: {  	v0 =	vmul.f32 v61, v60;
	_ =	sdelay $0x1  }
0xa8: {  	v62 =	vld [tilespmem:s0+$0x0];
	[tilespmem:s0+$0xFFFFFFF0] =	vst v0  }
0xa9: {  	v63 =	vld [tilespmem:s18+$0x1AD0];
	_ =	sdelay $0x4  }
0xaa: {  	v0 =	vmul.f32 v63, v62;
	_ =	sdelay $0x1  }
0xab: {  	[tilespmem:s17+$0x0] =	vst v0  }
0xac: {  	[spmem:s1] =	stream.indirect.scatter.add.f32 [tilespmem:s25], [sflag:$0x1], $0x20, s22, s24, $0xb8;
	[tilespmem:$0x1D340] =	vst v63  }
0xad: {  	s31 =	sadd.s32 $0x1, s31;
	_ =	swait.ge [sflag:s21], $0xC80  }
0xae: {  	p3 =	sne.s32 s31, $0xFA;
	[sflag:s21] =	ssyncset.done $0x0  }
.Ltmp8:
0xaf: {  	[sflag:s21] =	ssyncadd.s32 $0xFFFFF380;
	(pc) =	sbr.rel @p3 .LBB2_3-.Ltmp8, $4  }
0xb0: {  	[spmem:s1] =	stream.indirect.scatter.add.f32 [tilespmem:s28], [sflag:$0x1], $0x20, s29, s24, $0xb8;
	[tilespmem:$0x1D340] =	vst v63  }
0xb1: {  	_ =	swait.ge [sflag:s21], $0xC80  }
0xb2: {  	[sflag:s21] =	ssyncset.done $0x0  }
0xb3: {  	[sflag:s21] =	ssyncadd.s32 $0xFFFFF380  }
0xb4: {  	[bflag:$0x0] =	sbarrier.arrive $0xFFFF  }
0xb5: {  	s0 =	rddreg [dreg:$0x4]  }
0xb6: {  	[hbm:s0], [sflag:s19] =	dma.local [spmem:s20], $0x1F40  }
.Ltmp9:
0xb7: {  	_ = 	snop;
	(pc) =	sbr.rel @p2 .LBB2_12-.Ltmp9, $4  }
.Ltmp10:
0xb8: {  	_ = 	snop;
	(pc) =	sbr.rel @!p2 .LBB2_13-.Ltmp10, $4  }
0xb9: {  	_ =	swait.ge [sflag:s21], $0x1F40  }
0xba: {  	[sflag:s21] =	ssyncset.done $0x0  }
0xbb: {  	s0 =	rddreg [dreg:$0x3];
	[sflag:s21] =	ssyncadd.s32 $0xFFFFE0C0  }
0xbc: {  	_ = 	snop  }
.LBB2_14:
0xbd: {  	_ =	sfence.sel $0x180000  }
0xbe: {  	[bflag:$0x0] =	sbarrier.arrive $0xFFFF  }
0xbf: {  	_ =	strace $0x90000047  }
0xc0: {  	[bflag:$0x2] =	sbarrier.arrive $0xFFFF  }
0xc1: {  	p0 =	sne.s32 s7, $0x0;
	s0 =	rddreg [dreg:$0x2]  }
0xc2: {  	s0 =	sadd.s32 @!p0 $0x100000, s0  }
0xc3: {  	[sflag:s0] =	ssyncadd.tile.s32 @!p0 $0x1;
	_ =	shalt  }
.Lfunc_end2:
_tile_overlayer_lowered:
.L_overlay_start_2:
0xc4: {  	(tag) =	ssettag $0x2  }
0xc5: {  	s0 =	rddreg [dreg:$0x0];
	s2 =	stileid.u32  }
0xc6: {  	s1 =	rddreg [dreg:$0x1];
	p0 =	sne.s32 s2, $0x0  }
0xc7: {  	s3 =	rddreg [dreg:$0x2];
	[bflag:$0x3] =	sbarrier.arrive $0xFFFF;
	s2 =	simm.s32 @!p0 $0x1C01  }
0xc8: {  	[timem:s3], [sflag:s2] =	dma.local @!p0 [hbm:s0], s1  }
0xc9: {  	s0 =	simm.s32 @!p0 $0x1  }
0xca: {  	_ =	swait.ge @!p0 [sflag:s0], s1  }
0xcb: {  	s1 =	ssub.s32 @!p0 $0x0, s1;
	[sflag:s0] =	ssyncset.done @!p0 $0x0  }
0xcc: {  	[sflag:s0] =	ssyncadd.s32 @!p0 s1  }
0xcd: {  	[bflag:$0x3] =	sbarrier.arrive $0xFFFF  }
0xce: {  	_ =	shalt  }

// kernel: kernel.16.cloned.1.call-start
scs
__scs_entry_jumppad:
0x0: {  	(pc) =	sbr.rel $0x88, $3  }
0x1: {  	(tag) =	ssettag $0x0;
	lr =	simm.s32 $0x1  }
0x2: {  	[smem:$0x3F7D] =	sst lr;
	_ =	strace $0xD0000000  }
0x3: {  	_ = 	snop  }
0x4: {  	_ = 	snop  }
0x5: {  	_ = 	snop  }
0x6: {  	_ = 	snop  }
0x7: {  	_ = 	snop  }
__scs_overlays_trampoline_lowered:
0x8: {  	[smem:$0x3F8C] =	sst s0  }
0x9: {  	[smem:$0x3F8D] =	sst s1  }
0xa: {  	[smem:$0x3F8E] =	sst s2  }
0xb: {  	[smem:$0x3F8F] =	sst s3  }
0xc: {  	[smem:$0x3F90] =	sst s4  }
0xd: {  	[smem:$0x3F91] =	sst s5  }
0xe: {  	[smem:$0x3F92] =	sst s6  }
0xf: {  	[smem:$0x3F93] =	sst s7  }
0x10: {  	[smem:$0x3F94] =	sst s8  }
0x11: {  	[smem:$0x3F95] =	sst s9;
	s0 =	simm.s32 @!p0 $0x0  }
0x12: {  	s1 =	sld [smem:$0x3F7B];
	s0 =	simm.s32 @p0 $0x1  }
0x13: {  	[smem:$0x3F96] =	sst s0;
	s0 =	simm.s32 @!p1 $0x0  }
0x14: {  	s2 =	sld [smem:$0x3F7A];
	s0 =	simm.s32 @p1 $0x1  }
0x15: {  	[smem:$0x3F97] =	sst s0;
	s0 =	simm.s32 @!p2 $0x0  }
0x16: {  	s3 =	sld [smem:$0x3FDB];
	s0 =	simm.s32 @p2 $0x1  }
0x17: {  	s4 =	simm.s32 $0x1BF5;
	[smem:$0x3F99] =	sst s0  }
0x18: {  	s0 =	sld [smem:$0x3F7C];
	_ =	swait.ge [sflag:s4], $0x0  }
0x19: {  	s7 =	sld [smem:$0x3F7D]  }
0x1a: {  	s8 =	sadd.s32 $0xFFFFE003, lr  }
0x1b: {  	s9 =	sadd.s32 $0xFFFFFEF7, lr;
	s5 =	simm.s32 $0xFFFFFFFF;
	p2 =	slt.u32 s8, $0xFFFFF086  }
0x1c: {  	p1 =	slt.u32 s9, $0xF7A;
	s5 =	simm.s32 @!p2 $0x0  }
0x1d: {  	s5 =	simm.s32 @p1 $0x1;
	p0 =	seq.s32 s7, s2  }
0x1e: {  	s7 =	smul.u32 @!p0 $0xF7A, s2;
	p2 =	seq.s32 @!p0 s5, $0x0  }
0x1f: {  	s9 =	smul.u32 $0xF7A, s1;
	s8 =	simm.s32 @!p0 $0x1BF5;
	p2 =	por !p2, p0  }
0x20: {  	[sflag:s8] =	ssyncset.s32 @!p0 $0xFFFFF086;
	s6 =	sadd.s32 @!p0 s3, s7;
	s7 =	simm.s32 @!p0 $0x108  }
0x21: {  	s3 =	sadd.s32 s3, s9;
	s6 =	sadd.s32 @!p0 $0x88, s6;
	s7 =	simm.s32 @p2 $0x1082  }
0x22: {  	[simem:s7], [sflag:s8] =	dma.local @!p0 [hbm:s6], $0xF7A  }
0x23: {  	s9 =	sor.u32 $0xD0000000, s2;
	s6 =	simm.s32 $0x108;
	_ =	swait.ge @!p0 [sflag:s8], $0x0  }
0x24: {  	s3 =	sadd.s32 $0x88, s3;
	s6 =	simm.s32 @!p1 $0x1082;
	[sflag:s4] =	ssyncset.s32 $0xFFFFF086  }
0x25: {  	[simem:s6], [sflag:s4] =	dma.local [hbm:s3], $0xF7A  }
0x26: {  	[smem:$0x3F7D] =	sst s1;
	(tag) =	ssettag s2;
	_ =	strace s9  }
0x27: {  	s1 =	sld [smem:$0x3F8D]  }
0x28: {  	s2 =	sld [smem:$0x3F8E]  }
0x29: {  	s4 =	sld [smem:$0x3F90]  }
0x2a: {  	p0 =	seq.s32 s5, $0x0;
	s5 =	sld [smem:$0x3F91]  }
0x2b: {  	s6 =	sld [smem:$0x3F92]  }
0x2c: {  	s7 =	sld [smem:$0x3F93]  }
0x2d: {  	s3 =	simm.s32 $0x108;
	s8 =	sld [smem:$0x3F94]  }
0x2e: {  	s3 =	simm.s32 @!p0 $0x1082;
	s9 =	sld [smem:$0x3F95]  }
0x2f: {  	lr =	sadd.s32 s0, s3;
	s0 =	sld [smem:$0x3F8C]  }
0x30: {  	s3 =	sld [smem:$0x3F8F]  }
0x31: {  	[smem:$0x3F98] =	sst s10  }
0x32: {  	s10 =	sld [smem:$0x3F96];
	_ =	sdelay $0x3  }
0x33: {  	p0 =	seq.s32 s10, $0x1;
	s10 =	sld [smem:$0x3F98];
	_ =	sdelay $0x3  }
0x34: {  	[smem:$0x3F98] =	sst s10  }
0x35: {  	s10 =	sld [smem:$0x3F97];
	_ =	sdelay $0x3  }
0x36: {  	p1 =	seq.s32 s10, $0x1;
	s10 =	sld [smem:$0x3F98];
	_ =	sdelay $0x3  }
0x37: {  	[smem:$0x3F98] =	sst s10  }
0x38: {  	s10 =	sld [smem:$0x3F99]  }
0x39: {  	_ = 	snop;
	(pc) =	sbr.ind lr, $3  }
0x3a: {  	_ = 	snop  }
0x3b: {  	_ = 	snop  }
0x3c: {  	p2 =	seq.s32 s10, $0x1;
	s10 =	sld [smem:$0x3F98]  }
0x3d: {  	_ =	shalt  }
0x3e: {  	_ =	shalt  }
0x3f: {  	_ =	shalt  }
0x40: {  	_ =	shalt  }
0x41: {  	_ =	shalt  }
0x42: {  	_ =	shalt  }
0x43: {  	_ =	shalt  }
0x44: {  	_ =	shalt  }
0x45: {  	_ =	shalt  }
0x46: {  	_ =	shalt  }
0x47: {  	_ =	shalt  }
0x48: {  	_ =	shalt  }
0x49: {  	_ =	shalt  }
0x4a: {  	_ =	shalt  }
0x4b: {  	_ =	shalt  }
0x4c: {  	_ =	shalt  }
0x4d: {  	_ =	shalt  }
0x4e: {  	_ =	shalt  }
0x4f: {  	_ =	shalt  }
0x50: {  	_ =	shalt  }
0x51: {  	_ =	shalt  }
0x52: {  	_ =	shalt  }
0x53: {  	_ =	shalt  }
0x54: {  	_ =	shalt  }
0x55: {  	_ =	shalt  }
0x56: {  	_ =	shalt  }
0x57: {  	_ =	shalt  }
0x58: {  	_ =	shalt  }
0x59: {  	_ =	shalt  }
0x5a: {  	_ =	shalt  }
0x5b: {  	_ =	shalt  }
0x5c: {  	_ =	shalt  }
0x5d: {  	_ =	shalt  }
0x5e: {  	_ =	shalt  }
0x5f: {  	_ =	shalt  }
0x60: {  	_ =	shalt  }
0x61: {  	_ =	shalt  }
0x62: {  	_ =	shalt  }
0x63: {  	_ =	shalt  }
0x64: {  	_ =	shalt  }
0x65: {  	_ =	shalt  }
0x66: {  	_ =	shalt  }
0x67: {  	_ =	shalt  }
0x68: {  	_ =	shalt  }
0x69: {  	_ =	shalt  }
0x6a: {  	_ =	shalt  }
0x6b: {  	_ =	shalt  }
0x6c: {  	_ =	shalt  }
0x6d: {  	_ =	shalt  }
0x6e: {  	_ =	shalt  }
0x6f: {  	_ =	shalt  }
0x70: {  	_ =	shalt  }
0x71: {  	_ =	shalt  }
0x72: {  	_ =	shalt  }
0x73: {  	_ =	shalt  }
0x74: {  	_ =	shalt  }
0x75: {  	_ =	shalt  }
0x76: {  	_ =	shalt  }
0x77: {  	_ =	shalt  }
0x78: {  	_ =	shalt  }
0x79: {  	_ =	shalt  }
0x7a: {  	_ =	shalt  }
0x7b: {  	_ =	shalt  }
0x7c: {  	_ =	shalt  }
0x7d: {  	_ =	shalt  }
0x7e: {  	_ =	shalt  }
0x7f: {  	_ =	shalt  }
0x80: {  	_ =	shalt  }
0x81: {  	_ =	shalt  }
0x82: {  	_ =	shalt  }
0x83: {  	_ =	shalt  }
0x84: {  	_ =	shalt  }
0x85: {  	_ =	shalt  }
0x86: {  	_ =	shalt  }
0x87: {  	_ =	shalt  }
.Lfunc_end0:
.L_simem_size_0:
called_computation.1_lowered:
.L_overlay_start_0:
0x88: {  	s2 =	sld [smem:$0x3FD9]  }
0x89: {  	s3 =	sld [smem:$0x3FFE];
	_ =	sdelay $0x1  }
0x8a: {  	s1 =	srdreg.scid  }
0x8b: {  	s0 =	sand.u32 $0x1, s1  }
0x8c: {  	s16 =	sshll.u32 s0, $0xA;
	s2 =	sadd.s32 s3, s2  }
0x8d: {  	s2 =	sadd.s32 s2, s16  }
0x8e: {  	[smem:$0x3FA4] =	sst s2  }
0x8f: {  	_ = 	snop  }
0x90: {  	(tm) =	ssettm $0x1  }
0x91: {  	s17 =	sld [smem:$0x3FFB];
	_ =	sdelay $0x3  }
0x92: {  	_ =	strace s17  }
0x93: {  	s2 =	sld [smem:$0x3FFC];
	_ =	sdelay $0x3  }
0x94: {  	_ =	strace s2  }
0x95: {  	s2 =	sld [smem:$0x3FFD];
	_ =	sdelay $0x3  }
0x96: {  	_ =	strace s2  }
0x97: {  	_ =	strace $0x8FFFFFFF  }
0x98: {  	s18 =	sld [smem:$0x3FDB];
	_ =	sdelay $0x1  }
0x99: {  	s19 =	simm.s32 $_scs_section_size  }
0x9a: {  	s4 =	simm.s32 $_size__tile_overlayer_lowered;
	s5 =	simm.s32 $_tile_overlayer_lowered  }
0x9b: {  	s22 =	simm.s32 $0x1BFF;
	s21 =	sshll.u32 s5, $0x1;
	s2 =	sadd.s32 s19, s18  }
0x9c: {  	s6 =	simm.s32 $0x0;
	s20 =	sshll.u32 s4, $0x1;
	s4 =	sadd.s32 s21, s2  }
0x9d: {  	[timem:s6], [sflag:s22] =	dma.local [hbm:s4], s20  }
0x9e: {  	_ =	swait.ge [sflag:s22], s20  }
0x9f: {  	s3 =	ssub.s32 $0x0, s20;
	[sflag:s22] =	ssyncset.done $0x0  }
0xa0: {  	[sflag:s22] =	ssyncadd.s32 s3;
	_ =	sdelay $0x1  }
0xa1: {  	s23 =	simm.s32 $0x1B8B  }
0xa2: {  	_ =	swait.ge [sflag:s23], $0x1  }
0xa3: {  	[sflag:s23] =	ssyncset.done $0x0  }
0xa4: {  	s25 =	simm.s32 $0x1B8E;
	s24 =	sld [smem:$0x3FFE];
	[sflag:s23] =	ssyncadd.s32 $0xFFFFFFFF  }
0xa5: {  	s26 =	simm.s32 $execute0_lowered;
	[smem:$0x3FD2] =	sst s25  }
0xa6: {  	s4 =	sshll.u32 s26, $0x1;
	_ =	strace $0x80000049;
	[dreg:$0x1] =	wrdreg $0xFFFFFFFF  }
0xa7: {  	s28 =	simm.s32 $_size_execute0_lowered;
	s2 =	sadd.s32 s2, s4;
	[dreg:$0x0] =	wrdreg $0x0  }
0xa8: {  	s4 =	sshll.u32 s28, $0x1;
	[dreg:$0x2] =	wrdreg s2  }
0xa9: {  	[dreg:$0x3] =	wrdreg s4  }
0xaa: {  	[dreg:$0x4] =	wrdreg $0xC0  }
0xab: {  	_ =	task [dreg:s6], $0x5FFFF  }
0xac: {  	[dreg:$0x1] =	wrdreg $0xFFFFFFFF  }
0xad: {  	[dreg:$0x0] =	wrdreg $0x60  }
0xae: {  	[dreg:$0x2] =	wrdreg s24  }
0xaf: {  	[dreg:$0x3] =	wrdreg $0x4CA00  }
0xb0: {  	[dreg:$0x4] =	wrdreg $0x9  }
0xb1: {  	_ =	task.clear_ibuf [dreg:s6], $0x5FFFF;
	_ =	strace $0x90000049  }
0xb2: {  	s29 =	simm.s32 $0x9;
	_ =	strace $0x8000004B  }
0xb3: {  	_ =	swait.ge [sflag:s29], $0x1  }
0xb4: {  	[sflag:s29] =	ssyncadd.s32 $0xFFFFFFFF  }
0xb5: {  	_ =	strace $0x9000004B  }
0xb6: {  	_ =	sfence  }
0xb7: {  	s30 =	sld [smem:$0x0];
	_ =	sdelay $0x2  }
0xb8: {  	s31 =	sshll.u32 s1, $0xD;
	s1 =	sshrl.u32 s1, $0x2  }
0xb9: {  	s3 =	sand.u32 $0x4000, s31;
	s1 =	sadd.s32 s1, s30  }
0xba: {  	s0 =	sor.u32 s3, s0;
	s1 =	sshll.u32 s1, $0x11  }
0xbb: {  	s0 =	sor.u32 s1, s0  }
0xbc: {  	s0 =	sadd.s32 $0x8F2B, s0  }
0xbd: {  	[sflag:s0] =	ssyncadd.remote.s32 $0x1  }
0xbe: {  	_ =	sfence.sel $0xFFFF  }
0xbf: {  	[dreg:$0x0] =	wrdreg $0xFFFFFFFF;
	(pc) =	sbr.abs _section_cstart, $3  }
0xc0: {  	[dreg:$0x1] =	wrdreg $0xFFFFFFFF  }
0xc1: {  	_ =	task.clear_ibuf [dreg:s6], $0x2FFFF;
	_ =	strace $0x9FFFFFFF  }
0xc2: {  	(tm) =	ssettm $0x7FFFFFFF  }
0xc3: {  	_ =	shalt  }
tec
execute0_lowered:
.L_overlay_start_1:
0x0: {  	(tag) =	ssettag $0x1  }
0x1: {  	s0 =	rddreg [dreg:$0x0]  }
0x2: {  	s1 =	rddreg [dreg:$0x1]  }
0x3: {  	s2 =	simm.s32 $0x0;
	s7 =	srdreg.scid;
	s22 =	simm.s32 $0xD0  }
0x4: {  	s23 =	simm.s32 $0x1AA0;
	s24 =	simm.s32 $0x64;
	s25 =	simm.s32 $0x1A0  }
0x5: {  	s28 =	simm.s32 $0xE20;
	s29 =	simm.s32 $0x138;
	[smem:$0x7FF] =	sst s2  }
0x6: {  	s21 =	simm.s32 $0x1;
	s4 =	sadd.s32 $0x55EC00, s0;
	s5 =	sadd.s32 $0x89CA00, s0  }
0x7: {  	s3 =	sadd.s32 $0x7200, s0;
	s6 =	sadd.s32 $0xBA9E00, s0;
	s8 =	sadd.s32 $0x51000, s0  }
0x8: {  	s9 =	sadd.s32 $0x6A800, s0;
	s10 =	sand.u32 $0x1, s7;
	s16 =	sadd.s32 $0x84000, s0  }
0x9: {  	s7 =	stileid.u32;
	s18 =	sadd.s32 $0x58FA00, s0;
	_ =	strace $0x8000004A  }
0xa: {  	s11 =	ssub.s32 $0x2, s10;
	s13 =	smul.u32 $0xFA00, s7;
	s17 =	sor.u32 $0x10, s7  }
0xb: {  	p0 =	seq.s32 s10, $0x1;
	[dreg:$0x3] =	wrdreg s18;
	s31 =	sshll.u32 s7, $0x6  }
0xc: {  	s12 =	sshrl.u32 s11, $0x1;
	s15 =	smul.u32 $0xFA00, s17;
	p1 =	sgt.u32 s17, $0x18  }
0xd: {  	s19 =	sor.u32 $0x1C01, s31;
	p2 =	slt.u32 s17, $0x19;
	s12 =	ssub.s32 s11, s12  }
.Ltmp0:
0xe: {  	s11 =	sadd.s32 $0x5C0800, s0;
	s26 =	sadd.s32 s13, s1;
	(pc) =	sbr.rel .LBB2_1-.Ltmp0, $4  }
0xf: {  	s30 =	sshrl.u32 s13, $0x3;
	s12 =	smax.u32 s12, $0x1;
	s13 =	sshrl.u32 s15, $0x3  }
0x10: {  	s14 =	sadd.s32 s16, s30;
	s15 =	sadd.s32 s15, s1;
	s18 =	sadd.s32 s18, s30  }
0x11: {  	s10 =	sadd.s32 s11, s30;
	s20 =	sshrl.u32 s26, $0x3;
	[dreg:$0x4] =	wrdreg s18  }
0x12: {  	s26 =	simm.s32 $0x68;
	s16 =	sadd.s32 s16, s13;
	[dreg:$0x5] =	wrdreg s10  }
.LBB2_12:
0x13: {  	s0 =	sadd.s32 s0, s13;
	s10 =	sshrl.u32 s15, $0x3  }
0x14: {  	[hbm:s0], [sflag:s19] =	dma.local [spmem:s10], $0x1F40  }
0x15: {  	_ =	swait.ge [sflag:s21], $0x1F40  }
0x16: {  	[sflag:s21] =	ssyncset.done $0x0  }
0x17: {  	[sflag:s21] =	ssyncadd.s32 $0xFFFFE0C0  }
.LBB2_13:
0x18: {  	s2 =	sadd.s32 $0x1, s2  }
0x19: {  	p3 =	sne.s32 s2, s12  }
.Ltmp1:
0x1a: {  	_ = 	snop;
	(pc) =	sbr.rel @!p3 .LBB2_14-.Ltmp1, $1  }
0x1b: {  	_ =	sdelay $0x3  }
.LBB2_1:
.Ltmp2:
0x1c: {  	(pc) =	sbr.rel @!p0 .LBB2_2-.Ltmp2, $2  }
0x1d: {  	_ =	sdelay $0x2  }
0x1e: {  	s0 =	sshrl.u32 @!p1 s15, $0x3  }
0x1f: {  	[spmem:s20], [sflag:s19] =	dma.local [hbm:s14], $0x1F40  }
0x20: {  	_ =	swait.ge [sflag:s21], $0x1F40  }
0x21: {  	[sflag:s21] =	ssyncset.done $0x0  }
0x22: {  	[sflag:s21] =	ssyncadd.s32 $0xFFFFE0C0  }
0x23: {  	[spmem:s0], [sflag:s19] =	dma.local @!p1 [hbm:s16], $0x1F40  }
0x24: {  	s0 =	simm.s32 @!p1 $0x1  }
0x25: {  	_ =	swait.ge @!p1 [sflag:s0], $0x1F40  }
0x26: {  	[sflag:s0] =	ssyncset.done @!p1 $0x0  }
0x27: {  	[sflag:s0] =	ssyncadd.s32 @!p1 $0xFFFFE0C0  }
0x28: {  	s30 =	simm.s32 $0x0;
	s31 =	simm.s32 $0x0;
	[bflag:$0x0] =	sbarrier.arrive $0xFFFF  }
.LBB2_8:
0x29: {  	s0 =	sshll.u32 s31, $0x4  }
0x2a: {  	s0 =	sor.u32 s7, s0  }
0x2b: {  	s10 =	smul.u32 $0x1A, s0;
	_ =	sdelay $0x1  }
0x2c: {  	s17 =	sadd.s32 s8, s10  }
0x2d: {  	[tilespmem:s30], [sflag:$0x1] =	stream.linear.gather [hbm4b:s17+s30], $0xD0, $0x38;
	[tilespmem:$0x1D340] =	vst v63  }
0x2e: {  	_ =	swait.ge [sflag:s21], $0xD0  }
0x2f: {  	[sflag:s21] =	ssyncset.done $0x0  }
0x30: {  	s10 =	sadd.s32 s9, s10;
	[sflag:s21] =	ssyncadd.s32 $0xFFFFFF30  }
0x31: {  	[tilespmem:s22], [sflag:$0x1] =	stream.linear.gather [hbm4b:s10+s30], $0xD0, $0x38;
	[tilespmem:$0x1D340] =	vst v63  }
0x32: {  	s0 =	smul.u32 $0x640, s0;
	_ =	swait.ge [sflag:s21], $0xD0  }
0x33: {  	[sflag:s21] =	ssyncset.done $0x0  }
0x34: {  	s0 =	sadd.s32 s6, s0;
	[sflag:s21] =	ssyncadd.s32 $0xFFFFFF30  }
0x35: {  	[tilespmem:s23], [sflag:$0x1] =	stream.linear.gather [hbm4b:s0+s30], $0x3200, $0x38;
	[tilespmem:$0x1D340] =	vst v63  }
0x36: {  	_ =	swait.ge [sflag:s21], $0x3200  }
0x37: {  	[sflag:s21] =	ssyncset.done $0x0  }
0x38: {  	[sflag:s21] =	ssyncadd.s32 $0xFFFFCE00  }
0x39: {  	[tilespmem:s25], [sflag:$0x1] =	stream.indirect.gather [hbm4b:s4+s24], $0x20, s30, s24, $0xb8;
	[tilespmem:$0x1D340] =	vst v63  }
0x3a: {  	_ =	swait.ge [sflag:s21], $0xC80  }
0x3b: {  	[sflag:s21] =	ssyncset.done $0x0  }
0x3c: {  	[sflag:s21] =	ssyncadd.s32 $0xFFFFF380  }
0x3d: {  	[tilespmem:s28], [sflag:$0x1] =	stream.indirect.gather [hbm4b:s4+s24], $0x20, s26, s24, $0xb8;
	[tilespmem:$0x1D340] =	vst v63  }
0x3e: {  	_ =	swait.ge [sflag:s21], $0xC80  }
0x3f: {  	[sflag:s21] =	ssyncset.done $0x0  }
0x40: {  	s0 =	simm.s32 $0xE30;
	[sflag:s21] =	ssyncadd.s32 $0xFFFFF380  }
0x41: {  	s18 =	simm.s32 $0x0;
	s17 =	simm.s32 $0xE30;
	s10 =	simm.s32 $0x200;
	v0 =	vld [tilespmem:s0+$0xFFFFF370]  }
.LBB2_9:
0x42: {  	p3 =	sne.s32 s10, $0xC600;
	v1 =	vld [tilespmem:s18+$0x1AA0];
	_ =	sdelay $0x4  }
0x43: {  	v0 =	vmul.f32 v1, v0;
	_ =	sdelay $0x1  }
0x44: {  	[tilespmem:s0+$0xFFFFF370] =	vst v0;
	v0 =	vld [tilespmem:s0+$0xFFFFF380]  }
0x45: {  	v1 =	vld [tilespmem:s18+$0x1AB0];
	_ =	sdelay $0x4  }
0x46: {  	v0 =	vmul.f32 v1, v0;
	_ =	sdelay $0x1  }
0x47: {  	[tilespmem:s0+$0xFFFFF380] =	vst v0;
	v0 =	vld [tilespmem:s0+$0xFFFFFFF0]  }
0x48: {  	v1 =	vld [tilespmem:s18+$0x1AC0];
	_ =	sdelay $0x4  }
0x49: {  	v0 =	vmul.f32 v1, v0;
	_ =	sdelay $0x1  }
0x4a: {  	[tilespmem:s0+$0xFFFFFFF0] =	vst v0;
	v0 =	vld [tilespmem:s0+$0x0]  }
0x4b: {  	v1 =	vld [tilespmem:s18+$0x1AD0];
	_ =	sdelay $0x2  }
.Ltmp3:
0x4c: {  	(pc) =	sbr.rel @p3 .LBB2_9-.Ltmp3, $4  }
0x4d: {  	_ = 	snop  }
0x4e: {  	v1 =	vmul.f32 v1, v0  }
0x4f: {  	s0 =	sadd.s32 $0x20, s0  }
0x50: {  	s18 =	sshra.s32 s10, $0x2;
	s10 =	sadd.s32 $0x200, s10;
	v0 =	vld [tilespmem:s0+$0xFFFFF370];
	[tilespmem:s17+$0x0] =	vst v1;
	s17 =	smov.u32 s0  }
0x51: {  	v1 =	vld [tilespmem:s18+$0x1AA0];
	_ =	sdelay $0x4  }
0x52: {  	v0 =	vmul.f32 v1, v0;
	_ =	sdelay $0x1  }
0x53: {  	v58 =	vld [tilespmem:s0+$0xFFFFF380];
	[tilespmem:s0+$0xFFFFF370] =	vst v0  }
0x54: {  	v59 =	vld [tilespmem:s18+$0x1AB0];
	_ =	sdelay $0x4  }
0x55: {  	v0 =	vmul.f32 v59, v58;
	_ =	sdelay $0x1  }
0x56: {  	v60 =	vld [tilespmem:s0+$0xFFFFFFF0];
	[tilespmem:s0+$0xFFFFF380] =	vst v0  }
0x57: {  	v61 =	vld [tilespmem:s18+$0x1AC0];
	_ =	sdelay $0x4  }
0x58: {  	v0 =	vmul.f32 v61, v60;
	_ =	sdelay $0x1  }
0x59: {  	v62 =	vld [tilespmem:s0+$0x0];
	[tilespmem:s0+$0xFFFFFFF0] =	vst v0  }
0x5a: {  	v63 =	vld [tilespmem:s18+$0x1AD0];
	_ =	sdelay $0x4  }
0x5b: {  	v0 =	vmul.f32 v63, v62;
	_ =	sdelay $0x1  }
0x5c: {  	[tilespmem:s17+$0x0] =	vst v0  }
0x5d: {  	[spmem:s1] =	stream.indirect.scatter.add.f32 [tilespmem:s25], [sflag:$0x1], $0x20, s22, s24, $0xb8;
	[tilespmem:$0x1D340] =	vst v63  }
0x5e: {  	s31 =	sadd.s32 $0x1, s31;
	_ =	swait.ge [sflag:s21], $0xC80  }
0x5f: {  	p3 =	sne.s32 s31, $0xFA;
	[sflag:s21] =	ssyncset.done $0x0  }
.Ltmp4:
0x60: {  	[sflag:s21] =	ssyncadd.s32 $0xFFFFF380;
	(pc) =	sbr.rel @p3 .LBB2_8-.Ltmp4, $4  }
0x61: {  	[spmem:s1] =	stream.indirect.scatter.add.f32 [tilespmem:s28], [sflag:$0x1], $0x20, s29, s24, $0xb8;
	[tilespmem:$0x1D340] =	vst v63  }
0x62: {  	_ =	swait.ge [sflag:s21], $0xC80  }
0x63: {  	[sflag:s21] =	ssyncset.done $0x0  }
0x64: {  	[sflag:s21] =	ssyncadd.s32 $0xFFFFF380  }
0x65: {  	[bflag:$0x0] =	sbarrier.arrive $0xFFFF  }
0x66: {  	s0 =	rddreg [dreg:$0x5]  }
0x67: {  	[hbm:s0], [sflag:s19] =	dma.local [spmem:s20], $0x1F40  }
.Ltmp5:
0x68: {  	_ = 	snop;
	(pc) =	sbr.rel @p1 .LBB2_13-.Ltmp5, $4  }
.Ltmp6:
0x69: {  	_ = 	snop;
	(pc) =	sbr.rel @!p1 .LBB2_12-.Ltmp6, $4  }
0x6a: {  	_ =	swait.ge [sflag:s21], $0x1F40  }
0x6b: {  	[sflag:s21] =	ssyncset.done $0x0  }
0x6c: {  	s0 =	smov.u32 s11;
	[sflag:s21] =	ssyncadd.s32 $0xFFFFE0C0  }
0x6d: {  	_ = 	snop  }
.LBB2_2:
0x6e: {  	[spmem:s20], [sflag:s19] =	dma.local [hbm:s14], $0x1F40  }
0x6f: {  	_ =	swait.ge [sflag:s21], $0x1F40  }
0x70: {  	[sflag:s21] =	ssyncset.done $0x0  }
0x71: {  	[sflag:s21] =	ssyncadd.s32 $0xFFFFE0C0  }
0x72: {  	[spmem:s0], [sflag:s19] =	dma.local @!p1 [hbm:s16], $0x1F40  }
0x73: {  	s0 =	simm.s32 @!p1 $0x1  }
0x74: {  	_ =	swait.ge @!p1 [sflag:s0], $0x1F40  }
0x75: {  	[sflag:s0] =	ssyncset.done @!p1 $0x0  }
0x76: {  	[sflag:s0] =	ssyncadd.s32 @!p1 $0xFFFFE0C0  }
0x77: {  	s30 =	simm.s32 $0x0;
	s31 =	simm.s32 $0x0;
	[bflag:$0x0] =	sbarrier.arrive $0xFFFF  }
.LBB2_3:
0x78: {  	s0 =	sshll.u32 s31, $0x4  }
0x79: {  	s0 =	sor.u32 s7, s0  }
0x7a: {  	s10 =	smul.u32 $0x1A, s0;
	_ =	sdelay $0x1  }
0x7b: {  	s17 =	sadd.s32 s8, s10  }
0x7c: {  	[tilespmem:s30], [sflag:$0x1] =	stream.linear.gather [hbm4b:s17+s30], $0xD0, $0x38;
	[tilespmem:$0x1D340] =	vst v63  }
0x7d: {  	_ =	swait.ge [sflag:s21], $0xD0  }
0x7e: {  	[sflag:s21] =	ssyncset.done $0x0  }
0x7f: {  	s10 =	sadd.s32 s9, s10;
	[sflag:s21] =	ssyncadd.s32 $0xFFFFFF30  }
0x80: {  	[tilespmem:s22], [sflag:$0x1] =	stream.linear.gather [hbm4b:s10+s30], $0xD0, $0x38;
	[tilespmem:$0x1D340] =	vst v63  }
0x81: {  	s0 =	smul.u32 $0x640, s0;
	_ =	swait.ge [sflag:s21], $0xD0  }
0x82: {  	[sflag:s21] =	ssyncset.done $0x0  }
0x83: {  	s0 =	sadd.s32 s5, s0;
	[sflag:s21] =	ssyncadd.s32 $0xFFFFFF30  }
0x84: {  	[tilespmem:s23], [sflag:$0x1] =	stream.linear.gather [hbm4b:s0+s30], $0x3200, $0x38;
	[tilespmem:$0x1D340] =	vst v63  }
0x85: {  	_ =	swait.ge [sflag:s21], $0x3200  }
0x86: {  	[sflag:s21] =	ssyncset.done $0x0  }
0x87: {  	[sflag:s21] =	ssyncadd.s32 $0xFFFFCE00  }
0x88: {  	[tilespmem:s25], [sflag:$0x1] =	stream.indirect.gather [hbm4b:s3+s24], $0x20, s30, s24, $0xb8;
	[tilespmem:$0x1D340] =	vst v63  }
0x89: {  	_ =	swait.ge [sflag:s21], $0xC80  }
0x8a: {  	[sflag:s21] =	ssyncset.done $0x0  }
0x8b: {  	[sflag:s21] =	ssyncadd.s32 $0xFFFFF380  }
0x8c: {  	[tilespmem:s28], [sflag:$0x1] =	stream.indirect.gather [hbm4b:s3+s24], $0x20, s26, s24, $0xb8;
	[tilespmem:$0x1D340] =	vst v63  }
0x8d: {  	_ =	swait.ge [sflag:s21], $0xC80  }
0x8e: {  	[sflag:s21] =	ssyncset.done $0x0  }
0x8f: {  	s0 =	simm.s32 $0xE30;
	[sflag:s21] =	ssyncadd.s32 $0xFFFFF380  }
0x90: {  	s18 =	simm.s32 $0x0;
	s17 =	simm.s32 $0xE30;
	s10 =	simm.s32 $0x200;
	v0 =	vld [tilespmem:s0+$0xFFFFF370]  }
.LBB2_4:
0x91: {  	p3 =	sne.s32 s10, $0xC600;
	v1 =	vld [tilespmem:s18+$0x1AA0];
	_ =	sdelay $0x4  }
0x92: {  	v0 =	vmul.f32 v1, v0;
	_ =	sdelay $0x1  }
0x93: {  	[tilespmem:s0+$0xFFFFF370] =	vst v0;
	v0 =	vld [tilespmem:s0+$0xFFFFF380]  }
0x94: {  	v1 =	vld [tilespmem:s18+$0x1AB0];
	_ =	sdelay $0x4  }
0x95: {  	v0 =	vmul.f32 v1, v0;
	_ =	sdelay $0x1  }
0x96: {  	[tilespmem:s0+$0xFFFFF380] =	vst v0;
	v0 =	vld [tilespmem:s0+$0xFFFFFFF0]  }
0x97: {  	v1 =	vld [tilespmem:s18+$0x1AC0];
	_ =	sdelay $0x4  }
0x98: {  	v0 =	vmul.f32 v1, v0;
	_ =	sdelay $0x1  }
0x99: {  	[tilespmem:s0+$0xFFFFFFF0] =	vst v0;
	v0 =	vld [tilespmem:s0+$0x0]  }
0x9a: {  	v1 =	vld [tilespmem:s18+$0x1AD0];
	_ =	sdelay $0x2  }
.Ltmp7:
0x9b: {  	(pc) =	sbr.rel @p3 .LBB2_4-.Ltmp7, $4  }
0x9c: {  	_ = 	snop  }
0x9d: {  	v1 =	vmul.f32 v1, v0  }
0x9e: {  	s0 =	sadd.s32 $0x20, s0  }
0x9f: {  	s18 =	sshra.s32 s10, $0x2;
	s10 =	sadd.s32 $0x200, s10;
	v0 =	vld [tilespmem:s0+$0xFFFFF370];
	[tilespmem:s17+$0x0] =	vst v1;
	s17 =	smov.u32 s0  }
0xa0: {  	v1 =	vld [tilespmem:s18+$0x1AA0];
	_ =	sdelay $0x4  }
0xa1: {  	v0 =	vmul.f32 v1, v0;
	_ =	sdelay $0x1  }
0xa2: {  	v58 =	vld [tilespmem:s0+$0xFFFFF380];
	[tilespmem:s0+$0xFFFFF370] =	vst v0  }
0xa3: {  	v59 =	vld [tilespmem:s18+$0x1AB0];
	_ =	sdelay $0x4  }
0xa4: {  	v0 =	vmul.f32 v59, v58;
	_ =	sdelay $0x1  }
0xa5: {  	v60 =	vld [tilespmem:s0+$0xFFFFFFF0];
	[tilespmem:s0+$0xFFFFF380] =	vst v0  }
0xa6: {  	v61 =	vld [tilespmem:s18+$0x1AC0];
	_ =	sdelay $0x4  }
0xa7: {  	v0 =	vmul.f32 v61, v60;
	_ =	sdelay $0x1  }
0xa8: {  	v62 =	vld [tilespmem:s0+$0x0];
	[tilespmem:s0+$0xFFFFFFF0] =	vst v0  }
0xa9: {  	v63 =	vld [tilespmem:s18+$0x1AD0];
	_ =	sdelay $0x4  }
0xaa: {  	v0 =	vmul.f32 v63, v62;
	_ =	sdelay $0x1  }
0xab: {  	[tilespmem:s17+$0x0] =	vst v0  }
0xac: {  	[spmem:s1] =	stream.indirect.scatter.add.f32 [tilespmem:s25], [sflag:$0x1], $0x20, s22, s24, $0xb8;
	[tilespmem:$0x1D340] =	vst v63  }
0xad: {  	s31 =	sadd.s32 $0x1, s31;
	_ =	swait.ge [sflag:s21], $0xC80  }
0xae: {  	p3 =	sne.s32 s31, $0xFA;
	[sflag:s21] =	ssyncset.done $0x0  }
.Ltmp8:
0xaf: {  	[sflag:s21] =	ssyncadd.s32 $0xFFFFF380;
	(pc) =	sbr.rel @p3 .LBB2_3-.Ltmp8, $4  }
0xb0: {  	[spmem:s1] =	stream.indirect.scatter.add.f32 [tilespmem:s28], [sflag:$0x1], $0x20, s29, s24, $0xb8;
	[tilespmem:$0x1D340] =	vst v63  }
0xb1: {  	_ =	swait.ge [sflag:s21], $0xC80  }
0xb2: {  	[sflag:s21] =	ssyncset.done $0x0  }
0xb3: {  	[sflag:s21] =	ssyncadd.s32 $0xFFFFF380  }
0xb4: {  	[bflag:$0x0] =	sbarrier.arrive $0xFFFF  }
0xb5: {  	s0 =	rddreg [dreg:$0x4]  }
0xb6: {  	[hbm:s0], [sflag:s19] =	dma.local [spmem:s20], $0x1F40  }
.Ltmp9:
0xb7: {  	_ = 	snop;
	(pc) =	sbr.rel @p2 .LBB2_12-.Ltmp9, $4  }
.Ltmp10:
0xb8: {  	_ = 	snop;
	(pc) =	sbr.rel @!p2 .LBB2_13-.Ltmp10, $4  }
0xb9: {  	_ =	swait.ge [sflag:s21], $0x1F40  }
0xba: {  	[sflag:s21] =	ssyncset.done $0x0  }
0xbb: {  	s0 =	rddreg [dreg:$0x3];
	[sflag:s21] =	ssyncadd.s32 $0xFFFFE0C0  }
0xbc: {  	_ = 	snop  }
.LBB2_14:
0xbd: {  	_ =	sfence.sel $0x180000  }
0xbe: {  	[bflag:$0x0] =	sbarrier.arrive $0xFFFF  }
0xbf: {  	_ =	strace $0x9000004A  }
0xc0: {  	[bflag:$0x2] =	sbarrier.arrive $0xFFFF  }
0xc1: {  	p0 =	sne.s32 s7, $0x0;
	s0 =	rddreg [dreg:$0x2]  }
0xc2: {  	s0 =	sadd.s32 @!p0 $0x100000, s0  }
0xc3: {  	[sflag:s0] =	ssyncadd.tile.s32 @!p0 $0x1;
	_ =	shalt  }
.Lfunc_end2:
_tile_overlayer_lowered:
.L_overlay_start_2:
0xc4: {  	(tag) =	ssettag $0x2  }
0xc5: {  	s0 =	rddreg [dreg:$0x0];
	s2 =	stileid.u32  }
0xc6: {  	s1 =	rddreg [dreg:$0x1];
	p0 =	sne.s32 s2, $0x0  }
0xc7: {  	s3 =	rddreg [dreg:$0x2];
	[bflag:$0x3] =	sbarrier.arrive $0xFFFF;
	s2 =	simm.s32 @!p0 $0x1C01  }
0xc8: {  	[timem:s3], [sflag:s2] =	dma.local @!p0 [hbm:s0], s1  }
0xc9: {  	s0 =	simm.s32 @!p0 $0x1  }
0xca: {  	_ =	swait.ge @!p0 [sflag:s0], s1  }
0xcb: {  	s1 =	ssub.s32 @!p0 $0x0, s1;
	[sflag:s0] =	ssyncset.done @!p0 $0x0  }
0xcc: {  	[sflag:s0] =	ssyncadd.s32 @!p0 s1  }
0xcd: {  	[bflag:$0x3] =	sbarrier.arrive $0xFFFF  }
0xce: {  	_ =	shalt  }

// kernel: kernel.19.cloned.1.call-start
scs
__scs_entry_jumppad:
0x0: {  	(pc) =	sbr.rel $0x88, $3  }
0x1: {  	(tag) =	ssettag $0x0;
	lr =	simm.s32 $0x1  }
0x2: {  	[smem:$0x3F7D] =	sst lr;
	_ =	strace $0xD0000000  }
0x3: {  	_ = 	snop  }
0x4: {  	_ = 	snop  }
0x5: {  	_ = 	snop  }
0x6: {  	_ = 	snop  }
0x7: {  	_ = 	snop  }
__scs_overlays_trampoline_lowered:
0x8: {  	[smem:$0x3F8C] =	sst s0  }
0x9: {  	[smem:$0x3F8D] =	sst s1  }
0xa: {  	[smem:$0x3F8E] =	sst s2  }
0xb: {  	[smem:$0x3F8F] =	sst s3  }
0xc: {  	[smem:$0x3F90] =	sst s4  }
0xd: {  	[smem:$0x3F91] =	sst s5  }
0xe: {  	[smem:$0x3F92] =	sst s6  }
0xf: {  	[smem:$0x3F93] =	sst s7  }
0x10: {  	[smem:$0x3F94] =	sst s8  }
0x11: {  	[smem:$0x3F95] =	sst s9;
	s0 =	simm.s32 @!p0 $0x0  }
0x12: {  	s1 =	sld [smem:$0x3F7B];
	s0 =	simm.s32 @p0 $0x1  }
0x13: {  	[smem:$0x3F96] =	sst s0;
	s0 =	simm.s32 @!p1 $0x0  }
0x14: {  	s2 =	sld [smem:$0x3F7A];
	s0 =	simm.s32 @p1 $0x1  }
0x15: {  	[smem:$0x3F97] =	sst s0;
	s0 =	simm.s32 @!p2 $0x0  }
0x16: {  	s3 =	sld [smem:$0x3FDB];
	s0 =	simm.s32 @p2 $0x1  }
0x17: {  	s4 =	simm.s32 $0x1BF5;
	[smem:$0x3F99] =	sst s0  }
0x18: {  	s0 =	sld [smem:$0x3F7C];
	_ =	swait.ge [sflag:s4], $0x0  }
0x19: {  	s7 =	sld [smem:$0x3F7D]  }
0x1a: {  	s8 =	sadd.s32 $0xFFFFE003, lr  }
0x1b: {  	s9 =	sadd.s32 $0xFFFFFEF7, lr;
	s5 =	simm.s32 $0xFFFFFFFF;
	p2 =	slt.u32 s8, $0xFFFFF086  }
0x1c: {  	p1 =	slt.u32 s9, $0xF7A;
	s5 =	simm.s32 @!p2 $0x0  }
0x1d: {  	s5 =	simm.s32 @p1 $0x1;
	p0 =	seq.s32 s7, s2  }
0x1e: {  	s7 =	smul.u32 @!p0 $0xF7A, s2;
	p2 =	seq.s32 @!p0 s5, $0x0  }
0x1f: {  	s9 =	smul.u32 $0xF7A, s1;
	s8 =	simm.s32 @!p0 $0x1BF5;
	p2 =	por !p2, p0  }
0x20: {  	[sflag:s8] =	ssyncset.s32 @!p0 $0xFFFFF086;
	s6 =	sadd.s32 @!p0 s3, s7;
	s7 =	simm.s32 @!p0 $0x108  }
0x21: {  	s3 =	sadd.s32 s3, s9;
	s6 =	sadd.s32 @!p0 $0x88, s6;
	s7 =	simm.s32 @p2 $0x1082  }
0x22: {  	[simem:s7], [sflag:s8] =	dma.local @!p0 [hbm:s6], $0xF7A  }
0x23: {  	s9 =	sor.u32 $0xD0000000, s2;
	s6 =	simm.s32 $0x108;
	_ =	swait.ge @!p0 [sflag:s8], $0x0  }
0x24: {  	s3 =	sadd.s32 $0x88, s3;
	s6 =	simm.s32 @!p1 $0x1082;
	[sflag:s4] =	ssyncset.s32 $0xFFFFF086  }
0x25: {  	[simem:s6], [sflag:s4] =	dma.local [hbm:s3], $0xF7A  }
0x26: {  	[smem:$0x3F7D] =	sst s1;
	(tag) =	ssettag s2;
	_ =	strace s9  }
0x27: {  	s1 =	sld [smem:$0x3F8D]  }
0x28: {  	s2 =	sld [smem:$0x3F8E]  }
0x29: {  	s4 =	sld [smem:$0x3F90]  }
0x2a: {  	p0 =	seq.s32 s5, $0x0;
	s5 =	sld [smem:$0x3F91]  }
0x2b: {  	s6 =	sld [smem:$0x3F92]  }
0x2c: {  	s7 =	sld [smem:$0x3F93]  }
0x2d: {  	s3 =	simm.s32 $0x108;
	s8 =	sld [smem:$0x3F94]  }
0x2e: {  	s3 =	simm.s32 @!p0 $0x1082;
	s9 =	sld [smem:$0x3F95]  }
0x2f: {  	lr =	sadd.s32 s0, s3;
	s0 =	sld [smem:$0x3F8C]  }
0x30: {  	s3 =	sld [smem:$0x3F8F]  }
0x31: {  	[smem:$0x3F98] =	sst s10  }
0x32: {  	s10 =	sld [smem:$0x3F96];
	_ =	sdelay $0x3  }
0x33: {  	p0 =	seq.s32 s10, $0x1;
	s10 =	sld [smem:$0x3F98];
	_ =	sdelay $0x3  }
0x34: {  	[smem:$0x3F98] =	sst s10  }
0x35: {  	s10 =	sld [smem:$0x3F97];
	_ =	sdelay $0x3  }
0x36: {  	p1 =	seq.s32 s10, $0x1;
	s10 =	sld [smem:$0x3F98];
	_ =	sdelay $0x3  }
0x37: {  	[smem:$0x3F98] =	sst s10  }
0x38: {  	s10 =	sld [smem:$0x3F99]  }
0x39: {  	_ = 	snop;
	(pc) =	sbr.ind lr, $3  }
0x3a: {  	_ = 	snop  }
0x3b: {  	_ = 	snop  }
0x3c: {  	p2 =	seq.s32 s10, $0x1;
	s10 =	sld [smem:$0x3F98]  }
0x3d: {  	_ =	shalt  }
0x3e: {  	_ =	shalt  }
0x3f: {  	_ =	shalt  }
0x40: {  	_ =	shalt  }
0x41: {  	_ =	shalt  }
0x42: {  	_ =	shalt  }
0x43: {  	_ =	shalt  }
0x44: {  	_ =	shalt  }
0x45: {  	_ =	shalt  }
0x46: {  	_ =	shalt  }
0x47: {  	_ =	shalt  }
0x48: {  	_ =	shalt  }
0x49: {  	_ =	shalt  }
0x4a: {  	_ =	shalt  }
0x4b: {  	_ =	shalt  }
0x4c: {  	_ =	shalt  }
0x4d: {  	_ =	shalt  }
0x4e: {  	_ =	shalt  }
0x4f: {  	_ =	shalt  }
0x50: {  	_ =	shalt  }
0x51: {  	_ =	shalt  }
0x52: {  	_ =	shalt  }
0x53: {  	_ =	shalt  }
0x54: {  	_ =	shalt  }
0x55: {  	_ =	shalt  }
0x56: {  	_ =	shalt  }
0x57: {  	_ =	shalt  }
0x58: {  	_ =	shalt  }
0x59: {  	_ =	shalt  }
0x5a: {  	_ =	shalt  }
0x5b: {  	_ =	shalt  }
0x5c: {  	_ =	shalt  }
0x5d: {  	_ =	shalt  }
0x5e: {  	_ =	shalt  }
0x5f: {  	_ =	shalt  }
0x60: {  	_ =	shalt  }
0x61: {  	_ =	shalt  }
0x62: {  	_ =	shalt  }
0x63: {  	_ =	shalt  }
0x64: {  	_ =	shalt  }
0x65: {  	_ =	shalt  }
0x66: {  	_ =	shalt  }
0x67: {  	_ =	shalt  }
0x68: {  	_ =	shalt  }
0x69: {  	_ =	shalt  }
0x6a: {  	_ =	shalt  }
0x6b: {  	_ =	shalt  }
0x6c: {  	_ =	shalt  }
0x6d: {  	_ =	shalt  }
0x6e: {  	_ =	shalt  }
0x6f: {  	_ =	shalt  }
0x70: {  	_ =	shalt  }
0x71: {  	_ =	shalt  }
0x72: {  	_ =	shalt  }
0x73: {  	_ =	shalt  }
0x74: {  	_ =	shalt  }
0x75: {  	_ =	shalt  }
0x76: {  	_ =	shalt  }
0x77: {  	_ =	shalt  }
0x78: {  	_ =	shalt  }
0x79: {  	_ =	shalt  }
0x7a: {  	_ =	shalt  }
0x7b: {  	_ =	shalt  }
0x7c: {  	_ =	shalt  }
0x7d: {  	_ =	shalt  }
0x7e: {  	_ =	shalt  }
0x7f: {  	_ =	shalt  }
0x80: {  	_ =	shalt  }
0x81: {  	_ =	shalt  }
0x82: {  	_ =	shalt  }
0x83: {  	_ =	shalt  }
0x84: {  	_ =	shalt  }
0x85: {  	_ =	shalt  }
0x86: {  	_ =	shalt  }
0x87: {  	_ =	shalt  }
.Lfunc_end0:
.L_simem_size_0:
called_computation.2_lowered:
.L_overlay_start_0:
0x88: {  	s2 =	sld [smem:$0x3FD9]  }
0x89: {  	s3 =	sld [smem:$0x3FFE];
	_ =	sdelay $0x1  }
0x8a: {  	s1 =	srdreg.scid  }
0x8b: {  	s0 =	sand.u32 $0x1, s1  }
0x8c: {  	s16 =	sshll.u32 s0, $0xA;
	s2 =	sadd.s32 s3, s2  }
0x8d: {  	s2 =	sadd.s32 s2, s16  }
0x8e: {  	[smem:$0x3FA4] =	sst s2  }
0x8f: {  	_ = 	snop  }
0x90: {  	(tm) =	ssettm $0x1  }
0x91: {  	s17 =	sld [smem:$0x3FFB];
	_ =	sdelay $0x3  }
0x92: {  	_ =	strace s17  }
0x93: {  	s2 =	sld [smem:$0x3FFC];
	_ =	sdelay $0x3  }
0x94: {  	_ =	strace s2  }
0x95: {  	s2 =	sld [smem:$0x3FFD];
	_ =	sdelay $0x3  }
0x96: {  	_ =	strace s2  }
0x97: {  	_ =	strace $0x8FFFFFFF  }
0x98: {  	s18 =	sld [smem:$0x3FDB];
	_ =	sdelay $0x1  }
0x99: {  	s19 =	simm.s32 $_scs_section_size  }
0x9a: {  	s4 =	simm.s32 $_size__tile_overlayer_lowered;
	s5 =	simm.s32 $_tile_overlayer_lowered  }
0x9b: {  	s22 =	simm.s32 $0x1BFF;
	s21 =	sshll.u32 s5, $0x1;
	s2 =	sadd.s32 s19, s18  }
0x9c: {  	s6 =	simm.s32 $0x0;
	s20 =	sshll.u32 s4, $0x1;
	s4 =	sadd.s32 s21, s2  }
0x9d: {  	[timem:s6], [sflag:s22] =	dma.local [hbm:s4], s20  }
0x9e: {  	_ =	swait.ge [sflag:s22], s20  }
0x9f: {  	s3 =	ssub.s32 $0x0, s20;
	[sflag:s22] =	ssyncset.done $0x0  }
0xa0: {  	[sflag:s22] =	ssyncadd.s32 s3;
	_ =	sdelay $0x1  }
0xa1: {  	s23 =	simm.s32 $0x1B8B  }
0xa2: {  	_ =	swait.ge [sflag:s23], $0x1  }
0xa3: {  	[sflag:s23] =	ssyncset.done $0x0  }
0xa4: {  	s25 =	simm.s32 $0x1B8E;
	s24 =	sld [smem:$0x3FFE];
	[sflag:s23] =	ssyncadd.s32 $0xFFFFFFFF  }
0xa5: {  	s26 =	simm.s32 $execute0_lowered;
	[smem:$0x3FD2] =	sst s25  }
0xa6: {  	s4 =	sshll.u32 s26, $0x1;
	_ =	strace $0x8000004C;
	[dreg:$0x1] =	wrdreg $0xFFFFFFFF  }
0xa7: {  	s28 =	simm.s32 $_size_execute0_lowered;
	s2 =	sadd.s32 s2, s4;
	[dreg:$0x0] =	wrdreg $0x0  }
0xa8: {  	s4 =	sshll.u32 s28, $0x1;
	[dreg:$0x2] =	wrdreg s2  }
0xa9: {  	[dreg:$0x3] =	wrdreg s4  }
0xaa: {  	[dreg:$0x4] =	wrdreg $0xC0  }
0xab: {  	_ =	task [dreg:s6], $0x5FFFF  }
0xac: {  	[dreg:$0x1] =	wrdreg $0xFFFFFFFF  }
0xad: {  	[dreg:$0x0] =	wrdreg $0x60  }
0xae: {  	[dreg:$0x2] =	wrdreg s24  }
0xaf: {  	[dreg:$0x3] =	wrdreg $0x4CA00  }
0xb0: {  	[dreg:$0x4] =	wrdreg $0x9  }
0xb1: {  	_ =	task.clear_ibuf [dreg:s6], $0x5FFFF;
	_ =	strace $0x9000004C  }
0xb2: {  	s29 =	simm.s32 $0x9;
	_ =	strace $0x8000004E  }
0xb3: {  	_ =	swait.ge [sflag:s29], $0x1  }
0xb4: {  	[sflag:s29] =	ssyncadd.s32 $0xFFFFFFFF  }
0xb5: {  	_ =	strace $0x9000004E  }
0xb6: {  	_ =	sfence  }
0xb7: {  	s30 =	sld [smem:$0x0];
	_ =	sdelay $0x2  }
0xb8: {  	s31 =	sshll.u32 s1, $0xD;
	s1 =	sshrl.u32 s1, $0x2  }
0xb9: {  	s3 =	sand.u32 $0x4000, s31;
	s1 =	sadd.s32 s1, s30  }
0xba: {  	s0 =	sor.u32 s3, s0;
	s1 =	sshll.u32 s1, $0x11  }
0xbb: {  	s0 =	sor.u32 s1, s0  }
0xbc: {  	s0 =	sadd.s32 $0x8F2B, s0  }
0xbd: {  	[sflag:s0] =	ssyncadd.remote.s32 $0x1  }
0xbe: {  	_ =	sfence.sel $0xFFFF  }
0xbf: {  	[dreg:$0x0] =	wrdreg $0xFFFFFFFF;
	(pc) =	sbr.abs _section_cstart, $3  }
0xc0: {  	[dreg:$0x1] =	wrdreg $0xFFFFFFFF  }
0xc1: {  	_ =	task.clear_ibuf [dreg:s6], $0x2FFFF;
	_ =	strace $0x9FFFFFFF  }
0xc2: {  	(tm) =	ssettm $0x7FFFFFFF  }
0xc3: {  	_ =	shalt  }
tec
execute0_lowered:
.L_overlay_start_1:
0x0: {  	(tag) =	ssettag $0x1  }
0x1: {  	s0 =	rddreg [dreg:$0x0]  }
0x2: {  	s1 =	rddreg [dreg:$0x1]  }
0x3: {  	s2 =	simm.s32 $0x0;
	s7 =	srdreg.scid;
	s21 =	simm.s32 $0x1  }
0x4: {  	s22 =	simm.s32 $0xD0;
	s23 =	simm.s32 $0x1AA0;
	s24 =	simm.s32 $0x64  }
0x5: {  	s25 =	simm.s32 $0x1A0;
	s28 =	simm.s32 $0xE20;
	s29 =	simm.s32 $0x138  }
0x6: {  	[smem:$0x7FF] =	sst s2;
	s3 =	sadd.s32 $0x7200, s0;
	s4 =	sadd.s32 $0x3C2200, s0  }
0x7: {  	s5 =	sadd.s32 $0xB4E00, s0;
	s6 =	sadd.s32 $0xEB7200, s0;
	s8 =	sadd.s32 $0x51000, s0  }
0x8: {  	s9 =	sadd.s32 $0x6A800, s0;
	s10 =	sand.u32 $0x1, s7;
	s16 =	sadd.s32 $0x84000, s0  }
0x9: {  	s7 =	stileid.u32;
	s18 =	sadd.s32 $0x3F3000, s0;
	_ =	strace $0x8000004D  }
0xa: {  	s11 =	ssub.s32 $0x2, s10;
	s13 =	smul.u32 $0xFA00, s7;
	s17 =	sor.u32 $0x10, s7  }
0xb: {  	p0 =	seq.s32 s10, $0x1;
	[dreg:$0x3] =	wrdreg s18;
	s31 =	sshll.u32 s7, $0x6  }
0xc: {  	s12 =	sshrl.u32 s11, $0x1;
	s15 =	smul.u32 $0xFA00, s17;
	p1 =	sgt.u32 s17, $0x18  }
0xd: {  	s19 =	sor.u32 $0x1C01, s31;
	p2 =	slt.u32 s17, $0x19;
	s12 =	ssub.s32 s11, s12  }
.Ltmp0:
0xe: {  	s11 =	sadd.s32 $0x423E00, s0;
	s26 =	sadd.s32 s13, s1;
	(pc) =	sbr.rel .LBB2_1-.Ltmp0, $4  }
0xf: {  	s30 =	sshrl.u32 s13, $0x3;
	s12 =	smax.u32 s12, $0x1;
	s13 =	sshrl.u32 s15, $0x3  }
0x10: {  	s14 =	sadd.s32 s16, s30;
	s15 =	sadd.s32 s15, s1;
	s18 =	sadd.s32 s18, s30  }
0x11: {  	s10 =	sadd.s32 s11, s30;
	s20 =	sshrl.u32 s26, $0x3;
	[dreg:$0x4] =	wrdreg s18  }
0x12: {  	s26 =	simm.s32 $0x68;
	s16 =	sadd.s32 s16, s13;
	[dreg:$0x5] =	wrdreg s10  }
.LBB2_12:
0x13: {  	s0 =	sadd.s32 s0, s13;
	s10 =	sshrl.u32 s15, $0x3  }
0x14: {  	[hbm:s0], [sflag:s19] =	dma.local [spmem:s10], $0x1F40  }
0x15: {  	_ =	swait.ge [sflag:s21], $0x1F40  }
0x16: {  	[sflag:s21] =	ssyncset.done $0x0  }
0x17: {  	[sflag:s21] =	ssyncadd.s32 $0xFFFFE0C0  }
.LBB2_13:
0x18: {  	s2 =	sadd.s32 $0x1, s2  }
0x19: {  	p3 =	sne.s32 s2, s12  }
.Ltmp1:
0x1a: {  	_ = 	snop;
	(pc) =	sbr.rel @!p3 .LBB2_14-.Ltmp1, $1  }
0x1b: {  	_ =	sdelay $0x3  }
.LBB2_1:
.Ltmp2:
0x1c: {  	(pc) =	sbr.rel @!p0 .LBB2_2-.Ltmp2, $2  }
0x1d: {  	_ =	sdelay $0x2  }
0x1e: {  	s0 =	sshrl.u32 @!p1 s15, $0x3  }
0x1f: {  	[spmem:s20], [sflag:s19] =	dma.local [hbm:s14], $0x1F40  }
0x20: {  	_ =	swait.ge [sflag:s21], $0x1F40  }
0x21: {  	[sflag:s21] =	ssyncset.done $0x0  }
0x22: {  	[sflag:s21] =	ssyncadd.s32 $0xFFFFE0C0  }
0x23: {  	[spmem:s0], [sflag:s19] =	dma.local @!p1 [hbm:s16], $0x1F40  }
0x24: {  	s0 =	simm.s32 @!p1 $0x1  }
0x25: {  	_ =	swait.ge @!p1 [sflag:s0], $0x1F40  }
0x26: {  	[sflag:s0] =	ssyncset.done @!p1 $0x0  }
0x27: {  	[sflag:s0] =	ssyncadd.s32 @!p1 $0xFFFFE0C0  }
0x28: {  	s30 =	simm.s32 $0x0;
	s31 =	simm.s32 $0x0;
	[bflag:$0x0] =	sbarrier.arrive $0xFFFF  }
.LBB2_8:
0x29: {  	s0 =	sshll.u32 s31, $0x4  }
0x2a: {  	s0 =	sor.u32 s7, s0  }
0x2b: {  	s10 =	smul.u32 $0x1A, s0;
	_ =	sdelay $0x1  }
0x2c: {  	s17 =	sadd.s32 s8, s10  }
0x2d: {  	[tilespmem:s30], [sflag:$0x1] =	stream.linear.gather [hbm4b:s17+s30], $0xD0, $0x38;
	[tilespmem:$0x1D340] =	vst v63  }
0x2e: {  	_ =	swait.ge [sflag:s21], $0xD0  }
0x2f: {  	[sflag:s21] =	ssyncset.done $0x0  }
0x30: {  	s10 =	sadd.s32 s9, s10;
	[sflag:s21] =	ssyncadd.s32 $0xFFFFFF30  }
0x31: {  	[tilespmem:s22], [sflag:$0x1] =	stream.linear.gather [hbm4b:s10+s30], $0xD0, $0x38;
	[tilespmem:$0x1D340] =	vst v63  }
0x32: {  	s0 =	smul.u32 $0x640, s0;
	_ =	swait.ge [sflag:s21], $0xD0  }
0x33: {  	[sflag:s21] =	ssyncset.done $0x0  }
0x34: {  	s0 =	sadd.s32 s6, s0;
	[sflag:s21] =	ssyncadd.s32 $0xFFFFFF30  }
0x35: {  	[tilespmem:s23], [sflag:$0x1] =	stream.linear.gather [hbm4b:s0+s30], $0x3200, $0x38;
	[tilespmem:$0x1D340] =	vst v63  }
0x36: {  	_ =	swait.ge [sflag:s21], $0x3200  }
0x37: {  	[sflag:s21] =	ssyncset.done $0x0  }
0x38: {  	[sflag:s21] =	ssyncadd.s32 $0xFFFFCE00  }
0x39: {  	[tilespmem:s25], [sflag:$0x1] =	stream.indirect.gather [hbm4b:s4+s24], $0x20, s30, s24, $0xb8;
	[tilespmem:$0x1D340] =	vst v63  }
0x3a: {  	_ =	swait.ge [sflag:s21], $0xC80  }
0x3b: {  	[sflag:s21] =	ssyncset.done $0x0  }
0x3c: {  	[sflag:s21] =	ssyncadd.s32 $0xFFFFF380  }
0x3d: {  	[tilespmem:s28], [sflag:$0x1] =	stream.indirect.gather [hbm4b:s4+s24], $0x20, s26, s24, $0xb8;
	[tilespmem:$0x1D340] =	vst v63  }
0x3e: {  	_ =	swait.ge [sflag:s21], $0xC80  }
0x3f: {  	[sflag:s21] =	ssyncset.done $0x0  }
0x40: {  	s0 =	simm.s32 $0xE30;
	[sflag:s21] =	ssyncadd.s32 $0xFFFFF380  }
0x41: {  	s18 =	simm.s32 $0x0;
	s17 =	simm.s32 $0xE30;
	s10 =	simm.s32 $0x200;
	v0 =	vld [tilespmem:s0+$0xFFFFF370]  }
.LBB2_9:
0x42: {  	p3 =	sne.s32 s10, $0xC600;
	v1 =	vld [tilespmem:s18+$0x1AA0];
	_ =	sdelay $0x4  }
0x43: {  	v0 =	vmul.f32 v1, v0;
	_ =	sdelay $0x1  }
0x44: {  	[tilespmem:s0+$0xFFFFF370] =	vst v0;
	v0 =	vld [tilespmem:s0+$0xFFFFF380]  }
0x45: {  	v1 =	vld [tilespmem:s18+$0x1AB0];
	_ =	sdelay $0x4  }
0x46: {  	v0 =	vmul.f32 v1, v0;
	_ =	sdelay $0x1  }
0x47: {  	[tilespmem:s0+$0xFFFFF380] =	vst v0;
	v0 =	vld [tilespmem:s0+$0xFFFFFFF0]  }
0x48: {  	v1 =	vld [tilespmem:s18+$0x1AC0];
	_ =	sdelay $0x4  }
0x49: {  	v0 =	vmul.f32 v1, v0;
	_ =	sdelay $0x1  }
0x4a: {  	[tilespmem:s0+$0xFFFFFFF0] =	vst v0;
	v0 =	vld [tilespmem:s0+$0x0]  }
0x4b: {  	v1 =	vld [tilespmem:s18+$0x1AD0];
	_ =	sdelay $0x2  }
.Ltmp3:
0x4c: {  	(pc) =	sbr.rel @p3 .LBB2_9-.Ltmp3, $4  }
0x4d: {  	_ = 	snop  }
0x4e: {  	v1 =	vmul.f32 v1, v0  }
0x4f: {  	s0 =	sadd.s32 $0x20, s0  }
0x50: {  	s18 =	sshra.s32 s10, $0x2;
	s10 =	sadd.s32 $0x200, s10;
	v0 =	vld [tilespmem:s0+$0xFFFFF370];
	[tilespmem:s17+$0x0] =	vst v1;
	s17 =	smov.u32 s0  }
0x51: {  	v1 =	vld [tilespmem:s18+$0x1AA0];
	_ =	sdelay $0x4  }
0x52: {  	v0 =	vmul.f32 v1, v0;
	_ =	sdelay $0x1  }
0x53: {  	v58 =	vld [tilespmem:s0+$0xFFFFF380];
	[tilespmem:s0+$0xFFFFF370] =	vst v0  }
0x54: {  	v59 =	vld [tilespmem:s18+$0x1AB0];
	_ =	sdelay $0x4  }
0x55: {  	v0 =	vmul.f32 v59, v58;
	_ =	sdelay $0x1  }
0x56: {  	v60 =	vld [tilespmem:s0+$0xFFFFFFF0];
	[tilespmem:s0+$0xFFFFF380] =	vst v0  }
0x57: {  	v61 =	vld [tilespmem:s18+$0x1AC0];
	_ =	sdelay $0x4  }
0x58: {  	v0 =	vmul.f32 v61, v60;
	_ =	sdelay $0x1  }
0x59: {  	v62 =	vld [tilespmem:s0+$0x0];
	[tilespmem:s0+$0xFFFFFFF0] =	vst v0  }
0x5a: {  	v63 =	vld [tilespmem:s18+$0x1AD0];
	_ =	sdelay $0x4  }
0x5b: {  	v0 =	vmul.f32 v63, v62;
	_ =	sdelay $0x1  }
0x5c: {  	[tilespmem:s17+$0x0] =	vst v0  }
0x5d: {  	[spmem:s1] =	stream.indirect.scatter.add.f32 [tilespmem:s25], [sflag:$0x1], $0x20, s22, s24, $0xb8;
	[tilespmem:$0x1D340] =	vst v63  }
0x5e: {  	s31 =	sadd.s32 $0x1, s31;
	_ =	swait.ge [sflag:s21], $0xC80  }
0x5f: {  	p3 =	sne.s32 s31, $0xFA;
	[sflag:s21] =	ssyncset.done $0x0  }
.Ltmp4:
0x60: {  	[sflag:s21] =	ssyncadd.s32 $0xFFFFF380;
	(pc) =	sbr.rel @p3 .LBB2_8-.Ltmp4, $4  }
0x61: {  	[spmem:s1] =	stream.indirect.scatter.add.f32 [tilespmem:s28], [sflag:$0x1], $0x20, s29, s24, $0xb8;
	[tilespmem:$0x1D340] =	vst v63  }
0x62: {  	_ =	swait.ge [sflag:s21], $0xC80  }
0x63: {  	[sflag:s21] =	ssyncset.done $0x0  }
0x64: {  	[sflag:s21] =	ssyncadd.s32 $0xFFFFF380  }
0x65: {  	[bflag:$0x0] =	sbarrier.arrive $0xFFFF  }
0x66: {  	s0 =	rddreg [dreg:$0x5]  }
0x67: {  	[hbm:s0], [sflag:s19] =	dma.local [spmem:s20], $0x1F40  }
.Ltmp5:
0x68: {  	_ = 	snop;
	(pc) =	sbr.rel @p1 .LBB2_13-.Ltmp5, $4  }
.Ltmp6:
0x69: {  	_ = 	snop;
	(pc) =	sbr.rel @!p1 .LBB2_12-.Ltmp6, $4  }
0x6a: {  	_ =	swait.ge [sflag:s21], $0x1F40  }
0x6b: {  	[sflag:s21] =	ssyncset.done $0x0  }
0x6c: {  	s0 =	smov.u32 s11;
	[sflag:s21] =	ssyncadd.s32 $0xFFFFE0C0  }
0x6d: {  	_ = 	snop  }
.LBB2_2:
0x6e: {  	[spmem:s20], [sflag:s19] =	dma.local [hbm:s14], $0x1F40  }
0x6f: {  	_ =	swait.ge [sflag:s21], $0x1F40  }
0x70: {  	[sflag:s21] =	ssyncset.done $0x0  }
0x71: {  	[sflag:s21] =	ssyncadd.s32 $0xFFFFE0C0  }
0x72: {  	[spmem:s0], [sflag:s19] =	dma.local @!p1 [hbm:s16], $0x1F40  }
0x73: {  	s0 =	simm.s32 @!p1 $0x1  }
0x74: {  	_ =	swait.ge @!p1 [sflag:s0], $0x1F40  }
0x75: {  	[sflag:s0] =	ssyncset.done @!p1 $0x0  }
0x76: {  	[sflag:s0] =	ssyncadd.s32 @!p1 $0xFFFFE0C0  }
0x77: {  	s30 =	simm.s32 $0x0;
	s31 =	simm.s32 $0x0;
	[bflag:$0x0] =	sbarrier.arrive $0xFFFF  }
.LBB2_3:
0x78: {  	s0 =	sshll.u32 s31, $0x4  }
0x79: {  	s0 =	sor.u32 s7, s0  }
0x7a: {  	s10 =	smul.u32 $0x1A, s0;
	_ =	sdelay $0x1  }
0x7b: {  	s17 =	sadd.s32 s8, s10  }
0x7c: {  	[tilespmem:s30], [sflag:$0x1] =	stream.linear.gather [hbm4b:s17+s30], $0xD0, $0x38;
	[tilespmem:$0x1D340] =	vst v63  }
0x7d: {  	_ =	swait.ge [sflag:s21], $0xD0  }
0x7e: {  	[sflag:s21] =	ssyncset.done $0x0  }
0x7f: {  	s10 =	sadd.s32 s9, s10;
	[sflag:s21] =	ssyncadd.s32 $0xFFFFFF30  }
0x80: {  	[tilespmem:s22], [sflag:$0x1] =	stream.linear.gather [hbm4b:s10+s30], $0xD0, $0x38;
	[tilespmem:$0x1D340] =	vst v63  }
0x81: {  	s0 =	smul.u32 $0x640, s0;
	_ =	swait.ge [sflag:s21], $0xD0  }
0x82: {  	[sflag:s21] =	ssyncset.done $0x0  }
0x83: {  	s0 =	sadd.s32 s5, s0;
	[sflag:s21] =	ssyncadd.s32 $0xFFFFFF30  }
0x84: {  	[tilespmem:s23], [sflag:$0x1] =	stream.linear.gather [hbm4b:s0+s30], $0x3200, $0x38;
	[tilespmem:$0x1D340] =	vst v63  }
0x85: {  	_ =	swait.ge [sflag:s21], $0x3200  }
0x86: {  	[sflag:s21] =	ssyncset.done $0x0  }
0x87: {  	[sflag:s21] =	ssyncadd.s32 $0xFFFFCE00  }
0x88: {  	[tilespmem:s25], [sflag:$0x1] =	stream.indirect.gather [hbm4b:s3+s24], $0x20, s30, s24, $0xb8;
	[tilespmem:$0x1D340] =	vst v63  }
0x89: {  	_ =	swait.ge [sflag:s21], $0xC80  }
0x8a: {  	[sflag:s21] =	ssyncset.done $0x0  }
0x8b: {  	[sflag:s21] =	ssyncadd.s32 $0xFFFFF380  }
0x8c: {  	[tilespmem:s28], [sflag:$0x1] =	stream.indirect.gather [hbm4b:s3+s24], $0x20, s26, s24, $0xb8;
	[tilespmem:$0x1D340] =	vst v63  }
0x8d: {  	_ =	swait.ge [sflag:s21], $0xC80  }
0x8e: {  	[sflag:s21] =	ssyncset.done $0x0  }
0x8f: {  	s0 =	simm.s32 $0xE30;
	[sflag:s21] =	ssyncadd.s32 $0xFFFFF380  }
0x90: {  	s18 =	simm.s32 $0x0;
	s17 =	simm.s32 $0xE30;
	s10 =	simm.s32 $0x200;
	v0 =	vld [tilespmem:s0+$0xFFFFF370]  }
.LBB2_4:
0x91: {  	p3 =	sne.s32 s10, $0xC600;
	v1 =	vld [tilespmem:s18+$0x1AA0];
	_ =	sdelay $0x4  }
0x92: {  	v0 =	vmul.f32 v1, v0;
	_ =	sdelay $0x1  }
0x93: {  	[tilespmem:s0+$0xFFFFF370] =	vst v0;
	v0 =	vld [tilespmem:s0+$0xFFFFF380]  }
0x94: {  	v1 =	vld [tilespmem:s18+$0x1AB0];
	_ =	sdelay $0x4  }
0x95: {  	v0 =	vmul.f32 v1, v0;
	_ =	sdelay $0x1  }
0x96: {  	[tilespmem:s0+$0xFFFFF380] =	vst v0;
	v0 =	vld [tilespmem:s0+$0xFFFFFFF0]  }
0x97: {  	v1 =	vld [tilespmem:s18+$0x1AC0];
	_ =	sdelay $0x4  }
0x98: {  	v0 =	vmul.f32 v1, v0;
	_ =	sdelay $0x1  }
0x99: {  	[tilespmem:s0+$0xFFFFFFF0] =	vst v0;
	v0 =	vld [tilespmem:s0+$0x0]  }
0x9a: {  	v1 =	vld [tilespmem:s18+$0x1AD0];
	_ =	sdelay $0x2  }
.Ltmp7:
0x9b: {  	(pc) =	sbr.rel @p3 .LBB2_4-.Ltmp7, $4  }
0x9c: {  	_ = 	snop  }
0x9d: {  	v1 =	vmul.f32 v1, v0  }
0x9e: {  	s0 =	sadd.s32 $0x20, s0  }
0x9f: {  	s18 =	sshra.s32 s10, $0x2;
	s10 =	sadd.s32 $0x200, s10;
	v0 =	vld [tilespmem:s0+$0xFFFFF370];
	[tilespmem:s17+$0x0] =	vst v1;
	s17 =	smov.u32 s0  }
0xa0: {  	v1 =	vld [tilespmem:s18+$0x1AA0];
	_ =	sdelay $0x4  }
0xa1: {  	v0 =	vmul.f32 v1, v0;
	_ =	sdelay $0x1  }
0xa2: {  	v58 =	vld [tilespmem:s0+$0xFFFFF380];
	[tilespmem:s0+$0xFFFFF370] =	vst v0  }
0xa3: {  	v59 =	vld [tilespmem:s18+$0x1AB0];
	_ =	sdelay $0x4  }
0xa4: {  	v0 =	vmul.f32 v59, v58;
	_ =	sdelay $0x1  }
0xa5: {  	v60 =	vld [tilespmem:s0+$0xFFFFFFF0];
	[tilespmem:s0+$0xFFFFF380] =	vst v0  }
0xa6: {  	v61 =	vld [tilespmem:s18+$0x1AC0];
	_ =	sdelay $0x4  }
0xa7: {  	v0 =	vmul.f32 v61, v60;
	_ =	sdelay $0x1  }
0xa8: {  	v62 =	vld [tilespmem:s0+$0x0];
	[tilespmem:s0+$0xFFFFFFF0] =	vst v0  }
0xa9: {  	v63 =	vld [tilespmem:s18+$0x1AD0];
	_ =	sdelay $0x4  }
0xaa: {  	v0 =	vmul.f32 v63, v62;
	_ =	sdelay $0x1  }
0xab: {  	[tilespmem:s17+$0x0] =	vst v0  }
0xac: {  	[spmem:s1] =	stream.indirect.scatter.add.f32 [tilespmem:s25], [sflag:$0x1], $0x20, s22, s24, $0xb8;
	[tilespmem:$0x1D340] =	vst v63  }
0xad: {  	s31 =	sadd.s32 $0x1, s31;
	_ =	swait.ge [sflag:s21], $0xC80  }
0xae: {  	p3 =	sne.s32 s31, $0xFA;
	[sflag:s21] =	ssyncset.done $0x0  }
.Ltmp8:
0xaf: {  	[sflag:s21] =	ssyncadd.s32 $0xFFFFF380;
	(pc) =	sbr.rel @p3 .LBB2_3-.Ltmp8, $4  }
0xb0: {  	[spmem:s1] =	stream.indirect.scatter.add.f32 [tilespmem:s28], [sflag:$0x1], $0x20, s29, s24, $0xb8;
	[tilespmem:$0x1D340] =	vst v63  }
0xb1: {  	_ =	swait.ge [sflag:s21], $0xC80  }
0xb2: {  	[sflag:s21] =	ssyncset.done $0x0  }
0xb3: {  	[sflag:s21] =	ssyncadd.s32 $0xFFFFF380  }
0xb4: {  	[bflag:$0x0] =	sbarrier.arrive $0xFFFF  }
0xb5: {  	s0 =	rddreg [dreg:$0x4]  }
0xb6: {  	[hbm:s0], [sflag:s19] =	dma.local [spmem:s20], $0x1F40  }
.Ltmp9:
0xb7: {  	_ = 	snop;
	(pc) =	sbr.rel @p2 .LBB2_12-.Ltmp9, $4  }
.Ltmp10:
0xb8: {  	_ = 	snop;
	(pc) =	sbr.rel @!p2 .LBB2_13-.Ltmp10, $4  }
0xb9: {  	_ =	swait.ge [sflag:s21], $0x1F40  }
0xba: {  	[sflag:s21] =	ssyncset.done $0x0  }
0xbb: {  	s0 =	rddreg [dreg:$0x3];
	[sflag:s21] =	ssyncadd.s32 $0xFFFFE0C0  }
0xbc: {  	_ = 	snop  }
.LBB2_14:
0xbd: {  	_ =	sfence.sel $0x180000  }
0xbe: {  	[bflag:$0x0] =	sbarrier.arrive $0xFFFF  }
0xbf: {  	_ =	strace $0x9000004D  }
0xc0: {  	[bflag:$0x2] =	sbarrier.arrive $0xFFFF  }
0xc1: {  	p0 =	sne.s32 s7, $0x0;
	s0 =	rddreg [dreg:$0x2]  }
0xc2: {  	s0 =	sadd.s32 @!p0 $0x100000, s0  }
0xc3: {  	[sflag:s0] =	ssyncadd.tile.s32 @!p0 $0x1;
	_ =	shalt  }
.Lfunc_end2:
_tile_overlayer_lowered:
.L_overlay_start_2:
0xc4: {  	(tag) =	ssettag $0x2  }
0xc5: {  	s0 =	rddreg [dreg:$0x0];
	s2 =	stileid.u32  }
0xc6: {  	s1 =	rddreg [dreg:$0x1];
	p0 =	sne.s32 s2, $0x0  }
0xc7: {  	s3 =	rddreg [dreg:$0x2];
	[bflag:$0x3] =	sbarrier.arrive $0xFFFF;
	s2 =	simm.s32 @!p0 $0x1C01  }
0xc8: {  	[timem:s3], [sflag:s2] =	dma.local @!p0 [hbm:s0], s1  }
0xc9: {  	s0 =	simm.s32 @!p0 $0x1  }
0xca: {  	_ =	swait.ge @!p0 [sflag:s0], s1  }
0xcb: {  	s1 =	ssub.s32 @!p0 $0x0, s1;
	[sflag:s0] =	ssyncset.done @!p0 $0x0  }
0xcc: {  	[sflag:s0] =	ssyncadd.s32 @!p0 s1  }
0xcd: {  	[bflag:$0x3] =	sbarrier.arrive $0xFFFF  }
0xce: {  	_ =	shalt  }

// kernel: kernel.22.cloned.1.call-start
scs
__scs_entry_jumppad:
0x0: {  	(pc) =	sbr.rel $0x88, $3  }
0x1: {  	(tag) =	ssettag $0x0;
	lr =	simm.s32 $0x1  }
0x2: {  	[smem:$0x3F7D] =	sst lr;
	_ =	strace $0xD0000000  }
0x3: {  	_ = 	snop  }
0x4: {  	_ = 	snop  }
0x5: {  	_ = 	snop  }
0x6: {  	_ = 	snop  }
0x7: {  	_ = 	snop  }
__scs_overlays_trampoline_lowered:
0x8: {  	[smem:$0x3F8C] =	sst s0  }
0x9: {  	[smem:$0x3F8D] =	sst s1  }
0xa: {  	[smem:$0x3F8E] =	sst s2  }
0xb: {  	[smem:$0x3F8F] =	sst s3  }
0xc: {  	[smem:$0x3F90] =	sst s4  }
0xd: {  	[smem:$0x3F91] =	sst s5  }
0xe: {  	[smem:$0x3F92] =	sst s6  }
0xf: {  	[smem:$0x3F93] =	sst s7  }
0x10: {  	[smem:$0x3F94] =	sst s8  }
0x11: {  	[smem:$0x3F95] =	sst s9;
	s0 =	simm.s32 @!p0 $0x0  }
0x12: {  	s1 =	sld [smem:$0x3F7B];
	s0 =	simm.s32 @p0 $0x1  }
0x13: {  	[smem:$0x3F96] =	sst s0;
	s0 =	simm.s32 @!p1 $0x0  }
0x14: {  	s2 =	sld [smem:$0x3F7A];
	s0 =	simm.s32 @p1 $0x1  }
0x15: {  	[smem:$0x3F97] =	sst s0;
	s0 =	simm.s32 @!p2 $0x0  }
0x16: {  	s3 =	sld [smem:$0x3FDB];
	s0 =	simm.s32 @p2 $0x1  }
0x17: {  	s4 =	simm.s32 $0x1BF5;
	[smem:$0x3F99] =	sst s0  }
0x18: {  	s0 =	sld [smem:$0x3F7C];
	_ =	swait.ge [sflag:s4], $0x0  }
0x19: {  	s7 =	sld [smem:$0x3F7D]  }
0x1a: {  	s8 =	sadd.s32 $0xFFFFE003, lr  }
0x1b: {  	s9 =	sadd.s32 $0xFFFFFEF7, lr;
	s5 =	simm.s32 $0xFFFFFFFF;
	p2 =	slt.u32 s8, $0xFFFFF086  }
0x1c: {  	p1 =	slt.u32 s9, $0xF7A;
	s5 =	simm.s32 @!p2 $0x0  }
0x1d: {  	s5 =	simm.s32 @p1 $0x1;
	p0 =	seq.s32 s7, s2  }
0x1e: {  	s7 =	smul.u32 @!p0 $0xF7A, s2;
	p2 =	seq.s32 @!p0 s5, $0x0  }
0x1f: {  	s9 =	smul.u32 $0xF7A, s1;
	s8 =	simm.s32 @!p0 $0x1BF5;
	p2 =	por !p2, p0  }
0x20: {  	[sflag:s8] =	ssyncset.s32 @!p0 $0xFFFFF086;
	s6 =	sadd.s32 @!p0 s3, s7;
	s7 =	simm.s32 @!p0 $0x108  }
0x21: {  	s3 =	sadd.s32 s3, s9;
	s6 =	sadd.s32 @!p0 $0x88, s6;
	s7 =	simm.s32 @p2 $0x1082  }
0x22: {  	[simem:s7], [sflag:s8] =	dma.local @!p0 [hbm:s6], $0xF7A  }
0x23: {  	s9 =	sor.u32 $0xD0000000, s2;
	s6 =	simm.s32 $0x108;
	_ =	swait.ge @!p0 [sflag:s8], $0x0  }
0x24: {  	s3 =	sadd.s32 $0x88, s3;
	s6 =	simm.s32 @!p1 $0x1082;
	[sflag:s4] =	ssyncset.s32 $0xFFFFF086  }
0x25: {  	[simem:s6], [sflag:s4] =	dma.local [hbm:s3], $0xF7A  }
0x26: {  	[smem:$0x3F7D] =	sst s1;
	(tag) =	ssettag s2;
	_ =	strace s9  }
0x27: {  	s1 =	sld [smem:$0x3F8D]  }
0x28: {  	s2 =	sld [smem:$0x3F8E]  }
0x29: {  	s4 =	sld [smem:$0x3F90]  }
0x2a: {  	p0 =	seq.s32 s5, $0x0;
	s5 =	sld [smem:$0x3F91]  }
0x2b: {  	s6 =	sld [smem:$0x3F92]  }
0x2c: {  	s7 =	sld [smem:$0x3F93]  }
0x2d: {  	s3 =	simm.s32 $0x108;
	s8 =	sld [smem:$0x3F94]  }
0x2e: {  	s3 =	simm.s32 @!p0 $0x1082;
	s9 =	sld [smem:$0x3F95]  }
0x2f: {  	lr =	sadd.s32 s0, s3;
	s0 =	sld [smem:$0x3F8C]  }
0x30: {  	s3 =	sld [smem:$0x3F8F]  }
0x31: {  	[smem:$0x3F98] =	sst s10  }
0x32: {  	s10 =	sld [smem:$0x3F96];
	_ =	sdelay $0x3  }
0x33: {  	p0 =	seq.s32 s10, $0x1;
	s10 =	sld [smem:$0x3F98];
	_ =	sdelay $0x3  }
0x34: {  	[smem:$0x3F98] =	sst s10  }
0x35: {  	s10 =	sld [smem:$0x3F97];
	_ =	sdelay $0x3  }
0x36: {  	p1 =	seq.s32 s10, $0x1;
	s10 =	sld [smem:$0x3F98];
	_ =	sdelay $0x3  }
0x37: {  	[smem:$0x3F98] =	sst s10  }
0x38: {  	s10 =	sld [smem:$0x3F99]  }
0x39: {  	_ = 	snop;
	(pc) =	sbr.ind lr, $3  }
0x3a: {  	_ = 	snop  }
0x3b: {  	_ = 	snop  }
0x3c: {  	p2 =	seq.s32 s10, $0x1;
	s10 =	sld [smem:$0x3F98]  }
0x3d: {  	_ =	shalt  }
0x3e: {  	_ =	shalt  }
0x3f: {  	_ =	shalt  }
0x40: {  	_ =	shalt  }
0x41: {  	_ =	shalt  }
0x42: {  	_ =	shalt  }
0x43: {  	_ =	shalt  }
0x44: {  	_ =	shalt  }
0x45: {  	_ =	shalt  }
0x46: {  	_ =	shalt  }
0x47: {  	_ =	shalt  }
0x48: {  	_ =	shalt  }
0x49: {  	_ =	shalt  }
0x4a: {  	_ =	shalt  }
0x4b: {  	_ =	shalt  }
0x4c: {  	_ =	shalt  }
0x4d: {  	_ =	shalt  }
0x4e: {  	_ =	shalt  }
0x4f: {  	_ =	shalt  }
0x50: {  	_ =	shalt  }
0x51: {  	_ =	shalt  }
0x52: {  	_ =	shalt  }
0x53: {  	_ =	shalt  }
0x54: {  	_ =	shalt  }
0x55: {  	_ =	shalt  }
0x56: {  	_ =	shalt  }
0x57: {  	_ =	shalt  }
0x58: {  	_ =	shalt  }
0x59: {  	_ =	shalt  }
0x5a: {  	_ =	shalt  }
0x5b: {  	_ =	shalt  }
0x5c: {  	_ =	shalt  }
0x5d: {  	_ =	shalt  }
0x5e: {  	_ =	shalt  }
0x5f: {  	_ =	shalt  }
0x60: {  	_ =	shalt  }
0x61: {  	_ =	shalt  }
0x62: {  	_ =	shalt  }
0x63: {  	_ =	shalt  }
0x64: {  	_ =	shalt  }
0x65: {  	_ =	shalt  }
0x66: {  	_ =	shalt  }
0x67: {  	_ =	shalt  }
0x68: {  	_ =	shalt  }
0x69: {  	_ =	shalt  }
0x6a: {  	_ =	shalt  }
0x6b: {  	_ =	shalt  }
0x6c: {  	_ =	shalt  }
0x6d: {  	_ =	shalt  }
0x6e: {  	_ =	shalt  }
0x6f: {  	_ =	shalt  }
0x70: {  	_ =	shalt  }
0x71: {  	_ =	shalt  }
0x72: {  	_ =	shalt  }
0x73: {  	_ =	shalt  }
0x74: {  	_ =	shalt  }
0x75: {  	_ =	shalt  }
0x76: {  	_ =	shalt  }
0x77: {  	_ =	shalt  }
0x78: {  	_ =	shalt  }
0x79: {  	_ =	shalt  }
0x7a: {  	_ =	shalt  }
0x7b: {  	_ =	shalt  }
0x7c: {  	_ =	shalt  }
0x7d: {  	_ =	shalt  }
0x7e: {  	_ =	shalt  }
0x7f: {  	_ =	shalt  }
0x80: {  	_ =	shalt  }
0x81: {  	_ =	shalt  }
0x82: {  	_ =	shalt  }
0x83: {  	_ =	shalt  }
0x84: {  	_ =	shalt  }
0x85: {  	_ =	shalt  }
0x86: {  	_ =	shalt  }
0x87: {  	_ =	shalt  }
.Lfunc_end0:
.L_simem_size_0:
called_computation.3_lowered:
.L_overlay_start_0:
0x88: {  	s2 =	sld [smem:$0x3FD9]  }
0x89: {  	s3 =	sld [smem:$0x3FFE];
	_ =	sdelay $0x1  }
0x8a: {  	s1 =	srdreg.scid  }
0x8b: {  	s0 =	sand.u32 $0x1, s1  }
0x8c: {  	s16 =	sshll.u32 s0, $0xA;
	s2 =	sadd.s32 s3, s2  }
0x8d: {  	s2 =	sadd.s32 s2, s16  }
0x8e: {  	[smem:$0x3FA4] =	sst s2  }
0x8f: {  	_ = 	snop  }
0x90: {  	(tm) =	ssettm $0x1  }
0x91: {  	s17 =	sld [smem:$0x3FFB];
	_ =	sdelay $0x3  }
0x92: {  	_ =	strace s17  }
0x93: {  	s2 =	sld [smem:$0x3FFC];
	_ =	sdelay $0x3  }
0x94: {  	_ =	strace s2  }
0x95: {  	s2 =	sld [smem:$0x3FFD];
	_ =	sdelay $0x3  }
0x96: {  	_ =	strace s2  }
0x97: {  	_ =	strace $0x8FFFFFFF  }
0x98: {  	s18 =	sld [smem:$0x3FDB];
	_ =	sdelay $0x1  }
0x99: {  	s19 =	simm.s32 $_scs_section_size  }
0x9a: {  	s4 =	simm.s32 $_size__tile_overlayer_lowered;
	s5 =	simm.s32 $_tile_overlayer_lowered  }
0x9b: {  	s22 =	simm.s32 $0x1BFF;
	s21 =	sshll.u32 s5, $0x1;
	s2 =	sadd.s32 s19, s18  }
0x9c: {  	s6 =	simm.s32 $0x0;
	s20 =	sshll.u32 s4, $0x1;
	s4 =	sadd.s32 s21, s2  }
0x9d: {  	[timem:s6], [sflag:s22] =	dma.local [hbm:s4], s20  }
0x9e: {  	_ =	swait.ge [sflag:s22], s20  }
0x9f: {  	s3 =	ssub.s32 $0x0, s20;
	[sflag:s22] =	ssyncset.done $0x0  }
0xa0: {  	[sflag:s22] =	ssyncadd.s32 s3;
	_ =	sdelay $0x1  }
0xa1: {  	s23 =	simm.s32 $0x1B8B  }
0xa2: {  	_ =	swait.ge [sflag:s23], $0x1  }
0xa3: {  	[sflag:s23] =	ssyncset.done $0x0  }
0xa4: {  	s25 =	simm.s32 $0x1B8E;
	s24 =	sld [smem:$0x3FFE];
	[sflag:s23] =	ssyncadd.s32 $0xFFFFFFFF  }
0xa5: {  	s26 =	simm.s32 $execute0_lowered;
	[smem:$0x3FD2] =	sst s25  }
0xa6: {  	s4 =	sshll.u32 s26, $0x1;
	_ =	strace $0x8000004F;
	[dreg:$0x1] =	wrdreg $0xFFFFFFFF  }
0xa7: {  	s28 =	simm.s32 $_size_execute0_lowered;
	s2 =	sadd.s32 s2, s4;
	[dreg:$0x0] =	wrdreg $0x0  }
0xa8: {  	s4 =	sshll.u32 s28, $0x1;
	[dreg:$0x2] =	wrdreg s2  }
0xa9: {  	[dreg:$0x3] =	wrdreg s4  }
0xaa: {  	[dreg:$0x4] =	wrdreg $0xC0  }
0xab: {  	_ =	task [dreg:s6], $0x5FFFF  }
0xac: {  	[dreg:$0x1] =	wrdreg $0xFFFFFFFF  }
0xad: {  	[dreg:$0x0] =	wrdreg $0x60  }
0xae: {  	[dreg:$0x2] =	wrdreg s24  }
0xaf: {  	[dreg:$0x3] =	wrdreg $0xD500  }
0xb0: {  	[dreg:$0x4] =	wrdreg $0x9  }
0xb1: {  	_ =	task.clear_ibuf [dreg:s6], $0x5FFFF;
	_ =	strace $0x9000004F  }
0xb2: {  	s29 =	simm.s32 $0x9;
	_ =	strace $0x80000051  }
0xb3: {  	_ =	swait.ge [sflag:s29], $0x1  }
0xb4: {  	[sflag:s29] =	ssyncadd.s32 $0xFFFFFFFF  }
0xb5: {  	_ =	strace $0x90000051  }
0xb6: {  	_ =	sfence  }
0xb7: {  	s30 =	sld [smem:$0x0];
	_ =	sdelay $0x2  }
0xb8: {  	s31 =	sshll.u32 s1, $0xD;
	s1 =	sshrl.u32 s1, $0x2  }
0xb9: {  	s3 =	sand.u32 $0x4000, s31;
	s1 =	sadd.s32 s1, s30  }
0xba: {  	s0 =	sor.u32 s3, s0;
	s1 =	sshll.u32 s1, $0x11  }
0xbb: {  	s0 =	sor.u32 s1, s0  }
0xbc: {  	s0 =	sadd.s32 $0x8F2B, s0  }
0xbd: {  	[sflag:s0] =	ssyncadd.remote.s32 $0x1  }
0xbe: {  	_ =	sfence.sel $0xFFFF  }
0xbf: {  	[dreg:$0x0] =	wrdreg $0xFFFFFFFF;
	(pc) =	sbr.abs _section_cstart, $3  }
0xc0: {  	[dreg:$0x1] =	wrdreg $0xFFFFFFFF  }
0xc1: {  	_ =	task.clear_ibuf [dreg:s6], $0x2FFFF;
	_ =	strace $0x9FFFFFFF  }
0xc2: {  	(tm) =	ssettm $0x7FFFFFFF  }
0xc3: {  	_ =	shalt  }
tec
execute0_lowered:
.L_overlay_start_1:
0x0: {  	(tag) =	ssettag $0x1  }
0x1: {  	s1 =	srdreg.scid  }
0x2: {  	s1 =	sand.u32 $0x1, s1  }
0x3: {  	p0 =	seq.s32 s1, $0x1  }
.Ltmp0:
0x4: {  	_ = 	snop;
	(pc) =	sbr.rel @p0 .LBB2_4-.Ltmp0, $4  }
0x5: {  	s5 =	rddreg [dreg:$0x0]  }
0x6: {  	s2 =	rddreg [dreg:$0x1];
	s3 =	simm.s32 $0x0  }
0x7: {  	[smem:$0x7FF] =	sst s3  }
0x8: {  	s0 =	rddreg [dreg:$0x2];
	_ =	strace $0x80000050;
	s1 =	stileid.u32  }
0x9: {  	s3 =	sadd.s32 $0x1FA00, s5;
	s4 =	sshll.u32 s1, $0xB;
	s6 =	sshll.u32 s1, $0x8  }
0xa: {  	s7 =	sshll.u32 s1, $0x6;
	s25 =	simm.s32 $0x1;
	s4 =	sadd.s32 s4, s2  }
0xb: {  	s8 =	sadd.s32 s3, s6;
	s3 =	sor.u32 $0x1C01, s7;
	s4 =	sshrl.u32 s4, $0x3  }
0xc: {  	[spmem:s4], [sflag:s3] =	dma.local [hbm:s8], $0x100  }
0xd: {  	s28 =	sadd.s32 $0x0, s1;
	_ =	swait.ge [sflag:s25], $0x100  }
0xe: {  	s26 =	smul.u32 $0x1A, s1;
	p0 =	sgt.u32 s28, $0xF9;
	[sflag:s25] =	ssyncset.done $0x0  }
0xf: {  	s9 =	sadd.s32 $0x38000, s5;
	s7 =	simm.s32 @!p0 $0x0;
	[sflag:s25] =	ssyncadd.s32 $0xFFFFFF00  }
0x10: {  	s10 =	simm.s32 @!p0 $0x2;
	s8 =	sadd.s32 s26, s9;
	[bflag:$0x0] =	sbarrier.arrive $0xFFFF  }
0x11: {  	[tilespmem:s7], [sflag:$0x2] =	stream.linear.gather @!p0 [hbm4b:s8+s7], $0xD0, $0x38;
	[tilespmem:$0x1550] =	vst v63  }
0x12: {  	s29 =	smul.u32 $0x190, s1;
	_ =	swait.ge @!p0 [sflag:s10], $0xD0  }
0x13: {  	s11 =	sadd.s32 $0x7200, s5;
	[sflag:s10] =	ssyncset.done @!p0 $0x0;
	p0 =	por p0, p0  }
0x14: {  	s11 =	sadd.s32 s29, s11;
	[sflag:s10] =	ssyncadd.s32 @!p0 $0xFFFFFF30;
	s9 =	simm.s32 @!p0 $0xD0  }
0x15: {  	[tilespmem:s9], [sflag:$0x2] =	stream.linear.gather @!p0 [hbm4b:s11+s7], $0xC80, $0x38;
	[tilespmem:$0x1550] =	vst v63  }
0x16: {  	_ =	swait.ge @!p0 [sflag:s10], $0xC80  }
0x17: {  	[sflag:s10] =	ssyncset.done @!p0 $0x0  }
0x18: {  	s30 =	sadd.s32 s6, s5;
	s6 =	simm.s32 @!p0 $0x64;
	[sflag:s10] =	ssyncadd.s32 @!p0 $0xFFFFF380  }
0x19: {  	[spmem:s2] =	stream.indirect.scatter.add.f32 @!p0 [tilespmem:s9], [sflag:$0x2], $0x10, s7, s6, $0xb8;
	[tilespmem:$0x1550] =	vst v63  }
0x1a: {  	s31 =	sadd.s32 $0x10, s1;
	_ =	swait.ge @!p0 [sflag:s10], $0x640  }
0x1b: {  	p2 =	sgt.u32 s31, $0xF9;
	s12 =	simm.s32 @!p0 $0x710;
	[sflag:s10] =	ssyncset.done @!p0 $0x0  }
0x1c: {  	s9 =	simm.s32 @!p0 $0x1;
	[sflag:s10] =	ssyncadd.s32 @!p0 $0xFFFFF9C0;
	s10 =	simm.s32 @!p0 $0x68  }
0x1d: {  	[spmem:s2] =	stream.indirect.scatter.add.f32 @!p0 [tilespmem:s12], [sflag:$0x1], $0x10, s10, s6, $0xb8;
	[tilespmem:$0x1550] =	vst v63  }
0x1e: {  	s5 =	sadd.s32 $0x20A00, s30;
	s8 =	sadd.s32 $0x1A0, s8;
	_ =	swait.ge @!p0 [sflag:s9], $0x640  }
0x1f: {  	s7 =	simm.s32 $0x20;
	s6 =	sadd.s32 $0x1900, s11;
	[sflag:s9] =	ssyncset.done @!p0 $0x0  }
.LBB2_2:
0x20: {  	s10 =	simm.s32 @!p2 $0x0;
	s11 =	simm.s32 @!p2 $0x2;
	[sflag:s9] =	ssyncadd.s32 @!p0 $0xFFFFF9C0  }
0x21: {  	[tilespmem:s10], [sflag:$0x2] =	stream.linear.gather @!p2 [hbm4b:s8+s10], $0xD0, $0x38;
	[tilespmem:$0x1550] =	vst v63  }
0x22: {  	s12 =	smov.u32 s7;
	s7 =	sadd.s32 $0x10, s7;
	_ =	swait.ge @!p2 [sflag:s11], $0xD0  }
0x23: {  	p0 =	por p2, p2;
	p1 =	sne.s32 s7, $0x100;
	[sflag:s11] =	ssyncset.done @!p2 $0x0  }
0x24: {  	s9 =	simm.s32 @!p0 $0xD0;
	[sflag:s11] =	ssyncadd.s32 @!p0 $0xFFFFFF30  }
0x25: {  	[tilespmem:s9], [sflag:$0x2] =	stream.linear.gather @!p0 [hbm4b:s6+s10], $0xC80, $0x38;
	[tilespmem:$0x1550] =	vst v63  }
0x26: {  	_ =	swait.ge @!p0 [sflag:s11], $0xC80  }
0x27: {  	[sflag:s11] =	ssyncset.done @!p0 $0x0  }
0x28: {  	s13 =	simm.s32 @!p0 $0x64;
	[sflag:s11] =	ssyncadd.s32 @!p0 $0xFFFFF380  }
0x29: {  	[spmem:s2] =	stream.indirect.scatter.add.f32 @!p0 [tilespmem:s9], [sflag:$0x2], $0x10, s10, s13, $0xb8;
	[tilespmem:$0x1550] =	vst v63  }
0x2a: {  	_ =	swait.ge @!p0 [sflag:s11], $0x640  }
.Ltmp1:
0x2b: {  	s9 =	simm.s32 @!p0 $0x1;
	[sflag:s11] =	ssyncset.done @!p0 $0x0;
	(pc) =	sbr.rel @p1 .LBB2_2-.Ltmp1, $4  }
0x2c: {  	s10 =	simm.s32 @!p0 $0x68;
	[sflag:s11] =	ssyncadd.s32 @!p0 $0xFFFFF9C0;
	s11 =	simm.s32 @!p0 $0x710  }
0x2d: {  	[spmem:s2] =	stream.indirect.scatter.add.f32 @!p0 [tilespmem:s11], [sflag:$0x1], $0x10, s10, s13, $0xb8;
	[tilespmem:$0x1550] =	vst v63  }
0x2e: {  	s6 =	sadd.s32 $0x1900, s6;
	s10 =	sadd.s32 s12, s1;
	_ =	swait.ge @!p0 [sflag:s9], $0x640  }
0x2f: {  	s8 =	sadd.s32 $0x1A0, s8;
	p2 =	sgt.u32 s10, $0xF9;
	[sflag:s9] =	ssyncset.done @!p0 $0x0  }
0x30: {  	s7 =	simm.s32 @!p2 $0x0;
	s10 =	simm.s32 @!p2 $0x2;
	[sflag:s9] =	ssyncadd.s32 @!p0 $0xFFFFF9C0  }
0x31: {  	[tilespmem:s7], [sflag:$0x2] =	stream.linear.gather @!p2 [hbm4b:s8+s7], $0xD0, $0x38;
	[tilespmem:$0x1550] =	vst v63  }
0x32: {  	_ =	swait.ge @!p2 [sflag:s10], $0xD0  }
0x33: {  	p0 =	por p2, p2;
	[sflag:s10] =	ssyncset.done @!p2 $0x0  }
0x34: {  	s8 =	simm.s32 @!p0 $0xD0;
	[sflag:s10] =	ssyncadd.s32 @!p0 $0xFFFFFF30  }
0x35: {  	[tilespmem:s8], [sflag:$0x2] =	stream.linear.gather @!p0 [hbm4b:s6+s7], $0xC80, $0x38;
	[tilespmem:$0x1550] =	vst v63  }
0x36: {  	_ =	swait.ge @!p0 [sflag:s10], $0xC80  }
0x37: {  	[sflag:s10] =	ssyncset.done @!p0 $0x0  }
0x38: {  	s6 =	simm.s32 @!p0 $0x64;
	[sflag:s10] =	ssyncadd.s32 @!p0 $0xFFFFF380  }
0x39: {  	[spmem:s2] =	stream.indirect.scatter.add.f32 @!p0 [tilespmem:s8], [sflag:$0x2], $0x10, s7, s6, $0xb8;
	[tilespmem:$0x1550] =	vst v63  }
0x3a: {  	_ =	swait.ge @!p0 [sflag:s10], $0x640  }
0x3b: {  	s9 =	simm.s32 @!p0 $0x710;
	[sflag:s10] =	ssyncset.done @!p0 $0x0  }
0x3c: {  	s7 =	simm.s32 @!p0 $0x1;
	s8 =	simm.s32 @!p0 $0x68;
	[sflag:s10] =	ssyncadd.s32 @!p0 $0xFFFFF9C0  }
0x3d: {  	[spmem:s2] =	stream.indirect.scatter.add.f32 @!p0 [tilespmem:s9], [sflag:$0x1], $0x10, s8, s6, $0xb8;
	[tilespmem:$0x1550] =	vst v63  }
0x3e: {  	_ =	swait.ge @!p0 [sflag:s7], $0x640  }
0x3f: {  	[sflag:s7] =	ssyncset.done @!p0 $0x0  }
0x40: {  	[sflag:s7] =	ssyncadd.s32 @!p0 $0xFFFFF9C0  }
0x41: {  	s31 =	simm.s32 $0x1;
	[bflag:$0x0] =	sbarrier.arrive $0xFFFF  }
0x42: {  	[hbm:s5], [sflag:s3] =	dma.local [spmem:s4], $0x100  }
0x43: {  	_ =	swait.ge [sflag:s31], $0x100  }
0x44: {  	[sflag:s31] =	ssyncset.done $0x0  }
0x45: {  	[sflag:s31] =	ssyncadd.s32 $0xFFFFFF00  }
.LBB2_4:
0x46: {  	_ =	sfence.sel $0x180000  }
0x47: {  	[bflag:$0x0] =	sbarrier.arrive $0xFFFF  }
0x48: {  	p0 =	sne.s32 s1, $0x0;
	_ =	strace $0x90000050  }
0x49: {  	s0 =	sadd.s32 @!p0 $0x100000, s0;
	[bflag:$0x2] =	sbarrier.arrive $0xFFFF  }
0x4a: {  	[sflag:s0] =	ssyncadd.tile.s32 @!p0 $0x1;
	_ =	shalt  }
.Lfunc_end2:
_tile_overlayer_lowered:
.L_overlay_start_2:
0x4b: {  	(tag) =	ssettag $0x2  }
0x4c: {  	s0 =	rddreg [dreg:$0x0];
	s2 =	stileid.u32  }
0x4d: {  	s1 =	rddreg [dreg:$0x1];
	p0 =	sne.s32 s2, $0x0  }
0x4e: {  	s3 =	rddreg [dreg:$0x2];
	[bflag:$0x3] =	sbarrier.arrive $0xFFFF;
	s2 =	simm.s32 @!p0 $0x1C01  }
0x4f: {  	[timem:s3], [sflag:s2] =	dma.local @!p0 [hbm:s0], s1  }
0x50: {  	s0 =	simm.s32 @!p0 $0x1  }
0x51: {  	_ =	swait.ge @!p0 [sflag:s0], s1  }
0x52: {  	s1 =	ssub.s32 @!p0 $0x0, s1;
	[sflag:s0] =	ssyncset.done @!p0 $0x0  }
0x53: {  	[sflag:s0] =	ssyncadd.s32 @!p0 s1  }
0x54: {  	[bflag:$0x3] =	sbarrier.arrive $0xFFFF  }
0x55: {  	_ =	shalt  }

</sc_bundles>
